<compile_context>
chip_gen: v7x
topology: tpu7x:2x2x1
jax: 0.10.2.dev20260603
libtpu: 0.0.44.dev20260713+nightly
codegen_flags: <defaults>
</compile_context>

<pallas_src>
import jax
import jax.numpy as jnp
from jax import lax
from jax.experimental import pallas as pl
from jax.experimental.pallas import tpu as pltpu
from jax.experimental.pallas import tpu_sc as plsc

N_NODES = 10000
N_EDGES = 160000
D = 256
HALF = 128
LANES = 16
NS = 16
EROWS = N_EDGES // HALF
EROWS_PAD = 1280
EROWS_PER_TILE = 80
IBLK = 16
R = 80
NCHUNKS = N_NODES // R


def _tile_ranges():
    s = lax.axis_index("s")
    row_start = s * EROWS_PER_TILE
    row_end = jnp.minimum(row_start + EROWS_PER_TILE, EROWS)
    nblocks = (row_end - row_start + (IBLK - 1)) // IBLK
    my_nchunks = jnp.where(s < NCHUNKS - 7 * NS, 8, 7)
    return s, row_start, row_end, nblocks, my_nchunks


def _fill_rows(buf, nrows, value):
    v16 = jnp.full((LANES,), value, jnp.float32)

    def frow(r, _):
        for j in range(HALF // LANES):
            buf[r, pl.ds(j * LANES, LANES)] = v16
        return 0
    lax.fori_loop(0, nrows, frow, 0)


def _zero_shared(s, my_nchunks, dbuf, acc_sh):
    _fill_rows(dbuf, R, 0.0)

    def zchunk(i, _):
        rb = (s + NS * i) * R
        pltpu.sync_copy(dbuf.at[pl.ds(0, R)], acc_sh.at[pl.ds(rb, R)])
        return 0
    lax.fori_loop(0, my_nchunks, zchunk, 0)


def _copy_out(s, my_nchunks, acc_sh, dbuf, out_hbm):
    def ochunk(i, _):
        rb = (s + NS * i) * R
        pltpu.sync_copy(acc_sh.at[pl.ds(rb, R)], dbuf.at[pl.ds(0, R)])
        pltpu.sync_copy(dbuf.at[pl.ds(0, R)], out_hbm.at[pl.ds(rb, R)])
        return 0
    lax.fori_loop(0, my_nchunks, ochunk, 0)


def _sc_a_body(eh_hbm, dst_hbm, s0_hbm, s1_hbm,
               acc_sh, dsti, dbuf, dbufb, sema, semb):
    c = lax.axis_index("c")
    s, row_start, row_end, nblocks, my_nchunks = _tile_ranges()

    _zero_shared(s, my_nchunks, dbuf, acc_sh)
    plsc.subcore_barrier()

    def scatter_half(col0):
        def eh_row(j):
            return eh_hbm.at[pl.ds(j * HALF, HALF), pl.ds(col0, HALF)]

        def s1_block(b, _):
            jb = row_start + b * IBLK
            pltpu.sync_copy(dst_hbm.at[pl.ds(jb, IBLK)], dsti)
            npairs = jnp.minimum(row_end - jb, IBLK) // 2
            pltpu.async_copy(eh_row(jb), dbuf, sema)

            def pair(p, _):
                j = jb + 2 * p
                pltpu.make_async_copy(eh_row(j), dbuf, sema).wait()
                pltpu.async_copy(eh_row(j + 1), dbufb, semb)
                pltpu.sync_copy(dbuf, acc_sh.at[dsti.at[2 * p]], add=True)
                pltpu.make_async_copy(eh_row(j + 1), dbufb, semb).wait()

                @pl.when(p + 1 < npairs)
                def _():
                    pltpu.async_copy(eh_row(j + 2), dbuf, sema)

                pltpu.sync_copy(dbufb, acc_sh.at[dsti.at[2 * p + 1]],
                                add=True)
                return 0
            lax.fori_loop(0, npairs, pair, 0)
            return 0
        lax.fori_loop(0, nblocks, s1_block, 0)

    @pl.when(c == 0)
    def _():
        scatter_half(0)

    @pl.when(c == 1)
    def _():
        scatter_half(HALF)

    plsc.subcore_barrier()

    @pl.when(c == 0)
    def _():
        _copy_out(s, my_nchunks, acc_sh, dbuf, s0_hbm)

    @pl.when(c == 1)
    def _():
        _copy_out(s, my_nchunks, acc_sh, dbuf, s1_hbm)


def _sc_c_body(dst_hbm, cnt0_hbm, cnt1_hbm, cnt_sh, dsti, dbuf):
    c = lax.axis_index("c")
    s, _, _, _, my_nchunks = _tile_ranges()
    row_start = jnp.where(c == 0, s * 40, 640 + s * 40)
    row_end = jnp.minimum(row_start + 40, jnp.where(c == 0, 640, EROWS))
    nblocks = (row_end - row_start + (IBLK - 1)) // IBLK

    _zero_shared(s, my_nchunks, dbuf, cnt_sh)
    plsc.subcore_barrier()
    _fill_rows(dbuf, HALF, 1.0)

    def c_block(b, _):
        jb = row_start + b * IBLK
        pltpu.sync_copy(dst_hbm.at[pl.ds(jb, IBLK)], dsti)

        def cs(jj, _):
            pltpu.sync_copy(dbuf, cnt_sh.at[dsti.at[jj]], add=True)
            return 0
        lax.fori_loop(0, jnp.minimum(row_end - jb, IBLK), cs, 0)
        return 0
    lax.fori_loop(0, nblocks, c_block, 0)
    plsc.subcore_barrier()

    @pl.when(c == 0)
    def _():
        _copy_out(s, my_nchunks, cnt_sh, dbuf, cnt0_hbm)

    @pl.when(c == 1)
    def _():
        _copy_out(s, my_nchunks, cnt_sh, dbuf, cnt1_hbm)


def _sc_b_body(h0_hbm, h1_hbm, src_hbm, dst_hbm, o0_hbm, o1_hbm,
               acc_sh, dsti, srci, dbuf, dbufb, sema, semb):
    c = lax.axis_index("c")
    s, row_start, row_end, nblocks, my_nchunks = _tile_ranges()

    _zero_shared(s, my_nchunks, dbuf, acc_sh)
    plsc.subcore_barrier()

    def gather_half(hor_hbm):
        def s2_block(b, _):
            jb = row_start + b * IBLK
            pltpu.sync_copy(dst_hbm.at[pl.ds(jb, IBLK)], dsti)
            pltpu.sync_copy(src_hbm.at[pl.ds(jb, IBLK)], srci)
            npairs = jnp.minimum(row_end - jb, IBLK) // 2
            pltpu.async_copy(hor_hbm.at[srci.at[0]], dbuf, sema)

            def pair(p, _):
                pltpu.make_async_copy(hor_hbm.at[srci.at[2 * p]], dbuf,
                                      sema).wait()
                pltpu.async_copy(hor_hbm.at[srci.at[2 * p + 1]], dbufb,
                                 semb)
                pltpu.sync_copy(dbuf, acc_sh.at[dsti.at[2 * p]], add=True)
                pltpu.make_async_copy(hor_hbm.at[srci.at[2 * p + 1]],
                                      dbufb, semb).wait()

                @pl.when(p + 1 < npairs)
                def _():
                    pltpu.async_copy(hor_hbm.at[srci.at[2 * p + 2]], dbuf,
                                     sema)

                pltpu.sync_copy(dbufb, acc_sh.at[dsti.at[2 * p + 1]],
                                add=True)
                return 0
            lax.fori_loop(0, npairs, pair, 0)
            return 0
        lax.fori_loop(0, nblocks, s2_block, 0)

    @pl.when(c == 0)
    def _():
        gather_half(h0_hbm)

    @pl.when(c == 1)
    def _():
        gather_half(h1_hbm)

    plsc.subcore_barrier()

    @pl.when(c == 0)
    def _():
        _copy_out(s, my_nchunks, acc_sh, dbuf, o0_hbm)

    @pl.when(c == 1)
    def _():
        _copy_out(s, my_nchunks, acc_sh, dbuf, o1_hbm)


def _tc_hor_body(x_ref, s0_ref, s1_ref, c0_ref, c1_ref, h0_ref, h1_ref,
                 cnt_ref):
    cnt = c0_ref[:, 0:1] + c1_ref[:, 0:1]
    cnt_ref[...] = cnt
    inv = 1.0 / jnp.maximum(cnt, 1.0)
    h0_ref[...] = x_ref[:, :HALF] * s0_ref[...] * inv
    h1_ref[...] = x_ref[:, HALF:] * s1_ref[...] * inv


def _tc_out_body(o0_ref, o1_ref, cnt_ref, w0_ref, w1_ref, b_ref, norm_ref,
                 bias_ref, out_ref):
    acc = jnp.dot(o0_ref[...], w0_ref[...],
                  preferred_element_type=jnp.float32)
    acc += jnp.dot(o1_ref[...], w1_ref[...],
                   preferred_element_type=jnp.float32)
    acc += cnt_ref[...] * b_ref[...]
    out_ref[...] = acc * norm_ref[...] + bias_ref[...]


def kernel(x, edge_index, e_h, norm, W_inv, b_inv, bias_v):
    ei = edge_index.astype(jnp.int32)
    pad = EROWS_PAD * HALF - N_EDGES
    src = jnp.pad(ei[0], (0, pad)).reshape(EROWS_PAD, HALF)
    dst = jnp.pad(ei[1], (0, pad)).reshape(EROWS_PAD, HALF)
    mesh = plsc.VectorSubcoreMesh(core_axis_name="c", subcore_axis_name="s")
    f32 = jnp.float32

    sc_a = pl.kernel(
        _sc_a_body,
        out_type=[
            jax.ShapeDtypeStruct((N_NODES, HALF), f32),
            jax.ShapeDtypeStruct((N_NODES, HALF), f32),
        ],
        mesh=mesh,
        scratch_types=[
            pltpu.VMEM_SHARED((N_NODES, HALF), f32),
            pltpu.VMEM((IBLK, HALF), jnp.int32),
            pltpu.VMEM((HALF, HALF), f32),
            pltpu.VMEM((HALF, HALF), f32),
            pltpu.SemaphoreType.DMA,
            pltpu.SemaphoreType.DMA,
        ],
    )
    s0, s1 = sc_a(e_h, dst)

    sc_c = pl.kernel(
        _sc_c_body,
        out_type=[
            jax.ShapeDtypeStruct((N_NODES, HALF), f32),
            jax.ShapeDtypeStruct((N_NODES, HALF), f32),
        ],
        mesh=mesh,
        scratch_types=[
            pltpu.VMEM_SHARED((N_NODES, HALF), f32),
            pltpu.VMEM((IBLK, HALF), jnp.int32),
            pltpu.VMEM((HALF, HALF), f32),
        ],
    )
    cnt0, cnt1 = sc_c(dst)

    blk = 2000
    grid = N_NODES // blk
    h0, h1, cnt = pl.pallas_call(
        _tc_hor_body,
        grid=(grid,),
        in_specs=[
            pl.BlockSpec((blk, D), lambda i: (i, 0)),
            pl.BlockSpec((blk, HALF), lambda i: (i, 0)),
            pl.BlockSpec((blk, HALF), lambda i: (i, 0)),
            pl.BlockSpec((blk, HALF), lambda i: (i, 0)),
            pl.BlockSpec((blk, HALF), lambda i: (i, 0)),
        ],
        out_specs=[
            pl.BlockSpec((blk, HALF), lambda i: (i, 0)),
            pl.BlockSpec((blk, HALF), lambda i: (i, 0)),
            pl.BlockSpec((blk, 1), lambda i: (i, 0)),
        ],
        out_shape=[
            jax.ShapeDtypeStruct((N_NODES, HALF), f32),
            jax.ShapeDtypeStruct((N_NODES, HALF), f32),
            jax.ShapeDtypeStruct((N_NODES, 1), f32),
        ],
    )(x, s0, s1, cnt0, cnt1)

    sc_b = pl.kernel(
        _sc_b_body,
        out_type=[
            jax.ShapeDtypeStruct((N_NODES, HALF), f32),
            jax.ShapeDtypeStruct((N_NODES, HALF), f32),
        ],
        mesh=mesh,
        scratch_types=[
            pltpu.VMEM_SHARED((N_NODES, HALF), f32),
            pltpu.VMEM((IBLK, HALF), jnp.int32),
            pltpu.VMEM((IBLK, HALF), jnp.int32),
            pltpu.VMEM((HALF, HALF), f32),
            pltpu.VMEM((HALF, HALF), f32),
            pltpu.SemaphoreType.DMA,
            pltpu.SemaphoreType.DMA,
        ],
    )
    o0, o1 = sc_b(h0, h1, src, dst)

    out = pl.pallas_call(
        _tc_out_body,
        grid=(grid,),
        in_specs=[
            pl.BlockSpec((blk, HALF), lambda i: (i, 0)),
            pl.BlockSpec((blk, HALF), lambda i: (i, 0)),
            pl.BlockSpec((blk, 1), lambda i: (i, 0)),
            pl.BlockSpec((HALF, D), lambda i: (0, 0)),
            pl.BlockSpec((HALF, D), lambda i: (0, 0)),
            pl.BlockSpec((1, D), lambda i: (0, 0)),
            pl.BlockSpec((blk, 1), lambda i: (i, 0)),
            pl.BlockSpec((1, D), lambda i: (0, 0)),
        ],
        out_specs=pl.BlockSpec((blk, D), lambda i: (i, 0)),
        out_shape=jax.ShapeDtypeStruct((N_NODES, D), f32),
    )(o0, o1, cnt, W_inv[:HALF], W_inv[HALF:], b_inv.reshape(1, D),
      norm, bias_v.reshape(1, D))
    return out

# --- scband reference (transcript-rebuilt; emitter-appended) ---
"""Pipeline reference for scband-comp-gcn-dg-glean-60988535603572 (READ-ONLY COPY).

The authoritative reference and input builder live on the scoring server;
editing this copy changes nothing except your own understanding.
"""

import jax, jax.numpy as jnp
import numpy as np

N_NODES = 10000
N_EDGES = 160000
D_IN = 256
D_OUT = 256

def setup_inputs(seed: int = 0) -> dict:
    key = jax.random.key(seed)
    ks = jax.random.split(key, 8)
    x = jax.random.normal(ks[0], (N_NODES, D_IN), dtype=jnp.float32)
    edge_index = jax.random.randint(ks[1], (2, N_EDGES), 0, N_NODES, dtype=jnp.int64)
    e_h = jax.random.normal(ks[2], (N_EDGES, D_IN), dtype=jnp.float32)
    norm = jax.random.uniform(ks[3], (N_NODES, 1), dtype=jnp.float32)
    # parameters (msg_inv_linear + bias_v; rel_linear is unused in the original forward)
    W_inv = jax.random.normal(ks[4], (D_IN, D_OUT), dtype=jnp.float32) * 0.05
    b_inv = jnp.zeros((D_OUT,), dtype=jnp.float32)
    bias_v = jnp.zeros((D_OUT,), dtype=jnp.float32)
    return {"x": x, "edge_index": edge_index, "e_h": e_h, "norm": norm,
            "W_inv": W_inv, "b_inv": b_inv, "bias_v": bias_v}

def reference(x, edge_index, e_h, norm, W_inv, b_inv, bias_v):
    src = edge_index[0]
    dst = edge_index[1]
    n = x.shape[0]
    # update_all(fn.v_mul_e('h','e_h','m'), fn.mean('m','h_o_r'))
    # message per edge: h[dst] * e_h ; mean-aggregated at dst
    m = x[dst] * e_h
    summed = jax.ops.segment_sum(m, dst, num_segments=n)
    count = jax.ops.segment_sum(jnp.ones((m.shape[0],), dtype=jnp.float32), dst, num_segments=n)
    h_o_r = summed / jnp.maximum(count, 1.0)[:, None]
    # h_o_r = self.msg_inv_linear(h_o_r)
    h_s_r_o = h_o_r @ W_inv + b_inv
    # update_all(fn.copy_u('h_s_r_o','m'), fn.sum('m','h'), apply_func)
    h = jax.ops.segment_sum(h_s_r_o[src], dst, num_segments=n)
    # apply_func: h = h * norm + bias_v  (self_loop=False, activation=None, no dropout)
    h = h * norm + bias_v
    return h

if __name__ == "__main__":
    import jax
    _d = setup_inputs()
    print(jax.jit(kernel)(*tuple(_d.values())))

</pallas_src>

<mosaic_0001>
#map = affine_map<(d0, d1) -> (0, 0)>
module attributes {stable_mosaic.version = 14 : i64} {
  func.func @_sc_a_body(%arg0: i32, %arg1: i32, %arg2: memref<160000x256xf32, #tpu.memory_space<hbm>>, %arg3: memref<1280x128xi32, #tpu.memory_space<hbm>>, %arg4: memref<10000x128xf32, #tpu.memory_space<hbm>>, %arg5: memref<10000x128xf32, #tpu.memory_space<hbm>>, %arg6: memref<10000x128xf32, #tpu.memory_space<vmem_shared>>, %arg7: memref<16x128xi32, #tpu.memory_space<vmem>>, %arg8: memref<128x128xf32, #tpu.memory_space<vmem>>, %arg9: memref<128x128xf32, #tpu.memory_space<vmem>>, %arg10: memref<!tpu.dma_semaphore, #tpu.memory_space<semaphore_mem>>, %arg11: memref<!tpu.dma_semaphore, #tpu.memory_space<semaphore_mem>>) attributes {dimension_semantics = [#tpu.dimension_semantics<core_parallel>, #tpu.dimension_semantics<subcore_parallel>], iteration_bounds = array<i64: 2, 16>, scalar_prefetch = 0 : i64, scratch_operands = 6 : i64, tpu.core_type = #tpu.core_type<sc_vector_subcore>, window_params = [{transform_indices = #map}, {transform_indices = #map}, {transform_indices = #map}, {transform_indices = #map}]} {
    %mul3A = arith.constant 80 : i32
    %mul3A_0 = arith.muli %arg1, %mul3A : i32
    %add3A = arith.constant 80 : i32
    %add3A_1 = arith.addi %mul3A_0, %add3A : i32
    %min3A = arith.constant 1250 : i32
    %min3A_2 = arith.minsi %add3A_1, %min3A : i32
    %sub3A = arith.subi %min3A_2, %mul3A_0 : i32
    %add3A_3 = arith.constant 15 : i32
    %add3A_4 = arith.addi %sub3A, %add3A_3 : i32
    %jit3A = arith.constant 16 : i32
    %div3A = arith.divsi %add3A_4, %jit3A : i32
    %sign3A = arith.constant 0 : i32
    %sign3A_5 = arith.cmpi sgt, %add3A_4, %sign3A : i32
    %sign3A_6 = arith.extui %sign3A_5 : i1 to i32
    %sign3A_7 = arith.constant 0 : i32
    %sign3A_8 = arith.cmpi slt, %add3A_4, %sign3A_7 : i32
    %sign3A_9 = arith.extui %sign3A_8 : i1 to i32
    %sign3A_10 = arith.subi %sign3A_6, %sign3A_9 : i32
    %sign3A_11 = arith.constant 0 : i32
    %sign3A_12 = arith.cmpi sgt, %jit3A, %sign3A_11 : i32
    %sign3A_13 = arith.extui %sign3A_12 : i1 to i32
    %sign3A_14 = arith.constant 0 : i32
    %sign3A_15 = arith.cmpi slt, %jit3A, %sign3A_14 : i32
    %sign3A_16 = arith.extui %sign3A_15 : i1 to i32
    %sign3A_17 = arith.subi %sign3A_13, %sign3A_16 : i32
    %ne3A = arith.cmpi ne, %sign3A_10, %sign3A_17 : i32
    %rem3A = arith.remsi %add3A_4, %jit3A : i32
    %ne3A_18 = arith.constant 0 : i32
    %ne3A_19 = arith.cmpi ne, %rem3A, %ne3A_18 : i32
    %and3A = arith.andi %ne3A, %ne3A_19 : i1
    %sub3A_20 = arith.constant 1 : i32
    %sub3A_21 = arith.subi %div3A, %sub3A_20 : i32
    %select_n3A = arith.select %and3A, %sub3A_21, %div3A : i32
    %lt3A = arith.constant 13 : i32
    %lt3A_22 = arith.cmpi slt, %arg1, %lt3A : i32
    %jit3A_23 = arith.constant 8 : i32
    %jit3A_24 = arith.constant 7 : i32
    %select_n3A_25 = arith.select %lt3A_22, %jit3A_23, %jit3A_24 : i32
    %broadcast_in_dim3A = arith.constant 0.000000e+00 : f32
    %broadcast_in_dim3A_26 = vector.broadcast %broadcast_in_dim3A : f32 to vector<16xf32>
    %scan3A = arith.constant 0 : i32
    %scan3A_27 = arith.constant 0 : i32
    %scan3A_28 = arith.constant 80 : i32
    %scan3A_29 = arith.addi %scan3A_27, %scan3A_28 : i32
    %scan3A_30 = arith.constant 1 : i32
    %scan3A_31 = scf.for %scan3A_62 = %scan3A_27 to %scan3A_29 step %scan3A_30 iter_args(%scan3A_63 = %scan3A) -> (i32)  : i32 {
      %swap3A = arith.index_cast %scan3A_62 : i32 to index
      %swap3A_64 = arith.constant 0 : index
      %swap3A_65 = tpu.vector_load %arg8[%swap3A, %swap3A_64] {strides = array<i32>} : memref<128x128xf32, #tpu.memory_space<vmem>>, vector<1x16xf32>,
      %swap3A_66 = vector.shape_cast %swap3A_65 : vector<1x16xf32> to vector<16xf32>
      %swap3A_67 = vector.shape_cast %broadcast_in_dim3A_26 : vector<16xf32> to vector<1x16xf32>
      tpu.vector_store %arg8[%swap3A, %swap3A_64], %swap3A_67 {strides = array<i32>} : memref<128x128xf32, #tpu.memory_space<vmem>>, vector<1x16xf32>,
      %swap3A_68 = arith.index_cast %scan3A_62 : i32 to index
      %swap3A_69 = arith.constant 16 : index
      %swap3A_70 = tpu.vector_load %arg8[%swap3A_68, %swap3A_69] {strides = array<i32>} : memref<128x128xf32, #tpu.memory_space<vmem>>, vector<1x16xf32>,
      %swap3A_71 = vector.shape_cast %swap3A_70 : vector<1x16xf32> to vector<16xf32>
      %swap3A_72 = vector.shape_cast %broadcast_in_dim3A_26 : vector<16xf32> to vector<1x16xf32>
      tpu.vector_store %arg8[%swap3A_68, %swap3A_69], %swap3A_72 {strides = array<i32>} : memref<128x128xf32, #tpu.memory_space<vmem>>, vector<1x16xf32>,
      %swap3A_73 = arith.index_cast %scan3A_62 : i32 to index
      %swap3A_74 = arith.constant 32 : index
      %swap3A_75 = tpu.vector_load %arg8[%swap3A_73, %swap3A_74] {strides = array<i32>} : memref<128x128xf32, #tpu.memory_space<vmem>>, vector<1x16xf32>,
      %swap3A_76 = vector.shape_cast %swap3A_75 : vector<1x16xf32> to vector<16xf32>
      %swap3A_77 = vector.shape_cast %broadcast_in_dim3A_26 : vector<16xf32> to vector<1x16xf32>
      tpu.vector_store %arg8[%swap3A_73, %swap3A_74], %swap3A_77 {strides = array<i32>} : memref<128x128xf32, #tpu.memory_space<vmem>>, vector<1x16xf32>,
      %swap3A_78 = arith.index_cast %scan3A_62 : i32 to index
      %swap3A_79 = arith.constant 48 : index
      %swap3A_80 = tpu.vector_load %arg8[%swap3A_78, %swap3A_79] {strides = array<i32>} : memref<128x128xf32, #tpu.memory_space<vmem>>, vector<1x16xf32>,
      %swap3A_81 = vector.shape_cast %swap3A_80 : vector<1x16xf32> to vector<16xf32>
      %swap3A_82 = vector.shape_cast %broadcast_in_dim3A_26 : vector<16xf32> to vector<1x16xf32>
      tpu.vector_store %arg8[%swap3A_78, %swap3A_79], %swap3A_82 {strides = array<i32>} : memref<128x128xf32, #tpu.memory_space<vmem>>, vector<1x16xf32>,
      %swap3A_83 = arith.index_cast %scan3A_62 : i32 to index
      %swap3A_84 = arith.constant 64 : index
      %swap3A_85 = tpu.vector_load %arg8[%swap3A_83, %swap3A_84] {strides = array<i32>} : memref<128x128xf32, #tpu.memory_space<vmem>>, vector<1x16xf32>,
      %swap3A_86 = vector.shape_cast %swap3A_85 : vector<1x16xf32> to vector<16xf32>
      %swap3A_87 = vector.shape_cast %broadcast_in_dim3A_26 : vector<16xf32> to vector<1x16xf32>
      tpu.vector_store %arg8[%swap3A_83, %swap3A_84], %swap3A_87 {strides = array<i32>} : memref<128x128xf32, #tpu.memory_space<vmem>>, vector<1x16xf32>,
      %swap3A_88 = arith.index_cast %scan3A_62 : i32 to index
      %swap3A_89 = arith.constant 80 : index
      %swap3A_90 = tpu.vector_load %arg8[%swap3A_88, %swap3A_89] {strides = array<i32>} : memref<128x128xf32, #tpu.memory_space<vmem>>, vector<1x16xf32>,
      %swap3A_91 = vector.shape_cast %swap3A_90 : vector<1x16xf32> to vector<16xf32>
      %swap3A_92 = vector.shape_cast %broadcast_in_dim3A_26 : vector<16xf32> to vector<1x16xf32>
      tpu.vector_store %arg8[%swap3A_88, %swap3A_89], %swap3A_92 {strides = array<i32>} : memref<128x128xf32, #tpu.memory_space<vmem>>, vector<1x16xf32>,
      %swap3A_93 = arith.index_cast %scan3A_62 : i32 to index
      %swap3A_94 = arith.constant 96 : index
      %swap3A_95 = tpu.vector_load %arg8[%swap3A_93, %swap3A_94] {strides = array<i32>} : memref<128x128xf32, #tpu.memory_space<vmem>>, vector<1x16xf32>,
      %swap3A_96 = vector.shape_cast %swap3A_95 : vector<1x16xf32> to vector<16xf32>
      %swap3A_97 = vector.shape_cast %broadcast_in_dim3A_26 : vector<16xf32> to vector<1x16xf32>
      tpu.vector_store %arg8[%swap3A_93, %swap3A_94], %swap3A_97 {strides = array<i32>} : memref<128x128xf32, #tpu.memory_space<vmem>>, vector<1x16xf32>,
      %swap3A_98 = arith.index_cast %scan3A_62 : i32 to index
      %swap3A_99 = arith.constant 112 : index
      %swap3A_100 = tpu.vector_load %arg8[%swap3A_98, %swap3A_99] {strides = array<i32>} : memref<128x128xf32, #tpu.memory_space<vmem>>, vector<1x16xf32>,
      %swap3A_101 = vector.shape_cast %swap3A_100 : vector<1x16xf32> to vector<16xf32>
      %swap3A_102 = vector.shape_cast %broadcast_in_dim3A_26 : vector<16xf32> to vector<1x16xf32>
      tpu.vector_store %arg8[%swap3A_98, %swap3A_99], %swap3A_102 {strides = array<i32>} : memref<128x128xf32, #tpu.memory_space<vmem>>, vector<1x16xf32>,
      %scan3A_103 = arith.constant 0 : i32
      scf.yield %scan3A_103 : i32
    }
    %scan3A_32 = arith.constant 80 : i32
    %while3A = arith.constant 0 : i32
    %while3A_33 = arith.constant 0 : i32
    %while3A_34 = arith.subi %select_n3A_25, %while3A : i32
    %while3A_35 = arith.addi %while3A, %while3A_34 : i32
    %while3A_36 = arith.constant 1 : i32
    %while3A_37 = arith.divsi %while3A_34, %while3A_36 : i32
    %while3A_38 = arith.muli %while3A_37, %while3A_36 : i32
    %while3A_39 = arith.addi %while3A, %while3A_38 : i32
    %while3A_40 = arith.constant 1 : i32
    %while3A_41 = scf.for %while3A_62 = %while3A to %while3A_39 step %while3A_40 iter_args(%while3A_63 = %while3A_33) -> (i32)  : i32 {
      %mul3A_64 = arith.constant 16 : i32
      %mul3A_65 = arith.muli %mul3A_64, %while3A_62 : i32
      %add3A_66 = arith.addi %arg1, %mul3A_65 : i32
      %mul3A_67 = arith.constant 80 : i32
      %mul3A_68 = arith.muli %add3A_66, %mul3A_67 : i32
      "tpu.region"() ({
        %run_scoped3A = tpu.sem_alloc : memref<!tpu.dma_semaphore, #tpu.memory_space<semaphore_mem>>
        %dma_start3A = arith.constant 0 : i32
        %dma_start3A_70 = arith.constant 0 : i32
        %dma_start3A_71 = tpu.memref_slice %arg8[%dma_start3A, %dma_start3A_70] : memref<128x128xf32, #tpu.memory_space<vmem>> -> memref<80x128xf32, #tpu.memory_space<vmem>>
        %dma_start3A_72 = arith.constant 0 : i32
        %dma_start3A_73 = tpu.memref_slice %arg6[%mul3A_68, %dma_start3A_72] : memref<10000x128xf32, #tpu.memory_space<vmem_shared>> -> memref<80x128xf32, #tpu.memory_space<vmem_shared>>
        %dma_start3A_74 = arith.constant 0 : i32
        %dma_start3A_75 = tpu.memref_slice %arg6[%mul3A_68, %dma_start3A_74] : memref<10000x128xf32, #tpu.memory_space<vmem_shared>> -> memref<80x128xf32, #tpu.memory_space<vmem_shared>>
        %dma_start3A_76 = arith.constant 0 : i32
        %dma_start3A_77 = arith.constant 0 : i32
        %dma_start3A_78 = tpu.memref_slice %arg8[%dma_start3A_76, %dma_start3A_77] : memref<128x128xf32, #tpu.memory_space<vmem>> -> memref<80x128xf32, #tpu.memory_space<vmem>>
        tpu.enqueue_dma source(%dma_start3A_78 : memref<80x128xf32, #tpu.memory_space<vmem>>) target(%dma_start3A_75 : memref<80x128xf32, #tpu.memory_space<vmem_shared>>) target_semaphore(%run_scoped3A : memref<!tpu.dma_semaphore, #tpu.memory_space<semaphore_mem>>)
        %dma_wait3A = arith.constant 0 : i32
        %dma_wait3A_79 = arith.constant 0 : i32
        %dma_wait3A_80 = tpu.memref_slice %arg8[%dma_wait3A, %dma_wait3A_79] : memref<128x128xf32, #tpu.memory_space<vmem>> -> memref<80x128xf32, #tpu.memory_space<vmem>>
        %dma_wait3A_81 = arith.constant 0 : i32
        %dma_wait3A_82 = tpu.memref_slice %arg6[%mul3A_68, %dma_wait3A_81] : memref<10000x128xf32, #tpu.memory_space<vmem_shared>> -> memref<80x128xf32, #tpu.memory_space<vmem_shared>>
        %dma_wait3A_83 = arith.constant 0 : i32
        %dma_wait3A_84 = tpu.memref_slice %arg6[%mul3A_68, %dma_wait3A_83] : memref<10000x128xf32, #tpu.memory_space<vmem_shared>> -> memref<80x128xf32, #tpu.memory_space<vmem_shared>>
        %dma_wait3A_85 = arith.constant 0 : i32
        %dma_wait3A_86 = arith.constant 0 : i32
        %dma_wait3A_87 = tpu.memref_slice %arg8[%dma_wait3A_85, %dma_wait3A_86] : memref<128x128xf32, #tpu.memory_space<vmem>> -> memref<80x128xf32, #tpu.memory_space<vmem>>
        tpu.wait_dma2 semaphore(%run_scoped3A : memref<!tpu.dma_semaphore, #tpu.memory_space<semaphore_mem>>) src(%dma_wait3A_87 : memref<80x128xf32, #tpu.memory_space<vmem>>) dst(%dma_wait3A_84 : memref<80x128xf32, #tpu.memory_space<vmem_shared>>)
        tpu.yield
      }) : () -> ()
      %while3A_69 = arith.constant 0 : i32
      scf.yield %while3A_69 : i32
    }
    %while3A_42 = arith.constant 1 : i32
    %while3A_43 = scf.for %while3A_62 = %while3A_39 to %while3A_35 step %while3A_42 iter_args(%while3A_63 = %while3A_41) -> (i32)  : i32 {
      %mul3A_64 = arith.constant 16 : i32
      %mul3A_65 = arith.muli %mul3A_64, %while3A_62 : i32
      %add3A_66 = arith.addi %arg1, %mul3A_65 : i32
      %mul3A_67 = arith.constant 80 : i32
      %mul3A_68 = arith.muli %add3A_66, %mul3A_67 : i32
      "tpu.region"() ({
        %run_scoped3A = tpu.sem_alloc : memref<!tpu.dma_semaphore, #tpu.memory_space<semaphore_mem>>
        %dma_start3A = arith.constant 0 : i32
        %dma_start3A_70 = arith.constant 0 : i32
        %dma_start3A_71 = tpu.memref_slice %arg8[%dma_start3A, %dma_start3A_70] : memref<128x128xf32, #tpu.memory_space<vmem>> -> memref<80x128xf32, #tpu.memory_space<vmem>>
        %dma_start3A_72 = arith.constant 0 : i32
        %dma_start3A_73 = tpu.memref_slice %arg6[%mul3A_68, %dma_start3A_72] : memref<10000x128xf32, #tpu.memory_space<vmem_shared>> -> memref<80x128xf32, #tpu.memory_space<vmem_shared>>
        %dma_start3A_74 = arith.constant 0 : i32
        %dma_start3A_75 = tpu.memref_slice %arg6[%mul3A_68, %dma_start3A_74] : memref<10000x128xf32, #tpu.memory_space<vmem_shared>> -> memref<80x128xf32, #tpu.memory_space<vmem_shared>>
        %dma_start3A_76 = arith.constant 0 : i32
        %dma_start3A_77 = arith.constant 0 : i32
        %dma_start3A_78 = tpu.memref_slice %arg8[%dma_start3A_76, %dma_start3A_77] : memref<128x128xf32, #tpu.memory_space<vmem>> -> memref<80x128xf32, #tpu.memory_space<vmem>>
        tpu.enqueue_dma source(%dma_start3A_78 : memref<80x128xf32, #tpu.memory_space<vmem>>) target(%dma_start3A_75 : memref<80x128xf32, #tpu.memory_space<vmem_shared>>) target_semaphore(%run_scoped3A : memref<!tpu.dma_semaphore, #tpu.memory_space<semaphore_mem>>)
        %dma_wait3A = arith.constant 0 : i32
        %dma_wait3A_79 = arith.constant 0 : i32
        %dma_wait3A_80 = tpu.memref_slice %arg8[%dma_wait3A, %dma_wait3A_79] : memref<128x128xf32, #tpu.memory_space<vmem>> -> memref<80x128xf32, #tpu.memory_space<vmem>>
        %dma_wait3A_81 = arith.constant 0 : i32
        %dma_wait3A_82 = tpu.memref_slice %arg6[%mul3A_68, %dma_wait3A_81] : memref<10000x128xf32, #tpu.memory_space<vmem_shared>> -> memref<80x128xf32, #tpu.memory_space<vmem_shared>>
        %dma_wait3A_83 = arith.constant 0 : i32
        %dma_wait3A_84 = tpu.memref_slice %arg6[%mul3A_68, %dma_wait3A_83] : memref<10000x128xf32, #tpu.memory_space<vmem_shared>> -> memref<80x128xf32, #tpu.memory_space<vmem_shared>>
        %dma_wait3A_85 = arith.constant 0 : i32
        %dma_wait3A_86 = arith.constant 0 : i32
        %dma_wait3A_87 = tpu.memref_slice %arg8[%dma_wait3A_85, %dma_wait3A_86] : memref<128x128xf32, #tpu.memory_space<vmem>> -> memref<80x128xf32, #tpu.memory_space<vmem>>
        tpu.wait_dma2 semaphore(%run_scoped3A : memref<!tpu.dma_semaphore, #tpu.memory_space<semaphore_mem>>) src(%dma_wait3A_87 : memref<80x128xf32, #tpu.memory_space<vmem>>) dst(%dma_wait3A_84 : memref<80x128xf32, #tpu.memory_space<vmem_shared>>)
        tpu.yield
      }) : () -> ()
      %while3A_69 = arith.constant 0 : i32
      scf.yield %while3A_69 : i32
    }
    %barrier3A = arith.constant 0 : index
    tpu.barrier barrier_id(%barrier3A)
    %eq3A = arith.constant 0 : i32
    %eq3A_44 = arith.cmpi eq, %arg0, %eq3A : i32
    %convert_element_type3A = arith.extui %eq3A_44 : i1 to i32
    %cond3A = arith.constant 0 : i32
    %cond3A_45 = arith.cmpi ne, %convert_element_type3A, %cond3A : i32
    scf.if %cond3A_45 {
      %while3A_62 = arith.constant 0 : i32
      %while3A_63 = arith.constant 0 : i32
      %while3A_64 = arith.subi %select_n3A, %while3A_62 : i32
      %while3A_65 = arith.addi %while3A_62, %while3A_64 : i32
      %while3A_66 = arith.constant 1 : i32
      %while3A_67 = arith.divsi %while3A_64, %while3A_66 : i32
      %while3A_68 = arith.muli %while3A_67, %while3A_66 : i32
      %while3A_69 = arith.addi %while3A_62, %while3A_68 : i32
      %while3A_70 = arith.constant 1 : i32
      %while3A_71 = scf.for %while3A_74 = %while3A_62 to %while3A_69 step %while3A_70 iter_args(%while3A_75 = %while3A_63) -> (i32)  : i32 {
        %mul3A_76 = arith.constant 16 : i32
        %mul3A_77 = arith.muli %while3A_74, %mul3A_76 : i32
        %add3A_78 = arith.addi %mul3A_0, %mul3A_77 : i32
        "tpu.region"() ({
          %run_scoped3A = tpu.sem_alloc : memref<!tpu.dma_semaphore, #tpu.memory_space<semaphore_mem>>
          %dma_start3A_124 = arith.constant 0 : i32
          %dma_start3A_125 = tpu.memref_slice %arg3[%add3A_78, %dma_start3A_124] : memref<1280x128xi32, #tpu.memory_space<hbm>> -> memref<16x128xi32, #tpu.memory_space<hbm>>
          %dma_start3A_126 = arith.constant 0 : i32
          %dma_start3A_127 = tpu.memref_slice %arg3[%add3A_78, %dma_start3A_126] : memref<1280x128xi32, #tpu.memory_space<hbm>> -> memref<16x128xi32, #tpu.memory_space<hbm>>
          tpu.enqueue_dma source(%dma_start3A_127 : memref<16x128xi32, #tpu.memory_space<hbm>>) target(%arg7 : memref<16x128xi32, #tpu.memory_space<vmem>>) target_semaphore(%run_scoped3A : memref<!tpu.dma_semaphore, #tpu.memory_space<semaphore_mem>>)
          %dma_wait3A = arith.constant 0 : i32
          %dma_wait3A_128 = tpu.memref_slice %arg3[%add3A_78, %dma_wait3A] : memref<1280x128xi32, #tpu.memory_space<hbm>> -> memref<16x128xi32, #tpu.memory_space<hbm>>
          %dma_wait3A_129 = arith.constant 0 : i32
          %dma_wait3A_130 = tpu.memref_slice %arg3[%add3A_78, %dma_wait3A_129] : memref<1280x128xi32, #tpu.memory_space<hbm>> -> memref<16x128xi32, #tpu.memory_space<hbm>>
          tpu.wait_dma2 semaphore(%run_scoped3A : memref<!tpu.dma_semaphore, #tpu.memory_space<semaphore_mem>>) src(%dma_wait3A_130 : memref<16x128xi32, #tpu.memory_space<hbm>>) dst(%arg7 : memref<16x128xi32, #tpu.memory_space<vmem>>)
          tpu.yield
        }) : () -> ()
        %sub3A_79 = arith.subi %min3A_2, %add3A_78 : i32
        %min3A_80 = arith.constant 16 : i32
        %min3A_81 = arith.minsi %sub3A_79, %min3A_80 : i32
        %jit3A_82 = arith.constant 2 : i32
        %div3A_83 = arith.divsi %min3A_81, %jit3A_82 : i32
        %sign3A_84 = arith.constant 0 : i32
        %sign3A_85 = arith.cmpi sgt, %min3A_81, %sign3A_84 : i32
        %sign3A_86 = arith.extui %sign3A_85 : i1 to i32
        %sign3A_87 = arith.constant 0 : i32
        %sign3A_88 = arith.cmpi slt, %min3A_81, %sign3A_87 : i32
        %sign3A_89 = arith.extui %sign3A_88 : i1 to i32
        %sign3A_90 = arith.subi %sign3A_86, %sign3A_89 : i32
        %sign3A_91 = arith.constant 0 : i32
        %sign3A_92 = arith.cmpi sgt, %jit3A_82, %sign3A_91 : i32
        %sign3A_93 = arith.extui %sign3A_92 : i1 to i32
        %sign3A_94 = arith.constant 0 : i32
        %sign3A_95 = arith.cmpi slt, %jit3A_82, %sign3A_94 : i32
        %sign3A_96 = arith.extui %sign3A_95 : i1 to i32
        %sign3A_97 = arith.subi %sign3A_93, %sign3A_96 : i32
        %ne3A_98 = arith.cmpi ne, %sign3A_90, %sign3A_97 : i32
        %rem3A_99 = arith.remsi %min3A_81, %jit3A_82 : i32
        %ne3A_100 = arith.constant 0 : i32
        %ne3A_101 = arith.cmpi ne, %rem3A_99, %ne3A_100 : i32
        %and3A_102 = arith.andi %ne3A_98, %ne3A_101 : i1
        %sub3A_103 = arith.constant 1 : i32
        %sub3A_104 = arith.subi %div3A_83, %sub3A_103 : i32
        %select_n3A_105 = arith.select %and3A_102, %sub3A_104, %div3A_83 : i32
        %mul3A_106 = arith.constant 128 : i32
        %mul3A_107 = arith.muli %add3A_78, %mul3A_106 : i32
        %dma_start3A = arith.constant 0 : i32
        %dma_start3A_108 = tpu.memref_slice %arg2[%mul3A_107, %dma_start3A] : memref<160000x256xf32, #tpu.memory_space<hbm>> -> memref<128x128xf32, #tpu.memory_space<hbm>>
        %dma_start3A_109 = arith.constant 0 : i32
        %dma_start3A_110 = tpu.memref_slice %arg2[%mul3A_107, %dma_start3A_109] : memref<160000x256xf32, #tpu.memory_space<hbm>> -> memref<128x128xf32, #tpu.memory_space<hbm>>
        tpu.enqueue_dma source(%dma_start3A_110 : memref<128x128xf32, #tpu.memory_space<hbm>>) target(%arg8 : memref<128x128xf32, #tpu.memory_space<vmem>>) target_semaphore(%arg10 : memref<!tpu.dma_semaphore, #tpu.memory_space<semaphore_mem>>)
        %while3A_111 = arith.constant 0 : i32
        %while3A_112 = arith.constant 0 : i32
        %while3A_113 = arith.subi %select_n3A_105, %while3A_111 : i32
        %while3A_114 = arith.addi %while3A_111, %while3A_113 : i32
        %while3A_115 = arith.constant 1 : i32
        %while3A_116 = arith.divsi %while3A_113, %while3A_115 : i32
        %while3A_117 = arith.muli %while3A_116, %while3A_115 : i32
        %while3A_118 = arith.addi %while3A_111, %while3A_117 : i32
        %while3A_119 = arith.constant 1 : i32
        %while3A_120 = scf.for %while3A_124 = %while3A_111 to %while3A_118 step %while3A_119 iter_args(%while3A_125 = %while3A_112) -> (i32)  : i32 {
          %mul3A_126 = arith.constant 2 : i32
          %mul3A_127 = arith.muli %mul3A_126, %while3A_124 : i32
          %add3A_128 = arith.addi %add3A_78, %mul3A_127 : i32
          %mul3A_129 = arith.constant 128 : i32
          %mul3A_130 = arith.muli %add3A_128, %mul3A_129 : i32
          %dma_wait3A = arith.constant 0 : i32
          %dma_wait3A_131 = tpu.memref_slice %arg2[%mul3A_130, %dma_wait3A] : memref<160000x256xf32, #tpu.memory_space<hbm>> -> memref<128x128xf32, #tpu.memory_space<hbm>>
          %dma_wait3A_132 = arith.constant 0 : i32
          %dma_wait3A_133 = tpu.memref_slice %arg2[%mul3A_130, %dma_wait3A_132] : memref<160000x256xf32, #tpu.memory_space<hbm>> -> memref<128x128xf32, #tpu.memory_space<hbm>>
          tpu.wait_dma2 semaphore(%arg10 : memref<!tpu.dma_semaphore, #tpu.memory_space<semaphore_mem>>) src(%dma_wait3A_133 : memref<128x128xf32, #tpu.memory_space<hbm>>) dst(%arg8 : memref<128x128xf32, #tpu.memory_space<vmem>>)
          %add3A_134 = arith.constant 1 : i32
          %add3A_135 = arith.addi %add3A_128, %add3A_134 : i32
          %mul3A_136 = arith.constant 128 : i32
          %mul3A_137 = arith.muli %add3A_135, %mul3A_136 : i32
          %dma_start3A_138 = arith.constant 0 : i32
          %dma_start3A_139 = tpu.memref_slice %arg2[%mul3A_137, %dma_start3A_138] : memref<160000x256xf32, #tpu.memory_space<hbm>> -> memref<128x128xf32, #tpu.memory_space<hbm>>
          %dma_start3A_140 = arith.constant 0 : i32
          %dma_start3A_141 = tpu.memref_slice %arg2[%mul3A_137, %dma_start3A_140] : memref<160000x256xf32, #tpu.memory_space<hbm>> -> memref<128x128xf32, #tpu.memory_space<hbm>>
          tpu.enqueue_dma source(%dma_start3A_141 : memref<128x128xf32, #tpu.memory_space<hbm>>) target(%arg9 : memref<128x128xf32, #tpu.memory_space<vmem>>) target_semaphore(%arg11 : memref<!tpu.dma_semaphore, #tpu.memory_space<semaphore_mem>>)
          %mul3A_142 = arith.constant 2 : i32
          %mul3A_143 = arith.muli %mul3A_142, %while3A_124 : i32
          "tpu.region"() ({
            %run_scoped3A = tpu.sem_alloc : memref<!tpu.dma_semaphore, #tpu.memory_space<semaphore_mem>>
            %dma_start3A_163 = arith.constant 0 : i32
            %dma_start3A_164 = tpu.memref_slice %arg7[%mul3A_143, %dma_start3A_163] : memref<16x128xi32, #tpu.memory_space<vmem>> -> memref<1x128xi32, #tpu.memory_space<vmem>>
            %dma_start3A_165 = tpu.memref_squeeze %dma_start3A_164 : memref<1x128xi32, #tpu.memory_space<vmem>> -> memref<128xi32, #tpu.memory_space<vmem>>
            %dma_start3A_166 = arith.constant 0 : i32
            %dma_start3A_167 = arith.constant 0 : i32
            %dma_start3A_168 = tpu.memref_slice %arg6[%dma_start3A_166, %dma_start3A_167] : memref<10000x128xf32, #tpu.memory_space<vmem_shared>> -> memref<10000x128xf32, #tpu.memory_space<vmem_shared>>
            tpu.enqueue_indirect_dma source(%arg8 : memref<128x128xf32, #tpu.memory_space<vmem>>) target(%dma_start3A_168 : memref<10000x128xf32, #tpu.memory_space<vmem_shared>>) offsets(%dma_start3A_165 : memref<128xi32, #tpu.memory_space<vmem>>) semaphore(%run_scoped3A : memref<!tpu.dma_semaphore, #tpu.memory_space<semaphore_mem>>) {add = true}
            %dma_wait3A_169 = arith.constant 0 : i32
            %dma_wait3A_170 = tpu.memref_slice %arg7[%mul3A_143, %dma_wait3A_169] : memref<16x128xi32, #tpu.memory_space<vmem>> -> memref<1x128xi32, #tpu.memory_space<vmem>>
            %dma_wait3A_171 = tpu.memref_squeeze %dma_wait3A_170 : memref<1x128xi32, #tpu.memory_space<vmem>> -> memref<128xi32, #tpu.memory_space<vmem>>
            %dma_wait3A_172 = arith.constant 0 : i32
            %dma_wait3A_173 = arith.constant 0 : i32
            %dma_wait3A_174 = tpu.memref_slice %arg6[%dma_wait3A_172, %dma_wait3A_173] : memref<10000x128xf32, #tpu.memory_space<vmem_shared>> -> memref<10000x128xf32, #tpu.memory_space<vmem_shared>>
            tpu.wait_indirect_dma semaphore(%run_scoped3A : memref<!tpu.dma_semaphore, #tpu.memory_space<semaphore_mem>>) src(%arg8 : memref<128x128xf32, #tpu.memory_space<vmem>>) dst(%dma_wait3A_174 : memref<10000x128xf32, #tpu.memory_space<vmem_shared>>)
            tpu.yield
          }) : () -> ()
          %add3A_144 = arith.constant 1 : i32
          %add3A_145 = arith.addi %add3A_128, %add3A_144 : i32
          %mul3A_146 = arith.constant 128 : i32
          %mul3A_147 = arith.muli %add3A_145, %mul3A_146 : i32
          %dma_wait3A_148 = arith.constant 0 : i32
          %dma_wait3A_149 = tpu.memref_slice %arg2[%mul3A_147, %dma_wait3A_148] : memref<160000x256xf32, #tpu.memory_space<hbm>> -> memref<128x128xf32, #tpu.memory_space<hbm>>
          %dma_wait3A_150 = arith.constant 0 : i32
          %dma_wait3A_151 = tpu.memref_slice %arg2[%mul3A_147, %dma_wait3A_150] : memref<160000x256xf32, #tpu.memory_space<hbm>> -> memref<128x128xf32, #tpu.memory_space<hbm>>
          tpu.wait_dma2 semaphore(%arg11 : memref<!tpu.dma_semaphore, #tpu.memory_space<semaphore_mem>>) src(%dma_wait3A_151 : memref<128x128xf32, #tpu.memory_space<hbm>>) dst(%arg9 : memref<128x128xf32, #tpu.memory_space<vmem>>)
          %add3A_152 = arith.constant 1 : i32
          %add3A_153 = arith.addi %while3A_124, %add3A_152 : i32
          %lt3A_154 = arith.cmpi slt, %add3A_153, %select_n3A_105 : i32
          %convert_element_type3A_155 = arith.extui %lt3A_154 : i1 to i32
          %cond3A_156 = arith.constant 0 : i32
          %cond3A_157 = arith.cmpi ne, %convert_element_type3A_155, %cond3A_156 : i32
          scf.if %cond3A_157 {
            %add3A_163 = arith.constant 2 : i32
            %add3A_164 = arith.addi %add3A_128, %add3A_163 : i32
            %mul3A_165 = arith.constant 128 : i32
            %mul3A_166 = arith.muli %add3A_164, %mul3A_165 : i32
            %dma_start3A_167 = arith.constant 0 : i32
            %dma_start3A_168 = tpu.memref_slice %arg2[%mul3A_166, %dma_start3A_167] : memref<160000x256xf32, #tpu.memory_space<hbm>> -> memref<128x128xf32, #tpu.memory_space<hbm>>
            %dma_start3A_169 = arith.constant 0 : i32
            %dma_start3A_170 = tpu.memref_slice %arg2[%mul3A_166, %dma_start3A_169] : memref<160000x256xf32, #tpu.memory_space<hbm>> -> memref<128x128xf32, #tpu.memory_space<hbm>>
            tpu.enqueue_dma source(%dma_start3A_170 : memref<128x128xf32, #tpu.memory_space<hbm>>) target(%arg8 : memref<128x128xf32, #tpu.memory_space<vmem>>) target_semaphore(%arg10 : memref<!tpu.dma_semaphore, #tpu.memory_space<semaphore_mem>>)
          } else {
          }
          %mul3A_158 = arith.constant 2 : i32
          %mul3A_159 = arith.muli %mul3A_158, %while3A_124 : i32
          %add3A_160 = arith.constant 1 : i32
          %add3A_161 = arith.addi %mul3A_159, %add3A_160 : i32
          "tpu.region"() ({
            %run_scoped3A = tpu.sem_alloc : memref<!tpu.dma_semaphore, #tpu.memory_space<semaphore_mem>>
            %dma_start3A_163 = arith.constant 0 : i32
            %dma_start3A_164 = tpu.memref_slice %arg7[%add3A_161, %dma_start3A_163] : memref<16x128xi32, #tpu.memory_space<vmem>> -> memref<1x128xi32, #tpu.memory_space<vmem>>
            %dma_start3A_165 = tpu.memref_squeeze %dma_start3A_164 : memref<1x128xi32, #tpu.memory_space<vmem>> -> memref<128xi32, #tpu.memory_space<vmem>>
            %dma_start3A_166 = arith.constant 0 : i32
            %dma_start3A_167 = arith.constant 0 : i32
            %dma_start3A_168 = tpu.memref_slice %arg6[%dma_start3A_166, %dma_start3A_167] : memref<10000x128xf32, #tpu.memory_space<vmem_shared>> -> memref<10000x128xf32, #tpu.memory_space<vmem_shared>>
            tpu.enqueue_indirect_dma source(%arg9 : memref<128x128xf32, #tpu.memory_space<vmem>>) target(%dma_start3A_168 : memref<10000x128xf32, #tpu.memory_space<vmem_shared>>) offsets(%dma_start3A_165 : memref<128xi32, #tpu.memory_space<vmem>>) semaphore(%run_scoped3A : memref<!tpu.dma_semaphore, #tpu.memory_space<semaphore_mem>>) {add = true}
            %dma_wait3A_169 = arith.constant 0 : i32
            %dma_wait3A_170 = tpu.memref_slice %arg7[%add3A_161, %dma_wait3A_169] : memref<16x128xi32, #tpu.memory_space<vmem>> -> memref<1x128xi32, #tpu.memory_space<vmem>>
            %dma_wait3A_171 = tpu.memref_squeeze %dma_wait3A_170 : memref<1x128xi32, #tpu.memory_space<vmem>> -> memref<128xi32, #tpu.memory_space<vmem>>
            %dma_wait3A_172 = arith.constant 0 : i32
            %dma_wait3A_173 = arith.constant 0 : i32
            %dma_wait3A_174 = tpu.memref_slice %arg6[%dma_wait3A_172, %dma_wait3A_173] : memref<10000x128xf32, #tpu.memory_space<vmem_shared>> -> memref<10000x128xf32, #tpu.memory_space<vmem_shared>>
            tpu.wait_indirect_dma semaphore(%run_scoped3A : memref<!tpu.dma_semaphore, #tpu.memory_space<semaphore_mem>>) src(%arg9 : memref<128x128xf32, #tpu.memory_space<vmem>>) dst(%dma_wait3A_174 : memref<10000x128xf32, #tpu.memory_space<vmem_shared>>)
            tpu.yield
          }) : () -> ()
          %while3A_162 = arith.constant 0 : i32
          scf.yield %while3A_162 : i32
        }
        %while3A_121 = arith.constant 1 : i32
        %while3A_122 = scf.for %while3A_124 = %while3A_118 to %while3A_114 step %while3A_121 iter_args(%while3A_125 = %while3A_120) -> (i32)  : i32 {
          %mul3A_126 = arith.constant 2 : i32
          %mul3A_127 = arith.muli %mul3A_126, %while3A_124 : i32
          %add3A_128 = arith.addi %add3A_78, %mul3A_127 : i32
          %mul3A_129 = arith.constant 128 : i32
          %mul3A_130 = arith.muli %add3A_128, %mul3A_129 : i32
          %dma_wait3A = arith.constant 0 : i32
          %dma_wait3A_131 = tpu.memref_slice %arg2[%mul3A_130, %dma_wait3A] : memref<160000x256xf32, #tpu.memory_space<hbm>> -> memref<128x128xf32, #tpu.memory_space<hbm>>
          %dma_wait3A_132 = arith.constant 0 : i32
          %dma_wait3A_133 = tpu.memref_slice %arg2[%mul3A_130, %dma_wait3A_132] : memref<160000x256xf32, #tpu.memory_space<hbm>> -> memref<128x128xf32, #tpu.memory_space<hbm>>
          tpu.wait_dma2 semaphore(%arg10 : memref<!tpu.dma_semaphore, #tpu.memory_space<semaphore_mem>>) src(%dma_wait3A_133 : memref<128x128xf32, #tpu.memory_space<hbm>>) dst(%arg8 : memref<128x128xf32, #tpu.memory_space<vmem>>)
          %add3A_134 = arith.constant 1 : i32
          %add3A_135 = arith.addi %add3A_128, %add3A_134 : i32
          %mul3A_136 = arith.constant 128 : i32
          %mul3A_137 = arith.muli %add3A_135, %mul3A_136 : i32
          %dma_start3A_138 = arith.constant 0 : i32
          %dma_start3A_139 = tpu.memref_slice %arg2[%mul3A_137, %dma_start3A_138] : memref<160000x256xf32, #tpu.memory_space<hbm>> -> memref<128x128xf32, #tpu.memory_space<hbm>>
          %dma_start3A_140 = arith.constant 0 : i32
          %dma_start3A_141 = tpu.memref_slice %arg2[%mul3A_137, %dma_start3A_140] : memref<160000x256xf32, #tpu.memory_space<hbm>> -> memref<128x128xf32, #tpu.memory_space<hbm>>
          tpu.enqueue_dma source(%dma_start3A_141 : memref<128x128xf32, #tpu.memory_space<hbm>>) target(%arg9 : memref<128x128xf32, #tpu.memory_space<vmem>>) target_semaphore(%arg11 : memref<!tpu.dma_semaphore, #tpu.memory_space<semaphore_mem>>)
          %mul3A_142 = arith.constant 2 : i32
          %mul3A_143 = arith.muli %mul3A_142, %while3A_124 : i32
          "tpu.region"() ({
            %run_scoped3A = tpu.sem_alloc : memref<!tpu.dma_semaphore, #tpu.memory_space<semaphore_mem>>
            %dma_start3A_163 = arith.constant 0 : i32
            %dma_start3A_164 = tpu.memref_slice %arg7[%mul3A_143, %dma_start3A_163] : memref<16x128xi32, #tpu.memory_space<vmem>> -> memref<1x128xi32, #tpu.memory_space<vmem>>
            %dma_start3A_165 = tpu.memref_squeeze %dma_start3A_164 : memref<1x128xi32, #tpu.memory_space<vmem>> -> memref<128xi32, #tpu.memory_space<vmem>>
            %dma_start3A_166 = arith.constant 0 : i32
            %dma_start3A_167 = arith.constant 0 : i32
            %dma_start3A_168 = tpu.memref_slice %arg6[%dma_start3A_166, %dma_start3A_167] : memref<10000x128xf32, #tpu.memory_space<vmem_shared>> -> memref<10000x128xf32, #tpu.memory_space<vmem_shared>>
            tpu.enqueue_indirect_dma source(%arg8 : memref<128x128xf32, #tpu.memory_space<vmem>>) target(%dma_start3A_168 : memref<10000x128xf32, #tpu.memory_space<vmem_shared>>) offsets(%dma_start3A_165 : memref<128xi32, #tpu.memory_space<vmem>>) semaphore(%run_scoped3A : memref<!tpu.dma_semaphore, #tpu.memory_space<semaphore_mem>>) {add = true}
            %dma_wait3A_169 = arith.constant 0 : i32
            %dma_wait3A_170 = tpu.memref_slice %arg7[%mul3A_143, %dma_wait3A_169] : memref<16x128xi32, #tpu.memory_space<vmem>> -> memref<1x128xi32, #tpu.memory_space<vmem>>
            %dma_wait3A_171 = tpu.memref_squeeze %dma_wait3A_170 : memref<1x128xi32, #tpu.memory_space<vmem>> -> memref<128xi32, #tpu.memory_space<vmem>>
            %dma_wait3A_172 = arith.constant 0 : i32
            %dma_wait3A_173 = arith.constant 0 : i32
            %dma_wait3A_174 = tpu.memref_slice %arg6[%dma_wait3A_172, %dma_wait3A_173] : memref<10000x128xf32, #tpu.memory_space<vmem_shared>> -> memref<10000x128xf32, #tpu.memory_space<vmem_shared>>
            tpu.wait_indirect_dma semaphore(%run_scoped3A : memref<!tpu.dma_semaphore, #tpu.memory_space<semaphore_mem>>) src(%arg8 : memref<128x128xf32, #tpu.memory_space<vmem>>) dst(%dma_wait3A_174 : memref<10000x128xf32, #tpu.memory_space<vmem_shared>>)
            tpu.yield
          }) : () -> ()
          %add3A_144 = arith.constant 1 : i32
          %add3A_145 = arith.addi %add3A_128, %add3A_144 : i32
          %mul3A_146 = arith.constant 128 : i32
          %mul3A_147 = arith.muli %add3A_145, %mul3A_146 : i32
          %dma_wait3A_148 = arith.constant 0 : i32
          %dma_wait3A_149 = tpu.memref_slice %arg2[%mul3A_147, %dma_wait3A_148] : memref<160000x256xf32, #tpu.memory_space<hbm>> -> memref<128x128xf32, #tpu.memory_space<hbm>>
          %dma_wait3A_150 = arith.constant 0 : i32
          %dma_wait3A_151 = tpu.memref_slice %arg2[%mul3A_147, %dma_wait3A_150] : memref<160000x256xf32, #tpu.memory_space<hbm>> -> memref<128x128xf32, #tpu.memory_space<hbm>>
          tpu.wait_dma2 semaphore(%arg11 : memref<!tpu.dma_semaphore, #tpu.memory_space<semaphore_mem>>) src(%dma_wait3A_151 : memref<128x128xf32, #tpu.memory_space<hbm>>) dst(%arg9 : memref<128x128xf32, #tpu.memory_space<vmem>>)
          %add3A_152 = arith.constant 1 : i32
          %add3A_153 = arith.addi %while3A_124, %add3A_152 : i32
          %lt3A_154 = arith.cmpi slt, %add3A_153, %select_n3A_105 : i32
          %convert_element_type3A_155 = arith.extui %lt3A_154 : i1 to i32
          %cond3A_156 = arith.constant 0 : i32
          %cond3A_157 = arith.cmpi ne, %convert_element_type3A_155, %cond3A_156 : i32
          scf.if %cond3A_157 {
            %add3A_163 = arith.constant 2 : i32
            %add3A_164 = arith.addi %add3A_128, %add3A_163 : i32
            %mul3A_165 = arith.constant 128 : i32
            %mul3A_166 = arith.muli %add3A_164, %mul3A_165 : i32
            %dma_start3A_167 = arith.constant 0 : i32
            %dma_start3A_168 = tpu.memref_slice %arg2[%mul3A_166, %dma_start3A_167] : memref<160000x256xf32, #tpu.memory_space<hbm>> -> memref<128x128xf32, #tpu.memory_space<hbm>>
            %dma_start3A_169 = arith.constant 0 : i32
            %dma_start3A_170 = tpu.memref_slice %arg2[%mul3A_166, %dma_start3A_169] : memref<160000x256xf32, #tpu.memory_space<hbm>> -> memref<128x128xf32, #tpu.memory_space<hbm>>
            tpu.enqueue_dma source(%dma_start3A_170 : memref<128x128xf32, #tpu.memory_space<hbm>>) target(%arg8 : memref<128x128xf32, #tpu.memory_space<vmem>>) target_semaphore(%arg10 : memref<!tpu.dma_semaphore, #tpu.memory_space<semaphore_mem>>)
          } else {
          }
          %mul3A_158 = arith.constant 2 : i32
          %mul3A_159 = arith.muli %mul3A_158, %while3A_124 : i32
          %add3A_160 = arith.constant 1 : i32
          %add3A_161 = arith.addi %mul3A_159, %add3A_160 : i32
          "tpu.region"() ({
            %run_scoped3A = tpu.sem_alloc : memref<!tpu.dma_semaphore, #tpu.memory_space<semaphore_mem>>
            %dma_start3A_163 = arith.constant 0 : i32
            %dma_start3A_164 = tpu.memref_slice %arg7[%add3A_161, %dma_start3A_163] : memref<16x128xi32, #tpu.memory_space<vmem>> -> memref<1x128xi32, #tpu.memory_space<vmem>>
            %dma_start3A_165 = tpu.memref_squeeze %dma_start3A_164 : memref<1x128xi32, #tpu.memory_space<vmem>> -> memref<128xi32, #tpu.memory_space<vmem>>
            %dma_start3A_166 = arith.constant 0 : i32
            %dma_start3A_167 = arith.constant 0 : i32
            %dma_start3A_168 = tpu.memref_slice %arg6[%dma_start3A_166, %dma_start3A_167] : memref<10000x128xf32, #tpu.memory_space<vmem_shared>> -> memref<10000x128xf32, #tpu.memory_space<vmem_shared>>
            tpu.enqueue_indirect_dma source(%arg9 : memref<128x128xf32, #tpu.memory_space<vmem>>) target(%dma_start3A_168 : memref<10000x128xf32, #tpu.memory_space<vmem_shared>>) offsets(%dma_start3A_165 : memref<128xi32, #tpu.memory_space<vmem>>) semaphore(%run_scoped3A : memref<!tpu.dma_semaphore, #tpu.memory_space<semaphore_mem>>) {add = true}
            %dma_wait3A_169 = arith.constant 0 : i32
            %dma_wait3A_170 = tpu.memref_slice %arg7[%add3A_161, %dma_wait3A_169] : memref<16x128xi32, #tpu.memory_space<vmem>> -> memref<1x128xi32, #tpu.memory_space<vmem>>
            %dma_wait3A_171 = tpu.memref_squeeze %dma_wait3A_170 : memref<1x128xi32, #tpu.memory_space<vmem>> -> memref<128xi32, #tpu.memory_space<vmem>>
            %dma_wait3A_172 = arith.constant 0 : i32
            %dma_wait3A_173 = arith.constant 0 : i32
            %dma_wait3A_174 = tpu.memref_slice %arg6[%dma_wait3A_172, %dma_wait3A_173] : memref<10000x128xf32, #tpu.memory_space<vmem_shared>> -> memref<10000x128xf32, #tpu.memory_space<vmem_shared>>
            tpu.wait_indirect_dma semaphore(%run_scoped3A : memref<!tpu.dma_semaphore, #tpu.memory_space<semaphore_mem>>) src(%arg9 : memref<128x128xf32, #tpu.memory_space<vmem>>) dst(%dma_wait3A_174 : memref<10000x128xf32, #tpu.memory_space<vmem_shared>>)
            tpu.yield
          }) : () -> ()
          %while3A_162 = arith.constant 0 : i32
          scf.yield %while3A_162 : i32
        }
        %while3A_123 = arith.constant 0 : i32
        scf.yield %while3A_123 : i32
      }
      %while3A_72 = arith.constant 1 : i32
      %while3A_73 = scf.for %while3A_74 = %while3A_69 to %while3A_65 step %while3A_72 iter_args(%while3A_75 = %while3A_71) -> (i32)  : i32 {
        %mul3A_76 = arith.constant 16 : i32
        %mul3A_77 = arith.muli %while3A_74, %mul3A_76 : i32
        %add3A_78 = arith.addi %mul3A_0, %mul3A_77 : i32
        "tpu.region"() ({
          %run_scoped3A = tpu.sem_alloc : memref<!tpu.dma_semaphore, #tpu.memory_space<semaphore_mem>>
          %dma_start3A_124 = arith.constant 0 : i32
          %dma_start3A_125 = tpu.memref_slice %arg3[%add3A_78, %dma_start3A_124] : memref<1280x128xi32, #tpu.memory_space<hbm>> -> memref<16x128xi32, #tpu.memory_space<hbm>>
          %dma_start3A_126 = arith.constant 0 : i32
          %dma_start3A_127 = tpu.memref_slice %arg3[%add3A_78, %dma_start3A_126] : memref<1280x128xi32, #tpu.memory_space<hbm>> -> memref<16x128xi32, #tpu.memory_space<hbm>>
          tpu.enqueue_dma source(%dma_start3A_127 : memref<16x128xi32, #tpu.memory_space<hbm>>) target(%arg7 : memref<16x128xi32, #tpu.memory_space<vmem>>) target_semaphore(%run_scoped3A : memref<!tpu.dma_semaphore, #tpu.memory_space<semaphore_mem>>)
          %dma_wait3A = arith.constant 0 : i32
          %dma_wait3A_128 = tpu.memref_slice %arg3[%add3A_78, %dma_wait3A] : memref<1280x128xi32, #tpu.memory_space<hbm>> -> memref<16x128xi32, #tpu.memory_space<hbm>>
          %dma_wait3A_129 = arith.constant 0 : i32
          %dma_wait3A_130 = tpu.memref_slice %arg3[%add3A_78, %dma_wait3A_129] : memref<1280x128xi32, #tpu.memory_space<hbm>> -> memref<16x128xi32, #tpu.memory_space<hbm>>
          tpu.wait_dma2 semaphore(%run_scoped3A : memref<!tpu.dma_semaphore, #tpu.memory_space<semaphore_mem>>) src(%dma_wait3A_130 : memref<16x128xi32, #tpu.memory_space<hbm>>) dst(%arg7 : memref<16x128xi32, #tpu.memory_space<vmem>>)
          tpu.yield
        }) : () -> ()
        %sub3A_79 = arith.subi %min3A_2, %add3A_78 : i32
        %min3A_80 = arith.constant 16 : i32
        %min3A_81 = arith.minsi %sub3A_79, %min3A_80 : i32
        %jit3A_82 = arith.constant 2 : i32
        %div3A_83 = arith.divsi %min3A_81, %jit3A_82 : i32
        %sign3A_84 = arith.constant 0 : i32
        %sign3A_85 = arith.cmpi sgt, %min3A_81, %sign3A_84 : i32
        %sign3A_86 = arith.extui %sign3A_85 : i1 to i32
        %sign3A_87 = arith.constant 0 : i32
        %sign3A_88 = arith.cmpi slt, %min3A_81, %sign3A_87 : i32
        %sign3A_89 = arith.extui %sign3A_88 : i1 to i32
        %sign3A_90 = arith.subi %sign3A_86, %sign3A_89 : i32
        %sign3A_91 = arith.constant 0 : i32
        %sign3A_92 = arith.cmpi sgt, %jit3A_82, %sign3A_91 : i32
        %sign3A_93 = arith.extui %sign3A_92 : i1 to i32
        %sign3A_94 = arith.constant 0 : i32
        %sign3A_95 = arith.cmpi slt, %jit3A_82, %sign3A_94 : i32
        %sign3A_96 = arith.extui %sign3A_95 : i1 to i32
        %sign3A_97 = arith.subi %sign3A_93, %sign3A_96 : i32
        %ne3A_98 = arith.cmpi ne, %sign3A_90, %sign3A_97 : i32
        %rem3A_99 = arith.remsi %min3A_81, %jit3A_82 : i32
        %ne3A_100 = arith.constant 0 : i32
        %ne3A_101 = arith.cmpi ne, %rem3A_99, %ne3A_100 : i32
        %and3A_102 = arith.andi %ne3A_98, %ne3A_101 : i1
        %sub3A_103 = arith.constant 1 : i32
        %sub3A_104 = arith.subi %div3A_83, %sub3A_103 : i32
        %select_n3A_105 = arith.select %and3A_102, %sub3A_104, %div3A_83 : i32
        %mul3A_106 = arith.constant 128 : i32
        %mul3A_107 = arith.muli %add3A_78, %mul3A_106 : i32
        %dma_start3A = arith.constant 0 : i32
        %dma_start3A_108 = tpu.memref_slice %arg2[%mul3A_107, %dma_start3A] : memref<160000x256xf32, #tpu.memory_space<hbm>> -> memref<128x128xf32, #tpu.memory_space<hbm>>
        %dma_start3A_109 = arith.constant 0 : i32
        %dma_start3A_110 = tpu.memref_slice %arg2[%mul3A_107, %dma_start3A_109] : memref<160000x256xf32, #tpu.memory_space<hbm>> -> memref<128x128xf32, #tpu.memory_space<hbm>>
        tpu.enqueue_dma source(%dma_start3A_110 : memref<128x128xf32, #tpu.memory_space<hbm>>) target(%arg8 : memref<128x128xf32, #tpu.memory_space<vmem>>) target_semaphore(%arg10 : memref<!tpu.dma_semaphore, #tpu.memory_space<semaphore_mem>>)
        %while3A_111 = arith.constant 0 : i32
        %while3A_112 = arith.constant 0 : i32
        %while3A_113 = arith.subi %select_n3A_105, %while3A_111 : i32
        %while3A_114 = arith.addi %while3A_111, %while3A_113 : i32
        %while3A_115 = arith.constant 1 : i32
        %while3A_116 = arith.divsi %while3A_113, %while3A_115 : i32
        %while3A_117 = arith.muli %while3A_116, %while3A_115 : i32
        %while3A_118 = arith.addi %while3A_111, %while3A_117 : i32
        %while3A_119 = arith.constant 1 : i32
        %while3A_120 = scf.for %while3A_124 = %while3A_111 to %while3A_118 step %while3A_119 iter_args(%while3A_125 = %while3A_112) -> (i32)  : i32 {
          %mul3A_126 = arith.constant 2 : i32
          %mul3A_127 = arith.muli %mul3A_126, %while3A_124 : i32
          %add3A_128 = arith.addi %add3A_78, %mul3A_127 : i32
          %mul3A_129 = arith.constant 128 : i32
          %mul3A_130 = arith.muli %add3A_128, %mul3A_129 : i32
          %dma_wait3A = arith.constant 0 : i32
          %dma_wait3A_131 = tpu.memref_slice %arg2[%mul3A_130, %dma_wait3A] : memref<160000x256xf32, #tpu.memory_space<hbm>> -> memref<128x128xf32, #tpu.memory_space<hbm>>
          %dma_wait3A_132 = arith.constant 0 : i32
          %dma_wait3A_133 = tpu.memref_slice %arg2[%mul3A_130, %dma_wait3A_132] : memref<160000x256xf32, #tpu.memory_space<hbm>> -> memref<128x128xf32, #tpu.memory_space<hbm>>
          tpu.wait_dma2 semaphore(%arg10 : memref<!tpu.dma_semaphore, #tpu.memory_space<semaphore_mem>>) src(%dma_wait3A_133 : memref<128x128xf32, #tpu.memory_space<hbm>>) dst(%arg8 : memref<128x128xf32, #tpu.memory_space<vmem>>)
          %add3A_134 = arith.constant 1 : i32
          %add3A_135 = arith.addi %add3A_128, %add3A_134 : i32
          %mul3A_136 = arith.constant 128 : i32
          %mul3A_137 = arith.muli %add3A_135, %mul3A_136 : i32
          %dma_start3A_138 = arith.constant 0 : i32
          %dma_start3A_139 = tpu.memref_slice %arg2[%mul3A_137, %dma_start3A_138] : memref<160000x256xf32, #tpu.memory_space<hbm>> -> memref<128x128xf32, #tpu.memory_space<hbm>>
          %dma_start3A_140 = arith.constant 0 : i32
          %dma_start3A_141 = tpu.memref_slice %arg2[%mul3A_137, %dma_start3A_140] : memref<160000x256xf32, #tpu.memory_space<hbm>> -> memref<128x128xf32, #tpu.memory_space<hbm>>
          tpu.enqueue_dma source(%dma_start3A_141 : memref<128x128xf32, #tpu.memory_space<hbm>>) target(%arg9 : memref<128x128xf32, #tpu.memory_space<vmem>>) target_semaphore(%arg11 : memref<!tpu.dma_semaphore, #tpu.memory_space<semaphore_mem>>)
          %mul3A_142 = arith.constant 2 : i32
          %mul3A_143 = arith.muli %mul3A_142, %while3A_124 : i32
          "tpu.region"() ({
            %run_scoped3A = tpu.sem_alloc : memref<!tpu.dma_semaphore, #tpu.memory_space<semaphore_mem>>
            %dma_start3A_163 = arith.constant 0 : i32
            %dma_start3A_164 = tpu.memref_slice %arg7[%mul3A_143, %dma_start3A_163] : memref<16x128xi32, #tpu.memory_space<vmem>> -> memref<1x128xi32, #tpu.memory_space<vmem>>
            %dma_start3A_165 = tpu.memref_squeeze %dma_start3A_164 : memref<1x128xi32, #tpu.memory_space<vmem>> -> memref<128xi32, #tpu.memory_space<vmem>>
            %dma_start3A_166 = arith.constant 0 : i32
            %dma_start3A_167 = arith.constant 0 : i32
            %dma_start3A_168 = tpu.memref_slice %arg6[%dma_start3A_166, %dma_start3A_167] : memref<10000x128xf32, #tpu.memory_space<vmem_shared>> -> memref<10000x128xf32, #tpu.memory_space<vmem_shared>>
            tpu.enqueue_indirect_dma source(%arg8 : memref<128x128xf32, #tpu.memory_space<vmem>>) target(%dma_start3A_168 : memref<10000x128xf32, #tpu.memory_space<vmem_shared>>) offsets(%dma_start3A_165 : memref<128xi32, #tpu.memory_space<vmem>>) semaphore(%run_scoped3A : memref<!tpu.dma_semaphore, #tpu.memory_space<semaphore_mem>>) {add = true}
            %dma_wait3A_169 = arith.constant 0 : i32
            %dma_wait3A_170 = tpu.memref_slice %arg7[%mul3A_143, %dma_wait3A_169] : memref<16x128xi32, #tpu.memory_space<vmem>> -> memref<1x128xi32, #tpu.memory_space<vmem>>
            %dma_wait3A_171 = tpu.memref_squeeze %dma_wait3A_170 : memref<1x128xi32, #tpu.memory_space<vmem>> -> memref<128xi32, #tpu.memory_space<vmem>>
            %dma_wait3A_172 = arith.constant 0 : i32
            %dma_wait3A_173 = arith.constant 0 : i32
            %dma_wait3A_174 = tpu.memref_slice %arg6[%dma_wait3A_172, %dma_wait3A_173] : memref<10000x128xf32, #tpu.memory_space<vmem_shared>> -> memref<10000x128xf32, #tpu.memory_space<vmem_shared>>
            tpu.wait_indirect_dma semaphore(%run_scoped3A : memref<!tpu.dma_semaphore, #tpu.memory_space<semaphore_mem>>) src(%arg8 : memref<128x128xf32, #tpu.memory_space<vmem>>) dst(%dma_wait3A_174 : memref<10000x128xf32, #tpu.memory_space<vmem_shared>>)
            tpu.yield
          }) : () -> ()
          %add3A_144 = arith.constant 1 : i32
          %add3A_145 = arith.addi %add3A_128, %add3A_144 : i32
          %mul3A_146 = arith.constant 128 : i32
          %mul3A_147 = arith.muli %add3A_145, %mul3A_146 : i32
          %dma_wait3A_148 = arith.constant 0 : i32
          %dma_wait3A_149 = tpu.memref_slice %arg2[%mul3A_147, %dma_wait3A_148] : memref<160000x256xf32, #tpu.memory_space<hbm>> -> memref<128x128xf32, #tpu.memory_space<hbm>>
          %dma_wait3A_150 = arith.constant 0 : i32
          %dma_wait3A_151 = tpu.memref_slice %arg2[%mul3A_147, %dma_wait3A_150] : memref<160000x256xf32, #tpu.memory_space<hbm>> -> memref<128x128xf32, #tpu.memory_space<hbm>>
          tpu.wait_dma2 semaphore(%arg11 : memref<!tpu.dma_semaphore, #tpu.memory_space<semaphore_mem>>) src(%dma_wait3A_151 : memref<128x128xf32, #tpu.memory_space<hbm>>) dst(%arg9 : memref<128x128xf32, #tpu.memory_space<vmem>>)
          %add3A_152 = arith.constant 1 : i32
          %add3A_153 = arith.addi %while3A_124, %add3A_152 : i32
          %lt3A_154 = arith.cmpi slt, %add3A_153, %select_n3A_105 : i32
          %convert_element_type3A_155 = arith.extui %lt3A_154 : i1 to i32
          %cond3A_156 = arith.constant 0 : i32
          %cond3A_157 = arith.cmpi ne, %convert_element_type3A_155, %cond3A_156 : i32
          scf.if %cond3A_157 {
            %add3A_163 = arith.constant 2 : i32
            %add3A_164 = arith.addi %add3A_128, %add3A_163 : i32
            %mul3A_165 = arith.constant 128 : i32
            %mul3A_166 = arith.muli %add3A_164, %mul3A_165 : i32
            %dma_start3A_167 = arith.constant 0 : i32
            %dma_start3A_168 = tpu.memref_slice %arg2[%mul3A_166, %dma_start3A_167] : memref<160000x256xf32, #tpu.memory_space<hbm>> -> memref<128x128xf32, #tpu.memory_space<hbm>>
            %dma_start3A_169 = arith.constant 0 : i32
            %dma_start3A_170 = tpu.memref_slice %arg2[%mul3A_166, %dma_start3A_169] : memref<160000x256xf32, #tpu.memory_space<hbm>> -> memref<128x128xf32, #tpu.memory_space<hbm>>
            tpu.enqueue_dma source(%dma_start3A_170 : memref<128x128xf32, #tpu.memory_space<hbm>>) target(%arg8 : memref<128x128xf32, #tpu.memory_space<vmem>>) target_semaphore(%arg10 : memref<!tpu.dma_semaphore, #tpu.memory_space<semaphore_mem>>)
          } else {
          }
          %mul3A_158 = arith.constant 2 : i32
          %mul3A_159 = arith.muli %mul3A_158, %while3A_124 : i32
          %add3A_160 = arith.constant 1 : i32
          %add3A_161 = arith.addi %mul3A_159, %add3A_160 : i32
          "tpu.region"() ({
            %run_scoped3A = tpu.sem_alloc : memref<!tpu.dma_semaphore, #tpu.memory_space<semaphore_mem>>
            %dma_start3A_163 = arith.constant 0 : i32
            %dma_start3A_164 = tpu.memref_slice %arg7[%add3A_161, %dma_start3A_163] : memref<16x128xi32, #tpu.memory_space<vmem>> -> memref<1x128xi32, #tpu.memory_space<vmem>>
            %dma_start3A_165 = tpu.memref_squeeze %dma_start3A_164 : memref<1x128xi32, #tpu.memory_space<vmem>> -> memref<128xi32, #tpu.memory_space<vmem>>
            %dma_start3A_166 = arith.constant 0 : i32
            %dma_start3A_167 = arith.constant 0 : i32
            %dma_start3A_168 = tpu.memref_slice %arg6[%dma_start3A_166, %dma_start3A_167] : memref<10000x128xf32, #tpu.memory_space<vmem_shared>> -> memref<10000x128xf32, #tpu.memory_space<vmem_shared>>
            tpu.enqueue_indirect_dma source(%arg9 : memref<128x128xf32, #tpu.memory_space<vmem>>) target(%dma_start3A_168 : memref<10000x128xf32, #tpu.memory_space<vmem_shared>>) offsets(%dma_start3A_165 : memref<128xi32, #tpu.memory_space<vmem>>) semaphore(%run_scoped3A : memref<!tpu.dma_semaphore, #tpu.memory_space<semaphore_mem>>) {add = true}
            %dma_wait3A_169 = arith.constant 0 : i32
            %dma_wait3A_170 = tpu.memref_slice %arg7[%add3A_161, %dma_wait3A_169] : memref<16x128xi32, #tpu.memory_space<vmem>> -> memref<1x128xi32, #tpu.memory_space<vmem>>
            %dma_wait3A_171 = tpu.memref_squeeze %dma_wait3A_170 : memref<1x128xi32, #tpu.memory_space<vmem>> -> memref<128xi32, #tpu.memory_space<vmem>>
            %dma_wait3A_172 = arith.constant 0 : i32
            %dma_wait3A_173 = arith.constant 0 : i32
            %dma_wait3A_174 = tpu.memref_slice %arg6[%dma_wait3A_172, %dma_wait3A_173] : memref<10000x128xf32, #tpu.memory_space<vmem_shared>> -> memref<10000x128xf32, #tpu.memory_space<vmem_shared>>
            tpu.wait_indirect_dma semaphore(%run_scoped3A : memref<!tpu.dma_semaphore, #tpu.memory_space<semaphore_mem>>) src(%arg9 : memref<128x128xf32, #tpu.memory_space<vmem>>) dst(%dma_wait3A_174 : memref<10000x128xf32, #tpu.memory_space<vmem_shared>>)
            tpu.yield
          }) : () -> ()
          %while3A_162 = arith.constant 0 : i32
          scf.yield %while3A_162 : i32
        }
        %while3A_121 = arith.constant 1 : i32
        %while3A_122 = scf.for %while3A_124 = %while3A_118 to %while3A_114 step %while3A_121 iter_args(%while3A_125 = %while3A_120) -> (i32)  : i32 {
          %mul3A_126 = arith.constant 2 : i32
          %mul3A_127 = arith.muli %mul3A_126, %while3A_124 : i32
          %add3A_128 = arith.addi %add3A_78, %mul3A_127 : i32
          %mul3A_129 = arith.constant 128 : i32
          %mul3A_130 = arith.muli %add3A_128, %mul3A_129 : i32
          %dma_wait3A = arith.constant 0 : i32
          %dma_wait3A_131 = tpu.memref_slice %arg2[%mul3A_130, %dma_wait3A] : memref<160000x256xf32, #tpu.memory_space<hbm>> -> memref<128x128xf32, #tpu.memory_space<hbm>>
          %dma_wait3A_132 = arith.constant 0 : i32
          %dma_wait3A_133 = tpu.memref_slice %arg2[%mul3A_130, %dma_wait3A_132] : memref<160000x256xf32, #tpu.memory_space<hbm>> -> memref<128x128xf32, #tpu.memory_space<hbm>>
          tpu.wait_dma2 semaphore(%arg10 : memref<!tpu.dma_semaphore, #tpu.memory_space<semaphore_mem>>) src(%dma_wait3A_133 : memref<128x128xf32, #tpu.memory_space<hbm>>) dst(%arg8 : memref<128x128xf32, #tpu.memory_space<vmem>>)
          %add3A_134 = arith.constant 1 : i32
          %add3A_135 = arith.addi %add3A_128, %add3A_134 : i32
          %mul3A_136 = arith.constant 128 : i32
          %mul3A_137 = arith.muli %add3A_135, %mul3A_136 : i32
          %dma_start3A_138 = arith.constant 0 : i32
          %dma_start3A_139 = tpu.memref_slice %arg2[%mul3A_137, %dma_start3A_138] : memref<160000x256xf32, #tpu.memory_space<hbm>> -> memref<128x128xf32, #tpu.memory_space<hbm>>
          %dma_start3A_140 = arith.constant 0 : i32
          %dma_start3A_141 = tpu.memref_slice %arg2[%mul3A_137, %dma_start3A_140] : memref<160000x256xf32, #tpu.memory_space<hbm>> -> memref<128x128xf32, #tpu.memory_space<hbm>>
          tpu.enqueue_dma source(%dma_start3A_141 : memref<128x128xf32, #tpu.memory_space<hbm>>) target(%arg9 : memref<128x128xf32, #tpu.memory_space<vmem>>) target_semaphore(%arg11 : memref<!tpu.dma_semaphore, #tpu.memory_space<semaphore_mem>>)
          %mul3A_142 = arith.constant 2 : i32
          %mul3A_143 = arith.muli %mul3A_142, %while3A_124 : i32
          "tpu.region"() ({
            %run_scoped3A = tpu.sem_alloc : memref<!tpu.dma_semaphore, #tpu.memory_space<semaphore_mem>>
            %dma_start3A_163 = arith.constant 0 : i32
            %dma_start3A_164 = tpu.memref_slice %arg7[%mul3A_143, %dma_start3A_163] : memref<16x128xi32, #tpu.memory_space<vmem>> -> memref<1x128xi32, #tpu.memory_space<vmem>>
            %dma_start3A_165 = tpu.memref_squeeze %dma_start3A_164 : memref<1x128xi32, #tpu.memory_space<vmem>> -> memref<128xi32, #tpu.memory_space<vmem>>
            %dma_start3A_166 = arith.constant 0 : i32
            %dma_start3A_167 = arith.constant 0 : i32
            %dma_start3A_168 = tpu.memref_slice %arg6[%dma_start3A_166, %dma_start3A_167] : memref<10000x128xf32, #tpu.memory_space<vmem_shared>> -> memref<10000x128xf32, #tpu.memory_space<vmem_shared>>
            tpu.enqueue_indirect_dma source(%arg8 : memref<128x128xf32, #tpu.memory_space<vmem>>) target(%dma_start3A_168 : memref<10000x128xf32, #tpu.memory_space<vmem_shared>>) offsets(%dma_start3A_165 : memref<128xi32, #tpu.memory_space<vmem>>) semaphore(%run_scoped3A : memref<!tpu.dma_semaphore, #tpu.memory_space<semaphore_mem>>) {add = true}
            %dma_wait3A_169 = arith.constant 0 : i32
            %dma_wait3A_170 = tpu.memref_slice %arg7[%mul3A_143, %dma_wait3A_169] : memref<16x128xi32, #tpu.memory_space<vmem>> -> memref<1x128xi32, #tpu.memory_space<vmem>>
            %dma_wait3A_171 = tpu.memref_squeeze %dma_wait3A_170 : memref<1x128xi32, #tpu.memory_space<vmem>> -> memref<128xi32, #tpu.memory_space<vmem>>
            %dma_wait3A_172 = arith.constant 0 : i32
            %dma_wait3A_173 = arith.constant 0 : i32
            %dma_wait3A_174 = tpu.memref_slice %arg6[%dma_wait3A_172, %dma_wait3A_173] : memref<10000x128xf32, #tpu.memory_space<vmem_shared>> -> memref<10000x128xf32, #tpu.memory_space<vmem_shared>>
            tpu.wait_indirect_dma semaphore(%run_scoped3A : memref<!tpu.dma_semaphore, #tpu.memory_space<semaphore_mem>>) src(%arg8 : memref<128x128xf32, #tpu.memory_space<vmem>>) dst(%dma_wait3A_174 : memref<10000x128xf32, #tpu.memory_space<vmem_shared>>)
            tpu.yield
          }) : () -> ()
          %add3A_144 = arith.constant 1 : i32
          %add3A_145 = arith.addi %add3A_128, %add3A_144 : i32
          %mul3A_146 = arith.constant 128 : i32
          %mul3A_147 = arith.muli %add3A_145, %mul3A_146 : i32
          %dma_wait3A_148 = arith.constant 0 : i32
          %dma_wait3A_149 = tpu.memref_slice %arg2[%mul3A_147, %dma_wait3A_148] : memref<160000x256xf32, #tpu.memory_space<hbm>> -> memref<128x128xf32, #tpu.memory_space<hbm>>
          %dma_wait3A_150 = arith.constant 0 : i32
          %dma_wait3A_151 = tpu.memref_slice %arg2[%mul3A_147, %dma_wait3A_150] : memref<160000x256xf32, #tpu.memory_space<hbm>> -> memref<128x128xf32, #tpu.memory_space<hbm>>
          tpu.wait_dma2 semaphore(%arg11 : memref<!tpu.dma_semaphore, #tpu.memory_space<semaphore_mem>>) src(%dma_wait3A_151 : memref<128x128xf32, #tpu.memory_space<hbm>>) dst(%arg9 : memref<128x128xf32, #tpu.memory_space<vmem>>)
          %add3A_152 = arith.constant 1 : i32
          %add3A_153 = arith.addi %while3A_124, %add3A_152 : i32
          %lt3A_154 = arith.cmpi slt, %add3A_153, %select_n3A_105 : i32
          %convert_element_type3A_155 = arith.extui %lt3A_154 : i1 to i32
          %cond3A_156 = arith.constant 0 : i32
          %cond3A_157 = arith.cmpi ne, %convert_element_type3A_155, %cond3A_156 : i32
          scf.if %cond3A_157 {
            %add3A_163 = arith.constant 2 : i32
            %add3A_164 = arith.addi %add3A_128, %add3A_163 : i32
            %mul3A_165 = arith.constant 128 : i32
            %mul3A_166 = arith.muli %add3A_164, %mul3A_165 : i32
            %dma_start3A_167 = arith.constant 0 : i32
            %dma_start3A_168 = tpu.memref_slice %arg2[%mul3A_166, %dma_start3A_167] : memref<160000x256xf32, #tpu.memory_space<hbm>> -> memref<128x128xf32, #tpu.memory_space<hbm>>
            %dma_start3A_169 = arith.constant 0 : i32
            %dma_start3A_170 = tpu.memref_slice %arg2[%mul3A_166, %dma_start3A_169] : memref<160000x256xf32, #tpu.memory_space<hbm>> -> memref<128x128xf32, #tpu.memory_space<hbm>>
            tpu.enqueue_dma source(%dma_start3A_170 : memref<128x128xf32, #tpu.memory_space<hbm>>) target(%arg8 : memref<128x128xf32, #tpu.memory_space<vmem>>) target_semaphore(%arg10 : memref<!tpu.dma_semaphore, #tpu.memory_space<semaphore_mem>>)
          } else {
          }
          %mul3A_158 = arith.constant 2 : i32
          %mul3A_159 = arith.muli %mul3A_158, %while3A_124 : i32
          %add3A_160 = arith.constant 1 : i32
          %add3A_161 = arith.addi %mul3A_159, %add3A_160 : i32
          "tpu.region"() ({
            %run_scoped3A = tpu.sem_alloc : memref<!tpu.dma_semaphore, #tpu.memory_space<semaphore_mem>>
            %dma_start3A_163 = arith.constant 0 : i32
            %dma_start3A_164 = tpu.memref_slice %arg7[%add3A_161, %dma_start3A_163] : memref<16x128xi32, #tpu.memory_space<vmem>> -> memref<1x128xi32, #tpu.memory_space<vmem>>
            %dma_start3A_165 = tpu.memref_squeeze %dma_start3A_164 : memref<1x128xi32, #tpu.memory_space<vmem>> -> memref<128xi32, #tpu.memory_space<vmem>>
            %dma_start3A_166 = arith.constant 0 : i32
            %dma_start3A_167 = arith.constant 0 : i32
            %dma_start3A_168 = tpu.memref_slice %arg6[%dma_start3A_166, %dma_start3A_167] : memref<10000x128xf32, #tpu.memory_space<vmem_shared>> -> memref<10000x128xf32, #tpu.memory_space<vmem_shared>>
            tpu.enqueue_indirect_dma source(%arg9 : memref<128x128xf32, #tpu.memory_space<vmem>>) target(%dma_start3A_168 : memref<10000x128xf32, #tpu.memory_space<vmem_shared>>) offsets(%dma_start3A_165 : memref<128xi32, #tpu.memory_space<vmem>>) semaphore(%run_scoped3A : memref<!tpu.dma_semaphore, #tpu.memory_space<semaphore_mem>>) {add = true}
            %dma_wait3A_169 = arith.constant 0 : i32
            %dma_wait3A_170 = tpu.memref_slice %arg7[%add3A_161, %dma_wait3A_169] : memref<16x128xi32, #tpu.memory_space<vmem>> -> memref<1x128xi32, #tpu.memory_space<vmem>>
            %dma_wait3A_171 = tpu.memref_squeeze %dma_wait3A_170 : memref<1x128xi32, #tpu.memory_space<vmem>> -> memref<128xi32, #tpu.memory_space<vmem>>
            %dma_wait3A_172 = arith.constant 0 : i32
            %dma_wait3A_173 = arith.constant 0 : i32
            %dma_wait3A_174 = tpu.memref_slice %arg6[%dma_wait3A_172, %dma_wait3A_173] : memref<10000x128xf32, #tpu.memory_space<vmem_shared>> -> memref<10000x128xf32, #tpu.memory_space<vmem_shared>>
            tpu.wait_indirect_dma semaphore(%run_scoped3A : memref<!tpu.dma_semaphore, #tpu.memory_space<semaphore_mem>>) src(%arg9 : memref<128x128xf32, #tpu.memory_space<vmem>>) dst(%dma_wait3A_174 : memref<10000x128xf32, #tpu.memory_space<vmem_shared>>)
            tpu.yield
          }) : () -> ()
          %while3A_162 = arith.constant 0 : i32
          scf.yield %while3A_162 : i32
        }
        %while3A_123 = arith.constant 0 : i32
        scf.yield %while3A_123 : i32
      }
    } else {
    }
    %eq3A_46 = arith.constant 1 : i32
    %eq3A_47 = arith.cmpi eq, %arg0, %eq3A_46 : i32
    %convert_element_type3A_48 = arith.extui %eq3A_47 : i1 to i32
    %cond3A_49 = arith.constant 0 : i32
    %cond3A_50 = arith.cmpi ne, %convert_element_type3A_48, %cond3A_49 : i32
    scf.if %cond3A_50 {
      %while3A_62 = arith.constant 0 : i32
      %while3A_63 = arith.constant 0 : i32
      %while3A_64 = arith.subi %select_n3A, %while3A_62 : i32
      %while3A_65 = arith.addi %while3A_62, %while3A_64 : i32
      %while3A_66 = arith.constant 1 : i32
      %while3A_67 = arith.divsi %while3A_64, %while3A_66 : i32
      %while3A_68 = arith.muli %while3A_67, %while3A_66 : i32
      %while3A_69 = arith.addi %while3A_62, %while3A_68 : i32
      %while3A_70 = arith.constant 1 : i32
      %while3A_71 = scf.for %while3A_74 = %while3A_62 to %while3A_69 step %while3A_70 iter_args(%while3A_75 = %while3A_63) -> (i32)  : i32 {
        %mul3A_76 = arith.constant 16 : i32
        %mul3A_77 = arith.muli %while3A_74, %mul3A_76 : i32
        %add3A_78 = arith.addi %mul3A_0, %mul3A_77 : i32
        "tpu.region"() ({
          %run_scoped3A = tpu.sem_alloc : memref<!tpu.dma_semaphore, #tpu.memory_space<semaphore_mem>>
          %dma_start3A_124 = arith.constant 0 : i32
          %dma_start3A_125 = tpu.memref_slice %arg3[%add3A_78, %dma_start3A_124] : memref<1280x128xi32, #tpu.memory_space<hbm>> -> memref<16x128xi32, #tpu.memory_space<hbm>>
          %dma_start3A_126 = arith.constant 0 : i32
          %dma_start3A_127 = tpu.memref_slice %arg3[%add3A_78, %dma_start3A_126] : memref<1280x128xi32, #tpu.memory_space<hbm>> -> memref<16x128xi32, #tpu.memory_space<hbm>>
          tpu.enqueue_dma source(%dma_start3A_127 : memref<16x128xi32, #tpu.memory_space<hbm>>) target(%arg7 : memref<16x128xi32, #tpu.memory_space<vmem>>) target_semaphore(%run_scoped3A : memref<!tpu.dma_semaphore, #tpu.memory_space<semaphore_mem>>)
          %dma_wait3A = arith.constant 0 : i32
          %dma_wait3A_128 = tpu.memref_slice %arg3[%add3A_78, %dma_wait3A] : memref<1280x128xi32, #tpu.memory_space<hbm>> -> memref<16x128xi32, #tpu.memory_space<hbm>>
          %dma_wait3A_129 = arith.constant 0 : i32
          %dma_wait3A_130 = tpu.memref_slice %arg3[%add3A_78, %dma_wait3A_129] : memref<1280x128xi32, #tpu.memory_space<hbm>> -> memref<16x128xi32, #tpu.memory_space<hbm>>
          tpu.wait_dma2 semaphore(%run_scoped3A : memref<!tpu.dma_semaphore, #tpu.memory_space<semaphore_mem>>) src(%dma_wait3A_130 : memref<16x128xi32, #tpu.memory_space<hbm>>) dst(%arg7 : memref<16x128xi32, #tpu.memory_space<vmem>>)
          tpu.yield
        }) : () -> ()
        %sub3A_79 = arith.subi %min3A_2, %add3A_78 : i32
        %min3A_80 = arith.constant 16 : i32
        %min3A_81 = arith.minsi %sub3A_79, %min3A_80 : i32
        %jit3A_82 = arith.constant 2 : i32
        %div3A_83 = arith.divsi %min3A_81, %jit3A_82 : i32
        %sign3A_84 = arith.constant 0 : i32
        %sign3A_85 = arith.cmpi sgt, %min3A_81, %sign3A_84 : i32
        %sign3A_86 = arith.extui %sign3A_85 : i1 to i32
        %sign3A_87 = arith.constant 0 : i32
        %sign3A_88 = arith.cmpi slt, %min3A_81, %sign3A_87 : i32
        %sign3A_89 = arith.extui %sign3A_88 : i1 to i32
        %sign3A_90 = arith.subi %sign3A_86, %sign3A_89 : i32
        %sign3A_91 = arith.constant 0 : i32
        %sign3A_92 = arith.cmpi sgt, %jit3A_82, %sign3A_91 : i32
        %sign3A_93 = arith.extui %sign3A_92 : i1 to i32
        %sign3A_94 = arith.constant 0 : i32
        %sign3A_95 = arith.cmpi slt, %jit3A_82, %sign3A_94 : i32
        %sign3A_96 = arith.extui %sign3A_95 : i1 to i32
        %sign3A_97 = arith.subi %sign3A_93, %sign3A_96 : i32
        %ne3A_98 = arith.cmpi ne, %sign3A_90, %sign3A_97 : i32
        %rem3A_99 = arith.remsi %min3A_81, %jit3A_82 : i32
        %ne3A_100 = arith.constant 0 : i32
        %ne3A_101 = arith.cmpi ne, %rem3A_99, %ne3A_100 : i32
        %and3A_102 = arith.andi %ne3A_98, %ne3A_101 : i1
        %sub3A_103 = arith.constant 1 : i32
        %sub3A_104 = arith.subi %div3A_83, %sub3A_103 : i32
        %select_n3A_105 = arith.select %and3A_102, %sub3A_104, %div3A_83 : i32
        %mul3A_106 = arith.constant 128 : i32
        %mul3A_107 = arith.muli %add3A_78, %mul3A_106 : i32
        %dma_start3A = arith.constant 128 : i32
        %dma_start3A_108 = tpu.memref_slice %arg2[%mul3A_107, %dma_start3A] : memref<160000x256xf32, #tpu.memory_space<hbm>> -> memref<128x128xf32, #tpu.memory_space<hbm>>
        %dma_start3A_109 = arith.constant 128 : i32
        %dma_start3A_110 = tpu.memref_slice %arg2[%mul3A_107, %dma_start3A_109] : memref<160000x256xf32, #tpu.memory_space<hbm>> -> memref<128x128xf32, #tpu.memory_space<hbm>>
        tpu.enqueue_dma source(%dma_start3A_110 : memref<128x128xf32, #tpu.memory_space<hbm>>) target(%arg8 : memref<128x128xf32, #tpu.memory_space<vmem>>) target_semaphore(%arg10 : memref<!tpu.dma_semaphore, #tpu.memory_space<semaphore_mem>>)
        %while3A_111 = arith.constant 0 : i32
        %while3A_112 = arith.constant 0 : i32
        %while3A_113 = arith.subi %select_n3A_105, %while3A_111 : i32
        %while3A_114 = arith.addi %while3A_111, %while3A_113 : i32
        %while3A_115 = arith.constant 1 : i32
        %while3A_116 = arith.divsi %while3A_113, %while3A_115 : i32
        %while3A_117 = arith.muli %while3A_116, %while3A_115 : i32
        %while3A_118 = arith.addi %while3A_111, %while3A_117 : i32
        %while3A_119 = arith.constant 1 : i32
        %while3A_120 = scf.for %while3A_124 = %while3A_111 to %while3A_118 step %while3A_119 iter_args(%while3A_125 = %while3A_112) -> (i32)  : i32 {
          %mul3A_126 = arith.constant 2 : i32
          %mul3A_127 = arith.muli %mul3A_126, %while3A_124 : i32
          %add3A_128 = arith.addi %add3A_78, %mul3A_127 : i32
          %mul3A_129 = arith.constant 128 : i32
          %mul3A_130 = arith.muli %add3A_128, %mul3A_129 : i32
          %dma_wait3A = arith.constant 128 : i32
          %dma_wait3A_131 = tpu.memref_slice %arg2[%mul3A_130, %dma_wait3A] : memref<160000x256xf32, #tpu.memory_space<hbm>> -> memref<128x128xf32, #tpu.memory_space<hbm>>
          %dma_wait3A_132 = arith.constant 128 : i32
          %dma_wait3A_133 = tpu.memref_slice %arg2[%mul3A_130, %dma_wait3A_132] : memref<160000x256xf32, #tpu.memory_space<hbm>> -> memref<128x128xf32, #tpu.memory_space<hbm>>
          tpu.wait_dma2 semaphore(%arg10 : memref<!tpu.dma_semaphore, #tpu.memory_space<semaphore_mem>>) src(%dma_wait3A_133 : memref<128x128xf32, #tpu.memory_space<hbm>>) dst(%arg8 : memref<128x128xf32, #tpu.memory_space<vmem>>)
          %add3A_134 = arith.constant 1 : i32
          %add3A_135 = arith.addi %add3A_128, %add3A_134 : i32
          %mul3A_136 = arith.constant 128 : i32
          %mul3A_137 = arith.muli %add3A_135, %mul3A_136 : i32
          %dma_start3A_138 = arith.constant 128 : i32
          %dma_start3A_139 = tpu.memref_slice %arg2[%mul3A_137, %dma_start3A_138] : memref<160000x256xf32, #tpu.memory_space<hbm>> -> memref<128x128xf32, #tpu.memory_space<hbm>>
          %dma_start3A_140 = arith.constant 128 : i32
          %dma_start3A_141 = tpu.memref_slice %arg2[%mul3A_137, %dma_start3A_140] : memref<160000x256xf32, #tpu.memory_space<hbm>> -> memref<128x128xf32, #tpu.memory_space<hbm>>
          tpu.enqueue_dma source(%dma_start3A_141 : memref<128x128xf32, #tpu.memory_space<hbm>>) target(%arg9 : memref<128x128xf32, #tpu.memory_space<vmem>>) target_semaphore(%arg11 : memref<!tpu.dma_semaphore, #tpu.memory_space<semaphore_mem>>)
          %mul3A_142 = arith.constant 2 : i32
          %mul3A_143 = arith.muli %mul3A_142, %while3A_124 : i32
          "tpu.region"() ({
            %run_scoped3A = tpu.sem_alloc : memref<!tpu.dma_semaphore, #tpu.memory_space<semaphore_mem>>
            %dma_start3A_163 = arith.constant 0 : i32
            %dma_start3A_164 = tpu.memref_slice %arg7[%mul3A_143, %dma_start3A_163] : memref<16x128xi32, #tpu.memory_space<vmem>> -> memref<1x128xi32, #tpu.memory_space<vmem>>
            %dma_start3A_165 = tpu.memref_squeeze %dma_start3A_164 : memref<1x128xi32, #tpu.memory_space<vmem>> -> memref<128xi32, #tpu.memory_space<vmem>>
            %dma_start3A_166 = arith.constant 0 : i32
            %dma_start3A_167 = arith.constant 0 : i32
            %dma_start3A_168 = tpu.memref_slice %arg6[%dma_start3A_166, %dma_start3A_167] : memref<10000x128xf32, #tpu.memory_space<vmem_shared>> -> memref<10000x128xf32, #tpu.memory_space<vmem_shared>>
            tpu.enqueue_indirect_dma source(%arg8 : memref<128x128xf32, #tpu.memory_space<vmem>>) target(%dma_start3A_168 : memref<10000x128xf32, #tpu.memory_space<vmem_shared>>) offsets(%dma_start3A_165 : memref<128xi32, #tpu.memory_space<vmem>>) semaphore(%run_scoped3A : memref<!tpu.dma_semaphore, #tpu.memory_space<semaphore_mem>>) {add = true}
            %dma_wait3A_169 = arith.constant 0 : i32
            %dma_wait3A_170 = tpu.memref_slice %arg7[%mul3A_143, %dma_wait3A_169] : memref<16x128xi32, #tpu.memory_space<vmem>> -> memref<1x128xi32, #tpu.memory_space<vmem>>
            %dma_wait3A_171 = tpu.memref_squeeze %dma_wait3A_170 : memref<1x128xi32, #tpu.memory_space<vmem>> -> memref<128xi32, #tpu.memory_space<vmem>>
            %dma_wait3A_172 = arith.constant 0 : i32
            %dma_wait3A_173 = arith.constant 0 : i32
            %dma_wait3A_174 = tpu.memref_slice %arg6[%dma_wait3A_172, %dma_wait3A_173] : memref<10000x128xf32, #tpu.memory_space<vmem_shared>> -> memref<10000x128xf32, #tpu.memory_space<vmem_shared>>
            tpu.wait_indirect_dma semaphore(%run_scoped3A : memref<!tpu.dma_semaphore, #tpu.memory_space<semaphore_mem>>) src(%arg8 : memref<128x128xf32, #tpu.memory_space<vmem>>) dst(%dma_wait3A_174 : memref<10000x128xf32, #tpu.memory_space<vmem_shared>>)
            tpu.yield
          }) : () -> ()
          %add3A_144 = arith.constant 1 : i32
          %add3A_145 = arith.addi %add3A_128, %add3A_144 : i32
          %mul3A_146 = arith.constant 128 : i32
          %mul3A_147 = arith.muli %add3A_145, %mul3A_146 : i32
          %dma_wait3A_148 = arith.constant 128 : i32
          %dma_wait3A_149 = tpu.memref_slice %arg2[%mul3A_147, %dma_wait3A_148] : memref<160000x256xf32, #tpu.memory_space<hbm>> -> memref<128x128xf32, #tpu.memory_space<hbm>>
          %dma_wait3A_150 = arith.constant 128 : i32
          %dma_wait3A_151 = tpu.memref_slice %arg2[%mul3A_147, %dma_wait3A_150] : memref<160000x256xf32, #tpu.memory_space<hbm>> -> memref<128x128xf32, #tpu.memory_space<hbm>>
          tpu.wait_dma2 semaphore(%arg11 : memref<!tpu.dma_semaphore, #tpu.memory_space<semaphore_mem>>) src(%dma_wait3A_151 : memref<128x128xf32, #tpu.memory_space<hbm>>) dst(%arg9 : memref<128x128xf32, #tpu.memory_space<vmem>>)
          %add3A_152 = arith.constant 1 : i32
          %add3A_153 = arith.addi %while3A_124, %add3A_152 : i32
          %lt3A_154 = arith.cmpi slt, %add3A_153, %select_n3A_105 : i32
          %convert_element_type3A_155 = arith.extui %lt3A_154 : i1 to i32
          %cond3A_156 = arith.constant 0 : i32
          %cond3A_157 = arith.cmpi ne, %convert_element_type3A_155, %cond3A_156 : i32
          scf.if %cond3A_157 {
            %add3A_163 = arith.constant 2 : i32
            %add3A_164 = arith.addi %add3A_128, %add3A_163 : i32
            %mul3A_165 = arith.constant 128 : i32
            %mul3A_166 = arith.muli %add3A_164, %mul3A_165 : i32
            %dma_start3A_167 = arith.constant 128 : i32
            %dma_start3A_168 = tpu.memref_slice %arg2[%mul3A_166, %dma_start3A_167] : memref<160000x256xf32, #tpu.memory_space<hbm>> -> memref<128x128xf32, #tpu.memory_space<hbm>>
            %dma_start3A_169 = arith.constant 128 : i32
            %dma_start3A_170 = tpu.memref_slice %arg2[%mul3A_166, %dma_start3A_169] : memref<160000x256xf32, #tpu.memory_space<hbm>> -> memref<128x128xf32, #tpu.memory_space<hbm>>
            tpu.enqueue_dma source(%dma_start3A_170 : memref<128x128xf32, #tpu.memory_space<hbm>>) target(%arg8 : memref<128x128xf32, #tpu.memory_space<vmem>>) target_semaphore(%arg10 : memref<!tpu.dma_semaphore, #tpu.memory_space<semaphore_mem>>)
          } else {
          }
          %mul3A_158 = arith.constant 2 : i32
          %mul3A_159 = arith.muli %mul3A_158, %while3A_124 : i32
          %add3A_160 = arith.constant 1 : i32
          %add3A_161 = arith.addi %mul3A_159, %add3A_160 : i32
          "tpu.region"() ({
            %run_scoped3A = tpu.sem_alloc : memref<!tpu.dma_semaphore, #tpu.memory_space<semaphore_mem>>
            %dma_start3A_163 = arith.constant 0 : i32
            %dma_start3A_164 = tpu.memref_slice %arg7[%add3A_161, %dma_start3A_163] : memref<16x128xi32, #tpu.memory_space<vmem>> -> memref<1x128xi32, #tpu.memory_space<vmem>>
            %dma_start3A_165 = tpu.memref_squeeze %dma_start3A_164 : memref<1x128xi32, #tpu.memory_space<vmem>> -> memref<128xi32, #tpu.memory_space<vmem>>
            %dma_start3A_166 = arith.constant 0 : i32
            %dma_start3A_167 = arith.constant 0 : i32
            %dma_start3A_168 = tpu.memref_slice %arg6[%dma_start3A_166, %dma_start3A_167] : memref<10000x128xf32, #tpu.memory_space<vmem_shared>> -> memref<10000x128xf32, #tpu.memory_space<vmem_shared>>
            tpu.enqueue_indirect_dma source(%arg9 : memref<128x128xf32, #tpu.memory_space<vmem>>) target(%dma_start3A_168 : memref<10000x128xf32, #tpu.memory_space<vmem_shared>>) offsets(%dma_start3A_165 : memref<128xi32, #tpu.memory_space<vmem>>) semaphore(%run_scoped3A : memref<!tpu.dma_semaphore, #tpu.memory_space<semaphore_mem>>) {add = true}
            %dma_wait3A_169 = arith.constant 0 : i32
            %dma_wait3A_170 = tpu.memref_slice %arg7[%add3A_161, %dma_wait3A_169] : memref<16x128xi32, #tpu.memory_space<vmem>> -> memref<1x128xi32, #tpu.memory_space<vmem>>
            %dma_wait3A_171 = tpu.memref_squeeze %dma_wait3A_170 : memref<1x128xi32, #tpu.memory_space<vmem>> -> memref<128xi32, #tpu.memory_space<vmem>>
            %dma_wait3A_172 = arith.constant 0 : i32
            %dma_wait3A_173 = arith.constant 0 : i32
            %dma_wait3A_174 = tpu.memref_slice %arg6[%dma_wait3A_172, %dma_wait3A_173] : memref<10000x128xf32, #tpu.memory_space<vmem_shared>> -> memref<10000x128xf32, #tpu.memory_space<vmem_shared>>
            tpu.wait_indirect_dma semaphore(%run_scoped3A : memref<!tpu.dma_semaphore, #tpu.memory_space<semaphore_mem>>) src(%arg9 : memref<128x128xf32, #tpu.memory_space<vmem>>) dst(%dma_wait3A_174 : memref<10000x128xf32, #tpu.memory_space<vmem_shared>>)
            tpu.yield
          }) : () -> ()
          %while3A_162 = arith.constant 0 : i32
          scf.yield %while3A_162 : i32
        }
        %while3A_121 = arith.constant 1 : i32
        %while3A_122 = scf.for %while3A_124 = %while3A_118 to %while3A_114 step %while3A_121 iter_args(%while3A_125 = %while3A_120) -> (i32)  : i32 {
          %mul3A_126 = arith.constant 2 : i32
          %mul3A_127 = arith.muli %mul3A_126, %while3A_124 : i32
          %add3A_128 = arith.addi %add3A_78, %mul3A_127 : i32
          %mul3A_129 = arith.constant 128 : i32
          %mul3A_130 = arith.muli %add3A_128, %mul3A_129 : i32
          %dma_wait3A = arith.constant 128 : i32
          %dma_wait3A_131 = tpu.memref_slice %arg2[%mul3A_130, %dma_wait3A] : memref<160000x256xf32, #tpu.memory_space<hbm>> -> memref<128x128xf32, #tpu.memory_space<hbm>>
          %dma_wait3A_132 = arith.constant 128 : i32
          %dma_wait3A_133 = tpu.memref_slice %arg2[%mul3A_130, %dma_wait3A_132] : memref<160000x256xf32, #tpu.memory_space<hbm>> -> memref<128x128xf32, #tpu.memory_space<hbm>>
          tpu.wait_dma2 semaphore(%arg10 : memref<!tpu.dma_semaphore, #tpu.memory_space<semaphore_mem>>) src(%dma_wait3A_133 : memref<128x128xf32, #tpu.memory_space<hbm>>) dst(%arg8 : memref<128x128xf32, #tpu.memory_space<vmem>>)
          %add3A_134 = arith.constant 1 : i32
          %add3A_135 = arith.addi %add3A_128, %add3A_134 : i32
          %mul3A_136 = arith.constant 128 : i32
          %mul3A_137 = arith.muli %add3A_135, %mul3A_136 : i32
          %dma_start3A_138 = arith.constant 128 : i32
          %dma_start3A_139 = tpu.memref_slice %arg2[%mul3A_137, %dma_start3A_138] : memref<160000x256xf32, #tpu.memory_space<hbm>> -> memref<128x128xf32, #tpu.memory_space<hbm>>
          %dma_start3A_140 = arith.constant 128 : i32
          %dma_start3A_141 = tpu.memref_slice %arg2[%mul3A_137, %dma_start3A_140] : memref<160000x256xf32, #tpu.memory_space<hbm>> -> memref<128x128xf32, #tpu.memory_space<hbm>>
          tpu.enqueue_dma source(%dma_start3A_141 : memref<128x128xf32, #tpu.memory_space<hbm>>) target(%arg9 : memref<128x128xf32, #tpu.memory_space<vmem>>) target_semaphore(%arg11 : memref<!tpu.dma_semaphore, #tpu.memory_space<semaphore_mem>>)
          %mul3A_142 = arith.constant 2 : i32
          %mul3A_143 = arith.muli %mul3A_142, %while3A_124 : i32
          "tpu.region"() ({
            %run_scoped3A = tpu.sem_alloc : memref<!tpu.dma_semaphore, #tpu.memory_space<semaphore_mem>>
            %dma_start3A_163 = arith.constant 0 : i32
            %dma_start3A_164 = tpu.memref_slice %arg7[%mul3A_143, %dma_start3A_163] : memref<16x128xi32, #tpu.memory_space<vmem>> -> memref<1x128xi32, #tpu.memory_space<vmem>>
            %dma_start3A_165 = tpu.memref_squeeze %dma_start3A_164 : memref<1x128xi32, #tpu.memory_space<vmem>> -> memref<128xi32, #tpu.memory_space<vmem>>
            %dma_start3A_166 = arith.constant 0 : i32
            %dma_start3A_167 = arith.constant 0 : i32
            %dma_start3A_168 = tpu.memref_slice %arg6[%dma_start3A_166, %dma_start3A_167] : memref<10000x128xf32, #tpu.memory_space<vmem_shared>> -> memref<10000x128xf32, #tpu.memory_space<vmem_shared>>
            tpu.enqueue_indirect_dma source(%arg8 : memref<128x128xf32, #tpu.memory_space<vmem>>) target(%dma_start3A_168 : memref<10000x128xf32, #tpu.memory_space<vmem_shared>>) offsets(%dma_start3A_165 : memref<128xi32, #tpu.memory_space<vmem>>) semaphore(%run_scoped3A : memref<!tpu.dma_semaphore, #tpu.memory_space<semaphore_mem>>) {add = true}
            %dma_wait3A_169 = arith.constant 0 : i32
            %dma_wait3A_170 = tpu.memref_slice %arg7[%mul3A_143, %dma_wait3A_169] : memref<16x128xi32, #tpu.memory_space<vmem>> -> memref<1x128xi32, #tpu.memory_space<vmem>>
            %dma_wait3A_171 = tpu.memref_squeeze %dma_wait3A_170 : memref<1x128xi32, #tpu.memory_space<vmem>> -> memref<128xi32, #tpu.memory_space<vmem>>
            %dma_wait3A_172 = arith.constant 0 : i32
            %dma_wait3A_173 = arith.constant 0 : i32
            %dma_wait3A_174 = tpu.memref_slice %arg6[%dma_wait3A_172, %dma_wait3A_173] : memref<10000x128xf32, #tpu.memory_space<vmem_shared>> -> memref<10000x128xf32, #tpu.memory_space<vmem_shared>>
            tpu.wait_indirect_dma semaphore(%run_scoped3A : memref<!tpu.dma_semaphore, #tpu.memory_space<semaphore_mem>>) src(%arg8 : memref<128x128xf32, #tpu.memory_space<vmem>>) dst(%dma_wait3A_174 : memref<10000x128xf32, #tpu.memory_space<vmem_shared>>)
            tpu.yield
          }) : () -> ()
          %add3A_144 = arith.constant 1 : i32
          %add3A_145 = arith.addi %add3A_128, %add3A_144 : i32
          %mul3A_146 = arith.constant 128 : i32
          %mul3A_147 = arith.muli %add3A_145, %mul3A_146 : i32
          %dma_wait3A_148 = arith.constant 128 : i32
          %dma_wait3A_149 = tpu.memref_slice %arg2[%mul3A_147, %dma_wait3A_148] : memref<160000x256xf32, #tpu.memory_space<hbm>> -> memref<128x128xf32, #tpu.memory_space<hbm>>
          %dma_wait3A_150 = arith.constant 128 : i32
          %dma_wait3A_151 = tpu.memref_slice %arg2[%mul3A_147, %dma_wait3A_150] : memref<160000x256xf32, #tpu.memory_space<hbm>> -> memref<128x128xf32, #tpu.memory_space<hbm>>
          tpu.wait_dma2 semaphore(%arg11 : memref<!tpu.dma_semaphore, #tpu.memory_space<semaphore_mem>>) src(%dma_wait3A_151 : memref<128x128xf32, #tpu.memory_space<hbm>>) dst(%arg9 : memref<128x128xf32, #tpu.memory_space<vmem>>)
          %add3A_152 = arith.constant 1 : i32
          %add3A_153 = arith.addi %while3A_124, %add3A_152 : i32
          %lt3A_154 = arith.cmpi slt, %add3A_153, %select_n3A_105 : i32
          %convert_element_type3A_155 = arith.extui %lt3A_154 : i1 to i32
          %cond3A_156 = arith.constant 0 : i32
          %cond3A_157 = arith.cmpi ne, %convert_element_type3A_155, %cond3A_156 : i32
          scf.if %cond3A_157 {
            %add3A_163 = arith.constant 2 : i32
            %add3A_164 = arith.addi %add3A_128, %add3A_163 : i32
            %mul3A_165 = arith.constant 128 : i32
            %mul3A_166 = arith.muli %add3A_164, %mul3A_165 : i32
            %dma_start3A_167 = arith.constant 128 : i32
            %dma_start3A_168 = tpu.memref_slice %arg2[%mul3A_166, %dma_start3A_167] : memref<160000x256xf32, #tpu.memory_space<hbm>> -> memref<128x128xf32, #tpu.memory_space<hbm>>
            %dma_start3A_169 = arith.constant 128 : i32
            %dma_start3A_170 = tpu.memref_slice %arg2[%mul3A_166, %dma_start3A_169] : memref<160000x256xf32, #tpu.memory_space<hbm>> -> memref<128x128xf32, #tpu.memory_space<hbm>>
            tpu.enqueue_dma source(%dma_start3A_170 : memref<128x128xf32, #tpu.memory_space<hbm>>) target(%arg8 : memref<128x128xf32, #tpu.memory_space<vmem>>) target_semaphore(%arg10 : memref<!tpu.dma_semaphore, #tpu.memory_space<semaphore_mem>>)
          } else {
          }
          %mul3A_158 = arith.constant 2 : i32
          %mul3A_159 = arith.muli %mul3A_158, %while3A_124 : i32
          %add3A_160 = arith.constant 1 : i32
          %add3A_161 = arith.addi %mul3A_159, %add3A_160 : i32
          "tpu.region"() ({
            %run_scoped3A = tpu.sem_alloc : memref<!tpu.dma_semaphore, #tpu.memory_space<semaphore_mem>>
            %dma_start3A_163 = arith.constant 0 : i32
            %dma_start3A_164 = tpu.memref_slice %arg7[%add3A_161, %dma_start3A_163] : memref<16x128xi32, #tpu.memory_space<vmem>> -> memref<1x128xi32, #tpu.memory_space<vmem>>
            %dma_start3A_165 = tpu.memref_squeeze %dma_start3A_164 : memref<1x128xi32, #tpu.memory_space<vmem>> -> memref<128xi32, #tpu.memory_space<vmem>>
            %dma_start3A_166 = arith.constant 0 : i32
            %dma_start3A_167 = arith.constant 0 : i32
            %dma_start3A_168 = tpu.memref_slice %arg6[%dma_start3A_166, %dma_start3A_167] : memref<10000x128xf32, #tpu.memory_space<vmem_shared>> -> memref<10000x128xf32, #tpu.memory_space<vmem_shared>>
            tpu.enqueue_indirect_dma source(%arg9 : memref<128x128xf32, #tpu.memory_space<vmem>>) target(%dma_start3A_168 : memref<10000x128xf32, #tpu.memory_space<vmem_shared>>) offsets(%dma_start3A_165 : memref<128xi32, #tpu.memory_space<vmem>>) semaphore(%run_scoped3A : memref<!tpu.dma_semaphore, #tpu.memory_space<semaphore_mem>>) {add = true}
            %dma_wait3A_169 = arith.constant 0 : i32
            %dma_wait3A_170 = tpu.memref_slice %arg7[%add3A_161, %dma_wait3A_169] : memref<16x128xi32, #tpu.memory_space<vmem>> -> memref<1x128xi32, #tpu.memory_space<vmem>>
            %dma_wait3A_171 = tpu.memref_squeeze %dma_wait3A_170 : memref<1x128xi32, #tpu.memory_space<vmem>> -> memref<128xi32, #tpu.memory_space<vmem>>
            %dma_wait3A_172 = arith.constant 0 : i32
            %dma_wait3A_173 = arith.constant 0 : i32
            %dma_wait3A_174 = tpu.memref_slice %arg6[%dma_wait3A_172, %dma_wait3A_173] : memref<10000x128xf32, #tpu.memory_space<vmem_shared>> -> memref<10000x128xf32, #tpu.memory_space<vmem_shared>>
            tpu.wait_indirect_dma semaphore(%run_scoped3A : memref<!tpu.dma_semaphore, #tpu.memory_space<semaphore_mem>>) src(%arg9 : memref<128x128xf32, #tpu.memory_space<vmem>>) dst(%dma_wait3A_174 : memref<10000x128xf32, #tpu.memory_space<vmem_shared>>)
            tpu.yield
          }) : () -> ()
          %while3A_162 = arith.constant 0 : i32
          scf.yield %while3A_162 : i32
        }
        %while3A_123 = arith.constant 0 : i32
        scf.yield %while3A_123 : i32
      }
      %while3A_72 = arith.constant 1 : i32
      %while3A_73 = scf.for %while3A_74 = %while3A_69 to %while3A_65 step %while3A_72 iter_args(%while3A_75 = %while3A_71) -> (i32)  : i32 {
        %mul3A_76 = arith.constant 16 : i32
        %mul3A_77 = arith.muli %while3A_74, %mul3A_76 : i32
        %add3A_78 = arith.addi %mul3A_0, %mul3A_77 : i32
        "tpu.region"() ({
          %run_scoped3A = tpu.sem_alloc : memref<!tpu.dma_semaphore, #tpu.memory_space<semaphore_mem>>
          %dma_start3A_124 = arith.constant 0 : i32
          %dma_start3A_125 = tpu.memref_slice %arg3[%add3A_78, %dma_start3A_124] : memref<1280x128xi32, #tpu.memory_space<hbm>> -> memref<16x128xi32, #tpu.memory_space<hbm>>
          %dma_start3A_126 = arith.constant 0 : i32
          %dma_start3A_127 = tpu.memref_slice %arg3[%add3A_78, %dma_start3A_126] : memref<1280x128xi32, #tpu.memory_space<hbm>> -> memref<16x128xi32, #tpu.memory_space<hbm>>
          tpu.enqueue_dma source(%dma_start3A_127 : memref<16x128xi32, #tpu.memory_space<hbm>>) target(%arg7 : memref<16x128xi32, #tpu.memory_space<vmem>>) target_semaphore(%run_scoped3A : memref<!tpu.dma_semaphore, #tpu.memory_space<semaphore_mem>>)
          %dma_wait3A = arith.constant 0 : i32
          %dma_wait3A_128 = tpu.memref_slice %arg3[%add3A_78, %dma_wait3A] : memref<1280x128xi32, #tpu.memory_space<hbm>> -> memref<16x128xi32, #tpu.memory_space<hbm>>
          %dma_wait3A_129 = arith.constant 0 : i32
          %dma_wait3A_130 = tpu.memref_slice %arg3[%add3A_78, %dma_wait3A_129] : memref<1280x128xi32, #tpu.memory_space<hbm>> -> memref<16x128xi32, #tpu.memory_space<hbm>>
          tpu.wait_dma2 semaphore(%run_scoped3A : memref<!tpu.dma_semaphore, #tpu.memory_space<semaphore_mem>>) src(%dma_wait3A_130 : memref<16x128xi32, #tpu.memory_space<hbm>>) dst(%arg7 : memref<16x128xi32, #tpu.memory_space<vmem>>)
          tpu.yield
        }) : () -> ()
        %sub3A_79 = arith.subi %min3A_2, %add3A_78 : i32
        %min3A_80 = arith.constant 16 : i32
        %min3A_81 = arith.minsi %sub3A_79, %min3A_80 : i32
        %jit3A_82 = arith.constant 2 : i32
        %div3A_83 = arith.divsi %min3A_81, %jit3A_82 : i32
        %sign3A_84 = arith.constant 0 : i32
        %sign3A_85 = arith.cmpi sgt, %min3A_81, %sign3A_84 : i32
        %sign3A_86 = arith.extui %sign3A_85 : i1 to i32
        %sign3A_87 = arith.constant 0 : i32
        %sign3A_88 = arith.cmpi slt, %min3A_81, %sign3A_87 : i32
        %sign3A_89 = arith.extui %sign3A_88 : i1 to i32
        %sign3A_90 = arith.subi %sign3A_86, %sign3A_89 : i32
        %sign3A_91 = arith.constant 0 : i32
        %sign3A_92 = arith.cmpi sgt, %jit3A_82, %sign3A_91 : i32
        %sign3A_93 = arith.extui %sign3A_92 : i1 to i32
        %sign3A_94 = arith.constant 0 : i32
        %sign3A_95 = arith.cmpi slt, %jit3A_82, %sign3A_94 : i32
        %sign3A_96 = arith.extui %sign3A_95 : i1 to i32
        %sign3A_97 = arith.subi %sign3A_93, %sign3A_96 : i32
        %ne3A_98 = arith.cmpi ne, %sign3A_90, %sign3A_97 : i32
        %rem3A_99 = arith.remsi %min3A_81, %jit3A_82 : i32
        %ne3A_100 = arith.constant 0 : i32
        %ne3A_101 = arith.cmpi ne, %rem3A_99, %ne3A_100 : i32
        %and3A_102 = arith.andi %ne3A_98, %ne3A_101 : i1
        %sub3A_103 = arith.constant 1 : i32
        %sub3A_104 = arith.subi %div3A_83, %sub3A_103 : i32
        %select_n3A_105 = arith.select %and3A_102, %sub3A_104, %div3A_83 : i32
        %mul3A_106 = arith.constant 128 : i32
        %mul3A_107 = arith.muli %add3A_78, %mul3A_106 : i32
        %dma_start3A = arith.constant 128 : i32
        %dma_start3A_108 = tpu.memref_slice %arg2[%mul3A_107, %dma_start3A] : memref<160000x256xf32, #tpu.memory_space<hbm>> -> memref<128x128xf32, #tpu.memory_space<hbm>>
        %dma_start3A_109 = arith.constant 128 : i32
        %dma_start3A_110 = tpu.memref_slice %arg2[%mul3A_107, %dma_start3A_109] : memref<160000x256xf32, #tpu.memory_space<hbm>> -> memref<128x128xf32, #tpu.memory_space<hbm>>
        tpu.enqueue_dma source(%dma_start3A_110 : memref<128x128xf32, #tpu.memory_space<hbm>>) target(%arg8 : memref<128x128xf32, #tpu.memory_space<vmem>>) target_semaphore(%arg10 : memref<!tpu.dma_semaphore, #tpu.memory_space<semaphore_mem>>)
        %while3A_111 = arith.constant 0 : i32
        %while3A_112 = arith.constant 0 : i32
        %while3A_113 = arith.subi %select_n3A_105, %while3A_111 : i32
        %while3A_114 = arith.addi %while3A_111, %while3A_113 : i32
        %while3A_115 = arith.constant 1 : i32
        %while3A_116 = arith.divsi %while3A_113, %while3A_115 : i32
        %while3A_117 = arith.muli %while3A_116, %while3A_115 : i32
        %while3A_118 = arith.addi %while3A_111, %while3A_117 : i32
        %while3A_119 = arith.constant 1 : i32
        %while3A_120 = scf.for %while3A_124 = %while3A_111 to %while3A_118 step %while3A_119 iter_args(%while3A_125 = %while3A_112) -> (i32)  : i32 {
          %mul3A_126 = arith.constant 2 : i32
          %mul3A_127 = arith.muli %mul3A_126, %while3A_124 : i32
          %add3A_128 = arith.addi %add3A_78, %mul3A_127 : i32
          %mul3A_129 = arith.constant 128 : i32
          %mul3A_130 = arith.muli %add3A_128, %mul3A_129 : i32
          %dma_wait3A = arith.constant 128 : i32
          %dma_wait3A_131 = tpu.memref_slice %arg2[%mul3A_130, %dma_wait3A] : memref<160000x256xf32, #tpu.memory_space<hbm>> -> memref<128x128xf32, #tpu.memory_space<hbm>>
          %dma_wait3A_132 = arith.constant 128 : i32
          %dma_wait3A_133 = tpu.memref_slice %arg2[%mul3A_130, %dma_wait3A_132] : memref<160000x256xf32, #tpu.memory_space<hbm>> -> memref<128x128xf32, #tpu.memory_space<hbm>>
          tpu.wait_dma2 semaphore(%arg10 : memref<!tpu.dma_semaphore, #tpu.memory_space<semaphore_mem>>) src(%dma_wait3A_133 : memref<128x128xf32, #tpu.memory_space<hbm>>) dst(%arg8 : memref<128x128xf32, #tpu.memory_space<vmem>>)
          %add3A_134 = arith.constant 1 : i32
          %add3A_135 = arith.addi %add3A_128, %add3A_134 : i32
          %mul3A_136 = arith.constant 128 : i32
          %mul3A_137 = arith.muli %add3A_135, %mul3A_136 : i32
          %dma_start3A_138 = arith.constant 128 : i32
          %dma_start3A_139 = tpu.memref_slice %arg2[%mul3A_137, %dma_start3A_138] : memref<160000x256xf32, #tpu.memory_space<hbm>> -> memref<128x128xf32, #tpu.memory_space<hbm>>
          %dma_start3A_140 = arith.constant 128 : i32
          %dma_start3A_141 = tpu.memref_slice %arg2[%mul3A_137, %dma_start3A_140] : memref<160000x256xf32, #tpu.memory_space<hbm>> -> memref<128x128xf32, #tpu.memory_space<hbm>>
          tpu.enqueue_dma source(%dma_start3A_141 : memref<128x128xf32, #tpu.memory_space<hbm>>) target(%arg9 : memref<128x128xf32, #tpu.memory_space<vmem>>) target_semaphore(%arg11 : memref<!tpu.dma_semaphore, #tpu.memory_space<semaphore_mem>>)
          %mul3A_142 = arith.constant 2 : i32
          %mul3A_143 = arith.muli %mul3A_142, %while3A_124 : i32
          "tpu.region"() ({
            %run_scoped3A = tpu.sem_alloc : memref<!tpu.dma_semaphore, #tpu.memory_space<semaphore_mem>>
            %dma_start3A_163 = arith.constant 0 : i32
            %dma_start3A_164 = tpu.memref_slice %arg7[%mul3A_143, %dma_start3A_163] : memref<16x128xi32, #tpu.memory_space<vmem>> -> memref<1x128xi32, #tpu.memory_space<vmem>>
            %dma_start3A_165 = tpu.memref_squeeze %dma_start3A_164 : memref<1x128xi32, #tpu.memory_space<vmem>> -> memref<128xi32, #tpu.memory_space<vmem>>
            %dma_start3A_166 = arith.constant 0 : i32
            %dma_start3A_167 = arith.constant 0 : i32
            %dma_start3A_168 = tpu.memref_slice %arg6[%dma_start3A_166, %dma_start3A_167] : memref<10000x128xf32, #tpu.memory_space<vmem_shared>> -> memref<10000x128xf32, #tpu.memory_space<vmem_shared>>
            tpu.enqueue_indirect_dma source(%arg8 : memref<128x128xf32, #tpu.memory_space<vmem>>) target(%dma_start3A_168 : memref<10000x128xf32, #tpu.memory_space<vmem_shared>>) offsets(%dma_start3A_165 : memref<128xi32, #tpu.memory_space<vmem>>) semaphore(%run_scoped3A : memref<!tpu.dma_semaphore, #tpu.memory_space<semaphore_mem>>) {add = true}
            %dma_wait3A_169 = arith.constant 0 : i32
            %dma_wait3A_170 = tpu.memref_slice %arg7[%mul3A_143, %dma_wait3A_169] : memref<16x128xi32, #tpu.memory_space<vmem>> -> memref<1x128xi32, #tpu.memory_space<vmem>>
            %dma_wait3A_171 = tpu.memref_squeeze %dma_wait3A_170 : memref<1x128xi32, #tpu.memory_space<vmem>> -> memref<128xi32, #tpu.memory_space<vmem>>
            %dma_wait3A_172 = arith.constant 0 : i32
            %dma_wait3A_173 = arith.constant 0 : i32
            %dma_wait3A_174 = tpu.memref_slice %arg6[%dma_wait3A_172, %dma_wait3A_173] : memref<10000x128xf32, #tpu.memory_space<vmem_shared>> -> memref<10000x128xf32, #tpu.memory_space<vmem_shared>>
            tpu.wait_indirect_dma semaphore(%run_scoped3A : memref<!tpu.dma_semaphore, #tpu.memory_space<semaphore_mem>>) src(%arg8 : memref<128x128xf32, #tpu.memory_space<vmem>>) dst(%dma_wait3A_174 : memref<10000x128xf32, #tpu.memory_space<vmem_shared>>)
            tpu.yield
          }) : () -> ()
          %add3A_144 = arith.constant 1 : i32
          %add3A_145 = arith.addi %add3A_128, %add3A_144 : i32
          %mul3A_146 = arith.constant 128 : i32
          %mul3A_147 = arith.muli %add3A_145, %mul3A_146 : i32
          %dma_wait3A_148 = arith.constant 128 : i32
          %dma_wait3A_149 = tpu.memref_slice %arg2[%mul3A_147, %dma_wait3A_148] : memref<160000x256xf32, #tpu.memory_space<hbm>> -> memref<128x128xf32, #tpu.memory_space<hbm>>
          %dma_wait3A_150 = arith.constant 128 : i32
          %dma_wait3A_151 = tpu.memref_slice %arg2[%mul3A_147, %dma_wait3A_150] : memref<160000x256xf32, #tpu.memory_space<hbm>> -> memref<128x128xf32, #tpu.memory_space<hbm>>
          tpu.wait_dma2 semaphore(%arg11 : memref<!tpu.dma_semaphore, #tpu.memory_space<semaphore_mem>>) src(%dma_wait3A_151 : memref<128x128xf32, #tpu.memory_space<hbm>>) dst(%arg9 : memref<128x128xf32, #tpu.memory_space<vmem>>)
          %add3A_152 = arith.constant 1 : i32
          %add3A_153 = arith.addi %while3A_124, %add3A_152 : i32
          %lt3A_154 = arith.cmpi slt, %add3A_153, %select_n3A_105 : i32
          %convert_element_type3A_155 = arith.extui %lt3A_154 : i1 to i32
          %cond3A_156 = arith.constant 0 : i32
          %cond3A_157 = arith.cmpi ne, %convert_element_type3A_155, %cond3A_156 : i32
          scf.if %cond3A_157 {
            %add3A_163 = arith.constant 2 : i32
            %add3A_164 = arith.addi %add3A_128, %add3A_163 : i32
            %mul3A_165 = arith.constant 128 : i32
            %mul3A_166 = arith.muli %add3A_164, %mul3A_165 : i32
            %dma_start3A_167 = arith.constant 128 : i32
            %dma_start3A_168 = tpu.memref_slice %arg2[%mul3A_166, %dma_start3A_167] : memref<160000x256xf32, #tpu.memory_space<hbm>> -> memref<128x128xf32, #tpu.memory_space<hbm>>
            %dma_start3A_169 = arith.constant 128 : i32
            %dma_start3A_170 = tpu.memref_slice %arg2[%mul3A_166, %dma_start3A_169] : memref<160000x256xf32, #tpu.memory_space<hbm>> -> memref<128x128xf32, #tpu.memory_space<hbm>>
            tpu.enqueue_dma source(%dma_start3A_170 : memref<128x128xf32, #tpu.memory_space<hbm>>) target(%arg8 : memref<128x128xf32, #tpu.memory_space<vmem>>) target_semaphore(%arg10 : memref<!tpu.dma_semaphore, #tpu.memory_space<semaphore_mem>>)
          } else {
          }
          %mul3A_158 = arith.constant 2 : i32
          %mul3A_159 = arith.muli %mul3A_158, %while3A_124 : i32
          %add3A_160 = arith.constant 1 : i32
          %add3A_161 = arith.addi %mul3A_159, %add3A_160 : i32
          "tpu.region"() ({
            %run_scoped3A = tpu.sem_alloc : memref<!tpu.dma_semaphore, #tpu.memory_space<semaphore_mem>>
            %dma_start3A_163 = arith.constant 0 : i32
            %dma_start3A_164 = tpu.memref_slice %arg7[%add3A_161, %dma_start3A_163] : memref<16x128xi32, #tpu.memory_space<vmem>> -> memref<1x128xi32, #tpu.memory_space<vmem>>
            %dma_start3A_165 = tpu.memref_squeeze %dma_start3A_164 : memref<1x128xi32, #tpu.memory_space<vmem>> -> memref<128xi32, #tpu.memory_space<vmem>>
            %dma_start3A_166 = arith.constant 0 : i32
            %dma_start3A_167 = arith.constant 0 : i32
            %dma_start3A_168 = tpu.memref_slice %arg6[%dma_start3A_166, %dma_start3A_167] : memref<10000x128xf32, #tpu.memory_space<vmem_shared>> -> memref<10000x128xf32, #tpu.memory_space<vmem_shared>>
            tpu.enqueue_indirect_dma source(%arg9 : memref<128x128xf32, #tpu.memory_space<vmem>>) target(%dma_start3A_168 : memref<10000x128xf32, #tpu.memory_space<vmem_shared>>) offsets(%dma_start3A_165 : memref<128xi32, #tpu.memory_space<vmem>>) semaphore(%run_scoped3A : memref<!tpu.dma_semaphore, #tpu.memory_space<semaphore_mem>>) {add = true}
            %dma_wait3A_169 = arith.constant 0 : i32
            %dma_wait3A_170 = tpu.memref_slice %arg7[%add3A_161, %dma_wait3A_169] : memref<16x128xi32, #tpu.memory_space<vmem>> -> memref<1x128xi32, #tpu.memory_space<vmem>>
            %dma_wait3A_171 = tpu.memref_squeeze %dma_wait3A_170 : memref<1x128xi32, #tpu.memory_space<vmem>> -> memref<128xi32, #tpu.memory_space<vmem>>
            %dma_wait3A_172 = arith.constant 0 : i32
            %dma_wait3A_173 = arith.constant 0 : i32
            %dma_wait3A_174 = tpu.memref_slice %arg6[%dma_wait3A_172, %dma_wait3A_173] : memref<10000x128xf32, #tpu.memory_space<vmem_shared>> -> memref<10000x128xf32, #tpu.memory_space<vmem_shared>>
            tpu.wait_indirect_dma semaphore(%run_scoped3A : memref<!tpu.dma_semaphore, #tpu.memory_space<semaphore_mem>>) src(%arg9 : memref<128x128xf32, #tpu.memory_space<vmem>>) dst(%dma_wait3A_174 : memref<10000x128xf32, #tpu.memory_space<vmem_shared>>)
            tpu.yield
          }) : () -> ()
          %while3A_162 = arith.constant 0 : i32
          scf.yield %while3A_162 : i32
        }
        %while3A_121 = arith.constant 1 : i32
        %while3A_122 = scf.for %while3A_124 = %while3A_118 to %while3A_114 step %while3A_121 iter_args(%while3A_125 = %while3A_120) -> (i32)  : i32 {
          %mul3A_126 = arith.constant 2 : i32
          %mul3A_127 = arith.muli %mul3A_126, %while3A_124 : i32
          %add3A_128 = arith.addi %add3A_78, %mul3A_127 : i32
          %mul3A_129 = arith.constant 128 : i32
          %mul3A_130 = arith.muli %add3A_128, %mul3A_129 : i32
          %dma_wait3A = arith.constant 128 : i32
          %dma_wait3A_131 = tpu.memref_slice %arg2[%mul3A_130, %dma_wait3A] : memref<160000x256xf32, #tpu.memory_space<hbm>> -> memref<128x128xf32, #tpu.memory_space<hbm>>
          %dma_wait3A_132 = arith.constant 128 : i32
          %dma_wait3A_133 = tpu.memref_slice %arg2[%mul3A_130, %dma_wait3A_132] : memref<160000x256xf32, #tpu.memory_space<hbm>> -> memref<128x128xf32, #tpu.memory_space<hbm>>
          tpu.wait_dma2 semaphore(%arg10 : memref<!tpu.dma_semaphore, #tpu.memory_space<semaphore_mem>>) src(%dma_wait3A_133 : memref<128x128xf32, #tpu.memory_space<hbm>>) dst(%arg8 : memref<128x128xf32, #tpu.memory_space<vmem>>)
          %add3A_134 = arith.constant 1 : i32
          %add3A_135 = arith.addi %add3A_128, %add3A_134 : i32
          %mul3A_136 = arith.constant 128 : i32
          %mul3A_137 = arith.muli %add3A_135, %mul3A_136 : i32
          %dma_start3A_138 = arith.constant 128 : i32
          %dma_start3A_139 = tpu.memref_slice %arg2[%mul3A_137, %dma_start3A_138] : memref<160000x256xf32, #tpu.memory_space<hbm>> -> memref<128x128xf32, #tpu.memory_space<hbm>>
          %dma_start3A_140 = arith.constant 128 : i32
          %dma_start3A_141 = tpu.memref_slice %arg2[%mul3A_137, %dma_start3A_140] : memref<160000x256xf32, #tpu.memory_space<hbm>> -> memref<128x128xf32, #tpu.memory_space<hbm>>
          tpu.enqueue_dma source(%dma_start3A_141 : memref<128x128xf32, #tpu.memory_space<hbm>>) target(%arg9 : memref<128x128xf32, #tpu.memory_space<vmem>>) target_semaphore(%arg11 : memref<!tpu.dma_semaphore, #tpu.memory_space<semaphore_mem>>)
          %mul3A_142 = arith.constant 2 : i32
          %mul3A_143 = arith.muli %mul3A_142, %while3A_124 : i32
          "tpu.region"() ({
            %run_scoped3A = tpu.sem_alloc : memref<!tpu.dma_semaphore, #tpu.memory_space<semaphore_mem>>
            %dma_start3A_163 = arith.constant 0 : i32
            %dma_start3A_164 = tpu.memref_slice %arg7[%mul3A_143, %dma_start3A_163] : memref<16x128xi32, #tpu.memory_space<vmem>> -> memref<1x128xi32, #tpu.memory_space<vmem>>
            %dma_start3A_165 = tpu.memref_squeeze %dma_start3A_164 : memref<1x128xi32, #tpu.memory_space<vmem>> -> memref<128xi32, #tpu.memory_space<vmem>>
            %dma_start3A_166 = arith.constant 0 : i32
            %dma_start3A_167 = arith.constant 0 : i32
            %dma_start3A_168 = tpu.memref_slice %arg6[%dma_start3A_166, %dma_start3A_167] : memref<10000x128xf32, #tpu.memory_space<vmem_shared>> -> memref<10000x128xf32, #tpu.memory_space<vmem_shared>>
            tpu.enqueue_indirect_dma source(%arg8 : memref<128x128xf32, #tpu.memory_space<vmem>>) target(%dma_start3A_168 : memref<10000x128xf32, #tpu.memory_space<vmem_shared>>) offsets(%dma_start3A_165 : memref<128xi32, #tpu.memory_space<vmem>>) semaphore(%run_scoped3A : memref<!tpu.dma_semaphore, #tpu.memory_space<semaphore_mem>>) {add = true}
            %dma_wait3A_169 = arith.constant 0 : i32
            %dma_wait3A_170 = tpu.memref_slice %arg7[%mul3A_143, %dma_wait3A_169] : memref<16x128xi32, #tpu.memory_space<vmem>> -> memref<1x128xi32, #tpu.memory_space<vmem>>
            %dma_wait3A_171 = tpu.memref_squeeze %dma_wait3A_170 : memref<1x128xi32, #tpu.memory_space<vmem>> -> memref<128xi32, #tpu.memory_space<vmem>>
            %dma_wait3A_172 = arith.constant 0 : i32
            %dma_wait3A_173 = arith.constant 0 : i32
            %dma_wait3A_174 = tpu.memref_slice %arg6[%dma_wait3A_172, %dma_wait3A_173] : memref<10000x128xf32, #tpu.memory_space<vmem_shared>> -> memref<10000x128xf32, #tpu.memory_space<vmem_shared>>
            tpu.wait_indirect_dma semaphore(%run_scoped3A : memref<!tpu.dma_semaphore, #tpu.memory_space<semaphore_mem>>) src(%arg8 : memref<128x128xf32, #tpu.memory_space<vmem>>) dst(%dma_wait3A_174 : memref<10000x128xf32, #tpu.memory_space<vmem_shared>>)
            tpu.yield
          }) : () -> ()
          %add3A_144 = arith.constant 1 : i32
          %add3A_145 = arith.addi %add3A_128, %add3A_144 : i32
          %mul3A_146 = arith.constant 128 : i32
          %mul3A_147 = arith.muli %add3A_145, %mul3A_146 : i32
          %dma_wait3A_148 = arith.constant 128 : i32
          %dma_wait3A_149 = tpu.memref_slice %arg2[%mul3A_147, %dma_wait3A_148] : memref<160000x256xf32, #tpu.memory_space<hbm>> -> memref<128x128xf32, #tpu.memory_space<hbm>>
          %dma_wait3A_150 = arith.constant 128 : i32
          %dma_wait3A_151 = tpu.memref_slice %arg2[%mul3A_147, %dma_wait3A_150] : memref<160000x256xf32, #tpu.memory_space<hbm>> -> memref<128x128xf32, #tpu.memory_space<hbm>>
          tpu.wait_dma2 semaphore(%arg11 : memref<!tpu.dma_semaphore, #tpu.memory_space<semaphore_mem>>) src(%dma_wait3A_151 : memref<128x128xf32, #tpu.memory_space<hbm>>) dst(%arg9 : memref<128x128xf32, #tpu.memory_space<vmem>>)
          %add3A_152 = arith.constant 1 : i32
          %add3A_153 = arith.addi %while3A_124, %add3A_152 : i32
          %lt3A_154 = arith.cmpi slt, %add3A_153, %select_n3A_105 : i32
          %convert_element_type3A_155 = arith.extui %lt3A_154 : i1 to i32
          %cond3A_156 = arith.constant 0 : i32
          %cond3A_157 = arith.cmpi ne, %convert_element_type3A_155, %cond3A_156 : i32
          scf.if %cond3A_157 {
            %add3A_163 = arith.constant 2 : i32
            %add3A_164 = arith.addi %add3A_128, %add3A_163 : i32
            %mul3A_165 = arith.constant 128 : i32
            %mul3A_166 = arith.muli %add3A_164, %mul3A_165 : i32
            %dma_start3A_167 = arith.constant 128 : i32
            %dma_start3A_168 = tpu.memref_slice %arg2[%mul3A_166, %dma_start3A_167] : memref<160000x256xf32, #tpu.memory_space<hbm>> -> memref<128x128xf32, #tpu.memory_space<hbm>>
            %dma_start3A_169 = arith.constant 128 : i32
            %dma_start3A_170 = tpu.memref_slice %arg2[%mul3A_166, %dma_start3A_169] : memref<160000x256xf32, #tpu.memory_space<hbm>> -> memref<128x128xf32, #tpu.memory_space<hbm>>
            tpu.enqueue_dma source(%dma_start3A_170 : memref<128x128xf32, #tpu.memory_space<hbm>>) target(%arg8 : memref<128x128xf32, #tpu.memory_space<vmem>>) target_semaphore(%arg10 : memref<!tpu.dma_semaphore, #tpu.memory_space<semaphore_mem>>)
          } else {
          }
          %mul3A_158 = arith.constant 2 : i32
          %mul3A_159 = arith.muli %mul3A_158, %while3A_124 : i32
          %add3A_160 = arith.constant 1 : i32
          %add3A_161 = arith.addi %mul3A_159, %add3A_160 : i32
          "tpu.region"() ({
            %run_scoped3A = tpu.sem_alloc : memref<!tpu.dma_semaphore, #tpu.memory_space<semaphore_mem>>
            %dma_start3A_163 = arith.constant 0 : i32
            %dma_start3A_164 = tpu.memref_slice %arg7[%add3A_161, %dma_start3A_163] : memref<16x128xi32, #tpu.memory_space<vmem>> -> memref<1x128xi32, #tpu.memory_space<vmem>>
            %dma_start3A_165 = tpu.memref_squeeze %dma_start3A_164 : memref<1x128xi32, #tpu.memory_space<vmem>> -> memref<128xi32, #tpu.memory_space<vmem>>
            %dma_start3A_166 = arith.constant 0 : i32
            %dma_start3A_167 = arith.constant 0 : i32
            %dma_start3A_168 = tpu.memref_slice %arg6[%dma_start3A_166, %dma_start3A_167] : memref<10000x128xf32, #tpu.memory_space<vmem_shared>> -> memref<10000x128xf32, #tpu.memory_space<vmem_shared>>
            tpu.enqueue_indirect_dma source(%arg9 : memref<128x128xf32, #tpu.memory_space<vmem>>) target(%dma_start3A_168 : memref<10000x128xf32, #tpu.memory_space<vmem_shared>>) offsets(%dma_start3A_165 : memref<128xi32, #tpu.memory_space<vmem>>) semaphore(%run_scoped3A : memref<!tpu.dma_semaphore, #tpu.memory_space<semaphore_mem>>) {add = true}
            %dma_wait3A_169 = arith.constant 0 : i32
            %dma_wait3A_170 = tpu.memref_slice %arg7[%add3A_161, %dma_wait3A_169] : memref<16x128xi32, #tpu.memory_space<vmem>> -> memref<1x128xi32, #tpu.memory_space<vmem>>
            %dma_wait3A_171 = tpu.memref_squeeze %dma_wait3A_170 : memref<1x128xi32, #tpu.memory_space<vmem>> -> memref<128xi32, #tpu.memory_space<vmem>>
            %dma_wait3A_172 = arith.constant 0 : i32
            %dma_wait3A_173 = arith.constant 0 : i32
            %dma_wait3A_174 = tpu.memref_slice %arg6[%dma_wait3A_172, %dma_wait3A_173] : memref<10000x128xf32, #tpu.memory_space<vmem_shared>> -> memref<10000x128xf32, #tpu.memory_space<vmem_shared>>
            tpu.wait_indirect_dma semaphore(%run_scoped3A : memref<!tpu.dma_semaphore, #tpu.memory_space<semaphore_mem>>) src(%arg9 : memref<128x128xf32, #tpu.memory_space<vmem>>) dst(%dma_wait3A_174 : memref<10000x128xf32, #tpu.memory_space<vmem_shared>>)
            tpu.yield
          }) : () -> ()
          %while3A_162 = arith.constant 0 : i32
          scf.yield %while3A_162 : i32
        }
        %while3A_123 = arith.constant 0 : i32
        scf.yield %while3A_123 : i32
      }
    } else {
    }
    %barrier3A_51 = arith.constant 0 : index
    tpu.barrier barrier_id(%barrier3A_51)
    %eq3A_52 = arith.constant 0 : i32
    %eq3A_53 = arith.cmpi eq, %arg0, %eq3A_52 : i32
    %convert_element_type3A_54 = arith.extui %eq3A_53 : i1 to i32
    %cond3A_55 = arith.constant 0 : i32
    %cond3A_56 = arith.cmpi ne, %convert_element_type3A_54, %cond3A_55 : i32
    scf.if %cond3A_56 {
      %while3A_62 = arith.constant 0 : i32
      %while3A_63 = arith.constant 0 : i32
      %while3A_64 = arith.subi %select_n3A_25, %while3A_62 : i32
      %while3A_65 = arith.addi %while3A_62, %while3A_64 : i32
      %while3A_66 = arith.constant 1 : i32
      %while3A_67 = arith.divsi %while3A_64, %while3A_66 : i32
      %while3A_68 = arith.muli %while3A_67, %while3A_66 : i32
      %while3A_69 = arith.addi %while3A_62, %while3A_68 : i32
      %while3A_70 = arith.constant 1 : i32
      %while3A_71 = scf.for %while3A_74 = %while3A_62 to %while3A_69 step %while3A_70 iter_args(%while3A_75 = %while3A_63) -> (i32)  : i32 {
        %mul3A_76 = arith.constant 16 : i32
        %mul3A_77 = arith.muli %mul3A_76, %while3A_74 : i32
        %add3A_78 = arith.addi %arg1, %mul3A_77 : i32
        %mul3A_79 = arith.constant 80 : i32
        %mul3A_80 = arith.muli %add3A_78, %mul3A_79 : i32
        "tpu.region"() ({
          %run_scoped3A = tpu.sem_alloc : memref<!tpu.dma_semaphore, #tpu.memory_space<semaphore_mem>>
          %dma_start3A = arith.constant 0 : i32
          %dma_start3A_82 = arith.constant 0 : i32
          %dma_start3A_83 = tpu.memref_slice %arg8[%dma_start3A, %dma_start3A_82] : memref<128x128xf32, #tpu.memory_space<vmem>> -> memref<80x128xf32, #tpu.memory_space<vmem>>
          %dma_start3A_84 = arith.constant 0 : i32
          %dma_start3A_85 = tpu.memref_slice %arg6[%mul3A_80, %dma_start3A_84] : memref<10000x128xf32, #tpu.memory_space<vmem_shared>> -> memref<80x128xf32, #tpu.memory_space<vmem_shared>>
          %dma_start3A_86 = arith.constant 0 : i32
          %dma_start3A_87 = arith.constant 0 : i32
          %dma_start3A_88 = tpu.memref_slice %arg8[%dma_start3A_86, %dma_start3A_87] : memref<128x128xf32, #tpu.memory_space<vmem>> -> memref<80x128xf32, #tpu.memory_space<vmem>>
          %dma_start3A_89 = arith.constant 0 : i32
          %dma_start3A_90 = tpu.memref_slice %arg6[%mul3A_80, %dma_start3A_89] : memref<10000x128xf32, #tpu.memory_space<vmem_shared>> -> memref<80x128xf32, #tpu.memory_space<vmem_shared>>
          tpu.enqueue_dma source(%dma_start3A_90 : memref<80x128xf32, #tpu.memory_space<vmem_shared>>) target(%dma_start3A_88 : memref<80x128xf32, #tpu.memory_space<vmem>>) target_semaphore(%run_scoped3A : memref<!tpu.dma_semaphore, #tpu.memory_space<semaphore_mem>>)
          %dma_wait3A = arith.constant 0 : i32
          %dma_wait3A_91 = arith.constant 0 : i32
          %dma_wait3A_92 = tpu.memref_slice %arg8[%dma_wait3A, %dma_wait3A_91] : memref<128x128xf32, #tpu.memory_space<vmem>> -> memref<80x128xf32, #tpu.memory_space<vmem>>
          %dma_wait3A_93 = arith.constant 0 : i32
          %dma_wait3A_94 = tpu.memref_slice %arg6[%mul3A_80, %dma_wait3A_93] : memref<10000x128xf32, #tpu.memory_space<vmem_shared>> -> memref<80x128xf32, #tpu.memory_space<vmem_shared>>
          %dma_wait3A_95 = arith.constant 0 : i32
          %dma_wait3A_96 = arith.constant 0 : i32
          %dma_wait3A_97 = tpu.memref_slice %arg8[%dma_wait3A_95, %dma_wait3A_96] : memref<128x128xf32, #tpu.memory_space<vmem>> -> memref<80x128xf32, #tpu.memory_space<vmem>>
          %dma_wait3A_98 = arith.constant 0 : i32
          %dma_wait3A_99 = tpu.memref_slice %arg6[%mul3A_80, %dma_wait3A_98] : memref<10000x128xf32, #tpu.memory_space<vmem_shared>> -> memref<80x128xf32, #tpu.memory_space<vmem_shared>>
          tpu.wait_dma2 semaphore(%run_scoped3A : memref<!tpu.dma_semaphore, #tpu.memory_space<semaphore_mem>>) src(%dma_wait3A_99 : memref<80x128xf32, #tpu.memory_space<vmem_shared>>) dst(%dma_wait3A_97 : memref<80x128xf32, #tpu.memory_space<vmem>>)
          tpu.yield
        }) : () -> ()
        "tpu.region"() ({
          %run_scoped3A = tpu.sem_alloc : memref<!tpu.dma_semaphore, #tpu.memory_space<semaphore_mem>>
          %dma_start3A = arith.constant 0 : i32
          %dma_start3A_82 = arith.constant 0 : i32
          %dma_start3A_83 = tpu.memref_slice %arg8[%dma_start3A, %dma_start3A_82] : memref<128x128xf32, #tpu.memory_space<vmem>> -> memref<80x128xf32, #tpu.memory_space<vmem>>
          %dma_start3A_84 = arith.constant 0 : i32
          %dma_start3A_85 = tpu.memref_slice %arg4[%mul3A_80, %dma_start3A_84] : memref<10000x128xf32, #tpu.memory_space<hbm>> -> memref<80x128xf32, #tpu.memory_space<hbm>>
          %dma_start3A_86 = arith.constant 0 : i32
          %dma_start3A_87 = tpu.memref_slice %arg4[%mul3A_80, %dma_start3A_86] : memref<10000x128xf32, #tpu.memory_space<hbm>> -> memref<80x128xf32, #tpu.memory_space<hbm>>
          %dma_start3A_88 = arith.constant 0 : i32
          %dma_start3A_89 = arith.constant 0 : i32
          %dma_start3A_90 = tpu.memref_slice %arg8[%dma_start3A_88, %dma_start3A_89] : memref<128x128xf32, #tpu.memory_space<vmem>> -> memref<80x128xf32, #tpu.memory_space<vmem>>
          tpu.enqueue_dma source(%dma_start3A_90 : memref<80x128xf32, #tpu.memory_space<vmem>>) target(%dma_start3A_87 : memref<80x128xf32, #tpu.memory_space<hbm>>) target_semaphore(%run_scoped3A : memref<!tpu.dma_semaphore, #tpu.memory_space<semaphore_mem>>)
          %dma_wait3A = arith.constant 0 : i32
          %dma_wait3A_91 = arith.constant 0 : i32
          %dma_wait3A_92 = tpu.memref_slice %arg8[%dma_wait3A, %dma_wait3A_91] : memref<128x128xf32, #tpu.memory_space<vmem>> -> memref<80x128xf32, #tpu.memory_space<vmem>>
          %dma_wait3A_93 = arith.constant 0 : i32
          %dma_wait3A_94 = tpu.memref_slice %arg4[%mul3A_80, %dma_wait3A_93] : memref<10000x128xf32, #tpu.memory_space<hbm>> -> memref<80x128xf32, #tpu.memory_space<hbm>>
          %dma_wait3A_95 = arith.constant 0 : i32
          %dma_wait3A_96 = tpu.memref_slice %arg4[%mul3A_80, %dma_wait3A_95] : memref<10000x128xf32, #tpu.memory_space<hbm>> -> memref<80x128xf32, #tpu.memory_space<hbm>>
          %dma_wait3A_97 = arith.constant 0 : i32
          %dma_wait3A_98 = arith.constant 0 : i32
          %dma_wait3A_99 = tpu.memref_slice %arg8[%dma_wait3A_97, %dma_wait3A_98] : memref<128x128xf32, #tpu.memory_space<vmem>> -> memref<80x128xf32, #tpu.memory_space<vmem>>
          tpu.wait_dma2 semaphore(%run_scoped3A : memref<!tpu.dma_semaphore, #tpu.memory_space<semaphore_mem>>) src(%dma_wait3A_99 : memref<80x128xf32, #tpu.memory_space<vmem>>) dst(%dma_wait3A_96 : memref<80x128xf32, #tpu.memory_space<hbm>>)
          tpu.yield
        }) : () -> ()
        %while3A_81 = arith.constant 0 : i32
        scf.yield %while3A_81 : i32
      }
      %while3A_72 = arith.constant 1 : i32
      %while3A_73 = scf.for %while3A_74 = %while3A_69 to %while3A_65 step %while3A_72 iter_args(%while3A_75 = %while3A_71) -> (i32)  : i32 {
        %mul3A_76 = arith.constant 16 : i32
        %mul3A_77 = arith.muli %mul3A_76, %while3A_74 : i32
        %add3A_78 = arith.addi %arg1, %mul3A_77 : i32
        %mul3A_79 = arith.constant 80 : i32
        %mul3A_80 = arith.muli %add3A_78, %mul3A_79 : i32
        "tpu.region"() ({
          %run_scoped3A = tpu.sem_alloc : memref<!tpu.dma_semaphore, #tpu.memory_space<semaphore_mem>>
          %dma_start3A = arith.constant 0 : i32
          %dma_start3A_82 = arith.constant 0 : i32
          %dma_start3A_83 = tpu.memref_slice %arg8[%dma_start3A, %dma_start3A_82] : memref<128x128xf32, #tpu.memory_space<vmem>> -> memref<80x128xf32, #tpu.memory_space<vmem>>
          %dma_start3A_84 = arith.constant 0 : i32
          %dma_start3A_85 = tpu.memref_slice %arg6[%mul3A_80, %dma_start3A_84] : memref<10000x128xf32, #tpu.memory_space<vmem_shared>> -> memref<80x128xf32, #tpu.memory_space<vmem_shared>>
          %dma_start3A_86 = arith.constant 0 : i32
          %dma_start3A_87 = arith.constant 0 : i32
          %dma_start3A_88 = tpu.memref_slice %arg8[%dma_start3A_86, %dma_start3A_87] : memref<128x128xf32, #tpu.memory_space<vmem>> -> memref<80x128xf32, #tpu.memory_space<vmem>>
          %dma_start3A_89 = arith.constant 0 : i32
          %dma_start3A_90 = tpu.memref_slice %arg6[%mul3A_80, %dma_start3A_89] : memref<10000x128xf32, #tpu.memory_space<vmem_shared>> -> memref<80x128xf32, #tpu.memory_space<vmem_shared>>
          tpu.enqueue_dma source(%dma_start3A_90 : memref<80x128xf32, #tpu.memory_space<vmem_shared>>) target(%dma_start3A_88 : memref<80x128xf32, #tpu.memory_space<vmem>>) target_semaphore(%run_scoped3A : memref<!tpu.dma_semaphore, #tpu.memory_space<semaphore_mem>>)
          %dma_wait3A = arith.constant 0 : i32
          %dma_wait3A_91 = arith.constant 0 : i32
          %dma_wait3A_92 = tpu.memref_slice %arg8[%dma_wait3A, %dma_wait3A_91] : memref<128x128xf32, #tpu.memory_space<vmem>> -> memref<80x128xf32, #tpu.memory_space<vmem>>
          %dma_wait3A_93 = arith.constant 0 : i32
          %dma_wait3A_94 = tpu.memref_slice %arg6[%mul3A_80, %dma_wait3A_93] : memref<10000x128xf32, #tpu.memory_space<vmem_shared>> -> memref<80x128xf32, #tpu.memory_space<vmem_shared>>
          %dma_wait3A_95 = arith.constant 0 : i32
          %dma_wait3A_96 = arith.constant 0 : i32
          %dma_wait3A_97 = tpu.memref_slice %arg8[%dma_wait3A_95, %dma_wait3A_96] : memref<128x128xf32, #tpu.memory_space<vmem>> -> memref<80x128xf32, #tpu.memory_space<vmem>>
          %dma_wait3A_98 = arith.constant 0 : i32
          %dma_wait3A_99 = tpu.memref_slice %arg6[%mul3A_80, %dma_wait3A_98] : memref<10000x128xf32, #tpu.memory_space<vmem_shared>> -> memref<80x128xf32, #tpu.memory_space<vmem_shared>>
          tpu.wait_dma2 semaphore(%run_scoped3A : memref<!tpu.dma_semaphore, #tpu.memory_space<semaphore_mem>>) src(%dma_wait3A_99 : memref<80x128xf32, #tpu.memory_space<vmem_shared>>) dst(%dma_wait3A_97 : memref<80x128xf32, #tpu.memory_space<vmem>>)
          tpu.yield
        }) : () -> ()
        "tpu.region"() ({
          %run_scoped3A = tpu.sem_alloc : memref<!tpu.dma_semaphore, #tpu.memory_space<semaphore_mem>>
          %dma_start3A = arith.constant 0 : i32
          %dma_start3A_82 = arith.constant 0 : i32
          %dma_start3A_83 = tpu.memref_slice %arg8[%dma_start3A, %dma_start3A_82] : memref<128x128xf32, #tpu.memory_space<vmem>> -> memref<80x128xf32, #tpu.memory_space<vmem>>
          %dma_start3A_84 = arith.constant 0 : i32
          %dma_start3A_85 = tpu.memref_slice %arg4[%mul3A_80, %dma_start3A_84] : memref<10000x128xf32, #tpu.memory_space<hbm>> -> memref<80x128xf32, #tpu.memory_space<hbm>>
          %dma_start3A_86 = arith.constant 0 : i32
          %dma_start3A_87 = tpu.memref_slice %arg4[%mul3A_80, %dma_start3A_86] : memref<10000x128xf32, #tpu.memory_space<hbm>> -> memref<80x128xf32, #tpu.memory_space<hbm>>
          %dma_start3A_88 = arith.constant 0 : i32
          %dma_start3A_89 = arith.constant 0 : i32
          %dma_start3A_90 = tpu.memref_slice %arg8[%dma_start3A_88, %dma_start3A_89] : memref<128x128xf32, #tpu.memory_space<vmem>> -> memref<80x128xf32, #tpu.memory_space<vmem>>
          tpu.enqueue_dma source(%dma_start3A_90 : memref<80x128xf32, #tpu.memory_space<vmem>>) target(%dma_start3A_87 : memref<80x128xf32, #tpu.memory_space<hbm>>) target_semaphore(%run_scoped3A : memref<!tpu.dma_semaphore, #tpu.memory_space<semaphore_mem>>)
          %dma_wait3A = arith.constant 0 : i32
          %dma_wait3A_91 = arith.constant 0 : i32
          %dma_wait3A_92 = tpu.memref_slice %arg8[%dma_wait3A, %dma_wait3A_91] : memref<128x128xf32, #tpu.memory_space<vmem>> -> memref<80x128xf32, #tpu.memory_space<vmem>>
          %dma_wait3A_93 = arith.constant 0 : i32
          %dma_wait3A_94 = tpu.memref_slice %arg4[%mul3A_80, %dma_wait3A_93] : memref<10000x128xf32, #tpu.memory_space<hbm>> -> memref<80x128xf32, #tpu.memory_space<hbm>>
          %dma_wait3A_95 = arith.constant 0 : i32
          %dma_wait3A_96 = tpu.memref_slice %arg4[%mul3A_80, %dma_wait3A_95] : memref<10000x128xf32, #tpu.memory_space<hbm>> -> memref<80x128xf32, #tpu.memory_space<hbm>>
          %dma_wait3A_97 = arith.constant 0 : i32
          %dma_wait3A_98 = arith.constant 0 : i32
          %dma_wait3A_99 = tpu.memref_slice %arg8[%dma_wait3A_97, %dma_wait3A_98] : memref<128x128xf32, #tpu.memory_space<vmem>> -> memref<80x128xf32, #tpu.memory_space<vmem>>
          tpu.wait_dma2 semaphore(%run_scoped3A : memref<!tpu.dma_semaphore, #tpu.memory_space<semaphore_mem>>) src(%dma_wait3A_99 : memref<80x128xf32, #tpu.memory_space<vmem>>) dst(%dma_wait3A_96 : memref<80x128xf32, #tpu.memory_space<hbm>>)
          tpu.yield
        }) : () -> ()
        %while3A_81 = arith.constant 0 : i32
        scf.yield %while3A_81 : i32
      }
    } else {
    }
    %eq3A_57 = arith.constant 1 : i32
    %eq3A_58 = arith.cmpi eq, %arg0, %eq3A_57 : i32
    %convert_element_type3A_59 = arith.extui %eq3A_58 : i1 to i32
    %cond3A_60 = arith.constant 0 : i32
    %cond3A_61 = arith.cmpi ne, %convert_element_type3A_59, %cond3A_60 : i32
    scf.if %cond3A_61 {
      %while3A_62 = arith.constant 0 : i32
      %while3A_63 = arith.constant 0 : i32
      %while3A_64 = arith.subi %select_n3A_25, %while3A_62 : i32
      %while3A_65 = arith.addi %while3A_62, %while3A_64 : i32
      %while3A_66 = arith.constant 1 : i32
      %while3A_67 = arith.divsi %while3A_64, %while3A_66 : i32
      %while3A_68 = arith.muli %while3A_67, %while3A_66 : i32
      %while3A_69 = arith.addi %while3A_62, %while3A_68 : i32
      %while3A_70 = arith.constant 1 : i32
      %while3A_71 = scf.for %while3A_74 = %while3A_62 to %while3A_69 step %while3A_70 iter_args(%while3A_75 = %while3A_63) -> (i32)  : i32 {
        %mul3A_76 = arith.constant 16 : i32
        %mul3A_77 = arith.muli %mul3A_76, %while3A_74 : i32
        %add3A_78 = arith.addi %arg1, %mul3A_77 : i32
        %mul3A_79 = arith.constant 80 : i32
        %mul3A_80 = arith.muli %add3A_78, %mul3A_79 : i32
        "tpu.region"() ({
          %run_scoped3A = tpu.sem_alloc : memref<!tpu.dma_semaphore, #tpu.memory_space<semaphore_mem>>
          %dma_start3A = arith.constant 0 : i32
          %dma_start3A_82 = arith.constant 0 : i32
          %dma_start3A_83 = tpu.memref_slice %arg8[%dma_start3A, %dma_start3A_82] : memref<128x128xf32, #tpu.memory_space<vmem>> -> memref<80x128xf32, #tpu.memory_space<vmem>>
          %dma_start3A_84 = arith.constant 0 : i32
          %dma_start3A_85 = tpu.memref_slice %arg6[%mul3A_80, %dma_start3A_84] : memref<10000x128xf32, #tpu.memory_space<vmem_shared>> -> memref<80x128xf32, #tpu.memory_space<vmem_shared>>
          %dma_start3A_86 = arith.constant 0 : i32
          %dma_start3A_87 = arith.constant 0 : i32
          %dma_start3A_88 = tpu.memref_slice %arg8[%dma_start3A_86, %dma_start3A_87] : memref<128x128xf32, #tpu.memory_space<vmem>> -> memref<80x128xf32, #tpu.memory_space<vmem>>
          %dma_start3A_89 = arith.constant 0 : i32
          %dma_start3A_90 = tpu.memref_slice %arg6[%mul3A_80, %dma_start3A_89] : memref<10000x128xf32, #tpu.memory_space<vmem_shared>> -> memref<80x128xf32, #tpu.memory_space<vmem_shared>>
          tpu.enqueue_dma source(%dma_start3A_90 : memref<80x128xf32, #tpu.memory_space<vmem_shared>>) target(%dma_start3A_88 : memref<80x128xf32, #tpu.memory_space<vmem>>) target_semaphore(%run_scoped3A : memref<!tpu.dma_semaphore, #tpu.memory_space<semaphore_mem>>)
          %dma_wait3A = arith.constant 0 : i32
          %dma_wait3A_91 = arith.constant 0 : i32
          %dma_wait3A_92 = tpu.memref_slice %arg8[%dma_wait3A, %dma_wait3A_91] : memref<128x128xf32, #tpu.memory_space<vmem>> -> memref<80x128xf32, #tpu.memory_space<vmem>>
          %dma_wait3A_93 = arith.constant 0 : i32
          %dma_wait3A_94 = tpu.memref_slice %arg6[%mul3A_80, %dma_wait3A_93] : memref<10000x128xf32, #tpu.memory_space<vmem_shared>> -> memref<80x128xf32, #tpu.memory_space<vmem_shared>>
          %dma_wait3A_95 = arith.constant 0 : i32
          %dma_wait3A_96 = arith.constant 0 : i32
          %dma_wait3A_97 = tpu.memref_slice %arg8[%dma_wait3A_95, %dma_wait3A_96] : memref<128x128xf32, #tpu.memory_space<vmem>> -> memref<80x128xf32, #tpu.memory_space<vmem>>
          %dma_wait3A_98 = arith.constant 0 : i32
          %dma_wait3A_99 = tpu.memref_slice %arg6[%mul3A_80, %dma_wait3A_98] : memref<10000x128xf32, #tpu.memory_space<vmem_shared>> -> memref<80x128xf32, #tpu.memory_space<vmem_shared>>
          tpu.wait_dma2 semaphore(%run_scoped3A : memref<!tpu.dma_semaphore, #tpu.memory_space<semaphore_mem>>) src(%dma_wait3A_99 : memref<80x128xf32, #tpu.memory_space<vmem_shared>>) dst(%dma_wait3A_97 : memref<80x128xf32, #tpu.memory_space<vmem>>)
          tpu.yield
        }) : () -> ()
        "tpu.region"() ({
          %run_scoped3A = tpu.sem_alloc : memref<!tpu.dma_semaphore, #tpu.memory_space<semaphore_mem>>
          %dma_start3A = arith.constant 0 : i32
          %dma_start3A_82 = arith.constant 0 : i32
          %dma_start3A_83 = tpu.memref_slice %arg8[%dma_start3A, %dma_start3A_82] : memref<128x128xf32, #tpu.memory_space<vmem>> -> memref<80x128xf32, #tpu.memory_space<vmem>>
          %dma_start3A_84 = arith.constant 0 : i32
          %dma_start3A_85 = tpu.memref_slice %arg5[%mul3A_80, %dma_start3A_84] : memref<10000x128xf32, #tpu.memory_space<hbm>> -> memref<80x128xf32, #tpu.memory_space<hbm>>
          %dma_start3A_86 = arith.constant 0 : i32
          %dma_start3A_87 = tpu.memref_slice %arg5[%mul3A_80, %dma_start3A_86] : memref<10000x128xf32, #tpu.memory_space<hbm>> -> memref<80x128xf32, #tpu.memory_space<hbm>>
          %dma_start3A_88 = arith.constant 0 : i32
          %dma_start3A_89 = arith.constant 0 : i32
          %dma_start3A_90 = tpu.memref_slice %arg8[%dma_start3A_88, %dma_start3A_89] : memref<128x128xf32, #tpu.memory_space<vmem>> -> memref<80x128xf32, #tpu.memory_space<vmem>>
          tpu.enqueue_dma source(%dma_start3A_90 : memref<80x128xf32, #tpu.memory_space<vmem>>) target(%dma_start3A_87 : memref<80x128xf32, #tpu.memory_space<hbm>>) target_semaphore(%run_scoped3A : memref<!tpu.dma_semaphore, #tpu.memory_space<semaphore_mem>>)
          %dma_wait3A = arith.constant 0 : i32
          %dma_wait3A_91 = arith.constant 0 : i32
          %dma_wait3A_92 = tpu.memref_slice %arg8[%dma_wait3A, %dma_wait3A_91] : memref<128x128xf32, #tpu.memory_space<vmem>> -> memref<80x128xf32, #tpu.memory_space<vmem>>
          %dma_wait3A_93 = arith.constant 0 : i32
          %dma_wait3A_94 = tpu.memref_slice %arg5[%mul3A_80, %dma_wait3A_93] : memref<10000x128xf32, #tpu.memory_space<hbm>> -> memref<80x128xf32, #tpu.memory_space<hbm>>
          %dma_wait3A_95 = arith.constant 0 : i32
          %dma_wait3A_96 = tpu.memref_slice %arg5[%mul3A_80, %dma_wait3A_95] : memref<10000x128xf32, #tpu.memory_space<hbm>> -> memref<80x128xf32, #tpu.memory_space<hbm>>
          %dma_wait3A_97 = arith.constant 0 : i32
          %dma_wait3A_98 = arith.constant 0 : i32
          %dma_wait3A_99 = tpu.memref_slice %arg8[%dma_wait3A_97, %dma_wait3A_98] : memref<128x128xf32, #tpu.memory_space<vmem>> -> memref<80x128xf32, #tpu.memory_space<vmem>>
          tpu.wait_dma2 semaphore(%run_scoped3A : memref<!tpu.dma_semaphore, #tpu.memory_space<semaphore_mem>>) src(%dma_wait3A_99 : memref<80x128xf32, #tpu.memory_space<vmem>>) dst(%dma_wait3A_96 : memref<80x128xf32, #tpu.memory_space<hbm>>)
          tpu.yield
        }) : () -> ()
        %while3A_81 = arith.constant 0 : i32
        scf.yield %while3A_81 : i32
      }
      %while3A_72 = arith.constant 1 : i32
      %while3A_73 = scf.for %while3A_74 = %while3A_69 to %while3A_65 step %while3A_72 iter_args(%while3A_75 = %while3A_71) -> (i32)  : i32 {
        %mul3A_76 = arith.constant 16 : i32
        %mul3A_77 = arith.muli %mul3A_76, %while3A_74 : i32
        %add3A_78 = arith.addi %arg1, %mul3A_77 : i32
        %mul3A_79 = arith.constant 80 : i32
        %mul3A_80 = arith.muli %add3A_78, %mul3A_79 : i32
        "tpu.region"() ({
          %run_scoped3A = tpu.sem_alloc : memref<!tpu.dma_semaphore, #tpu.memory_space<semaphore_mem>>
          %dma_start3A = arith.constant 0 : i32
          %dma_start3A_82 = arith.constant 0 : i32
          %dma_start3A_83 = tpu.memref_slice %arg8[%dma_start3A, %dma_start3A_82] : memref<128x128xf32, #tpu.memory_space<vmem>> -> memref<80x128xf32, #tpu.memory_space<vmem>>
          %dma_start3A_84 = arith.constant 0 : i32
          %dma_start3A_85 = tpu.memref_slice %arg6[%mul3A_80, %dma_start3A_84] : memref<10000x128xf32, #tpu.memory_space<vmem_shared>> -> memref<80x128xf32, #tpu.memory_space<vmem_shared>>
          %dma_start3A_86 = arith.constant 0 : i32
          %dma_start3A_87 = arith.constant 0 : i32
          %dma_start3A_88 = tpu.memref_slice %arg8[%dma_start3A_86, %dma_start3A_87] : memref<128x128xf32, #tpu.memory_space<vmem>> -> memref<80x128xf32, #tpu.memory_space<vmem>>
          %dma_start3A_89 = arith.constant 0 : i32
          %dma_start3A_90 = tpu.memref_slice %arg6[%mul3A_80, %dma_start3A_89] : memref<10000x128xf32, #tpu.memory_space<vmem_shared>> -> memref<80x128xf32, #tpu.memory_space<vmem_shared>>
          tpu.enqueue_dma source(%dma_start3A_90 : memref<80x128xf32, #tpu.memory_space<vmem_shared>>) target(%dma_start3A_88 : memref<80x128xf32, #tpu.memory_space<vmem>>) target_semaphore(%run_scoped3A : memref<!tpu.dma_semaphore, #tpu.memory_space<semaphore_mem>>)
          %dma_wait3A = arith.constant 0 : i32
          %dma_wait3A_91 = arith.constant 0 : i32
          %dma_wait3A_92 = tpu.memref_slice %arg8[%dma_wait3A, %dma_wait3A_91] : memref<128x128xf32, #tpu.memory_space<vmem>> -> memref<80x128xf32, #tpu.memory_space<vmem>>
          %dma_wait3A_93 = arith.constant 0 : i32
          %dma_wait3A_94 = tpu.memref_slice %arg6[%mul3A_80, %dma_wait3A_93] : memref<10000x128xf32, #tpu.memory_space<vmem_shared>> -> memref<80x128xf32, #tpu.memory_space<vmem_shared>>
          %dma_wait3A_95 = arith.constant 0 : i32
          %dma_wait3A_96 = arith.constant 0 : i32
          %dma_wait3A_97 = tpu.memref_slice %arg8[%dma_wait3A_95, %dma_wait3A_96] : memref<128x128xf32, #tpu.memory_space<vmem>> -> memref<80x128xf32, #tpu.memory_space<vmem>>
          %dma_wait3A_98 = arith.constant 0 : i32
          %dma_wait3A_99 = tpu.memref_slice %arg6[%mul3A_80, %dma_wait3A_98] : memref<10000x128xf32, #tpu.memory_space<vmem_shared>> -> memref<80x128xf32, #tpu.memory_space<vmem_shared>>
          tpu.wait_dma2 semaphore(%run_scoped3A : memref<!tpu.dma_semaphore, #tpu.memory_space<semaphore_mem>>) src(%dma_wait3A_99 : memref<80x128xf32, #tpu.memory_space<vmem_shared>>) dst(%dma_wait3A_97 : memref<80x128xf32, #tpu.memory_space<vmem>>)
          tpu.yield
        }) : () -> ()
        "tpu.region"() ({
          %run_scoped3A = tpu.sem_alloc : memref<!tpu.dma_semaphore, #tpu.memory_space<semaphore_mem>>
          %dma_start3A = arith.constant 0 : i32
          %dma_start3A_82 = arith.constant 0 : i32
          %dma_start3A_83 = tpu.memref_slice %arg8[%dma_start3A, %dma_start3A_82] : memref<128x128xf32, #tpu.memory_space<vmem>> -> memref<80x128xf32, #tpu.memory_space<vmem>>
          %dma_start3A_84 = arith.constant 0 : i32
          %dma_start3A_85 = tpu.memref_slice %arg5[%mul3A_80, %dma_start3A_84] : memref<10000x128xf32, #tpu.memory_space<hbm>> -> memref<80x128xf32, #tpu.memory_space<hbm>>
          %dma_start3A_86 = arith.constant 0 : i32
          %dma_start3A_87 = tpu.memref_slice %arg5[%mul3A_80, %dma_start3A_86] : memref<10000x128xf32, #tpu.memory_space<hbm>> -> memref<80x128xf32, #tpu.memory_space<hbm>>
          %dma_start3A_88 = arith.constant 0 : i32
          %dma_start3A_89 = arith.constant 0 : i32
          %dma_start3A_90 = tpu.memref_slice %arg8[%dma_start3A_88, %dma_start3A_89] : memref<128x128xf32, #tpu.memory_space<vmem>> -> memref<80x128xf32, #tpu.memory_space<vmem>>
          tpu.enqueue_dma source(%dma_start3A_90 : memref<80x128xf32, #tpu.memory_space<vmem>>) target(%dma_start3A_87 : memref<80x128xf32, #tpu.memory_space<hbm>>) target_semaphore(%run_scoped3A : memref<!tpu.dma_semaphore, #tpu.memory_space<semaphore_mem>>)
          %dma_wait3A = arith.constant 0 : i32
          %dma_wait3A_91 = arith.constant 0 : i32
          %dma_wait3A_92 = tpu.memref_slice %arg8[%dma_wait3A, %dma_wait3A_91] : memref<128x128xf32, #tpu.memory_space<vmem>> -> memref<80x128xf32, #tpu.memory_space<vmem>>
          %dma_wait3A_93 = arith.constant 0 : i32
          %dma_wait3A_94 = tpu.memref_slice %arg5[%mul3A_80, %dma_wait3A_93] : memref<10000x128xf32, #tpu.memory_space<hbm>> -> memref<80x128xf32, #tpu.memory_space<hbm>>
          %dma_wait3A_95 = arith.constant 0 : i32
          %dma_wait3A_96 = tpu.memref_slice %arg5[%mul3A_80, %dma_wait3A_95] : memref<10000x128xf32, #tpu.memory_space<hbm>> -> memref<80x128xf32, #tpu.memory_space<hbm>>
          %dma_wait3A_97 = arith.constant 0 : i32
          %dma_wait3A_98 = arith.constant 0 : i32
          %dma_wait3A_99 = tpu.memref_slice %arg8[%dma_wait3A_97, %dma_wait3A_98] : memref<128x128xf32, #tpu.memory_space<vmem>> -> memref<80x128xf32, #tpu.memory_space<vmem>>
          tpu.wait_dma2 semaphore(%run_scoped3A : memref<!tpu.dma_semaphore, #tpu.memory_space<semaphore_mem>>) src(%dma_wait3A_99 : memref<80x128xf32, #tpu.memory_space<vmem>>) dst(%dma_wait3A_96 : memref<80x128xf32, #tpu.memory_space<hbm>>)
          tpu.yield
        }) : () -> ()
        %while3A_81 = arith.constant 0 : i32
        scf.yield %while3A_81 : i32
      }
    } else {
    }
    return
  }
}

#map = affine_map<(d0, d1) -> (0, 0)>
module attributes {stable_mosaic.version = 14 : i64} {
  func.func @_sc_b_body(%arg0: i32, %arg1: i32, %arg2: memref<10000x128xf32, #tpu.memory_space<hbm>>, %arg3: memref<10000x128xf32, #tpu.memory_space<hbm>>, %arg4: memref<1280x128xi32, #tpu.memory_space<hbm>>, %arg5: memref<1280x128xi32, #tpu.memory_space<hbm>>, %arg6: memref<10000x128xf32, #tpu.memory_space<hbm>>, %arg7: memref<10000x128xf32, #tpu.memory_space<hbm>>, %arg8: memref<10000x128xf32, #tpu.memory_space<vmem_shared>>, %arg9: memref<16x128xi32, #tpu.memory_space<vmem>>, %arg10: memref<16x128xi32, #tpu.memory_space<vmem>>, %arg11: memref<128x128xf32, #tpu.memory_space<vmem>>, %arg12: memref<128x128xf32, #tpu.memory_space<vmem>>, %arg13: memref<!tpu.dma_semaphore, #tpu.memory_space<semaphore_mem>>, %arg14: memref<!tpu.dma_semaphore, #tpu.memory_space<semaphore_mem>>) attributes {dimension_semantics = [#tpu.dimension_semantics<core_parallel>, #tpu.dimension_semantics<subcore_parallel>], iteration_bounds = array<i64: 2, 16>, scalar_prefetch = 0 : i64, scratch_operands = 7 : i64, tpu.core_type = #tpu.core_type<sc_vector_subcore>, window_params = [{transform_indices = #map}, {transform_indices = #map}, {transform_indices = #map}, {transform_indices = #map}, {transform_indices = #map}, {transform_indices = #map}]} {
    %mul3A = arith.constant 80 : i32
    %mul3A_0 = arith.muli %arg1, %mul3A : i32
    %add3A = arith.constant 80 : i32
    %add3A_1 = arith.addi %mul3A_0, %add3A : i32
    %min3A = arith.constant 1250 : i32
    %min3A_2 = arith.minsi %add3A_1, %min3A : i32
    %sub3A = arith.subi %min3A_2, %mul3A_0 : i32
    %add3A_3 = arith.constant 15 : i32
    %add3A_4 = arith.addi %sub3A, %add3A_3 : i32
    %jit3A = arith.constant 16 : i32
    %div3A = arith.divsi %add3A_4, %jit3A : i32
    %sign3A = arith.constant 0 : i32
    %sign3A_5 = arith.cmpi sgt, %add3A_4, %sign3A : i32
    %sign3A_6 = arith.extui %sign3A_5 : i1 to i32
    %sign3A_7 = arith.constant 0 : i32
    %sign3A_8 = arith.cmpi slt, %add3A_4, %sign3A_7 : i32
    %sign3A_9 = arith.extui %sign3A_8 : i1 to i32
    %sign3A_10 = arith.subi %sign3A_6, %sign3A_9 : i32
    %sign3A_11 = arith.constant 0 : i32
    %sign3A_12 = arith.cmpi sgt, %jit3A, %sign3A_11 : i32
    %sign3A_13 = arith.extui %sign3A_12 : i1 to i32
    %sign3A_14 = arith.constant 0 : i32
    %sign3A_15 = arith.cmpi slt, %jit3A, %sign3A_14 : i32
    %sign3A_16 = arith.extui %sign3A_15 : i1 to i32
    %sign3A_17 = arith.subi %sign3A_13, %sign3A_16 : i32
    %ne3A = arith.cmpi ne, %sign3A_10, %sign3A_17 : i32
    %rem3A = arith.remsi %add3A_4, %jit3A : i32
    %ne3A_18 = arith.constant 0 : i32
    %ne3A_19 = arith.cmpi ne, %rem3A, %ne3A_18 : i32
    %and3A = arith.andi %ne3A, %ne3A_19 : i1
    %sub3A_20 = arith.constant 1 : i32
    %sub3A_21 = arith.subi %div3A, %sub3A_20 : i32
    %select_n3A = arith.select %and3A, %sub3A_21, %div3A : i32
    %lt3A = arith.constant 13 : i32
    %lt3A_22 = arith.cmpi slt, %arg1, %lt3A : i32
    %jit3A_23 = arith.constant 8 : i32
    %jit3A_24 = arith.constant 7 : i32
    %select_n3A_25 = arith.select %lt3A_22, %jit3A_23, %jit3A_24 : i32
    %broadcast_in_dim3A = arith.constant 0.000000e+00 : f32
    %broadcast_in_dim3A_26 = vector.broadcast %broadcast_in_dim3A : f32 to vector<16xf32>
    %scan3A = arith.constant 0 : i32
    %scan3A_27 = arith.constant 0 : i32
    %scan3A_28 = arith.constant 80 : i32
    %scan3A_29 = arith.addi %scan3A_27, %scan3A_28 : i32
    %scan3A_30 = arith.constant 1 : i32
    %scan3A_31 = scf.for %scan3A_62 = %scan3A_27 to %scan3A_29 step %scan3A_30 iter_args(%scan3A_63 = %scan3A) -> (i32)  : i32 {
      %swap3A = arith.index_cast %scan3A_62 : i32 to index
      %swap3A_64 = arith.constant 0 : index
      %swap3A_65 = tpu.vector_load %arg11[%swap3A, %swap3A_64] {strides = array<i32>} : memref<128x128xf32, #tpu.memory_space<vmem>>, vector<1x16xf32>,
      %swap3A_66 = vector.shape_cast %swap3A_65 : vector<1x16xf32> to vector<16xf32>
      %swap3A_67 = vector.shape_cast %broadcast_in_dim3A_26 : vector<16xf32> to vector<1x16xf32>
      tpu.vector_store %arg11[%swap3A, %swap3A_64], %swap3A_67 {strides = array<i32>} : memref<128x128xf32, #tpu.memory_space<vmem>>, vector<1x16xf32>,
      %swap3A_68 = arith.index_cast %scan3A_62 : i32 to index
      %swap3A_69 = arith.constant 16 : index
      %swap3A_70 = tpu.vector_load %arg11[%swap3A_68, %swap3A_69] {strides = array<i32>} : memref<128x128xf32, #tpu.memory_space<vmem>>, vector<1x16xf32>,
      %swap3A_71 = vector.shape_cast %swap3A_70 : vector<1x16xf32> to vector<16xf32>
      %swap3A_72 = vector.shape_cast %broadcast_in_dim3A_26 : vector<16xf32> to vector<1x16xf32>
      tpu.vector_store %arg11[%swap3A_68, %swap3A_69], %swap3A_72 {strides = array<i32>} : memref<128x128xf32, #tpu.memory_space<vmem>>, vector<1x16xf32>,
      %swap3A_73 = arith.index_cast %scan3A_62 : i32 to index
      %swap3A_74 = arith.constant 32 : index
      %swap3A_75 = tpu.vector_load %arg11[%swap3A_73, %swap3A_74] {strides = array<i32>} : memref<128x128xf32, #tpu.memory_space<vmem>>, vector<1x16xf32>,
      %swap3A_76 = vector.shape_cast %swap3A_75 : vector<1x16xf32> to vector<16xf32>
      %swap3A_77 = vector.shape_cast %broadcast_in_dim3A_26 : vector<16xf32> to vector<1x16xf32>
      tpu.vector_store %arg11[%swap3A_73, %swap3A_74], %swap3A_77 {strides = array<i32>} : memref<128x128xf32, #tpu.memory_space<vmem>>, vector<1x16xf32>,
      %swap3A_78 = arith.index_cast %scan3A_62 : i32 to index
      %swap3A_79 = arith.constant 48 : index
      %swap3A_80 = tpu.vector_load %arg11[%swap3A_78, %swap3A_79] {strides = array<i32>} : memref<128x128xf32, #tpu.memory_space<vmem>>, vector<1x16xf32>,
      %swap3A_81 = vector.shape_cast %swap3A_80 : vector<1x16xf32> to vector<16xf32>
      %swap3A_82 = vector.shape_cast %broadcast_in_dim3A_26 : vector<16xf32> to vector<1x16xf32>
      tpu.vector_store %arg11[%swap3A_78, %swap3A_79], %swap3A_82 {strides = array<i32>} : memref<128x128xf32, #tpu.memory_space<vmem>>, vector<1x16xf32>,
      %swap3A_83 = arith.index_cast %scan3A_62 : i32 to index
      %swap3A_84 = arith.constant 64 : index
      %swap3A_85 = tpu.vector_load %arg11[%swap3A_83, %swap3A_84] {strides = array<i32>} : memref<128x128xf32, #tpu.memory_space<vmem>>, vector<1x16xf32>,
      %swap3A_86 = vector.shape_cast %swap3A_85 : vector<1x16xf32> to vector<16xf32>
      %swap3A_87 = vector.shape_cast %broadcast_in_dim3A_26 : vector<16xf32> to vector<1x16xf32>
      tpu.vector_store %arg11[%swap3A_83, %swap3A_84], %swap3A_87 {strides = array<i32>} : memref<128x128xf32, #tpu.memory_space<vmem>>, vector<1x16xf32>,
      %swap3A_88 = arith.index_cast %scan3A_62 : i32 to index
      %swap3A_89 = arith.constant 80 : index
      %swap3A_90 = tpu.vector_load %arg11[%swap3A_88, %swap3A_89] {strides = array<i32>} : memref<128x128xf32, #tpu.memory_space<vmem>>, vector<1x16xf32>,
      %swap3A_91 = vector.shape_cast %swap3A_90 : vector<1x16xf32> to vector<16xf32>
      %swap3A_92 = vector.shape_cast %broadcast_in_dim3A_26 : vector<16xf32> to vector<1x16xf32>
      tpu.vector_store %arg11[%swap3A_88, %swap3A_89], %swap3A_92 {strides = array<i32>} : memref<128x128xf32, #tpu.memory_space<vmem>>, vector<1x16xf32>,
      %swap3A_93 = arith.index_cast %scan3A_62 : i32 to index
      %swap3A_94 = arith.constant 96 : index
      %swap3A_95 = tpu.vector_load %arg11[%swap3A_93, %swap3A_94] {strides = array<i32>} : memref<128x128xf32, #tpu.memory_space<vmem>>, vector<1x16xf32>,
      %swap3A_96 = vector.shape_cast %swap3A_95 : vector<1x16xf32> to vector<16xf32>
      %swap3A_97 = vector.shape_cast %broadcast_in_dim3A_26 : vector<16xf32> to vector<1x16xf32>
      tpu.vector_store %arg11[%swap3A_93, %swap3A_94], %swap3A_97 {strides = array<i32>} : memref<128x128xf32, #tpu.memory_space<vmem>>, vector<1x16xf32>,
      %swap3A_98 = arith.index_cast %scan3A_62 : i32 to index
      %swap3A_99 = arith.constant 112 : index
      %swap3A_100 = tpu.vector_load %arg11[%swap3A_98, %swap3A_99] {strides = array<i32>} : memref<128x128xf32, #tpu.memory_space<vmem>>, vector<1x16xf32>,
      %swap3A_101 = vector.shape_cast %swap3A_100 : vector<1x16xf32> to vector<16xf32>
      %swap3A_102 = vector.shape_cast %broadcast_in_dim3A_26 : vector<16xf32> to vector<1x16xf32>
      tpu.vector_store %arg11[%swap3A_98, %swap3A_99], %swap3A_102 {strides = array<i32>} : memref<128x128xf32, #tpu.memory_space<vmem>>, vector<1x16xf32>,
      %scan3A_103 = arith.constant 0 : i32
      scf.yield %scan3A_103 : i32
    }
    %scan3A_32 = arith.constant 80 : i32
    %while3A = arith.constant 0 : i32
    %while3A_33 = arith.constant 0 : i32
    %while3A_34 = arith.subi %select_n3A_25, %while3A : i32
    %while3A_35 = arith.addi %while3A, %while3A_34 : i32
    %while3A_36 = arith.constant 1 : i32
    %while3A_37 = arith.divsi %while3A_34, %while3A_36 : i32
    %while3A_38 = arith.muli %while3A_37, %while3A_36 : i32
    %while3A_39 = arith.addi %while3A, %while3A_38 : i32
    %while3A_40 = arith.constant 1 : i32
    %while3A_41 = scf.for %while3A_62 = %while3A to %while3A_39 step %while3A_40 iter_args(%while3A_63 = %while3A_33) -> (i32)  : i32 {
      %mul3A_64 = arith.constant 16 : i32
      %mul3A_65 = arith.muli %mul3A_64, %while3A_62 : i32
      %add3A_66 = arith.addi %arg1, %mul3A_65 : i32
      %mul3A_67 = arith.constant 80 : i32
      %mul3A_68 = arith.muli %add3A_66, %mul3A_67 : i32
      "tpu.region"() ({
        %run_scoped3A = tpu.sem_alloc : memref<!tpu.dma_semaphore, #tpu.memory_space<semaphore_mem>>
        %dma_start3A = arith.constant 0 : i32
        %dma_start3A_70 = arith.constant 0 : i32
        %dma_start3A_71 = tpu.memref_slice %arg11[%dma_start3A, %dma_start3A_70] : memref<128x128xf32, #tpu.memory_space<vmem>> -> memref<80x128xf32, #tpu.memory_space<vmem>>
        %dma_start3A_72 = arith.constant 0 : i32
        %dma_start3A_73 = tpu.memref_slice %arg8[%mul3A_68, %dma_start3A_72] : memref<10000x128xf32, #tpu.memory_space<vmem_shared>> -> memref<80x128xf32, #tpu.memory_space<vmem_shared>>
        %dma_start3A_74 = arith.constant 0 : i32
        %dma_start3A_75 = tpu.memref_slice %arg8[%mul3A_68, %dma_start3A_74] : memref<10000x128xf32, #tpu.memory_space<vmem_shared>> -> memref<80x128xf32, #tpu.memory_space<vmem_shared>>
        %dma_start3A_76 = arith.constant 0 : i32
        %dma_start3A_77 = arith.constant 0 : i32
        %dma_start3A_78 = tpu.memref_slice %arg11[%dma_start3A_76, %dma_start3A_77] : memref<128x128xf32, #tpu.memory_space<vmem>> -> memref<80x128xf32, #tpu.memory_space<vmem>>
        tpu.enqueue_dma source(%dma_start3A_78 : memref<80x128xf32, #tpu.memory_space<vmem>>) target(%dma_start3A_75 : memref<80x128xf32, #tpu.memory_space<vmem_shared>>) target_semaphore(%run_scoped3A : memref<!tpu.dma_semaphore, #tpu.memory_space<semaphore_mem>>)
        %dma_wait3A = arith.constant 0 : i32
        %dma_wait3A_79 = arith.constant 0 : i32
        %dma_wait3A_80 = tpu.memref_slice %arg11[%dma_wait3A, %dma_wait3A_79] : memref<128x128xf32, #tpu.memory_space<vmem>> -> memref<80x128xf32, #tpu.memory_space<vmem>>
        %dma_wait3A_81 = arith.constant 0 : i32
        %dma_wait3A_82 = tpu.memref_slice %arg8[%mul3A_68, %dma_wait3A_81] : memref<10000x128xf32, #tpu.memory_space<vmem_shared>> -> memref<80x128xf32, #tpu.memory_space<vmem_shared>>
        %dma_wait3A_83 = arith.constant 0 : i32
        %dma_wait3A_84 = tpu.memref_slice %arg8[%mul3A_68, %dma_wait3A_83] : memref<10000x128xf32, #tpu.memory_space<vmem_shared>> -> memref<80x128xf32, #tpu.memory_space<vmem_shared>>
        %dma_wait3A_85 = arith.constant 0 : i32
        %dma_wait3A_86 = arith.constant 0 : i32
        %dma_wait3A_87 = tpu.memref_slice %arg11[%dma_wait3A_85, %dma_wait3A_86] : memref<128x128xf32, #tpu.memory_space<vmem>> -> memref<80x128xf32, #tpu.memory_space<vmem>>
        tpu.wait_dma2 semaphore(%run_scoped3A : memref<!tpu.dma_semaphore, #tpu.memory_space<semaphore_mem>>) src(%dma_wait3A_87 : memref<80x128xf32, #tpu.memory_space<vmem>>) dst(%dma_wait3A_84 : memref<80x128xf32, #tpu.memory_space<vmem_shared>>)
        tpu.yield
      }) : () -> ()
      %while3A_69 = arith.constant 0 : i32
      scf.yield %while3A_69 : i32
    }
    %while3A_42 = arith.constant 1 : i32
    %while3A_43 = scf.for %while3A_62 = %while3A_39 to %while3A_35 step %while3A_42 iter_args(%while3A_63 = %while3A_41) -> (i32)  : i32 {
      %mul3A_64 = arith.constant 16 : i32
      %mul3A_65 = arith.muli %mul3A_64, %while3A_62 : i32
      %add3A_66 = arith.addi %arg1, %mul3A_65 : i32
      %mul3A_67 = arith.constant 80 : i32
      %mul3A_68 = arith.muli %add3A_66, %mul3A_67 : i32
      "tpu.region"() ({
        %run_scoped3A = tpu.sem_alloc : memref<!tpu.dma_semaphore, #tpu.memory_space<semaphore_mem>>
        %dma_start3A = arith.constant 0 : i32
        %dma_start3A_70 = arith.constant 0 : i32
        %dma_start3A_71 = tpu.memref_slice %arg11[%dma_start3A, %dma_start3A_70] : memref<128x128xf32, #tpu.memory_space<vmem>> -> memref<80x128xf32, #tpu.memory_space<vmem>>
        %dma_start3A_72 = arith.constant 0 : i32
        %dma_start3A_73 = tpu.memref_slice %arg8[%mul3A_68, %dma_start3A_72] : memref<10000x128xf32, #tpu.memory_space<vmem_shared>> -> memref<80x128xf32, #tpu.memory_space<vmem_shared>>
        %dma_start3A_74 = arith.constant 0 : i32
        %dma_start3A_75 = tpu.memref_slice %arg8[%mul3A_68, %dma_start3A_74] : memref<10000x128xf32, #tpu.memory_space<vmem_shared>> -> memref<80x128xf32, #tpu.memory_space<vmem_shared>>
        %dma_start3A_76 = arith.constant 0 : i32
        %dma_start3A_77 = arith.constant 0 : i32
        %dma_start3A_78 = tpu.memref_slice %arg11[%dma_start3A_76, %dma_start3A_77] : memref<128x128xf32, #tpu.memory_space<vmem>> -> memref<80x128xf32, #tpu.memory_space<vmem>>
        tpu.enqueue_dma source(%dma_start3A_78 : memref<80x128xf32, #tpu.memory_space<vmem>>) target(%dma_start3A_75 : memref<80x128xf32, #tpu.memory_space<vmem_shared>>) target_semaphore(%run_scoped3A : memref<!tpu.dma_semaphore, #tpu.memory_space<semaphore_mem>>)
        %dma_wait3A = arith.constant 0 : i32
        %dma_wait3A_79 = arith.constant 0 : i32
        %dma_wait3A_80 = tpu.memref_slice %arg11[%dma_wait3A, %dma_wait3A_79] : memref<128x128xf32, #tpu.memory_space<vmem>> -> memref<80x128xf32, #tpu.memory_space<vmem>>
        %dma_wait3A_81 = arith.constant 0 : i32
        %dma_wait3A_82 = tpu.memref_slice %arg8[%mul3A_68, %dma_wait3A_81] : memref<10000x128xf32, #tpu.memory_space<vmem_shared>> -> memref<80x128xf32, #tpu.memory_space<vmem_shared>>
        %dma_wait3A_83 = arith.constant 0 : i32
        %dma_wait3A_84 = tpu.memref_slice %arg8[%mul3A_68, %dma_wait3A_83] : memref<10000x128xf32, #tpu.memory_space<vmem_shared>> -> memref<80x128xf32, #tpu.memory_space<vmem_shared>>
        %dma_wait3A_85 = arith.constant 0 : i32
        %dma_wait3A_86 = arith.constant 0 : i32
        %dma_wait3A_87 = tpu.memref_slice %arg11[%dma_wait3A_85, %dma_wait3A_86] : memref<128x128xf32, #tpu.memory_space<vmem>> -> memref<80x128xf32, #tpu.memory_space<vmem>>
        tpu.wait_dma2 semaphore(%run_scoped3A : memref<!tpu.dma_semaphore, #tpu.memory_space<semaphore_mem>>) src(%dma_wait3A_87 : memref<80x128xf32, #tpu.memory_space<vmem>>) dst(%dma_wait3A_84 : memref<80x128xf32, #tpu.memory_space<vmem_shared>>)
        tpu.yield
      }) : () -> ()
      %while3A_69 = arith.constant 0 : i32
      scf.yield %while3A_69 : i32
    }
    %barrier3A = arith.constant 0 : index
    tpu.barrier barrier_id(%barrier3A)
    %eq3A = arith.constant 0 : i32
    %eq3A_44 = arith.cmpi eq, %arg0, %eq3A : i32
    %convert_element_type3A = arith.extui %eq3A_44 : i1 to i32
    %cond3A = arith.constant 0 : i32
    %cond3A_45 = arith.cmpi ne, %convert_element_type3A, %cond3A : i32
    scf.if %cond3A_45 {
      %while3A_62 = arith.constant 0 : i32
      %while3A_63 = arith.constant 0 : i32
      %while3A_64 = arith.subi %select_n3A, %while3A_62 : i32
      %while3A_65 = arith.addi %while3A_62, %while3A_64 : i32
      %while3A_66 = arith.constant 1 : i32
      %while3A_67 = arith.divsi %while3A_64, %while3A_66 : i32
      %while3A_68 = arith.muli %while3A_67, %while3A_66 : i32
      %while3A_69 = arith.addi %while3A_62, %while3A_68 : i32
      %while3A_70 = arith.constant 1 : i32
      %while3A_71 = scf.for %while3A_74 = %while3A_62 to %while3A_69 step %while3A_70 iter_args(%while3A_75 = %while3A_63) -> (i32)  : i32 {
        %mul3A_76 = arith.constant 16 : i32
        %mul3A_77 = arith.muli %while3A_74, %mul3A_76 : i32
        %add3A_78 = arith.addi %mul3A_0, %mul3A_77 : i32
        "tpu.region"() ({
          %run_scoped3A = tpu.sem_alloc : memref<!tpu.dma_semaphore, #tpu.memory_space<semaphore_mem>>
          %dma_start3A_125 = arith.constant 0 : i32
          %dma_start3A_126 = tpu.memref_slice %arg5[%add3A_78, %dma_start3A_125] : memref<1280x128xi32, #tpu.memory_space<hbm>> -> memref<16x128xi32, #tpu.memory_space<hbm>>
          %dma_start3A_127 = arith.constant 0 : i32
          %dma_start3A_128 = tpu.memref_slice %arg5[%add3A_78, %dma_start3A_127] : memref<1280x128xi32, #tpu.memory_space<hbm>> -> memref<16x128xi32, #tpu.memory_space<hbm>>
          tpu.enqueue_dma source(%dma_start3A_128 : memref<16x128xi32, #tpu.memory_space<hbm>>) target(%arg9 : memref<16x128xi32, #tpu.memory_space<vmem>>) target_semaphore(%run_scoped3A : memref<!tpu.dma_semaphore, #tpu.memory_space<semaphore_mem>>)
          %dma_wait3A = arith.constant 0 : i32
          %dma_wait3A_129 = tpu.memref_slice %arg5[%add3A_78, %dma_wait3A] : memref<1280x128xi32, #tpu.memory_space<hbm>> -> memref<16x128xi32, #tpu.memory_space<hbm>>
          %dma_wait3A_130 = arith.constant 0 : i32
          %dma_wait3A_131 = tpu.memref_slice %arg5[%add3A_78, %dma_wait3A_130] : memref<1280x128xi32, #tpu.memory_space<hbm>> -> memref<16x128xi32, #tpu.memory_space<hbm>>
          tpu.wait_dma2 semaphore(%run_scoped3A : memref<!tpu.dma_semaphore, #tpu.memory_space<semaphore_mem>>) src(%dma_wait3A_131 : memref<16x128xi32, #tpu.memory_space<hbm>>) dst(%arg9 : memref<16x128xi32, #tpu.memory_space<vmem>>)
          tpu.yield
        }) : () -> ()
        "tpu.region"() ({
          %run_scoped3A = tpu.sem_alloc : memref<!tpu.dma_semaphore, #tpu.memory_space<semaphore_mem>>
          %dma_start3A_125 = arith.constant 0 : i32
          %dma_start3A_126 = tpu.memref_slice %arg4[%add3A_78, %dma_start3A_125] : memref<1280x128xi32, #tpu.memory_space<hbm>> -> memref<16x128xi32, #tpu.memory_space<hbm>>
          %dma_start3A_127 = arith.constant 0 : i32
          %dma_start3A_128 = tpu.memref_slice %arg4[%add3A_78, %dma_start3A_127] : memref<1280x128xi32, #tpu.memory_space<hbm>> -> memref<16x128xi32, #tpu.memory_space<hbm>>
          tpu.enqueue_dma source(%dma_start3A_128 : memref<16x128xi32, #tpu.memory_space<hbm>>) target(%arg10 : memref<16x128xi32, #tpu.memory_space<vmem>>) target_semaphore(%run_scoped3A : memref<!tpu.dma_semaphore, #tpu.memory_space<semaphore_mem>>)
          %dma_wait3A = arith.constant 0 : i32
          %dma_wait3A_129 = tpu.memref_slice %arg4[%add3A_78, %dma_wait3A] : memref<1280x128xi32, #tpu.memory_space<hbm>> -> memref<16x128xi32, #tpu.memory_space<hbm>>
          %dma_wait3A_130 = arith.constant 0 : i32
          %dma_wait3A_131 = tpu.memref_slice %arg4[%add3A_78, %dma_wait3A_130] : memref<1280x128xi32, #tpu.memory_space<hbm>> -> memref<16x128xi32, #tpu.memory_space<hbm>>
          tpu.wait_dma2 semaphore(%run_scoped3A : memref<!tpu.dma_semaphore, #tpu.memory_space<semaphore_mem>>) src(%dma_wait3A_131 : memref<16x128xi32, #tpu.memory_space<hbm>>) dst(%arg10 : memref<16x128xi32, #tpu.memory_space<vmem>>)
          tpu.yield
        }) : () -> ()
        %sub3A_79 = arith.subi %min3A_2, %add3A_78 : i32
        %min3A_80 = arith.constant 16 : i32
        %min3A_81 = arith.minsi %sub3A_79, %min3A_80 : i32
        %jit3A_82 = arith.constant 2 : i32
        %div3A_83 = arith.divsi %min3A_81, %jit3A_82 : i32
        %sign3A_84 = arith.constant 0 : i32
        %sign3A_85 = arith.cmpi sgt, %min3A_81, %sign3A_84 : i32
        %sign3A_86 = arith.extui %sign3A_85 : i1 to i32
        %sign3A_87 = arith.constant 0 : i32
        %sign3A_88 = arith.cmpi slt, %min3A_81, %sign3A_87 : i32
        %sign3A_89 = arith.extui %sign3A_88 : i1 to i32
        %sign3A_90 = arith.subi %sign3A_86, %sign3A_89 : i32
        %sign3A_91 = arith.constant 0 : i32
        %sign3A_92 = arith.cmpi sgt, %jit3A_82, %sign3A_91 : i32
        %sign3A_93 = arith.extui %sign3A_92 : i1 to i32
        %sign3A_94 = arith.constant 0 : i32
        %sign3A_95 = arith.cmpi slt, %jit3A_82, %sign3A_94 : i32
        %sign3A_96 = arith.extui %sign3A_95 : i1 to i32
        %sign3A_97 = arith.subi %sign3A_93, %sign3A_96 : i32
        %ne3A_98 = arith.cmpi ne, %sign3A_90, %sign3A_97 : i32
        %rem3A_99 = arith.remsi %min3A_81, %jit3A_82 : i32
        %ne3A_100 = arith.constant 0 : i32
        %ne3A_101 = arith.cmpi ne, %rem3A_99, %ne3A_100 : i32
        %and3A_102 = arith.andi %ne3A_98, %ne3A_101 : i1
        %sub3A_103 = arith.constant 1 : i32
        %sub3A_104 = arith.subi %div3A_83, %sub3A_103 : i32
        %select_n3A_105 = arith.select %and3A_102, %sub3A_104, %div3A_83 : i32
        %dma_start3A = arith.constant 0 : i32
        %dma_start3A_106 = arith.constant 0 : i32
        %dma_start3A_107 = tpu.memref_slice %arg10[%dma_start3A, %dma_start3A_106] : memref<16x128xi32, #tpu.memory_space<vmem>> -> memref<1x128xi32, #tpu.memory_space<vmem>>
        %dma_start3A_108 = tpu.memref_squeeze %dma_start3A_107 : memref<1x128xi32, #tpu.memory_space<vmem>> -> memref<128xi32, #tpu.memory_space<vmem>>
        %dma_start3A_109 = arith.constant 0 : i32
        %dma_start3A_110 = arith.constant 0 : i32
        %dma_start3A_111 = tpu.memref_slice %arg2[%dma_start3A_109, %dma_start3A_110] : memref<10000x128xf32, #tpu.memory_space<hbm>> -> memref<10000x128xf32, #tpu.memory_space<hbm>>
        tpu.enqueue_indirect_dma source(%dma_start3A_111 : memref<10000x128xf32, #tpu.memory_space<hbm>>) target(%arg11 : memref<128x128xf32, #tpu.memory_space<vmem>>) offsets(%dma_start3A_108 : memref<128xi32, #tpu.memory_space<vmem>>) semaphore(%arg13 : memref<!tpu.dma_semaphore, #tpu.memory_space<semaphore_mem>>)
        %while3A_112 = arith.constant 0 : i32
        %while3A_113 = arith.constant 0 : i32
        %while3A_114 = arith.subi %select_n3A_105, %while3A_112 : i32
        %while3A_115 = arith.addi %while3A_112, %while3A_114 : i32
        %while3A_116 = arith.constant 1 : i32
        %while3A_117 = arith.divsi %while3A_114, %while3A_116 : i32
        %while3A_118 = arith.muli %while3A_117, %while3A_116 : i32
        %while3A_119 = arith.addi %while3A_112, %while3A_118 : i32
        %while3A_120 = arith.constant 1 : i32
        %while3A_121 = scf.for %while3A_125 = %while3A_112 to %while3A_119 step %while3A_120 iter_args(%while3A_126 = %while3A_113) -> (i32)  : i32 {
          %mul3A_127 = arith.constant 2 : i32
          %mul3A_128 = arith.muli %mul3A_127, %while3A_125 : i32
          %dma_wait3A = arith.constant 0 : i32
          %dma_wait3A_129 = tpu.memref_slice %arg10[%mul3A_128, %dma_wait3A] : memref<16x128xi32, #tpu.memory_space<vmem>> -> memref<1x128xi32, #tpu.memory_space<vmem>>
          %dma_wait3A_130 = tpu.memref_squeeze %dma_wait3A_129 : memref<1x128xi32, #tpu.memory_space<vmem>> -> memref<128xi32, #tpu.memory_space<vmem>>
          %dma_wait3A_131 = arith.constant 0 : i32
          %dma_wait3A_132 = arith.constant 0 : i32
          %dma_wait3A_133 = tpu.memref_slice %arg2[%dma_wait3A_131, %dma_wait3A_132] : memref<10000x128xf32, #tpu.memory_space<hbm>> -> memref<10000x128xf32, #tpu.memory_space<hbm>>
          tpu.wait_indirect_dma semaphore(%arg13 : memref<!tpu.dma_semaphore, #tpu.memory_space<semaphore_mem>>) src(%dma_wait3A_133 : memref<10000x128xf32, #tpu.memory_space<hbm>>) dst(%arg11 : memref<128x128xf32, #tpu.memory_space<vmem>>)
          %mul3A_134 = arith.constant 2 : i32
          %mul3A_135 = arith.muli %mul3A_134, %while3A_125 : i32
          %add3A_136 = arith.constant 1 : i32
          %add3A_137 = arith.addi %mul3A_135, %add3A_136 : i32
          %dma_start3A_138 = arith.constant 0 : i32
          %dma_start3A_139 = tpu.memref_slice %arg10[%add3A_137, %dma_start3A_138] : memref<16x128xi32, #tpu.memory_space<vmem>> -> memref<1x128xi32, #tpu.memory_space<vmem>>
          %dma_start3A_140 = tpu.memref_squeeze %dma_start3A_139 : memref<1x128xi32, #tpu.memory_space<vmem>> -> memref<128xi32, #tpu.memory_space<vmem>>
          %dma_start3A_141 = arith.constant 0 : i32
          %dma_start3A_142 = arith.constant 0 : i32
          %dma_start3A_143 = tpu.memref_slice %arg2[%dma_start3A_141, %dma_start3A_142] : memref<10000x128xf32, #tpu.memory_space<hbm>> -> memref<10000x128xf32, #tpu.memory_space<hbm>>
          tpu.enqueue_indirect_dma source(%dma_start3A_143 : memref<10000x128xf32, #tpu.memory_space<hbm>>) target(%arg12 : memref<128x128xf32, #tpu.memory_space<vmem>>) offsets(%dma_start3A_140 : memref<128xi32, #tpu.memory_space<vmem>>) semaphore(%arg14 : memref<!tpu.dma_semaphore, #tpu.memory_space<semaphore_mem>>)
          %mul3A_144 = arith.constant 2 : i32
          %mul3A_145 = arith.muli %mul3A_144, %while3A_125 : i32
          "tpu.region"() ({
            %run_scoped3A = tpu.sem_alloc : memref<!tpu.dma_semaphore, #tpu.memory_space<semaphore_mem>>
            %dma_start3A_167 = arith.constant 0 : i32
            %dma_start3A_168 = tpu.memref_slice %arg9[%mul3A_145, %dma_start3A_167] : memref<16x128xi32, #tpu.memory_space<vmem>> -> memref<1x128xi32, #tpu.memory_space<vmem>>
            %dma_start3A_169 = tpu.memref_squeeze %dma_start3A_168 : memref<1x128xi32, #tpu.memory_space<vmem>> -> memref<128xi32, #tpu.memory_space<vmem>>
            %dma_start3A_170 = arith.constant 0 : i32
            %dma_start3A_171 = arith.constant 0 : i32
            %dma_start3A_172 = tpu.memref_slice %arg8[%dma_start3A_170, %dma_start3A_171] : memref<10000x128xf32, #tpu.memory_space<vmem_shared>> -> memref<10000x128xf32, #tpu.memory_space<vmem_shared>>
            tpu.enqueue_indirect_dma source(%arg11 : memref<128x128xf32, #tpu.memory_space<vmem>>) target(%dma_start3A_172 : memref<10000x128xf32, #tpu.memory_space<vmem_shared>>) offsets(%dma_start3A_169 : memref<128xi32, #tpu.memory_space<vmem>>) semaphore(%run_scoped3A : memref<!tpu.dma_semaphore, #tpu.memory_space<semaphore_mem>>) {add = true}
            %dma_wait3A_173 = arith.constant 0 : i32
            %dma_wait3A_174 = tpu.memref_slice %arg9[%mul3A_145, %dma_wait3A_173] : memref<16x128xi32, #tpu.memory_space<vmem>> -> memref<1x128xi32, #tpu.memory_space<vmem>>
            %dma_wait3A_175 = tpu.memref_squeeze %dma_wait3A_174 : memref<1x128xi32, #tpu.memory_space<vmem>> -> memref<128xi32, #tpu.memory_space<vmem>>
            %dma_wait3A_176 = arith.constant 0 : i32
            %dma_wait3A_177 = arith.constant 0 : i32
            %dma_wait3A_178 = tpu.memref_slice %arg8[%dma_wait3A_176, %dma_wait3A_177] : memref<10000x128xf32, #tpu.memory_space<vmem_shared>> -> memref<10000x128xf32, #tpu.memory_space<vmem_shared>>
            tpu.wait_indirect_dma semaphore(%run_scoped3A : memref<!tpu.dma_semaphore, #tpu.memory_space<semaphore_mem>>) src(%arg11 : memref<128x128xf32, #tpu.memory_space<vmem>>) dst(%dma_wait3A_178 : memref<10000x128xf32, #tpu.memory_space<vmem_shared>>)
            tpu.yield
          }) : () -> ()
          %mul3A_146 = arith.constant 2 : i32
          %mul3A_147 = arith.muli %mul3A_146, %while3A_125 : i32
          %add3A_148 = arith.constant 1 : i32
          %add3A_149 = arith.addi %mul3A_147, %add3A_148 : i32
          %dma_wait3A_150 = arith.constant 0 : i32
          %dma_wait3A_151 = tpu.memref_slice %arg10[%add3A_149, %dma_wait3A_150] : memref<16x128xi32, #tpu.memory_space<vmem>> -> memref<1x128xi32, #tpu.memory_space<vmem>>
          %dma_wait3A_152 = tpu.memref_squeeze %dma_wait3A_151 : memref<1x128xi32, #tpu.memory_space<vmem>> -> memref<128xi32, #tpu.memory_space<vmem>>
          %dma_wait3A_153 = arith.constant 0 : i32
          %dma_wait3A_154 = arith.constant 0 : i32
          %dma_wait3A_155 = tpu.memref_slice %arg2[%dma_wait3A_153, %dma_wait3A_154] : memref<10000x128xf32, #tpu.memory_space<hbm>> -> memref<10000x128xf32, #tpu.memory_space<hbm>>
          tpu.wait_indirect_dma semaphore(%arg14 : memref<!tpu.dma_semaphore, #tpu.memory_space<semaphore_mem>>) src(%dma_wait3A_155 : memref<10000x128xf32, #tpu.memory_space<hbm>>) dst(%arg12 : memref<128x128xf32, #tpu.memory_space<vmem>>)
          %add3A_156 = arith.constant 1 : i32
          %add3A_157 = arith.addi %while3A_125, %add3A_156 : i32
          %lt3A_158 = arith.cmpi slt, %add3A_157, %select_n3A_105 : i32
          %convert_element_type3A_159 = arith.extui %lt3A_158 : i1 to i32
          %cond3A_160 = arith.constant 0 : i32
          %cond3A_161 = arith.cmpi ne, %convert_element_type3A_159, %cond3A_160 : i32
          scf.if %cond3A_161 {
            %mul3A_167 = arith.constant 2 : i32
            %mul3A_168 = arith.muli %mul3A_167, %while3A_125 : i32
            %add3A_169 = arith.constant 2 : i32
            %add3A_170 = arith.addi %mul3A_168, %add3A_169 : i32
            %dma_start3A_171 = arith.constant 0 : i32
            %dma_start3A_172 = tpu.memref_slice %arg10[%add3A_170, %dma_start3A_171] : memref<16x128xi32, #tpu.memory_space<vmem>> -> memref<1x128xi32, #tpu.memory_space<vmem>>
            %dma_start3A_173 = tpu.memref_squeeze %dma_start3A_172 : memref<1x128xi32, #tpu.memory_space<vmem>> -> memref<128xi32, #tpu.memory_space<vmem>>
            %dma_start3A_174 = arith.constant 0 : i32
            %dma_start3A_175 = arith.constant 0 : i32
            %dma_start3A_176 = tpu.memref_slice %arg2[%dma_start3A_174, %dma_start3A_175] : memref<10000x128xf32, #tpu.memory_space<hbm>> -> memref<10000x128xf32, #tpu.memory_space<hbm>>
            tpu.enqueue_indirect_dma source(%dma_start3A_176 : memref<10000x128xf32, #tpu.memory_space<hbm>>) target(%arg11 : memref<128x128xf32, #tpu.memory_space<vmem>>) offsets(%dma_start3A_173 : memref<128xi32, #tpu.memory_space<vmem>>) semaphore(%arg13 : memref<!tpu.dma_semaphore, #tpu.memory_space<semaphore_mem>>)
          } else {
          }
          %mul3A_162 = arith.constant 2 : i32
          %mul3A_163 = arith.muli %mul3A_162, %while3A_125 : i32
          %add3A_164 = arith.constant 1 : i32
          %add3A_165 = arith.addi %mul3A_163, %add3A_164 : i32
          "tpu.region"() ({
            %run_scoped3A = tpu.sem_alloc : memref<!tpu.dma_semaphore, #tpu.memory_space<semaphore_mem>>
            %dma_start3A_167 = arith.constant 0 : i32
            %dma_start3A_168 = tpu.memref_slice %arg9[%add3A_165, %dma_start3A_167] : memref<16x128xi32, #tpu.memory_space<vmem>> -> memref<1x128xi32, #tpu.memory_space<vmem>>
            %dma_start3A_169 = tpu.memref_squeeze %dma_start3A_168 : memref<1x128xi32, #tpu.memory_space<vmem>> -> memref<128xi32, #tpu.memory_space<vmem>>
            %dma_start3A_170 = arith.constant 0 : i32
            %dma_start3A_171 = arith.constant 0 : i32
            %dma_start3A_172 = tpu.memref_slice %arg8[%dma_start3A_170, %dma_start3A_171] : memref<10000x128xf32, #tpu.memory_space<vmem_shared>> -> memref<10000x128xf32, #tpu.memory_space<vmem_shared>>
            tpu.enqueue_indirect_dma source(%arg12 : memref<128x128xf32, #tpu.memory_space<vmem>>) target(%dma_start3A_172 : memref<10000x128xf32, #tpu.memory_space<vmem_shared>>) offsets(%dma_start3A_169 : memref<128xi32, #tpu.memory_space<vmem>>) semaphore(%run_scoped3A : memref<!tpu.dma_semaphore, #tpu.memory_space<semaphore_mem>>) {add = true}
            %dma_wait3A_173 = arith.constant 0 : i32
            %dma_wait3A_174 = tpu.memref_slice %arg9[%add3A_165, %dma_wait3A_173] : memref<16x128xi32, #tpu.memory_space<vmem>> -> memref<1x128xi32, #tpu.memory_space<vmem>>
            %dma_wait3A_175 = tpu.memref_squeeze %dma_wait3A_174 : memref<1x128xi32, #tpu.memory_space<vmem>> -> memref<128xi32, #tpu.memory_space<vmem>>
            %dma_wait3A_176 = arith.constant 0 : i32
            %dma_wait3A_177 = arith.constant 0 : i32
            %dma_wait3A_178 = tpu.memref_slice %arg8[%dma_wait3A_176, %dma_wait3A_177] : memref<10000x128xf32, #tpu.memory_space<vmem_shared>> -> memref<10000x128xf32, #tpu.memory_space<vmem_shared>>
            tpu.wait_indirect_dma semaphore(%run_scoped3A : memref<!tpu.dma_semaphore, #tpu.memory_space<semaphore_mem>>) src(%arg12 : memref<128x128xf32, #tpu.memory_space<vmem>>) dst(%dma_wait3A_178 : memref<10000x128xf32, #tpu.memory_space<vmem_shared>>)
            tpu.yield
          }) : () -> ()
          %while3A_166 = arith.constant 0 : i32
          scf.yield %while3A_166 : i32
        }
        %while3A_122 = arith.constant 1 : i32
        %while3A_123 = scf.for %while3A_125 = %while3A_119 to %while3A_115 step %while3A_122 iter_args(%while3A_126 = %while3A_121) -> (i32)  : i32 {
          %mul3A_127 = arith.constant 2 : i32
          %mul3A_128 = arith.muli %mul3A_127, %while3A_125 : i32
          %dma_wait3A = arith.constant 0 : i32
          %dma_wait3A_129 = tpu.memref_slice %arg10[%mul3A_128, %dma_wait3A] : memref<16x128xi32, #tpu.memory_space<vmem>> -> memref<1x128xi32, #tpu.memory_space<vmem>>
          %dma_wait3A_130 = tpu.memref_squeeze %dma_wait3A_129 : memref<1x128xi32, #tpu.memory_space<vmem>> -> memref<128xi32, #tpu.memory_space<vmem>>
          %dma_wait3A_131 = arith.constant 0 : i32
          %dma_wait3A_132 = arith.constant 0 : i32
          %dma_wait3A_133 = tpu.memref_slice %arg2[%dma_wait3A_131, %dma_wait3A_132] : memref<10000x128xf32, #tpu.memory_space<hbm>> -> memref<10000x128xf32, #tpu.memory_space<hbm>>
          tpu.wait_indirect_dma semaphore(%arg13 : memref<!tpu.dma_semaphore, #tpu.memory_space<semaphore_mem>>) src(%dma_wait3A_133 : memref<10000x128xf32, #tpu.memory_space<hbm>>) dst(%arg11 : memref<128x128xf32, #tpu.memory_space<vmem>>)
          %mul3A_134 = arith.constant 2 : i32
          %mul3A_135 = arith.muli %mul3A_134, %while3A_125 : i32
          %add3A_136 = arith.constant 1 : i32
          %add3A_137 = arith.addi %mul3A_135, %add3A_136 : i32
          %dma_start3A_138 = arith.constant 0 : i32
          %dma_start3A_139 = tpu.memref_slice %arg10[%add3A_137, %dma_start3A_138] : memref<16x128xi32, #tpu.memory_space<vmem>> -> memref<1x128xi32, #tpu.memory_space<vmem>>
          %dma_start3A_140 = tpu.memref_squeeze %dma_start3A_139 : memref<1x128xi32, #tpu.memory_space<vmem>> -> memref<128xi32, #tpu.memory_space<vmem>>
          %dma_start3A_141 = arith.constant 0 : i32
          %dma_start3A_142 = arith.constant 0 : i32
          %dma_start3A_143 = tpu.memref_slice %arg2[%dma_start3A_141, %dma_start3A_142] : memref<10000x128xf32, #tpu.memory_space<hbm>> -> memref<10000x128xf32, #tpu.memory_space<hbm>>
          tpu.enqueue_indirect_dma source(%dma_start3A_143 : memref<10000x128xf32, #tpu.memory_space<hbm>>) target(%arg12 : memref<128x128xf32, #tpu.memory_space<vmem>>) offsets(%dma_start3A_140 : memref<128xi32, #tpu.memory_space<vmem>>) semaphore(%arg14 : memref<!tpu.dma_semaphore, #tpu.memory_space<semaphore_mem>>)
          %mul3A_144 = arith.constant 2 : i32
          %mul3A_145 = arith.muli %mul3A_144, %while3A_125 : i32
          "tpu.region"() ({
            %run_scoped3A = tpu.sem_alloc : memref<!tpu.dma_semaphore, #tpu.memory_space<semaphore_mem>>
            %dma_start3A_167 = arith.constant 0 : i32
            %dma_start3A_168 = tpu.memref_slice %arg9[%mul3A_145, %dma_start3A_167] : memref<16x128xi32, #tpu.memory_space<vmem>> -> memref<1x128xi32, #tpu.memory_space<vmem>>
            %dma_start3A_169 = tpu.memref_squeeze %dma_start3A_168 : memref<1x128xi32, #tpu.memory_space<vmem>> -> memref<128xi32, #tpu.memory_space<vmem>>
            %dma_start3A_170 = arith.constant 0 : i32
            %dma_start3A_171 = arith.constant 0 : i32
            %dma_start3A_172 = tpu.memref_slice %arg8[%dma_start3A_170, %dma_start3A_171] : memref<10000x128xf32, #tpu.memory_space<vmem_shared>> -> memref<10000x128xf32, #tpu.memory_space<vmem_shared>>
            tpu.enqueue_indirect_dma source(%arg11 : memref<128x128xf32, #tpu.memory_space<vmem>>) target(%dma_start3A_172 : memref<10000x128xf32, #tpu.memory_space<vmem_shared>>) offsets(%dma_start3A_169 : memref<128xi32, #tpu.memory_space<vmem>>) semaphore(%run_scoped3A : memref<!tpu.dma_semaphore, #tpu.memory_space<semaphore_mem>>) {add = true}
            %dma_wait3A_173 = arith.constant 0 : i32
            %dma_wait3A_174 = tpu.memref_slice %arg9[%mul3A_145, %dma_wait3A_173] : memref<16x128xi32, #tpu.memory_space<vmem>> -> memref<1x128xi32, #tpu.memory_space<vmem>>
            %dma_wait3A_175 = tpu.memref_squeeze %dma_wait3A_174 : memref<1x128xi32, #tpu.memory_space<vmem>> -> memref<128xi32, #tpu.memory_space<vmem>>
            %dma_wait3A_176 = arith.constant 0 : i32
            %dma_wait3A_177 = arith.constant 0 : i32
            %dma_wait3A_178 = tpu.memref_slice %arg8[%dma_wait3A_176, %dma_wait3A_177] : memref<10000x128xf32, #tpu.memory_space<vmem_shared>> -> memref<10000x128xf32, #tpu.memory_space<vmem_shared>>
            tpu.wait_indirect_dma semaphore(%run_scoped3A : memref<!tpu.dma_semaphore, #tpu.memory_space<semaphore_mem>>) src(%arg11 : memref<128x128xf32, #tpu.memory_space<vmem>>) dst(%dma_wait3A_178 : memref<10000x128xf32, #tpu.memory_space<vmem_shared>>)
            tpu.yield
          }) : () -> ()
          %mul3A_146 = arith.constant 2 : i32
          %mul3A_147 = arith.muli %mul3A_146, %while3A_125 : i32
          %add3A_148 = arith.constant 1 : i32
          %add3A_149 = arith.addi %mul3A_147, %add3A_148 : i32
          %dma_wait3A_150 = arith.constant 0 : i32
          %dma_wait3A_151 = tpu.memref_slice %arg10[%add3A_149, %dma_wait3A_150] : memref<16x128xi32, #tpu.memory_space<vmem>> -> memref<1x128xi32, #tpu.memory_space<vmem>>
          %dma_wait3A_152 = tpu.memref_squeeze %dma_wait3A_151 : memref<1x128xi32, #tpu.memory_space<vmem>> -> memref<128xi32, #tpu.memory_space<vmem>>
          %dma_wait3A_153 = arith.constant 0 : i32
          %dma_wait3A_154 = arith.constant 0 : i32
          %dma_wait3A_155 = tpu.memref_slice %arg2[%dma_wait3A_153, %dma_wait3A_154] : memref<10000x128xf32, #tpu.memory_space<hbm>> -> memref<10000x128xf32, #tpu.memory_space<hbm>>
          tpu.wait_indirect_dma semaphore(%arg14 : memref<!tpu.dma_semaphore, #tpu.memory_space<semaphore_mem>>) src(%dma_wait3A_155 : memref<10000x128xf32, #tpu.memory_space<hbm>>) dst(%arg12 : memref<128x128xf32, #tpu.memory_space<vmem>>)
          %add3A_156 = arith.constant 1 : i32
          %add3A_157 = arith.addi %while3A_125, %add3A_156 : i32
          %lt3A_158 = arith.cmpi slt, %add3A_157, %select_n3A_105 : i32
          %convert_element_type3A_159 = arith.extui %lt3A_158 : i1 to i32
          %cond3A_160 = arith.constant 0 : i32
          %cond3A_161 = arith.cmpi ne, %convert_element_type3A_159, %cond3A_160 : i32
          scf.if %cond3A_161 {
            %mul3A_167 = arith.constant 2 : i32
            %mul3A_168 = arith.muli %mul3A_167, %while3A_125 : i32
            %add3A_169 = arith.constant 2 : i32
            %add3A_170 = arith.addi %mul3A_168, %add3A_169 : i32
            %dma_start3A_171 = arith.constant 0 : i32
            %dma_start3A_172 = tpu.memref_slice %arg10[%add3A_170, %dma_start3A_171] : memref<16x128xi32, #tpu.memory_space<vmem>> -> memref<1x128xi32, #tpu.memory_space<vmem>>
            %dma_start3A_173 = tpu.memref_squeeze %dma_start3A_172 : memref<1x128xi32, #tpu.memory_space<vmem>> -> memref<128xi32, #tpu.memory_space<vmem>>
            %dma_start3A_174 = arith.constant 0 : i32
            %dma_start3A_175 = arith.constant 0 : i32
            %dma_start3A_176 = tpu.memref_slice %arg2[%dma_start3A_174, %dma_start3A_175] : memref<10000x128xf32, #tpu.memory_space<hbm>> -> memref<10000x128xf32, #tpu.memory_space<hbm>>
            tpu.enqueue_indirect_dma source(%dma_start3A_176 : memref<10000x128xf32, #tpu.memory_space<hbm>>) target(%arg11 : memref<128x128xf32, #tpu.memory_space<vmem>>) offsets(%dma_start3A_173 : memref<128xi32, #tpu.memory_space<vmem>>) semaphore(%arg13 : memref<!tpu.dma_semaphore, #tpu.memory_space<semaphore_mem>>)
          } else {
          }
          %mul3A_162 = arith.constant 2 : i32
          %mul3A_163 = arith.muli %mul3A_162, %while3A_125 : i32
          %add3A_164 = arith.constant 1 : i32
          %add3A_165 = arith.addi %mul3A_163, %add3A_164 : i32
          "tpu.region"() ({
            %run_scoped3A = tpu.sem_alloc : memref<!tpu.dma_semaphore, #tpu.memory_space<semaphore_mem>>
            %dma_start3A_167 = arith.constant 0 : i32
            %dma_start3A_168 = tpu.memref_slice %arg9[%add3A_165, %dma_start3A_167] : memref<16x128xi32, #tpu.memory_space<vmem>> -> memref<1x128xi32, #tpu.memory_space<vmem>>
            %dma_start3A_169 = tpu.memref_squeeze %dma_start3A_168 : memref<1x128xi32, #tpu.memory_space<vmem>> -> memref<128xi32, #tpu.memory_space<vmem>>
            %dma_start3A_170 = arith.constant 0 : i32
            %dma_start3A_171 = arith.constant 0 : i32
            %dma_start3A_172 = tpu.memref_slice %arg8[%dma_start3A_170, %dma_start3A_171] : memref<10000x128xf32, #tpu.memory_space<vmem_shared>> -> memref<10000x128xf32, #tpu.memory_space<vmem_shared>>
            tpu.enqueue_indirect_dma source(%arg12 : memref<128x128xf32, #tpu.memory_space<vmem>>) target(%dma_start3A_172 : memref<10000x128xf32, #tpu.memory_space<vmem_shared>>) offsets(%dma_start3A_169 : memref<128xi32, #tpu.memory_space<vmem>>) semaphore(%run_scoped3A : memref<!tpu.dma_semaphore, #tpu.memory_space<semaphore_mem>>) {add = true}
            %dma_wait3A_173 = arith.constant 0 : i32
            %dma_wait3A_174 = tpu.memref_slice %arg9[%add3A_165, %dma_wait3A_173] : memref<16x128xi32, #tpu.memory_space<vmem>> -> memref<1x128xi32, #tpu.memory_space<vmem>>
            %dma_wait3A_175 = tpu.memref_squeeze %dma_wait3A_174 : memref<1x128xi32, #tpu.memory_space<vmem>> -> memref<128xi32, #tpu.memory_space<vmem>>
            %dma_wait3A_176 = arith.constant 0 : i32
            %dma_wait3A_177 = arith.constant 0 : i32
            %dma_wait3A_178 = tpu.memref_slice %arg8[%dma_wait3A_176, %dma_wait3A_177] : memref<10000x128xf32, #tpu.memory_space<vmem_shared>> -> memref<10000x128xf32, #tpu.memory_space<vmem_shared>>
            tpu.wait_indirect_dma semaphore(%run_scoped3A : memref<!tpu.dma_semaphore, #tpu.memory_space<semaphore_mem>>) src(%arg12 : memref<128x128xf32, #tpu.memory_space<vmem>>) dst(%dma_wait3A_178 : memref<10000x128xf32, #tpu.memory_space<vmem_shared>>)
            tpu.yield
          }) : () -> ()
          %while3A_166 = arith.constant 0 : i32
          scf.yield %while3A_166 : i32
        }
        %while3A_124 = arith.constant 0 : i32
        scf.yield %while3A_124 : i32
      }
      %while3A_72 = arith.constant 1 : i32
      %while3A_73 = scf.for %while3A_74 = %while3A_69 to %while3A_65 step %while3A_72 iter_args(%while3A_75 = %while3A_71) -> (i32)  : i32 {
        %mul3A_76 = arith.constant 16 : i32
        %mul3A_77 = arith.muli %while3A_74, %mul3A_76 : i32
        %add3A_78 = arith.addi %mul3A_0, %mul3A_77 : i32
        "tpu.region"() ({
          %run_scoped3A = tpu.sem_alloc : memref<!tpu.dma_semaphore, #tpu.memory_space<semaphore_mem>>
          %dma_start3A_125 = arith.constant 0 : i32
          %dma_start3A_126 = tpu.memref_slice %arg5[%add3A_78, %dma_start3A_125] : memref<1280x128xi32, #tpu.memory_space<hbm>> -> memref<16x128xi32, #tpu.memory_space<hbm>>
          %dma_start3A_127 = arith.constant 0 : i32
          %dma_start3A_128 = tpu.memref_slice %arg5[%add3A_78, %dma_start3A_127] : memref<1280x128xi32, #tpu.memory_space<hbm>> -> memref<16x128xi32, #tpu.memory_space<hbm>>
          tpu.enqueue_dma source(%dma_start3A_128 : memref<16x128xi32, #tpu.memory_space<hbm>>) target(%arg9 : memref<16x128xi32, #tpu.memory_space<vmem>>) target_semaphore(%run_scoped3A : memref<!tpu.dma_semaphore, #tpu.memory_space<semaphore_mem>>)
          %dma_wait3A = arith.constant 0 : i32
          %dma_wait3A_129 = tpu.memref_slice %arg5[%add3A_78, %dma_wait3A] : memref<1280x128xi32, #tpu.memory_space<hbm>> -> memref<16x128xi32, #tpu.memory_space<hbm>>
          %dma_wait3A_130 = arith.constant 0 : i32
          %dma_wait3A_131 = tpu.memref_slice %arg5[%add3A_78, %dma_wait3A_130] : memref<1280x128xi32, #tpu.memory_space<hbm>> -> memref<16x128xi32, #tpu.memory_space<hbm>>
          tpu.wait_dma2 semaphore(%run_scoped3A : memref<!tpu.dma_semaphore, #tpu.memory_space<semaphore_mem>>) src(%dma_wait3A_131 : memref<16x128xi32, #tpu.memory_space<hbm>>) dst(%arg9 : memref<16x128xi32, #tpu.memory_space<vmem>>)
          tpu.yield
        }) : () -> ()
        "tpu.region"() ({
          %run_scoped3A = tpu.sem_alloc : memref<!tpu.dma_semaphore, #tpu.memory_space<semaphore_mem>>
          %dma_start3A_125 = arith.constant 0 : i32
          %dma_start3A_126 = tpu.memref_slice %arg4[%add3A_78, %dma_start3A_125] : memref<1280x128xi32, #tpu.memory_space<hbm>> -> memref<16x128xi32, #tpu.memory_space<hbm>>
          %dma_start3A_127 = arith.constant 0 : i32
          %dma_start3A_128 = tpu.memref_slice %arg4[%add3A_78, %dma_start3A_127] : memref<1280x128xi32, #tpu.memory_space<hbm>> -> memref<16x128xi32, #tpu.memory_space<hbm>>
          tpu.enqueue_dma source(%dma_start3A_128 : memref<16x128xi32, #tpu.memory_space<hbm>>) target(%arg10 : memref<16x128xi32, #tpu.memory_space<vmem>>) target_semaphore(%run_scoped3A : memref<!tpu.dma_semaphore, #tpu.memory_space<semaphore_mem>>)
          %dma_wait3A = arith.constant 0 : i32
          %dma_wait3A_129 = tpu.memref_slice %arg4[%add3A_78, %dma_wait3A] : memref<1280x128xi32, #tpu.memory_space<hbm>> -> memref<16x128xi32, #tpu.memory_space<hbm>>
          %dma_wait3A_130 = arith.constant 0 : i32
          %dma_wait3A_131 = tpu.memref_slice %arg4[%add3A_78, %dma_wait3A_130] : memref<1280x128xi32, #tpu.memory_space<hbm>> -> memref<16x128xi32, #tpu.memory_space<hbm>>
          tpu.wait_dma2 semaphore(%run_scoped3A : memref<!tpu.dma_semaphore, #tpu.memory_space<semaphore_mem>>) src(%dma_wait3A_131 : memref<16x128xi32, #tpu.memory_space<hbm>>) dst(%arg10 : memref<16x128xi32, #tpu.memory_space<vmem>>)
          tpu.yield
        }) : () -> ()
        %sub3A_79 = arith.subi %min3A_2, %add3A_78 : i32
        %min3A_80 = arith.constant 16 : i32
        %min3A_81 = arith.minsi %sub3A_79, %min3A_80 : i32
        %jit3A_82 = arith.constant 2 : i32
        %div3A_83 = arith.divsi %min3A_81, %jit3A_82 : i32
        %sign3A_84 = arith.constant 0 : i32
        %sign3A_85 = arith.cmpi sgt, %min3A_81, %sign3A_84 : i32
        %sign3A_86 = arith.extui %sign3A_85 : i1 to i32
        %sign3A_87 = arith.constant 0 : i32
        %sign3A_88 = arith.cmpi slt, %min3A_81, %sign3A_87 : i32
        %sign3A_89 = arith.extui %sign3A_88 : i1 to i32
        %sign3A_90 = arith.subi %sign3A_86, %sign3A_89 : i32
        %sign3A_91 = arith.constant 0 : i32
        %sign3A_92 = arith.cmpi sgt, %jit3A_82, %sign3A_91 : i32
        %sign3A_93 = arith.extui %sign3A_92 : i1 to i32
        %sign3A_94 = arith.constant 0 : i32
        %sign3A_95 = arith.cmpi slt, %jit3A_82, %sign3A_94 : i32
        %sign3A_96 = arith.extui %sign3A_95 : i1 to i32
        %sign3A_97 = arith.subi %sign3A_93, %sign3A_96 : i32
        %ne3A_98 = arith.cmpi ne, %sign3A_90, %sign3A_97 : i32
        %rem3A_99 = arith.remsi %min3A_81, %jit3A_82 : i32
        %ne3A_100 = arith.constant 0 : i32
        %ne3A_101 = arith.cmpi ne, %rem3A_99, %ne3A_100 : i32
        %and3A_102 = arith.andi %ne3A_98, %ne3A_101 : i1
        %sub3A_103 = arith.constant 1 : i32
        %sub3A_104 = arith.subi %div3A_83, %sub3A_103 : i32
        %select_n3A_105 = arith.select %and3A_102, %sub3A_104, %div3A_83 : i32
        %dma_start3A = arith.constant 0 : i32
        %dma_start3A_106 = arith.constant 0 : i32
        %dma_start3A_107 = tpu.memref_slice %arg10[%dma_start3A, %dma_start3A_106] : memref<16x128xi32, #tpu.memory_space<vmem>> -> memref<1x128xi32, #tpu.memory_space<vmem>>
        %dma_start3A_108 = tpu.memref_squeeze %dma_start3A_107 : memref<1x128xi32, #tpu.memory_space<vmem>> -> memref<128xi32, #tpu.memory_space<vmem>>
        %dma_start3A_109 = arith.constant 0 : i32
        %dma_start3A_110 = arith.constant 0 : i32
        %dma_start3A_111 = tpu.memref_slice %arg2[%dma_start3A_109, %dma_start3A_110] : memref<10000x128xf32, #tpu.memory_space<hbm>> -> memref<10000x128xf32, #tpu.memory_space<hbm>>
        tpu.enqueue_indirect_dma source(%dma_start3A_111 : memref<10000x128xf32, #tpu.memory_space<hbm>>) target(%arg11 : memref<128x128xf32, #tpu.memory_space<vmem>>) offsets(%dma_start3A_108 : memref<128xi32, #tpu.memory_space<vmem>>) semaphore(%arg13 : memref<!tpu.dma_semaphore, #tpu.memory_space<semaphore_mem>>)
        %while3A_112 = arith.constant 0 : i32
        %while3A_113 = arith.constant 0 : i32
        %while3A_114 = arith.subi %select_n3A_105, %while3A_112 : i32
        %while3A_115 = arith.addi %while3A_112, %while3A_114 : i32
        %while3A_116 = arith.constant 1 : i32
        %while3A_117 = arith.divsi %while3A_114, %while3A_116 : i32
        %while3A_118 = arith.muli %while3A_117, %while3A_116 : i32
        %while3A_119 = arith.addi %while3A_112, %while3A_118 : i32
        %while3A_120 = arith.constant 1 : i32
        %while3A_121 = scf.for %while3A_125 = %while3A_112 to %while3A_119 step %while3A_120 iter_args(%while3A_126 = %while3A_113) -> (i32)  : i32 {
          %mul3A_127 = arith.constant 2 : i32
          %mul3A_128 = arith.muli %mul3A_127, %while3A_125 : i32
          %dma_wait3A = arith.constant 0 : i32
          %dma_wait3A_129 = tpu.memref_slice %arg10[%mul3A_128, %dma_wait3A] : memref<16x128xi32, #tpu.memory_space<vmem>> -> memref<1x128xi32, #tpu.memory_space<vmem>>
          %dma_wait3A_130 = tpu.memref_squeeze %dma_wait3A_129 : memref<1x128xi32, #tpu.memory_space<vmem>> -> memref<128xi32, #tpu.memory_space<vmem>>
          %dma_wait3A_131 = arith.constant 0 : i32
          %dma_wait3A_132 = arith.constant 0 : i32
          %dma_wait3A_133 = tpu.memref_slice %arg2[%dma_wait3A_131, %dma_wait3A_132] : memref<10000x128xf32, #tpu.memory_space<hbm>> -> memref<10000x128xf32, #tpu.memory_space<hbm>>
          tpu.wait_indirect_dma semaphore(%arg13 : memref<!tpu.dma_semaphore, #tpu.memory_space<semaphore_mem>>) src(%dma_wait3A_133 : memref<10000x128xf32, #tpu.memory_space<hbm>>) dst(%arg11 : memref<128x128xf32, #tpu.memory_space<vmem>>)
          %mul3A_134 = arith.constant 2 : i32
          %mul3A_135 = arith.muli %mul3A_134, %while3A_125 : i32
          %add3A_136 = arith.constant 1 : i32
          %add3A_137 = arith.addi %mul3A_135, %add3A_136 : i32
          %dma_start3A_138 = arith.constant 0 : i32
          %dma_start3A_139 = tpu.memref_slice %arg10[%add3A_137, %dma_start3A_138] : memref<16x128xi32, #tpu.memory_space<vmem>> -> memref<1x128xi32, #tpu.memory_space<vmem>>
          %dma_start3A_140 = tpu.memref_squeeze %dma_start3A_139 : memref<1x128xi32, #tpu.memory_space<vmem>> -> memref<128xi32, #tpu.memory_space<vmem>>
          %dma_start3A_141 = arith.constant 0 : i32
          %dma_start3A_142 = arith.constant 0 : i32
          %dma_start3A_143 = tpu.memref_slice %arg2[%dma_start3A_141, %dma_start3A_142] : memref<10000x128xf32, #tpu.memory_space<hbm>> -> memref<10000x128xf32, #tpu.memory_space<hbm>>
          tpu.enqueue_indirect_dma source(%dma_start3A_143 : memref<10000x128xf32, #tpu.memory_space<hbm>>) target(%arg12 : memref<128x128xf32, #tpu.memory_space<vmem>>) offsets(%dma_start3A_140 : memref<128xi32, #tpu.memory_space<vmem>>) semaphore(%arg14 : memref<!tpu.dma_semaphore, #tpu.memory_space<semaphore_mem>>)
          %mul3A_144 = arith.constant 2 : i32
          %mul3A_145 = arith.muli %mul3A_144, %while3A_125 : i32
          "tpu.region"() ({
            %run_scoped3A = tpu.sem_alloc : memref<!tpu.dma_semaphore, #tpu.memory_space<semaphore_mem>>
            %dma_start3A_167 = arith.constant 0 : i32
            %dma_start3A_168 = tpu.memref_slice %arg9[%mul3A_145, %dma_start3A_167] : memref<16x128xi32, #tpu.memory_space<vmem>> -> memref<1x128xi32, #tpu.memory_space<vmem>>
            %dma_start3A_169 = tpu.memref_squeeze %dma_start3A_168 : memref<1x128xi32, #tpu.memory_space<vmem>> -> memref<128xi32, #tpu.memory_space<vmem>>
            %dma_start3A_170 = arith.constant 0 : i32
            %dma_start3A_171 = arith.constant 0 : i32
            %dma_start3A_172 = tpu.memref_slice %arg8[%dma_start3A_170, %dma_start3A_171] : memref<10000x128xf32, #tpu.memory_space<vmem_shared>> -> memref<10000x128xf32, #tpu.memory_space<vmem_shared>>
            tpu.enqueue_indirect_dma source(%arg11 : memref<128x128xf32, #tpu.memory_space<vmem>>) target(%dma_start3A_172 : memref<10000x128xf32, #tpu.memory_space<vmem_shared>>) offsets(%dma_start3A_169 : memref<128xi32, #tpu.memory_space<vmem>>) semaphore(%run_scoped3A : memref<!tpu.dma_semaphore, #tpu.memory_space<semaphore_mem>>) {add = true}
            %dma_wait3A_173 = arith.constant 0 : i32
            %dma_wait3A_174 = tpu.memref_slice %arg9[%mul3A_145, %dma_wait3A_173] : memref<16x128xi32, #tpu.memory_space<vmem>> -> memref<1x128xi32, #tpu.memory_space<vmem>>
            %dma_wait3A_175 = tpu.memref_squeeze %dma_wait3A_174 : memref<1x128xi32, #tpu.memory_space<vmem>> -> memref<128xi32, #tpu.memory_space<vmem>>
            %dma_wait3A_176 = arith.constant 0 : i32
            %dma_wait3A_177 = arith.constant 0 : i32
            %dma_wait3A_178 = tpu.memref_slice %arg8[%dma_wait3A_176, %dma_wait3A_177] : memref<10000x128xf32, #tpu.memory_space<vmem_shared>> -> memref<10000x128xf32, #tpu.memory_space<vmem_shared>>
            tpu.wait_indirect_dma semaphore(%run_scoped3A : memref<!tpu.dma_semaphore, #tpu.memory_space<semaphore_mem>>) src(%arg11 : memref<128x128xf32, #tpu.memory_space<vmem>>) dst(%dma_wait3A_178 : memref<10000x128xf32, #tpu.memory_space<vmem_shared>>)
            tpu.yield
          }) : () -> ()
          %mul3A_146 = arith.constant 2 : i32
          %mul3A_147 = arith.muli %mul3A_146, %while3A_125 : i32
          %add3A_148 = arith.constant 1 : i32
          %add3A_149 = arith.addi %mul3A_147, %add3A_148 : i32
          %dma_wait3A_150 = arith.constant 0 : i32
          %dma_wait3A_151 = tpu.memref_slice %arg10[%add3A_149, %dma_wait3A_150] : memref<16x128xi32, #tpu.memory_space<vmem>> -> memref<1x128xi32, #tpu.memory_space<vmem>>
          %dma_wait3A_152 = tpu.memref_squeeze %dma_wait3A_151 : memref<1x128xi32, #tpu.memory_space<vmem>> -> memref<128xi32, #tpu.memory_space<vmem>>
          %dma_wait3A_153 = arith.constant 0 : i32
          %dma_wait3A_154 = arith.constant 0 : i32
          %dma_wait3A_155 = tpu.memref_slice %arg2[%dma_wait3A_153, %dma_wait3A_154] : memref<10000x128xf32, #tpu.memory_space<hbm>> -> memref<10000x128xf32, #tpu.memory_space<hbm>>
          tpu.wait_indirect_dma semaphore(%arg14 : memref<!tpu.dma_semaphore, #tpu.memory_space<semaphore_mem>>) src(%dma_wait3A_155 : memref<10000x128xf32, #tpu.memory_space<hbm>>) dst(%arg12 : memref<128x128xf32, #tpu.memory_space<vmem>>)
          %add3A_156 = arith.constant 1 : i32
          %add3A_157 = arith.addi %while3A_125, %add3A_156 : i32
          %lt3A_158 = arith.cmpi slt, %add3A_157, %select_n3A_105 : i32
          %convert_element_type3A_159 = arith.extui %lt3A_158 : i1 to i32
          %cond3A_160 = arith.constant 0 : i32
          %cond3A_161 = arith.cmpi ne, %convert_element_type3A_159, %cond3A_160 : i32
          scf.if %cond3A_161 {
            %mul3A_167 = arith.constant 2 : i32
            %mul3A_168 = arith.muli %mul3A_167, %while3A_125 : i32
            %add3A_169 = arith.constant 2 : i32
            %add3A_170 = arith.addi %mul3A_168, %add3A_169 : i32
            %dma_start3A_171 = arith.constant 0 : i32
            %dma_start3A_172 = tpu.memref_slice %arg10[%add3A_170, %dma_start3A_171] : memref<16x128xi32, #tpu.memory_space<vmem>> -> memref<1x128xi32, #tpu.memory_space<vmem>>
            %dma_start3A_173 = tpu.memref_squeeze %dma_start3A_172 : memref<1x128xi32, #tpu.memory_space<vmem>> -> memref<128xi32, #tpu.memory_space<vmem>>
            %dma_start3A_174 = arith.constant 0 : i32
            %dma_start3A_175 = arith.constant 0 : i32
            %dma_start3A_176 = tpu.memref_slice %arg2[%dma_start3A_174, %dma_start3A_175] : memref<10000x128xf32, #tpu.memory_space<hbm>> -> memref<10000x128xf32, #tpu.memory_space<hbm>>
            tpu.enqueue_indirect_dma source(%dma_start3A_176 : memref<10000x128xf32, #tpu.memory_space<hbm>>) target(%arg11 : memref<128x128xf32, #tpu.memory_space<vmem>>) offsets(%dma_start3A_173 : memref<128xi32, #tpu.memory_space<vmem>>) semaphore(%arg13 : memref<!tpu.dma_semaphore, #tpu.memory_space<semaphore_mem>>)
          } else {
          }
          %mul3A_162 = arith.constant 2 : i32
          %mul3A_163 = arith.muli %mul3A_162, %while3A_125 : i32
          %add3A_164 = arith.constant 1 : i32
          %add3A_165 = arith.addi %mul3A_163, %add3A_164 : i32
          "tpu.region"() ({
            %run_scoped3A = tpu.sem_alloc : memref<!tpu.dma_semaphore, #tpu.memory_space<semaphore_mem>>
            %dma_start3A_167 = arith.constant 0 : i32
            %dma_start3A_168 = tpu.memref_slice %arg9[%add3A_165, %dma_start3A_167] : memref<16x128xi32, #tpu.memory_space<vmem>> -> memref<1x128xi32, #tpu.memory_space<vmem>>
            %dma_start3A_169 = tpu.memref_squeeze %dma_start3A_168 : memref<1x128xi32, #tpu.memory_space<vmem>> -> memref<128xi32, #tpu.memory_space<vmem>>
            %dma_start3A_170 = arith.constant 0 : i32
            %dma_start3A_171 = arith.constant 0 : i32
            %dma_start3A_172 = tpu.memref_slice %arg8[%dma_start3A_170, %dma_start3A_171] : memref<10000x128xf32, #tpu.memory_space<vmem_shared>> -> memref<10000x128xf32, #tpu.memory_space<vmem_shared>>
            tpu.enqueue_indirect_dma source(%arg12 : memref<128x128xf32, #tpu.memory_space<vmem>>) target(%dma_start3A_172 : memref<10000x128xf32, #tpu.memory_space<vmem_shared>>) offsets(%dma_start3A_169 : memref<128xi32, #tpu.memory_space<vmem>>) semaphore(%run_scoped3A : memref<!tpu.dma_semaphore, #tpu.memory_space<semaphore_mem>>) {add = true}
            %dma_wait3A_173 = arith.constant 0 : i32
            %dma_wait3A_174 = tpu.memref_slice %arg9[%add3A_165, %dma_wait3A_173] : memref<16x128xi32, #tpu.memory_space<vmem>> -> memref<1x128xi32, #tpu.memory_space<vmem>>
            %dma_wait3A_175 = tpu.memref_squeeze %dma_wait3A_174 : memref<1x128xi32, #tpu.memory_space<vmem>> -> memref<128xi32, #tpu.memory_space<vmem>>
            %dma_wait3A_176 = arith.constant 0 : i32
            %dma_wait3A_177 = arith.constant 0 : i32
            %dma_wait3A_178 = tpu.memref_slice %arg8[%dma_wait3A_176, %dma_wait3A_177] : memref<10000x128xf32, #tpu.memory_space<vmem_shared>> -> memref<10000x128xf32, #tpu.memory_space<vmem_shared>>
            tpu.wait_indirect_dma semaphore(%run_scoped3A : memref<!tpu.dma_semaphore, #tpu.memory_space<semaphore_mem>>) src(%arg12 : memref<128x128xf32, #tpu.memory_space<vmem>>) dst(%dma_wait3A_178 : memref<10000x128xf32, #tpu.memory_space<vmem_shared>>)
            tpu.yield
          }) : () -> ()
          %while3A_166 = arith.constant 0 : i32
          scf.yield %while3A_166 : i32
        }
        %while3A_122 = arith.constant 1 : i32
        %while3A_123 = scf.for %while3A_125 = %while3A_119 to %while3A_115 step %while3A_122 iter_args(%while3A_126 = %while3A_121) -> (i32)  : i32 {
          %mul3A_127 = arith.constant 2 : i32
          %mul3A_128 = arith.muli %mul3A_127, %while3A_125 : i32
          %dma_wait3A = arith.constant 0 : i32
          %dma_wait3A_129 = tpu.memref_slice %arg10[%mul3A_128, %dma_wait3A] : memref<16x128xi32, #tpu.memory_space<vmem>> -> memref<1x128xi32, #tpu.memory_space<vmem>>
          %dma_wait3A_130 = tpu.memref_squeeze %dma_wait3A_129 : memref<1x128xi32, #tpu.memory_space<vmem>> -> memref<128xi32, #tpu.memory_space<vmem>>
          %dma_wait3A_131 = arith.constant 0 : i32
          %dma_wait3A_132 = arith.constant 0 : i32
          %dma_wait3A_133 = tpu.memref_slice %arg2[%dma_wait3A_131, %dma_wait3A_132] : memref<10000x128xf32, #tpu.memory_space<hbm>> -> memref<10000x128xf32, #tpu.memory_space<hbm>>
          tpu.wait_indirect_dma semaphore(%arg13 : memref<!tpu.dma_semaphore, #tpu.memory_space<semaphore_mem>>) src(%dma_wait3A_133 : memref<10000x128xf32, #tpu.memory_space<hbm>>) dst(%arg11 : memref<128x128xf32, #tpu.memory_space<vmem>>)
          %mul3A_134 = arith.constant 2 : i32
          %mul3A_135 = arith.muli %mul3A_134, %while3A_125 : i32
          %add3A_136 = arith.constant 1 : i32
          %add3A_137 = arith.addi %mul3A_135, %add3A_136 : i32
          %dma_start3A_138 = arith.constant 0 : i32
          %dma_start3A_139 = tpu.memref_slice %arg10[%add3A_137, %dma_start3A_138] : memref<16x128xi32, #tpu.memory_space<vmem>> -> memref<1x128xi32, #tpu.memory_space<vmem>>
          %dma_start3A_140 = tpu.memref_squeeze %dma_start3A_139 : memref<1x128xi32, #tpu.memory_space<vmem>> -> memref<128xi32, #tpu.memory_space<vmem>>
          %dma_start3A_141 = arith.constant 0 : i32
          %dma_start3A_142 = arith.constant 0 : i32
          %dma_start3A_143 = tpu.memref_slice %arg2[%dma_start3A_141, %dma_start3A_142] : memref<10000x128xf32, #tpu.memory_space<hbm>> -> memref<10000x128xf32, #tpu.memory_space<hbm>>
          tpu.enqueue_indirect_dma source(%dma_start3A_143 : memref<10000x128xf32, #tpu.memory_space<hbm>>) target(%arg12 : memref<128x128xf32, #tpu.memory_space<vmem>>) offsets(%dma_start3A_140 : memref<128xi32, #tpu.memory_space<vmem>>) semaphore(%arg14 : memref<!tpu.dma_semaphore, #tpu.memory_space<semaphore_mem>>)
          %mul3A_144 = arith.constant 2 : i32
          %mul3A_145 = arith.muli %mul3A_144, %while3A_125 : i32
          "tpu.region"() ({
            %run_scoped3A = tpu.sem_alloc : memref<!tpu.dma_semaphore, #tpu.memory_space<semaphore_mem>>
            %dma_start3A_167 = arith.constant 0 : i32
            %dma_start3A_168 = tpu.memref_slice %arg9[%mul3A_145, %dma_start3A_167] : memref<16x128xi32, #tpu.memory_space<vmem>> -> memref<1x128xi32, #tpu.memory_space<vmem>>
            %dma_start3A_169 = tpu.memref_squeeze %dma_start3A_168 : memref<1x128xi32, #tpu.memory_space<vmem>> -> memref<128xi32, #tpu.memory_space<vmem>>
            %dma_start3A_170 = arith.constant 0 : i32
            %dma_start3A_171 = arith.constant 0 : i32
            %dma_start3A_172 = tpu.memref_slice %arg8[%dma_start3A_170, %dma_start3A_171] : memref<10000x128xf32, #tpu.memory_space<vmem_shared>> -> memref<10000x128xf32, #tpu.memory_space<vmem_shared>>
            tpu.enqueue_indirect_dma source(%arg11 : memref<128x128xf32, #tpu.memory_space<vmem>>) target(%dma_start3A_172 : memref<10000x128xf32, #tpu.memory_space<vmem_shared>>) offsets(%dma_start3A_169 : memref<128xi32, #tpu.memory_space<vmem>>) semaphore(%run_scoped3A : memref<!tpu.dma_semaphore, #tpu.memory_space<semaphore_mem>>) {add = true}
            %dma_wait3A_173 = arith.constant 0 : i32
            %dma_wait3A_174 = tpu.memref_slice %arg9[%mul3A_145, %dma_wait3A_173] : memref<16x128xi32, #tpu.memory_space<vmem>> -> memref<1x128xi32, #tpu.memory_space<vmem>>
            %dma_wait3A_175 = tpu.memref_squeeze %dma_wait3A_174 : memref<1x128xi32, #tpu.memory_space<vmem>> -> memref<128xi32, #tpu.memory_space<vmem>>
            %dma_wait3A_176 = arith.constant 0 : i32
            %dma_wait3A_177 = arith.constant 0 : i32
            %dma_wait3A_178 = tpu.memref_slice %arg8[%dma_wait3A_176, %dma_wait3A_177] : memref<10000x128xf32, #tpu.memory_space<vmem_shared>> -> memref<10000x128xf32, #tpu.memory_space<vmem_shared>>
            tpu.wait_indirect_dma semaphore(%run_scoped3A : memref<!tpu.dma_semaphore, #tpu.memory_space<semaphore_mem>>) src(%arg11 : memref<128x128xf32, #tpu.memory_space<vmem>>) dst(%dma_wait3A_178 : memref<10000x128xf32, #tpu.memory_space<vmem_shared>>)
            tpu.yield
          }) : () -> ()
          %mul3A_146 = arith.constant 2 : i32
          %mul3A_147 = arith.muli %mul3A_146, %while3A_125 : i32
          %add3A_148 = arith.constant 1 : i32
          %add3A_149 = arith.addi %mul3A_147, %add3A_148 : i32
          %dma_wait3A_150 = arith.constant 0 : i32
          %dma_wait3A_151 = tpu.memref_slice %arg10[%add3A_149, %dma_wait3A_150] : memref<16x128xi32, #tpu.memory_space<vmem>> -> memref<1x128xi32, #tpu.memory_space<vmem>>
          %dma_wait3A_152 = tpu.memref_squeeze %dma_wait3A_151 : memref<1x128xi32, #tpu.memory_space<vmem>> -> memref<128xi32, #tpu.memory_space<vmem>>
          %dma_wait3A_153 = arith.constant 0 : i32
          %dma_wait3A_154 = arith.constant 0 : i32
          %dma_wait3A_155 = tpu.memref_slice %arg2[%dma_wait3A_153, %dma_wait3A_154] : memref<10000x128xf32, #tpu.memory_space<hbm>> -> memref<10000x128xf32, #tpu.memory_space<hbm>>
          tpu.wait_indirect_dma semaphore(%arg14 : memref<!tpu.dma_semaphore, #tpu.memory_space<semaphore_mem>>) src(%dma_wait3A_155 : memref<10000x128xf32, #tpu.memory_space<hbm>>) dst(%arg12 : memref<128x128xf32, #tpu.memory_space<vmem>>)
          %add3A_156 = arith.constant 1 : i32
          %add3A_157 = arith.addi %while3A_125, %add3A_156 : i32
          %lt3A_158 = arith.cmpi slt, %add3A_157, %select_n3A_105 : i32
          %convert_element_type3A_159 = arith.extui %lt3A_158 : i1 to i32
          %cond3A_160 = arith.constant 0 : i32
          %cond3A_161 = arith.cmpi ne, %convert_element_type3A_159, %cond3A_160 : i32
          scf.if %cond3A_161 {
            %mul3A_167 = arith.constant 2 : i32
            %mul3A_168 = arith.muli %mul3A_167, %while3A_125 : i32
            %add3A_169 = arith.constant 2 : i32
            %add3A_170 = arith.addi %mul3A_168, %add3A_169 : i32
            %dma_start3A_171 = arith.constant 0 : i32
            %dma_start3A_172 = tpu.memref_slice %arg10[%add3A_170, %dma_start3A_171] : memref<16x128xi32, #tpu.memory_space<vmem>> -> memref<1x128xi32, #tpu.memory_space<vmem>>
            %dma_start3A_173 = tpu.memref_squeeze %dma_start3A_172 : memref<1x128xi32, #tpu.memory_space<vmem>> -> memref<128xi32, #tpu.memory_space<vmem>>
            %dma_start3A_174 = arith.constant 0 : i32
            %dma_start3A_175 = arith.constant 0 : i32
            %dma_start3A_176 = tpu.memref_slice %arg2[%dma_start3A_174, %dma_start3A_175] : memref<10000x128xf32, #tpu.memory_space<hbm>> -> memref<10000x128xf32, #tpu.memory_space<hbm>>
            tpu.enqueue_indirect_dma source(%dma_start3A_176 : memref<10000x128xf32, #tpu.memory_space<hbm>>) target(%arg11 : memref<128x128xf32, #tpu.memory_space<vmem>>) offsets(%dma_start3A_173 : memref<128xi32, #tpu.memory_space<vmem>>) semaphore(%arg13 : memref<!tpu.dma_semaphore, #tpu.memory_space<semaphore_mem>>)
          } else {
          }
          %mul3A_162 = arith.constant 2 : i32
          %mul3A_163 = arith.muli %mul3A_162, %while3A_125 : i32
          %add3A_164 = arith.constant 1 : i32
          %add3A_165 = arith.addi %mul3A_163, %add3A_164 : i32
          "tpu.region"() ({
            %run_scoped3A = tpu.sem_alloc : memref<!tpu.dma_semaphore, #tpu.memory_space<semaphore_mem>>
            %dma_start3A_167 = arith.constant 0 : i32
            %dma_start3A_168 = tpu.memref_slice %arg9[%add3A_165, %dma_start3A_167] : memref<16x128xi32, #tpu.memory_space<vmem>> -> memref<1x128xi32, #tpu.memory_space<vmem>>
            %dma_start3A_169 = tpu.memref_squeeze %dma_start3A_168 : memref<1x128xi32, #tpu.memory_space<vmem>> -> memref<128xi32, #tpu.memory_space<vmem>>
            %dma_start3A_170 = arith.constant 0 : i32
            %dma_start3A_171 = arith.constant 0 : i32
            %dma_start3A_172 = tpu.memref_slice %arg8[%dma_start3A_170, %dma_start3A_171] : memref<10000x128xf32, #tpu.memory_space<vmem_shared>> -> memref<10000x128xf32, #tpu.memory_space<vmem_shared>>
            tpu.enqueue_indirect_dma source(%arg12 : memref<128x128xf32, #tpu.memory_space<vmem>>) target(%dma_start3A_172 : memref<10000x128xf32, #tpu.memory_space<vmem_shared>>) offsets(%dma_start3A_169 : memref<128xi32, #tpu.memory_space<vmem>>) semaphore(%run_scoped3A : memref<!tpu.dma_semaphore, #tpu.memory_space<semaphore_mem>>) {add = true}
            %dma_wait3A_173 = arith.constant 0 : i32
            %dma_wait3A_174 = tpu.memref_slice %arg9[%add3A_165, %dma_wait3A_173] : memref<16x128xi32, #tpu.memory_space<vmem>> -> memref<1x128xi32, #tpu.memory_space<vmem>>
            %dma_wait3A_175 = tpu.memref_squeeze %dma_wait3A_174 : memref<1x128xi32, #tpu.memory_space<vmem>> -> memref<128xi32, #tpu.memory_space<vmem>>
            %dma_wait3A_176 = arith.constant 0 : i32
            %dma_wait3A_177 = arith.constant 0 : i32
            %dma_wait3A_178 = tpu.memref_slice %arg8[%dma_wait3A_176, %dma_wait3A_177] : memref<10000x128xf32, #tpu.memory_space<vmem_shared>> -> memref<10000x128xf32, #tpu.memory_space<vmem_shared>>
            tpu.wait_indirect_dma semaphore(%run_scoped3A : memref<!tpu.dma_semaphore, #tpu.memory_space<semaphore_mem>>) src(%arg12 : memref<128x128xf32, #tpu.memory_space<vmem>>) dst(%dma_wait3A_178 : memref<10000x128xf32, #tpu.memory_space<vmem_shared>>)
            tpu.yield
          }) : () -> ()
          %while3A_166 = arith.constant 0 : i32
          scf.yield %while3A_166 : i32
        }
        %while3A_124 = arith.constant 0 : i32
        scf.yield %while3A_124 : i32
      }
    } else {
    }
    %eq3A_46 = arith.constant 1 : i32
    %eq3A_47 = arith.cmpi eq, %arg0, %eq3A_46 : i32
    %convert_element_type3A_48 = arith.extui %eq3A_47 : i1 to i32
    %cond3A_49 = arith.constant 0 : i32
    %cond3A_50 = arith.cmpi ne, %convert_element_type3A_48, %cond3A_49 : i32
    scf.if %cond3A_50 {
      %while3A_62 = arith.constant 0 : i32
      %while3A_63 = arith.constant 0 : i32
      %while3A_64 = arith.subi %select_n3A, %while3A_62 : i32
      %while3A_65 = arith.addi %while3A_62, %while3A_64 : i32
      %while3A_66 = arith.constant 1 : i32
      %while3A_67 = arith.divsi %while3A_64, %while3A_66 : i32
      %while3A_68 = arith.muli %while3A_67, %while3A_66 : i32
      %while3A_69 = arith.addi %while3A_62, %while3A_68 : i32
      %while3A_70 = arith.constant 1 : i32
      %while3A_71 = scf.for %while3A_74 = %while3A_62 to %while3A_69 step %while3A_70 iter_args(%while3A_75 = %while3A_63) -> (i32)  : i32 {
        %mul3A_76 = arith.constant 16 : i32
        %mul3A_77 = arith.muli %while3A_74, %mul3A_76 : i32
        %add3A_78 = arith.addi %mul3A_0, %mul3A_77 : i32
        "tpu.region"() ({
          %run_scoped3A = tpu.sem_alloc : memref<!tpu.dma_semaphore, #tpu.memory_space<semaphore_mem>>
          %dma_start3A_125 = arith.constant 0 : i32
          %dma_start3A_126 = tpu.memref_slice %arg5[%add3A_78, %dma_start3A_125] : memref<1280x128xi32, #tpu.memory_space<hbm>> -> memref<16x128xi32, #tpu.memory_space<hbm>>
          %dma_start3A_127 = arith.constant 0 : i32
          %dma_start3A_128 = tpu.memref_slice %arg5[%add3A_78, %dma_start3A_127] : memref<1280x128xi32, #tpu.memory_space<hbm>> -> memref<16x128xi32, #tpu.memory_space<hbm>>
          tpu.enqueue_dma source(%dma_start3A_128 : memref<16x128xi32, #tpu.memory_space<hbm>>) target(%arg9 : memref<16x128xi32, #tpu.memory_space<vmem>>) target_semaphore(%run_scoped3A : memref<!tpu.dma_semaphore, #tpu.memory_space<semaphore_mem>>)
          %dma_wait3A = arith.constant 0 : i32
          %dma_wait3A_129 = tpu.memref_slice %arg5[%add3A_78, %dma_wait3A] : memref<1280x128xi32, #tpu.memory_space<hbm>> -> memref<16x128xi32, #tpu.memory_space<hbm>>
          %dma_wait3A_130 = arith.constant 0 : i32
          %dma_wait3A_131 = tpu.memref_slice %arg5[%add3A_78, %dma_wait3A_130] : memref<1280x128xi32, #tpu.memory_space<hbm>> -> memref<16x128xi32, #tpu.memory_space<hbm>>
          tpu.wait_dma2 semaphore(%run_scoped3A : memref<!tpu.dma_semaphore, #tpu.memory_space<semaphore_mem>>) src(%dma_wait3A_131 : memref<16x128xi32, #tpu.memory_space<hbm>>) dst(%arg9 : memref<16x128xi32, #tpu.memory_space<vmem>>)
          tpu.yield
        }) : () -> ()
        "tpu.region"() ({
          %run_scoped3A = tpu.sem_alloc : memref<!tpu.dma_semaphore, #tpu.memory_space<semaphore_mem>>
          %dma_start3A_125 = arith.constant 0 : i32
          %dma_start3A_126 = tpu.memref_slice %arg4[%add3A_78, %dma_start3A_125] : memref<1280x128xi32, #tpu.memory_space<hbm>> -> memref<16x128xi32, #tpu.memory_space<hbm>>
          %dma_start3A_127 = arith.constant 0 : i32
          %dma_start3A_128 = tpu.memref_slice %arg4[%add3A_78, %dma_start3A_127] : memref<1280x128xi32, #tpu.memory_space<hbm>> -> memref<16x128xi32, #tpu.memory_space<hbm>>
          tpu.enqueue_dma source(%dma_start3A_128 : memref<16x128xi32, #tpu.memory_space<hbm>>) target(%arg10 : memref<16x128xi32, #tpu.memory_space<vmem>>) target_semaphore(%run_scoped3A : memref<!tpu.dma_semaphore, #tpu.memory_space<semaphore_mem>>)
          %dma_wait3A = arith.constant 0 : i32
          %dma_wait3A_129 = tpu.memref_slice %arg4[%add3A_78, %dma_wait3A] : memref<1280x128xi32, #tpu.memory_space<hbm>> -> memref<16x128xi32, #tpu.memory_space<hbm>>
          %dma_wait3A_130 = arith.constant 0 : i32
          %dma_wait3A_131 = tpu.memref_slice %arg4[%add3A_78, %dma_wait3A_130] : memref<1280x128xi32, #tpu.memory_space<hbm>> -> memref<16x128xi32, #tpu.memory_space<hbm>>
          tpu.wait_dma2 semaphore(%run_scoped3A : memref<!tpu.dma_semaphore, #tpu.memory_space<semaphore_mem>>) src(%dma_wait3A_131 : memref<16x128xi32, #tpu.memory_space<hbm>>) dst(%arg10 : memref<16x128xi32, #tpu.memory_space<vmem>>)
          tpu.yield
        }) : () -> ()
        %sub3A_79 = arith.subi %min3A_2, %add3A_78 : i32
        %min3A_80 = arith.constant 16 : i32
        %min3A_81 = arith.minsi %sub3A_79, %min3A_80 : i32
        %jit3A_82 = arith.constant 2 : i32
        %div3A_83 = arith.divsi %min3A_81, %jit3A_82 : i32
        %sign3A_84 = arith.constant 0 : i32
        %sign3A_85 = arith.cmpi sgt, %min3A_81, %sign3A_84 : i32
        %sign3A_86 = arith.extui %sign3A_85 : i1 to i32
        %sign3A_87 = arith.constant 0 : i32
        %sign3A_88 = arith.cmpi slt, %min3A_81, %sign3A_87 : i32
        %sign3A_89 = arith.extui %sign3A_88 : i1 to i32
        %sign3A_90 = arith.subi %sign3A_86, %sign3A_89 : i32
        %sign3A_91 = arith.constant 0 : i32
        %sign3A_92 = arith.cmpi sgt, %jit3A_82, %sign3A_91 : i32
        %sign3A_93 = arith.extui %sign3A_92 : i1 to i32
        %sign3A_94 = arith.constant 0 : i32
        %sign3A_95 = arith.cmpi slt, %jit3A_82, %sign3A_94 : i32
        %sign3A_96 = arith.extui %sign3A_95 : i1 to i32
        %sign3A_97 = arith.subi %sign3A_93, %sign3A_96 : i32
        %ne3A_98 = arith.cmpi ne, %sign3A_90, %sign3A_97 : i32
        %rem3A_99 = arith.remsi %min3A_81, %jit3A_82 : i32
        %ne3A_100 = arith.constant 0 : i32
        %ne3A_101 = arith.cmpi ne, %rem3A_99, %ne3A_100 : i32
        %and3A_102 = arith.andi %ne3A_98, %ne3A_101 : i1
        %sub3A_103 = arith.constant 1 : i32
        %sub3A_104 = arith.subi %div3A_83, %sub3A_103 : i32
        %select_n3A_105 = arith.select %and3A_102, %sub3A_104, %div3A_83 : i32
        %dma_start3A = arith.constant 0 : i32
        %dma_start3A_106 = arith.constant 0 : i32
        %dma_start3A_107 = tpu.memref_slice %arg10[%dma_start3A, %dma_start3A_106] : memref<16x128xi32, #tpu.memory_space<vmem>> -> memref<1x128xi32, #tpu.memory_space<vmem>>
        %dma_start3A_108 = tpu.memref_squeeze %dma_start3A_107 : memref<1x128xi32, #tpu.memory_space<vmem>> -> memref<128xi32, #tpu.memory_space<vmem>>
        %dma_start3A_109 = arith.constant 0 : i32
        %dma_start3A_110 = arith.constant 0 : i32
        %dma_start3A_111 = tpu.memref_slice %arg3[%dma_start3A_109, %dma_start3A_110] : memref<10000x128xf32, #tpu.memory_space<hbm>> -> memref<10000x128xf32, #tpu.memory_space<hbm>>
        tpu.enqueue_indirect_dma source(%dma_start3A_111 : memref<10000x128xf32, #tpu.memory_space<hbm>>) target(%arg11 : memref<128x128xf32, #tpu.memory_space<vmem>>) offsets(%dma_start3A_108 : memref<128xi32, #tpu.memory_space<vmem>>) semaphore(%arg13 : memref<!tpu.dma_semaphore, #tpu.memory_space<semaphore_mem>>)
        %while3A_112 = arith.constant 0 : i32
        %while3A_113 = arith.constant 0 : i32
        %while3A_114 = arith.subi %select_n3A_105, %while3A_112 : i32
        %while3A_115 = arith.addi %while3A_112, %while3A_114 : i32
        %while3A_116 = arith.constant 1 : i32
        %while3A_117 = arith.divsi %while3A_114, %while3A_116 : i32
        %while3A_118 = arith.muli %while3A_117, %while3A_116 : i32
        %while3A_119 = arith.addi %while3A_112, %while3A_118 : i32
        %while3A_120 = arith.constant 1 : i32
        %while3A_121 = scf.for %while3A_125 = %while3A_112 to %while3A_119 step %while3A_120 iter_args(%while3A_126 = %while3A_113) -> (i32)  : i32 {
          %mul3A_127 = arith.constant 2 : i32
          %mul3A_128 = arith.muli %mul3A_127, %while3A_125 : i32
          %dma_wait3A = arith.constant 0 : i32
          %dma_wait3A_129 = tpu.memref_slice %arg10[%mul3A_128, %dma_wait3A] : memref<16x128xi32, #tpu.memory_space<vmem>> -> memref<1x128xi32, #tpu.memory_space<vmem>>
          %dma_wait3A_130 = tpu.memref_squeeze %dma_wait3A_129 : memref<1x128xi32, #tpu.memory_space<vmem>> -> memref<128xi32, #tpu.memory_space<vmem>>
          %dma_wait3A_131 = arith.constant 0 : i32
          %dma_wait3A_132 = arith.constant 0 : i32
          %dma_wait3A_133 = tpu.memref_slice %arg3[%dma_wait3A_131, %dma_wait3A_132] : memref<10000x128xf32, #tpu.memory_space<hbm>> -> memref<10000x128xf32, #tpu.memory_space<hbm>>
          tpu.wait_indirect_dma semaphore(%arg13 : memref<!tpu.dma_semaphore, #tpu.memory_space<semaphore_mem>>) src(%dma_wait3A_133 : memref<10000x128xf32, #tpu.memory_space<hbm>>) dst(%arg11 : memref<128x128xf32, #tpu.memory_space<vmem>>)
          %mul3A_134 = arith.constant 2 : i32
          %mul3A_135 = arith.muli %mul3A_134, %while3A_125 : i32
          %add3A_136 = arith.constant 1 : i32
          %add3A_137 = arith.addi %mul3A_135, %add3A_136 : i32
          %dma_start3A_138 = arith.constant 0 : i32
          %dma_start3A_139 = tpu.memref_slice %arg10[%add3A_137, %dma_start3A_138] : memref<16x128xi32, #tpu.memory_space<vmem>> -> memref<1x128xi32, #tpu.memory_space<vmem>>
          %dma_start3A_140 = tpu.memref_squeeze %dma_start3A_139 : memref<1x128xi32, #tpu.memory_space<vmem>> -> memref<128xi32, #tpu.memory_space<vmem>>
          %dma_start3A_141 = arith.constant 0 : i32
          %dma_start3A_142 = arith.constant 0 : i32
          %dma_start3A_143 = tpu.memref_slice %arg3[%dma_start3A_141, %dma_start3A_142] : memref<10000x128xf32, #tpu.memory_space<hbm>> -> memref<10000x128xf32, #tpu.memory_space<hbm>>
          tpu.enqueue_indirect_dma source(%dma_start3A_143 : memref<10000x128xf32, #tpu.memory_space<hbm>>) target(%arg12 : memref<128x128xf32, #tpu.memory_space<vmem>>) offsets(%dma_start3A_140 : memref<128xi32, #tpu.memory_space<vmem>>) semaphore(%arg14 : memref<!tpu.dma_semaphore, #tpu.memory_space<semaphore_mem>>)
          %mul3A_144 = arith.constant 2 : i32
          %mul3A_145 = arith.muli %mul3A_144, %while3A_125 : i32
          "tpu.region"() ({
            %run_scoped3A = tpu.sem_alloc : memref<!tpu.dma_semaphore, #tpu.memory_space<semaphore_mem>>
            %dma_start3A_167 = arith.constant 0 : i32
            %dma_start3A_168 = tpu.memref_slice %arg9[%mul3A_145, %dma_start3A_167] : memref<16x128xi32, #tpu.memory_space<vmem>> -> memref<1x128xi32, #tpu.memory_space<vmem>>
            %dma_start3A_169 = tpu.memref_squeeze %dma_start3A_168 : memref<1x128xi32, #tpu.memory_space<vmem>> -> memref<128xi32, #tpu.memory_space<vmem>>
            %dma_start3A_170 = arith.constant 0 : i32
            %dma_start3A_171 = arith.constant 0 : i32
            %dma_start3A_172 = tpu.memref_slice %arg8[%dma_start3A_170, %dma_start3A_171] : memref<10000x128xf32, #tpu.memory_space<vmem_shared>> -> memref<10000x128xf32, #tpu.memory_space<vmem_shared>>
            tpu.enqueue_indirect_dma source(%arg11 : memref<128x128xf32, #tpu.memory_space<vmem>>) target(%dma_start3A_172 : memref<10000x128xf32, #tpu.memory_space<vmem_shared>>) offsets(%dma_start3A_169 : memref<128xi32, #tpu.memory_space<vmem>>) semaphore(%run_scoped3A : memref<!tpu.dma_semaphore, #tpu.memory_space<semaphore_mem>>) {add = true}
            %dma_wait3A_173 = arith.constant 0 : i32
            %dma_wait3A_174 = tpu.memref_slice %arg9[%mul3A_145, %dma_wait3A_173] : memref<16x128xi32, #tpu.memory_space<vmem>> -> memref<1x128xi32, #tpu.memory_space<vmem>>
            %dma_wait3A_175 = tpu.memref_squeeze %dma_wait3A_174 : memref<1x128xi32, #tpu.memory_space<vmem>> -> memref<128xi32, #tpu.memory_space<vmem>>
            %dma_wait3A_176 = arith.constant 0 : i32
            %dma_wait3A_177 = arith.constant 0 : i32
            %dma_wait3A_178 = tpu.memref_slice %arg8[%dma_wait3A_176, %dma_wait3A_177] : memref<10000x128xf32, #tpu.memory_space<vmem_shared>> -> memref<10000x128xf32, #tpu.memory_space<vmem_shared>>
            tpu.wait_indirect_dma semaphore(%run_scoped3A : memref<!tpu.dma_semaphore, #tpu.memory_space<semaphore_mem>>) src(%arg11 : memref<128x128xf32, #tpu.memory_space<vmem>>) dst(%dma_wait3A_178 : memref<10000x128xf32, #tpu.memory_space<vmem_shared>>)
            tpu.yield
          }) : () -> ()
          %mul3A_146 = arith.constant 2 : i32
          %mul3A_147 = arith.muli %mul3A_146, %while3A_125 : i32
          %add3A_148 = arith.constant 1 : i32
          %add3A_149 = arith.addi %mul3A_147, %add3A_148 : i32
          %dma_wait3A_150 = arith.constant 0 : i32
          %dma_wait3A_151 = tpu.memref_slice %arg10[%add3A_149, %dma_wait3A_150] : memref<16x128xi32, #tpu.memory_space<vmem>> -> memref<1x128xi32, #tpu.memory_space<vmem>>
          %dma_wait3A_152 = tpu.memref_squeeze %dma_wait3A_151 : memref<1x128xi32, #tpu.memory_space<vmem>> -> memref<128xi32, #tpu.memory_space<vmem>>
          %dma_wait3A_153 = arith.constant 0 : i32
          %dma_wait3A_154 = arith.constant 0 : i32
          %dma_wait3A_155 = tpu.memref_slice %arg3[%dma_wait3A_153, %dma_wait3A_154] : memref<10000x128xf32, #tpu.memory_space<hbm>> -> memref<10000x128xf32, #tpu.memory_space<hbm>>
          tpu.wait_indirect_dma semaphore(%arg14 : memref<!tpu.dma_semaphore, #tpu.memory_space<semaphore_mem>>) src(%dma_wait3A_155 : memref<10000x128xf32, #tpu.memory_space<hbm>>) dst(%arg12 : memref<128x128xf32, #tpu.memory_space<vmem>>)
          %add3A_156 = arith.constant 1 : i32
          %add3A_157 = arith.addi %while3A_125, %add3A_156 : i32
          %lt3A_158 = arith.cmpi slt, %add3A_157, %select_n3A_105 : i32
          %convert_element_type3A_159 = arith.extui %lt3A_158 : i1 to i32
          %cond3A_160 = arith.constant 0 : i32
          %cond3A_161 = arith.cmpi ne, %convert_element_type3A_159, %cond3A_160 : i32
          scf.if %cond3A_161 {
            %mul3A_167 = arith.constant 2 : i32
            %mul3A_168 = arith.muli %mul3A_167, %while3A_125 : i32
            %add3A_169 = arith.constant 2 : i32
            %add3A_170 = arith.addi %mul3A_168, %add3A_169 : i32
            %dma_start3A_171 = arith.constant 0 : i32
            %dma_start3A_172 = tpu.memref_slice %arg10[%add3A_170, %dma_start3A_171] : memref<16x128xi32, #tpu.memory_space<vmem>> -> memref<1x128xi32, #tpu.memory_space<vmem>>
            %dma_start3A_173 = tpu.memref_squeeze %dma_start3A_172 : memref<1x128xi32, #tpu.memory_space<vmem>> -> memref<128xi32, #tpu.memory_space<vmem>>
            %dma_start3A_174 = arith.constant 0 : i32
            %dma_start3A_175 = arith.constant 0 : i32
            %dma_start3A_176 = tpu.memref_slice %arg3[%dma_start3A_174, %dma_start3A_175] : memref<10000x128xf32, #tpu.memory_space<hbm>> -> memref<10000x128xf32, #tpu.memory_space<hbm>>
            tpu.enqueue_indirect_dma source(%dma_start3A_176 : memref<10000x128xf32, #tpu.memory_space<hbm>>) target(%arg11 : memref<128x128xf32, #tpu.memory_space<vmem>>) offsets(%dma_start3A_173 : memref<128xi32, #tpu.memory_space<vmem>>) semaphore(%arg13 : memref<!tpu.dma_semaphore, #tpu.memory_space<semaphore_mem>>)
          } else {
          }
          %mul3A_162 = arith.constant 2 : i32
          %mul3A_163 = arith.muli %mul3A_162, %while3A_125 : i32
          %add3A_164 = arith.constant 1 : i32
          %add3A_165 = arith.addi %mul3A_163, %add3A_164 : i32
          "tpu.region"() ({
            %run_scoped3A = tpu.sem_alloc : memref<!tpu.dma_semaphore, #tpu.memory_space<semaphore_mem>>
            %dma_start3A_167 = arith.constant 0 : i32
            %dma_start3A_168 = tpu.memref_slice %arg9[%add3A_165, %dma_start3A_167] : memref<16x128xi32, #tpu.memory_space<vmem>> -> memref<1x128xi32, #tpu.memory_space<vmem>>
            %dma_start3A_169 = tpu.memref_squeeze %dma_start3A_168 : memref<1x128xi32, #tpu.memory_space<vmem>> -> memref<128xi32, #tpu.memory_space<vmem>>
            %dma_start3A_170 = arith.constant 0 : i32
            %dma_start3A_171 = arith.constant 0 : i32
            %dma_start3A_172 = tpu.memref_slice %arg8[%dma_start3A_170, %dma_start3A_171] : memref<10000x128xf32, #tpu.memory_space<vmem_shared>> -> memref<10000x128xf32, #tpu.memory_space<vmem_shared>>
            tpu.enqueue_indirect_dma source(%arg12 : memref<128x128xf32, #tpu.memory_space<vmem>>) target(%dma_start3A_172 : memref<10000x128xf32, #tpu.memory_space<vmem_shared>>) offsets(%dma_start3A_169 : memref<128xi32, #tpu.memory_space<vmem>>) semaphore(%run_scoped3A : memref<!tpu.dma_semaphore, #tpu.memory_space<semaphore_mem>>) {add = true}
            %dma_wait3A_173 = arith.constant 0 : i32
            %dma_wait3A_174 = tpu.memref_slice %arg9[%add3A_165, %dma_wait3A_173] : memref<16x128xi32, #tpu.memory_space<vmem>> -> memref<1x128xi32, #tpu.memory_space<vmem>>
            %dma_wait3A_175 = tpu.memref_squeeze %dma_wait3A_174 : memref<1x128xi32, #tpu.memory_space<vmem>> -> memref<128xi32, #tpu.memory_space<vmem>>
            %dma_wait3A_176 = arith.constant 0 : i32
            %dma_wait3A_177 = arith.constant 0 : i32
            %dma_wait3A_178 = tpu.memref_slice %arg8[%dma_wait3A_176, %dma_wait3A_177] : memref<10000x128xf32, #tpu.memory_space<vmem_shared>> -> memref<10000x128xf32, #tpu.memory_space<vmem_shared>>
            tpu.wait_indirect_dma semaphore(%run_scoped3A : memref<!tpu.dma_semaphore, #tpu.memory_space<semaphore_mem>>) src(%arg12 : memref<128x128xf32, #tpu.memory_space<vmem>>) dst(%dma_wait3A_178 : memref<10000x128xf32, #tpu.memory_space<vmem_shared>>)
            tpu.yield
          }) : () -> ()
          %while3A_166 = arith.constant 0 : i32
          scf.yield %while3A_166 : i32
        }
        %while3A_122 = arith.constant 1 : i32
        %while3A_123 = scf.for %while3A_125 = %while3A_119 to %while3A_115 step %while3A_122 iter_args(%while3A_126 = %while3A_121) -> (i32)  : i32 {
          %mul3A_127 = arith.constant 2 : i32
          %mul3A_128 = arith.muli %mul3A_127, %while3A_125 : i32
          %dma_wait3A = arith.constant 0 : i32
          %dma_wait3A_129 = tpu.memref_slice %arg10[%mul3A_128, %dma_wait3A] : memref<16x128xi32, #tpu.memory_space<vmem>> -> memref<1x128xi32, #tpu.memory_space<vmem>>
          %dma_wait3A_130 = tpu.memref_squeeze %dma_wait3A_129 : memref<1x128xi32, #tpu.memory_space<vmem>> -> memref<128xi32, #tpu.memory_space<vmem>>
          %dma_wait3A_131 = arith.constant 0 : i32
          %dma_wait3A_132 = arith.constant 0 : i32
          %dma_wait3A_133 = tpu.memref_slice %arg3[%dma_wait3A_131, %dma_wait3A_132] : memref<10000x128xf32, #tpu.memory_space<hbm>> -> memref<10000x128xf32, #tpu.memory_space<hbm>>
          tpu.wait_indirect_dma semaphore(%arg13 : memref<!tpu.dma_semaphore, #tpu.memory_space<semaphore_mem>>) src(%dma_wait3A_133 : memref<10000x128xf32, #tpu.memory_space<hbm>>) dst(%arg11 : memref<128x128xf32, #tpu.memory_space<vmem>>)
          %mul3A_134 = arith.constant 2 : i32
          %mul3A_135 = arith.muli %mul3A_134, %while3A_125 : i32
          %add3A_136 = arith.constant 1 : i32
          %add3A_137 = arith.addi %mul3A_135, %add3A_136 : i32
          %dma_start3A_138 = arith.constant 0 : i32
          %dma_start3A_139 = tpu.memref_slice %arg10[%add3A_137, %dma_start3A_138] : memref<16x128xi32, #tpu.memory_space<vmem>> -> memref<1x128xi32, #tpu.memory_space<vmem>>
          %dma_start3A_140 = tpu.memref_squeeze %dma_start3A_139 : memref<1x128xi32, #tpu.memory_space<vmem>> -> memref<128xi32, #tpu.memory_space<vmem>>
          %dma_start3A_141 = arith.constant 0 : i32
          %dma_start3A_142 = arith.constant 0 : i32
          %dma_start3A_143 = tpu.memref_slice %arg3[%dma_start3A_141, %dma_start3A_142] : memref<10000x128xf32, #tpu.memory_space<hbm>> -> memref<10000x128xf32, #tpu.memory_space<hbm>>
          tpu.enqueue_indirect_dma source(%dma_start3A_143 : memref<10000x128xf32, #tpu.memory_space<hbm>>) target(%arg12 : memref<128x128xf32, #tpu.memory_space<vmem>>) offsets(%dma_start3A_140 : memref<128xi32, #tpu.memory_space<vmem>>) semaphore(%arg14 : memref<!tpu.dma_semaphore, #tpu.memory_space<semaphore_mem>>)
          %mul3A_144 = arith.constant 2 : i32
          %mul3A_145 = arith.muli %mul3A_144, %while3A_125 : i32
          "tpu.region"() ({
            %run_scoped3A = tpu.sem_alloc : memref<!tpu.dma_semaphore, #tpu.memory_space<semaphore_mem>>
            %dma_start3A_167 = arith.constant 0 : i32
            %dma_start3A_168 = tpu.memref_slice %arg9[%mul3A_145, %dma_start3A_167] : memref<16x128xi32, #tpu.memory_space<vmem>> -> memref<1x128xi32, #tpu.memory_space<vmem>>
            %dma_start3A_169 = tpu.memref_squeeze %dma_start3A_168 : memref<1x128xi32, #tpu.memory_space<vmem>> -> memref<128xi32, #tpu.memory_space<vmem>>
            %dma_start3A_170 = arith.constant 0 : i32
            %dma_start3A_171 = arith.constant 0 : i32
            %dma_start3A_172 = tpu.memref_slice %arg8[%dma_start3A_170, %dma_start3A_171] : memref<10000x128xf32, #tpu.memory_space<vmem_shared>> -> memref<10000x128xf32, #tpu.memory_space<vmem_shared>>
            tpu.enqueue_indirect_dma source(%arg11 : memref<128x128xf32, #tpu.memory_space<vmem>>) target(%dma_start3A_172 : memref<10000x128xf32, #tpu.memory_space<vmem_shared>>) offsets(%dma_start3A_169 : memref<128xi32, #tpu.memory_space<vmem>>) semaphore(%run_scoped3A : memref<!tpu.dma_semaphore, #tpu.memory_space<semaphore_mem>>) {add = true}
            %dma_wait3A_173 = arith.constant 0 : i32
            %dma_wait3A_174 = tpu.memref_slice %arg9[%mul3A_145, %dma_wait3A_173] : memref<16x128xi32, #tpu.memory_space<vmem>> -> memref<1x128xi32, #tpu.memory_space<vmem>>
            %dma_wait3A_175 = tpu.memref_squeeze %dma_wait3A_174 : memref<1x128xi32, #tpu.memory_space<vmem>> -> memref<128xi32, #tpu.memory_space<vmem>>
            %dma_wait3A_176 = arith.constant 0 : i32
            %dma_wait3A_177 = arith.constant 0 : i32
            %dma_wait3A_178 = tpu.memref_slice %arg8[%dma_wait3A_176, %dma_wait3A_177] : memref<10000x128xf32, #tpu.memory_space<vmem_shared>> -> memref<10000x128xf32, #tpu.memory_space<vmem_shared>>
            tpu.wait_indirect_dma semaphore(%run_scoped3A : memref<!tpu.dma_semaphore, #tpu.memory_space<semaphore_mem>>) src(%arg11 : memref<128x128xf32, #tpu.memory_space<vmem>>) dst(%dma_wait3A_178 : memref<10000x128xf32, #tpu.memory_space<vmem_shared>>)
            tpu.yield
          }) : () -> ()
          %mul3A_146 = arith.constant 2 : i32
          %mul3A_147 = arith.muli %mul3A_146, %while3A_125 : i32
          %add3A_148 = arith.constant 1 : i32
          %add3A_149 = arith.addi %mul3A_147, %add3A_148 : i32
          %dma_wait3A_150 = arith.constant 0 : i32
          %dma_wait3A_151 = tpu.memref_slice %arg10[%add3A_149, %dma_wait3A_150] : memref<16x128xi32, #tpu.memory_space<vmem>> -> memref<1x128xi32, #tpu.memory_space<vmem>>
          %dma_wait3A_152 = tpu.memref_squeeze %dma_wait3A_151 : memref<1x128xi32, #tpu.memory_space<vmem>> -> memref<128xi32, #tpu.memory_space<vmem>>
          %dma_wait3A_153 = arith.constant 0 : i32
          %dma_wait3A_154 = arith.constant 0 : i32
          %dma_wait3A_155 = tpu.memref_slice %arg3[%dma_wait3A_153, %dma_wait3A_154] : memref<10000x128xf32, #tpu.memory_space<hbm>> -> memref<10000x128xf32, #tpu.memory_space<hbm>>
          tpu.wait_indirect_dma semaphore(%arg14 : memref<!tpu.dma_semaphore, #tpu.memory_space<semaphore_mem>>) src(%dma_wait3A_155 : memref<10000x128xf32, #tpu.memory_space<hbm>>) dst(%arg12 : memref<128x128xf32, #tpu.memory_space<vmem>>)
          %add3A_156 = arith.constant 1 : i32
          %add3A_157 = arith.addi %while3A_125, %add3A_156 : i32
          %lt3A_158 = arith.cmpi slt, %add3A_157, %select_n3A_105 : i32
          %convert_element_type3A_159 = arith.extui %lt3A_158 : i1 to i32
          %cond3A_160 = arith.constant 0 : i32
          %cond3A_161 = arith.cmpi ne, %convert_element_type3A_159, %cond3A_160 : i32
          scf.if %cond3A_161 {
            %mul3A_167 = arith.constant 2 : i32
            %mul3A_168 = arith.muli %mul3A_167, %while3A_125 : i32
            %add3A_169 = arith.constant 2 : i32
            %add3A_170 = arith.addi %mul3A_168, %add3A_169 : i32
            %dma_start3A_171 = arith.constant 0 : i32
            %dma_start3A_172 = tpu.memref_slice %arg10[%add3A_170, %dma_start3A_171] : memref<16x128xi32, #tpu.memory_space<vmem>> -> memref<1x128xi32, #tpu.memory_space<vmem>>
            %dma_start3A_173 = tpu.memref_squeeze %dma_start3A_172 : memref<1x128xi32, #tpu.memory_space<vmem>> -> memref<128xi32, #tpu.memory_space<vmem>>
            %dma_start3A_174 = arith.constant 0 : i32
            %dma_start3A_175 = arith.constant 0 : i32
            %dma_start3A_176 = tpu.memref_slice %arg3[%dma_start3A_174, %dma_start3A_175] : memref<10000x128xf32, #tpu.memory_space<hbm>> -> memref<10000x128xf32, #tpu.memory_space<hbm>>
            tpu.enqueue_indirect_dma source(%dma_start3A_176 : memref<10000x128xf32, #tpu.memory_space<hbm>>) target(%arg11 : memref<128x128xf32, #tpu.memory_space<vmem>>) offsets(%dma_start3A_173 : memref<128xi32, #tpu.memory_space<vmem>>) semaphore(%arg13 : memref<!tpu.dma_semaphore, #tpu.memory_space<semaphore_mem>>)
          } else {
          }
          %mul3A_162 = arith.constant 2 : i32
          %mul3A_163 = arith.muli %mul3A_162, %while3A_125 : i32
          %add3A_164 = arith.constant 1 : i32
          %add3A_165 = arith.addi %mul3A_163, %add3A_164 : i32
          "tpu.region"() ({
            %run_scoped3A = tpu.sem_alloc : memref<!tpu.dma_semaphore, #tpu.memory_space<semaphore_mem>>
            %dma_start3A_167 = arith.constant 0 : i32
            %dma_start3A_168 = tpu.memref_slice %arg9[%add3A_165, %dma_start3A_167] : memref<16x128xi32, #tpu.memory_space<vmem>> -> memref<1x128xi32, #tpu.memory_space<vmem>>
            %dma_start3A_169 = tpu.memref_squeeze %dma_start3A_168 : memref<1x128xi32, #tpu.memory_space<vmem>> -> memref<128xi32, #tpu.memory_space<vmem>>
            %dma_start3A_170 = arith.constant 0 : i32
            %dma_start3A_171 = arith.constant 0 : i32
            %dma_start3A_172 = tpu.memref_slice %arg8[%dma_start3A_170, %dma_start3A_171] : memref<10000x128xf32, #tpu.memory_space<vmem_shared>> -> memref<10000x128xf32, #tpu.memory_space<vmem_shared>>
            tpu.enqueue_indirect_dma source(%arg12 : memref<128x128xf32, #tpu.memory_space<vmem>>) target(%dma_start3A_172 : memref<10000x128xf32, #tpu.memory_space<vmem_shared>>) offsets(%dma_start3A_169 : memref<128xi32, #tpu.memory_space<vmem>>) semaphore(%run_scoped3A : memref<!tpu.dma_semaphore, #tpu.memory_space<semaphore_mem>>) {add = true}
            %dma_wait3A_173 = arith.constant 0 : i32
            %dma_wait3A_174 = tpu.memref_slice %arg9[%add3A_165, %dma_wait3A_173] : memref<16x128xi32, #tpu.memory_space<vmem>> -> memref<1x128xi32, #tpu.memory_space<vmem>>
            %dma_wait3A_175 = tpu.memref_squeeze %dma_wait3A_174 : memref<1x128xi32, #tpu.memory_space<vmem>> -> memref<128xi32, #tpu.memory_space<vmem>>
            %dma_wait3A_176 = arith.constant 0 : i32
            %dma_wait3A_177 = arith.constant 0 : i32
            %dma_wait3A_178 = tpu.memref_slice %arg8[%dma_wait3A_176, %dma_wait3A_177] : memref<10000x128xf32, #tpu.memory_space<vmem_shared>> -> memref<10000x128xf32, #tpu.memory_space<vmem_shared>>
            tpu.wait_indirect_dma semaphore(%run_scoped3A : memref<!tpu.dma_semaphore, #tpu.memory_space<semaphore_mem>>) src(%arg12 : memref<128x128xf32, #tpu.memory_space<vmem>>) dst(%dma_wait3A_178 : memref<10000x128xf32, #tpu.memory_space<vmem_shared>>)
            tpu.yield
          }) : () -> ()
          %while3A_166 = arith.constant 0 : i32
          scf.yield %while3A_166 : i32
        }
        %while3A_124 = arith.constant 0 : i32
        scf.yield %while3A_124 : i32
      }
      %while3A_72 = arith.constant 1 : i32
      %while3A_73 = scf.for %while3A_74 = %while3A_69 to %while3A_65 step %while3A_72 iter_args(%while3A_75 = %while3A_71) -> (i32)  : i32 {
        %mul3A_76 = arith.constant 16 : i32
        %mul3A_77 = arith.muli %while3A_74, %mul3A_76 : i32
        %add3A_78 = arith.addi %mul3A_0, %mul3A_77 : i32
        "tpu.region"() ({
          %run_scoped3A = tpu.sem_alloc : memref<!tpu.dma_semaphore, #tpu.memory_space<semaphore_mem>>
          %dma_start3A_125 = arith.constant 0 : i32
          %dma_start3A_126 = tpu.memref_slice %arg5[%add3A_78, %dma_start3A_125] : memref<1280x128xi32, #tpu.memory_space<hbm>> -> memref<16x128xi32, #tpu.memory_space<hbm>>
          %dma_start3A_127 = arith.constant 0 : i32
          %dma_start3A_128 = tpu.memref_slice %arg5[%add3A_78, %dma_start3A_127] : memref<1280x128xi32, #tpu.memory_space<hbm>> -> memref<16x128xi32, #tpu.memory_space<hbm>>
          tpu.enqueue_dma source(%dma_start3A_128 : memref<16x128xi32, #tpu.memory_space<hbm>>) target(%arg9 : memref<16x128xi32, #tpu.memory_space<vmem>>) target_semaphore(%run_scoped3A : memref<!tpu.dma_semaphore, #tpu.memory_space<semaphore_mem>>)
          %dma_wait3A = arith.constant 0 : i32
          %dma_wait3A_129 = tpu.memref_slice %arg5[%add3A_78, %dma_wait3A] : memref<1280x128xi32, #tpu.memory_space<hbm>> -> memref<16x128xi32, #tpu.memory_space<hbm>>
          %dma_wait3A_130 = arith.constant 0 : i32
          %dma_wait3A_131 = tpu.memref_slice %arg5[%add3A_78, %dma_wait3A_130] : memref<1280x128xi32, #tpu.memory_space<hbm>> -> memref<16x128xi32, #tpu.memory_space<hbm>>
          tpu.wait_dma2 semaphore(%run_scoped3A : memref<!tpu.dma_semaphore, #tpu.memory_space<semaphore_mem>>) src(%dma_wait3A_131 : memref<16x128xi32, #tpu.memory_space<hbm>>) dst(%arg9 : memref<16x128xi32, #tpu.memory_space<vmem>>)
          tpu.yield
        }) : () -> ()
        "tpu.region"() ({
          %run_scoped3A = tpu.sem_alloc : memref<!tpu.dma_semaphore, #tpu.memory_space<semaphore_mem>>
          %dma_start3A_125 = arith.constant 0 : i32
          %dma_start3A_126 = tpu.memref_slice %arg4[%add3A_78, %dma_start3A_125] : memref<1280x128xi32, #tpu.memory_space<hbm>> -> memref<16x128xi32, #tpu.memory_space<hbm>>
          %dma_start3A_127 = arith.constant 0 : i32
          %dma_start3A_128 = tpu.memref_slice %arg4[%add3A_78, %dma_start3A_127] : memref<1280x128xi32, #tpu.memory_space<hbm>> -> memref<16x128xi32, #tpu.memory_space<hbm>>
          tpu.enqueue_dma source(%dma_start3A_128 : memref<16x128xi32, #tpu.memory_space<hbm>>) target(%arg10 : memref<16x128xi32, #tpu.memory_space<vmem>>) target_semaphore(%run_scoped3A : memref<!tpu.dma_semaphore, #tpu.memory_space<semaphore_mem>>)
          %dma_wait3A = arith.constant 0 : i32
          %dma_wait3A_129 = tpu.memref_slice %arg4[%add3A_78, %dma_wait3A] : memref<1280x128xi32, #tpu.memory_space<hbm>> -> memref<16x128xi32, #tpu.memory_space<hbm>>
          %dma_wait3A_130 = arith.constant 0 : i32
          %dma_wait3A_131 = tpu.memref_slice %arg4[%add3A_78, %dma_wait3A_130] : memref<1280x128xi32, #tpu.memory_space<hbm>> -> memref<16x128xi32, #tpu.memory_space<hbm>>
          tpu.wait_dma2 semaphore(%run_scoped3A : memref<!tpu.dma_semaphore, #tpu.memory_space<semaphore_mem>>) src(%dma_wait3A_131 : memref<16x128xi32, #tpu.memory_space<hbm>>) dst(%arg10 : memref<16x128xi32, #tpu.memory_space<vmem>>)
          tpu.yield
        }) : () -> ()
        %sub3A_79 = arith.subi %min3A_2, %add3A_78 : i32
        %min3A_80 = arith.constant 16 : i32
        %min3A_81 = arith.minsi %sub3A_79, %min3A_80 : i32
        %jit3A_82 = arith.constant 2 : i32
        %div3A_83 = arith.divsi %min3A_81, %jit3A_82 : i32
        %sign3A_84 = arith.constant 0 : i32
        %sign3A_85 = arith.cmpi sgt, %min3A_81, %sign3A_84 : i32
        %sign3A_86 = arith.extui %sign3A_85 : i1 to i32
        %sign3A_87 = arith.constant 0 : i32
        %sign3A_88 = arith.cmpi slt, %min3A_81, %sign3A_87 : i32
        %sign3A_89 = arith.extui %sign3A_88 : i1 to i32
        %sign3A_90 = arith.subi %sign3A_86, %sign3A_89 : i32
        %sign3A_91 = arith.constant 0 : i32
        %sign3A_92 = arith.cmpi sgt, %jit3A_82, %sign3A_91 : i32
        %sign3A_93 = arith.extui %sign3A_92 : i1 to i32
        %sign3A_94 = arith.constant 0 : i32
        %sign3A_95 = arith.cmpi slt, %jit3A_82, %sign3A_94 : i32
        %sign3A_96 = arith.extui %sign3A_95 : i1 to i32
        %sign3A_97 = arith.subi %sign3A_93, %sign3A_96 : i32
        %ne3A_98 = arith.cmpi ne, %sign3A_90, %sign3A_97 : i32
        %rem3A_99 = arith.remsi %min3A_81, %jit3A_82 : i32
        %ne3A_100 = arith.constant 0 : i32
        %ne3A_101 = arith.cmpi ne, %rem3A_99, %ne3A_100 : i32
        %and3A_102 = arith.andi %ne3A_98, %ne3A_101 : i1
        %sub3A_103 = arith.constant 1 : i32
        %sub3A_104 = arith.subi %div3A_83, %sub3A_103 : i32
        %select_n3A_105 = arith.select %and3A_102, %sub3A_104, %div3A_83 : i32
        %dma_start3A = arith.constant 0 : i32
        %dma_start3A_106 = arith.constant 0 : i32
        %dma_start3A_107 = tpu.memref_slice %arg10[%dma_start3A, %dma_start3A_106] : memref<16x128xi32, #tpu.memory_space<vmem>> -> memref<1x128xi32, #tpu.memory_space<vmem>>
        %dma_start3A_108 = tpu.memref_squeeze %dma_start3A_107 : memref<1x128xi32, #tpu.memory_space<vmem>> -> memref<128xi32, #tpu.memory_space<vmem>>
        %dma_start3A_109 = arith.constant 0 : i32
        %dma_start3A_110 = arith.constant 0 : i32
        %dma_start3A_111 = tpu.memref_slice %arg3[%dma_start3A_109, %dma_start3A_110] : memref<10000x128xf32, #tpu.memory_space<hbm>> -> memref<10000x128xf32, #tpu.memory_space<hbm>>
        tpu.enqueue_indirect_dma source(%dma_start3A_111 : memref<10000x128xf32, #tpu.memory_space<hbm>>) target(%arg11 : memref<128x128xf32, #tpu.memory_space<vmem>>) offsets(%dma_start3A_108 : memref<128xi32, #tpu.memory_space<vmem>>) semaphore(%arg13 : memref<!tpu.dma_semaphore, #tpu.memory_space<semaphore_mem>>)
        %while3A_112 = arith.constant 0 : i32
        %while3A_113 = arith.constant 0 : i32
        %while3A_114 = arith.subi %select_n3A_105, %while3A_112 : i32
        %while3A_115 = arith.addi %while3A_112, %while3A_114 : i32
        %while3A_116 = arith.constant 1 : i32
        %while3A_117 = arith.divsi %while3A_114, %while3A_116 : i32
        %while3A_118 = arith.muli %while3A_117, %while3A_116 : i32
        %while3A_119 = arith.addi %while3A_112, %while3A_118 : i32
        %while3A_120 = arith.constant 1 : i32
        %while3A_121 = scf.for %while3A_125 = %while3A_112 to %while3A_119 step %while3A_120 iter_args(%while3A_126 = %while3A_113) -> (i32)  : i32 {
          %mul3A_127 = arith.constant 2 : i32
          %mul3A_128 = arith.muli %mul3A_127, %while3A_125 : i32
          %dma_wait3A = arith.constant 0 : i32
          %dma_wait3A_129 = tpu.memref_slice %arg10[%mul3A_128, %dma_wait3A] : memref<16x128xi32, #tpu.memory_space<vmem>> -> memref<1x128xi32, #tpu.memory_space<vmem>>
          %dma_wait3A_130 = tpu.memref_squeeze %dma_wait3A_129 : memref<1x128xi32, #tpu.memory_space<vmem>> -> memref<128xi32, #tpu.memory_space<vmem>>
          %dma_wait3A_131 = arith.constant 0 : i32
          %dma_wait3A_132 = arith.constant 0 : i32
          %dma_wait3A_133 = tpu.memref_slice %arg3[%dma_wait3A_131, %dma_wait3A_132] : memref<10000x128xf32, #tpu.memory_space<hbm>> -> memref<10000x128xf32, #tpu.memory_space<hbm>>
          tpu.wait_indirect_dma semaphore(%arg13 : memref<!tpu.dma_semaphore, #tpu.memory_space<semaphore_mem>>) src(%dma_wait3A_133 : memref<10000x128xf32, #tpu.memory_space<hbm>>) dst(%arg11 : memref<128x128xf32, #tpu.memory_space<vmem>>)
          %mul3A_134 = arith.constant 2 : i32
          %mul3A_135 = arith.muli %mul3A_134, %while3A_125 : i32
          %add3A_136 = arith.constant 1 : i32
          %add3A_137 = arith.addi %mul3A_135, %add3A_136 : i32
          %dma_start3A_138 = arith.constant 0 : i32
          %dma_start3A_139 = tpu.memref_slice %arg10[%add3A_137, %dma_start3A_138] : memref<16x128xi32, #tpu.memory_space<vmem>> -> memref<1x128xi32, #tpu.memory_space<vmem>>
          %dma_start3A_140 = tpu.memref_squeeze %dma_start3A_139 : memref<1x128xi32, #tpu.memory_space<vmem>> -> memref<128xi32, #tpu.memory_space<vmem>>
          %dma_start3A_141 = arith.constant 0 : i32
          %dma_start3A_142 = arith.constant 0 : i32
          %dma_start3A_143 = tpu.memref_slice %arg3[%dma_start3A_141, %dma_start3A_142] : memref<10000x128xf32, #tpu.memory_space<hbm>> -> memref<10000x128xf32, #tpu.memory_space<hbm>>
          tpu.enqueue_indirect_dma source(%dma_start3A_143 : memref<10000x128xf32, #tpu.memory_space<hbm>>) target(%arg12 : memref<128x128xf32, #tpu.memory_space<vmem>>) offsets(%dma_start3A_140 : memref<128xi32, #tpu.memory_space<vmem>>) semaphore(%arg14 : memref<!tpu.dma_semaphore, #tpu.memory_space<semaphore_mem>>)
          %mul3A_144 = arith.constant 2 : i32
          %mul3A_145 = arith.muli %mul3A_144, %while3A_125 : i32
          "tpu.region"() ({
            %run_scoped3A = tpu.sem_alloc : memref<!tpu.dma_semaphore, #tpu.memory_space<semaphore_mem>>
            %dma_start3A_167 = arith.constant 0 : i32
            %dma_start3A_168 = tpu.memref_slice %arg9[%mul3A_145, %dma_start3A_167] : memref<16x128xi32, #tpu.memory_space<vmem>> -> memref<1x128xi32, #tpu.memory_space<vmem>>
            %dma_start3A_169 = tpu.memref_squeeze %dma_start3A_168 : memref<1x128xi32, #tpu.memory_space<vmem>> -> memref<128xi32, #tpu.memory_space<vmem>>
            %dma_start3A_170 = arith.constant 0 : i32
            %dma_start3A_171 = arith.constant 0 : i32
            %dma_start3A_172 = tpu.memref_slice %arg8[%dma_start3A_170, %dma_start3A_171] : memref<10000x128xf32, #tpu.memory_space<vmem_shared>> -> memref<10000x128xf32, #tpu.memory_space<vmem_shared>>
            tpu.enqueue_indirect_dma source(%arg11 : memref<128x128xf32, #tpu.memory_space<vmem>>) target(%dma_start3A_172 : memref<10000x128xf32, #tpu.memory_space<vmem_shared>>) offsets(%dma_start3A_169 : memref<128xi32, #tpu.memory_space<vmem>>) semaphore(%run_scoped3A : memref<!tpu.dma_semaphore, #tpu.memory_space<semaphore_mem>>) {add = true}
            %dma_wait3A_173 = arith.constant 0 : i32
            %dma_wait3A_174 = tpu.memref_slice %arg9[%mul3A_145, %dma_wait3A_173] : memref<16x128xi32, #tpu.memory_space<vmem>> -> memref<1x128xi32, #tpu.memory_space<vmem>>
            %dma_wait3A_175 = tpu.memref_squeeze %dma_wait3A_174 : memref<1x128xi32, #tpu.memory_space<vmem>> -> memref<128xi32, #tpu.memory_space<vmem>>
            %dma_wait3A_176 = arith.constant 0 : i32
            %dma_wait3A_177 = arith.constant 0 : i32
            %dma_wait3A_178 = tpu.memref_slice %arg8[%dma_wait3A_176, %dma_wait3A_177] : memref<10000x128xf32, #tpu.memory_space<vmem_shared>> -> memref<10000x128xf32, #tpu.memory_space<vmem_shared>>
            tpu.wait_indirect_dma semaphore(%run_scoped3A : memref<!tpu.dma_semaphore, #tpu.memory_space<semaphore_mem>>) src(%arg11 : memref<128x128xf32, #tpu.memory_space<vmem>>) dst(%dma_wait3A_178 : memref<10000x128xf32, #tpu.memory_space<vmem_shared>>)
            tpu.yield
          }) : () -> ()
          %mul3A_146 = arith.constant 2 : i32
          %mul3A_147 = arith.muli %mul3A_146, %while3A_125 : i32
          %add3A_148 = arith.constant 1 : i32
          %add3A_149 = arith.addi %mul3A_147, %add3A_148 : i32
          %dma_wait3A_150 = arith.constant 0 : i32
          %dma_wait3A_151 = tpu.memref_slice %arg10[%add3A_149, %dma_wait3A_150] : memref<16x128xi32, #tpu.memory_space<vmem>> -> memref<1x128xi32, #tpu.memory_space<vmem>>
          %dma_wait3A_152 = tpu.memref_squeeze %dma_wait3A_151 : memref<1x128xi32, #tpu.memory_space<vmem>> -> memref<128xi32, #tpu.memory_space<vmem>>
          %dma_wait3A_153 = arith.constant 0 : i32
          %dma_wait3A_154 = arith.constant 0 : i32
          %dma_wait3A_155 = tpu.memref_slice %arg3[%dma_wait3A_153, %dma_wait3A_154] : memref<10000x128xf32, #tpu.memory_space<hbm>> -> memref<10000x128xf32, #tpu.memory_space<hbm>>
          tpu.wait_indirect_dma semaphore(%arg14 : memref<!tpu.dma_semaphore, #tpu.memory_space<semaphore_mem>>) src(%dma_wait3A_155 : memref<10000x128xf32, #tpu.memory_space<hbm>>) dst(%arg12 : memref<128x128xf32, #tpu.memory_space<vmem>>)
          %add3A_156 = arith.constant 1 : i32
          %add3A_157 = arith.addi %while3A_125, %add3A_156 : i32
          %lt3A_158 = arith.cmpi slt, %add3A_157, %select_n3A_105 : i32
          %convert_element_type3A_159 = arith.extui %lt3A_158 : i1 to i32
          %cond3A_160 = arith.constant 0 : i32
          %cond3A_161 = arith.cmpi ne, %convert_element_type3A_159, %cond3A_160 : i32
          scf.if %cond3A_161 {
            %mul3A_167 = arith.constant 2 : i32
            %mul3A_168 = arith.muli %mul3A_167, %while3A_125 : i32
            %add3A_169 = arith.constant 2 : i32
            %add3A_170 = arith.addi %mul3A_168, %add3A_169 : i32
            %dma_start3A_171 = arith.constant 0 : i32
            %dma_start3A_172 = tpu.memref_slice %arg10[%add3A_170, %dma_start3A_171] : memref<16x128xi32, #tpu.memory_space<vmem>> -> memref<1x128xi32, #tpu.memory_space<vmem>>
            %dma_start3A_173 = tpu.memref_squeeze %dma_start3A_172 : memref<1x128xi32, #tpu.memory_space<vmem>> -> memref<128xi32, #tpu.memory_space<vmem>>
            %dma_start3A_174 = arith.constant 0 : i32
            %dma_start3A_175 = arith.constant 0 : i32
            %dma_start3A_176 = tpu.memref_slice %arg3[%dma_start3A_174, %dma_start3A_175] : memref<10000x128xf32, #tpu.memory_space<hbm>> -> memref<10000x128xf32, #tpu.memory_space<hbm>>
            tpu.enqueue_indirect_dma source(%dma_start3A_176 : memref<10000x128xf32, #tpu.memory_space<hbm>>) target(%arg11 : memref<128x128xf32, #tpu.memory_space<vmem>>) offsets(%dma_start3A_173 : memref<128xi32, #tpu.memory_space<vmem>>) semaphore(%arg13 : memref<!tpu.dma_semaphore, #tpu.memory_space<semaphore_mem>>)
          } else {
          }
          %mul3A_162 = arith.constant 2 : i32
          %mul3A_163 = arith.muli %mul3A_162, %while3A_125 : i32
          %add3A_164 = arith.constant 1 : i32
          %add3A_165 = arith.addi %mul3A_163, %add3A_164 : i32
          "tpu.region"() ({
            %run_scoped3A = tpu.sem_alloc : memref<!tpu.dma_semaphore, #tpu.memory_space<semaphore_mem>>
            %dma_start3A_167 = arith.constant 0 : i32
            %dma_start3A_168 = tpu.memref_slice %arg9[%add3A_165, %dma_start3A_167] : memref<16x128xi32, #tpu.memory_space<vmem>> -> memref<1x128xi32, #tpu.memory_space<vmem>>
            %dma_start3A_169 = tpu.memref_squeeze %dma_start3A_168 : memref<1x128xi32, #tpu.memory_space<vmem>> -> memref<128xi32, #tpu.memory_space<vmem>>
            %dma_start3A_170 = arith.constant 0 : i32
            %dma_start3A_171 = arith.constant 0 : i32
            %dma_start3A_172 = tpu.memref_slice %arg8[%dma_start3A_170, %dma_start3A_171] : memref<10000x128xf32, #tpu.memory_space<vmem_shared>> -> memref<10000x128xf32, #tpu.memory_space<vmem_shared>>
            tpu.enqueue_indirect_dma source(%arg12 : memref<128x128xf32, #tpu.memory_space<vmem>>) target(%dma_start3A_172 : memref<10000x128xf32, #tpu.memory_space<vmem_shared>>) offsets(%dma_start3A_169 : memref<128xi32, #tpu.memory_space<vmem>>) semaphore(%run_scoped3A : memref<!tpu.dma_semaphore, #tpu.memory_space<semaphore_mem>>) {add = true}
            %dma_wait3A_173 = arith.constant 0 : i32
            %dma_wait3A_174 = tpu.memref_slice %arg9[%add3A_165, %dma_wait3A_173] : memref<16x128xi32, #tpu.memory_space<vmem>> -> memref<1x128xi32, #tpu.memory_space<vmem>>
            %dma_wait3A_175 = tpu.memref_squeeze %dma_wait3A_174 : memref<1x128xi32, #tpu.memory_space<vmem>> -> memref<128xi32, #tpu.memory_space<vmem>>
            %dma_wait3A_176 = arith.constant 0 : i32
            %dma_wait3A_177 = arith.constant 0 : i32
            %dma_wait3A_178 = tpu.memref_slice %arg8[%dma_wait3A_176, %dma_wait3A_177] : memref<10000x128xf32, #tpu.memory_space<vmem_shared>> -> memref<10000x128xf32, #tpu.memory_space<vmem_shared>>
            tpu.wait_indirect_dma semaphore(%run_scoped3A : memref<!tpu.dma_semaphore, #tpu.memory_space<semaphore_mem>>) src(%arg12 : memref<128x128xf32, #tpu.memory_space<vmem>>) dst(%dma_wait3A_178 : memref<10000x128xf32, #tpu.memory_space<vmem_shared>>)
            tpu.yield
          }) : () -> ()
          %while3A_166 = arith.constant 0 : i32
          scf.yield %while3A_166 : i32
        }
        %while3A_122 = arith.constant 1 : i32
        %while3A_123 = scf.for %while3A_125 = %while3A_119 to %while3A_115 step %while3A_122 iter_args(%while3A_126 = %while3A_121) -> (i32)  : i32 {
          %mul3A_127 = arith.constant 2 : i32
          %mul3A_128 = arith.muli %mul3A_127, %while3A_125 : i32
          %dma_wait3A = arith.constant 0 : i32
          %dma_wait3A_129 = tpu.memref_slice %arg10[%mul3A_128, %dma_wait3A] : memref<16x128xi32, #tpu.memory_space<vmem>> -> memref<1x128xi32, #tpu.memory_space<vmem>>
          %dma_wait3A_130 = tpu.memref_squeeze %dma_wait3A_129 : memref<1x128xi32, #tpu.memory_space<vmem>> -> memref<128xi32, #tpu.memory_space<vmem>>
          %dma_wait3A_131 = arith.constant 0 : i32
          %dma_wait3A_132 = arith.constant 0 : i32
          %dma_wait3A_133 = tpu.memref_slice %arg3[%dma_wait3A_131, %dma_wait3A_132] : memref<10000x128xf32, #tpu.memory_space<hbm>> -> memref<10000x128xf32, #tpu.memory_space<hbm>>
          tpu.wait_indirect_dma semaphore(%arg13 : memref<!tpu.dma_semaphore, #tpu.memory_space<semaphore_mem>>) src(%dma_wait3A_133 : memref<10000x128xf32, #tpu.memory_space<hbm>>) dst(%arg11 : memref<128x128xf32, #tpu.memory_space<vmem>>)
          %mul3A_134 = arith.constant 2 : i32
          %mul3A_135 = arith.muli %mul3A_134, %while3A_125 : i32
          %add3A_136 = arith.constant 1 : i32
          %add3A_137 = arith.addi %mul3A_135, %add3A_136 : i32
          %dma_start3A_138 = arith.constant 0 : i32
          %dma_start3A_139 = tpu.memref_slice %arg10[%add3A_137, %dma_start3A_138] : memref<16x128xi32, #tpu.memory_space<vmem>> -> memref<1x128xi32, #tpu.memory_space<vmem>>
          %dma_start3A_140 = tpu.memref_squeeze %dma_start3A_139 : memref<1x128xi32, #tpu.memory_space<vmem>> -> memref<128xi32, #tpu.memory_space<vmem>>
          %dma_start3A_141 = arith.constant 0 : i32
          %dma_start3A_142 = arith.constant 0 : i32
          %dma_start3A_143 = tpu.memref_slice %arg3[%dma_start3A_141, %dma_start3A_142] : memref<10000x128xf32, #tpu.memory_space<hbm>> -> memref<10000x128xf32, #tpu.memory_space<hbm>>
          tpu.enqueue_indirect_dma source(%dma_start3A_143 : memref<10000x128xf32, #tpu.memory_space<hbm>>) target(%arg12 : memref<128x128xf32, #tpu.memory_space<vmem>>) offsets(%dma_start3A_140 : memref<128xi32, #tpu.memory_space<vmem>>) semaphore(%arg14 : memref<!tpu.dma_semaphore, #tpu.memory_space<semaphore_mem>>)
          %mul3A_144 = arith.constant 2 : i32
          %mul3A_145 = arith.muli %mul3A_144, %while3A_125 : i32
          "tpu.region"() ({
            %run_scoped3A = tpu.sem_alloc : memref<!tpu.dma_semaphore, #tpu.memory_space<semaphore_mem>>
            %dma_start3A_167 = arith.constant 0 : i32
            %dma_start3A_168 = tpu.memref_slice %arg9[%mul3A_145, %dma_start3A_167] : memref<16x128xi32, #tpu.memory_space<vmem>> -> memref<1x128xi32, #tpu.memory_space<vmem>>
            %dma_start3A_169 = tpu.memref_squeeze %dma_start3A_168 : memref<1x128xi32, #tpu.memory_space<vmem>> -> memref<128xi32, #tpu.memory_space<vmem>>
            %dma_start3A_170 = arith.constant 0 : i32
            %dma_start3A_171 = arith.constant 0 : i32
            %dma_start3A_172 = tpu.memref_slice %arg8[%dma_start3A_170, %dma_start3A_171] : memref<10000x128xf32, #tpu.memory_space<vmem_shared>> -> memref<10000x128xf32, #tpu.memory_space<vmem_shared>>
            tpu.enqueue_indirect_dma source(%arg11 : memref<128x128xf32, #tpu.memory_space<vmem>>) target(%dma_start3A_172 : memref<10000x128xf32, #tpu.memory_space<vmem_shared>>) offsets(%dma_start3A_169 : memref<128xi32, #tpu.memory_space<vmem>>) semaphore(%run_scoped3A : memref<!tpu.dma_semaphore, #tpu.memory_space<semaphore_mem>>) {add = true}
            %dma_wait3A_173 = arith.constant 0 : i32
            %dma_wait3A_174 = tpu.memref_slice %arg9[%mul3A_145, %dma_wait3A_173] : memref<16x128xi32, #tpu.memory_space<vmem>> -> memref<1x128xi32, #tpu.memory_space<vmem>>
            %dma_wait3A_175 = tpu.memref_squeeze %dma_wait3A_174 : memref<1x128xi32, #tpu.memory_space<vmem>> -> memref<128xi32, #tpu.memory_space<vmem>>
            %dma_wait3A_176 = arith.constant 0 : i32
            %dma_wait3A_177 = arith.constant 0 : i32
            %dma_wait3A_178 = tpu.memref_slice %arg8[%dma_wait3A_176, %dma_wait3A_177] : memref<10000x128xf32, #tpu.memory_space<vmem_shared>> -> memref<10000x128xf32, #tpu.memory_space<vmem_shared>>
            tpu.wait_indirect_dma semaphore(%run_scoped3A : memref<!tpu.dma_semaphore, #tpu.memory_space<semaphore_mem>>) src(%arg11 : memref<128x128xf32, #tpu.memory_space<vmem>>) dst(%dma_wait3A_178 : memref<10000x128xf32, #tpu.memory_space<vmem_shared>>)
            tpu.yield
          }) : () -> ()
          %mul3A_146 = arith.constant 2 : i32
          %mul3A_147 = arith.muli %mul3A_146, %while3A_125 : i32
          %add3A_148 = arith.constant 1 : i32
          %add3A_149 = arith.addi %mul3A_147, %add3A_148 : i32
          %dma_wait3A_150 = arith.constant 0 : i32
          %dma_wait3A_151 = tpu.memref_slice %arg10[%add3A_149, %dma_wait3A_150] : memref<16x128xi32, #tpu.memory_space<vmem>> -> memref<1x128xi32, #tpu.memory_space<vmem>>
          %dma_wait3A_152 = tpu.memref_squeeze %dma_wait3A_151 : memref<1x128xi32, #tpu.memory_space<vmem>> -> memref<128xi32, #tpu.memory_space<vmem>>
          %dma_wait3A_153 = arith.constant 0 : i32
          %dma_wait3A_154 = arith.constant 0 : i32
          %dma_wait3A_155 = tpu.memref_slice %arg3[%dma_wait3A_153, %dma_wait3A_154] : memref<10000x128xf32, #tpu.memory_space<hbm>> -> memref<10000x128xf32, #tpu.memory_space<hbm>>
          tpu.wait_indirect_dma semaphore(%arg14 : memref<!tpu.dma_semaphore, #tpu.memory_space<semaphore_mem>>) src(%dma_wait3A_155 : memref<10000x128xf32, #tpu.memory_space<hbm>>) dst(%arg12 : memref<128x128xf32, #tpu.memory_space<vmem>>)
          %add3A_156 = arith.constant 1 : i32
          %add3A_157 = arith.addi %while3A_125, %add3A_156 : i32
          %lt3A_158 = arith.cmpi slt, %add3A_157, %select_n3A_105 : i32
          %convert_element_type3A_159 = arith.extui %lt3A_158 : i1 to i32
          %cond3A_160 = arith.constant 0 : i32
          %cond3A_161 = arith.cmpi ne, %convert_element_type3A_159, %cond3A_160 : i32
          scf.if %cond3A_161 {
            %mul3A_167 = arith.constant 2 : i32
            %mul3A_168 = arith.muli %mul3A_167, %while3A_125 : i32
            %add3A_169 = arith.constant 2 : i32
            %add3A_170 = arith.addi %mul3A_168, %add3A_169 : i32
            %dma_start3A_171 = arith.constant 0 : i32
            %dma_start3A_172 = tpu.memref_slice %arg10[%add3A_170, %dma_start3A_171] : memref<16x128xi32, #tpu.memory_space<vmem>> -> memref<1x128xi32, #tpu.memory_space<vmem>>
            %dma_start3A_173 = tpu.memref_squeeze %dma_start3A_172 : memref<1x128xi32, #tpu.memory_space<vmem>> -> memref<128xi32, #tpu.memory_space<vmem>>
            %dma_start3A_174 = arith.constant 0 : i32
            %dma_start3A_175 = arith.constant 0 : i32
            %dma_start3A_176 = tpu.memref_slice %arg3[%dma_start3A_174, %dma_start3A_175] : memref<10000x128xf32, #tpu.memory_space<hbm>> -> memref<10000x128xf32, #tpu.memory_space<hbm>>
            tpu.enqueue_indirect_dma source(%dma_start3A_176 : memref<10000x128xf32, #tpu.memory_space<hbm>>) target(%arg11 : memref<128x128xf32, #tpu.memory_space<vmem>>) offsets(%dma_start3A_173 : memref<128xi32, #tpu.memory_space<vmem>>) semaphore(%arg13 : memref<!tpu.dma_semaphore, #tpu.memory_space<semaphore_mem>>)
          } else {
          }
          %mul3A_162 = arith.constant 2 : i32
          %mul3A_163 = arith.muli %mul3A_162, %while3A_125 : i32
          %add3A_164 = arith.constant 1 : i32
          %add3A_165 = arith.addi %mul3A_163, %add3A_164 : i32
          "tpu.region"() ({
            %run_scoped3A = tpu.sem_alloc : memref<!tpu.dma_semaphore, #tpu.memory_space<semaphore_mem>>
            %dma_start3A_167 = arith.constant 0 : i32
            %dma_start3A_168 = tpu.memref_slice %arg9[%add3A_165, %dma_start3A_167] : memref<16x128xi32, #tpu.memory_space<vmem>> -> memref<1x128xi32, #tpu.memory_space<vmem>>
            %dma_start3A_169 = tpu.memref_squeeze %dma_start3A_168 : memref<1x128xi32, #tpu.memory_space<vmem>> -> memref<128xi32, #tpu.memory_space<vmem>>
            %dma_start3A_170 = arith.constant 0 : i32
            %dma_start3A_171 = arith.constant 0 : i32
            %dma_start3A_172 = tpu.memref_slice %arg8[%dma_start3A_170, %dma_start3A_171] : memref<10000x128xf32, #tpu.memory_space<vmem_shared>> -> memref<10000x128xf32, #tpu.memory_space<vmem_shared>>
            tpu.enqueue_indirect_dma source(%arg12 : memref<128x128xf32, #tpu.memory_space<vmem>>) target(%dma_start3A_172 : memref<10000x128xf32, #tpu.memory_space<vmem_shared>>) offsets(%dma_start3A_169 : memref<128xi32, #tpu.memory_space<vmem>>) semaphore(%run_scoped3A : memref<!tpu.dma_semaphore, #tpu.memory_space<semaphore_mem>>) {add = true}
            %dma_wait3A_173 = arith.constant 0 : i32
            %dma_wait3A_174 = tpu.memref_slice %arg9[%add3A_165, %dma_wait3A_173] : memref<16x128xi32, #tpu.memory_space<vmem>> -> memref<1x128xi32, #tpu.memory_space<vmem>>
            %dma_wait3A_175 = tpu.memref_squeeze %dma_wait3A_174 : memref<1x128xi32, #tpu.memory_space<vmem>> -> memref<128xi32, #tpu.memory_space<vmem>>
            %dma_wait3A_176 = arith.constant 0 : i32
            %dma_wait3A_177 = arith.constant 0 : i32
            %dma_wait3A_178 = tpu.memref_slice %arg8[%dma_wait3A_176, %dma_wait3A_177] : memref<10000x128xf32, #tpu.memory_space<vmem_shared>> -> memref<10000x128xf32, #tpu.memory_space<vmem_shared>>
            tpu.wait_indirect_dma semaphore(%run_scoped3A : memref<!tpu.dma_semaphore, #tpu.memory_space<semaphore_mem>>) src(%arg12 : memref<128x128xf32, #tpu.memory_space<vmem>>) dst(%dma_wait3A_178 : memref<10000x128xf32, #tpu.memory_space<vmem_shared>>)
            tpu.yield
          }) : () -> ()
          %while3A_166 = arith.constant 0 : i32
          scf.yield %while3A_166 : i32
        }
        %while3A_124 = arith.constant 0 : i32
        scf.yield %while3A_124 : i32
      }
    } else {
    }
    %barrier3A_51 = arith.constant 0 : index
    tpu.barrier barrier_id(%barrier3A_51)
    %eq3A_52 = arith.constant 0 : i32
    %eq3A_53 = arith.cmpi eq, %arg0, %eq3A_52 : i32
    %convert_element_type3A_54 = arith.extui %eq3A_53 : i1 to i32
    %cond3A_55 = arith.constant 0 : i32
    %cond3A_56 = arith.cmpi ne, %convert_element_type3A_54, %cond3A_55 : i32
    scf.if %cond3A_56 {
      %while3A_62 = arith.constant 0 : i32
      %while3A_63 = arith.constant 0 : i32
      %while3A_64 = arith.subi %select_n3A_25, %while3A_62 : i32
      %while3A_65 = arith.addi %while3A_62, %while3A_64 : i32
      %while3A_66 = arith.constant 1 : i32
      %while3A_67 = arith.divsi %while3A_64, %while3A_66 : i32
      %while3A_68 = arith.muli %while3A_67, %while3A_66 : i32
      %while3A_69 = arith.addi %while3A_62, %while3A_68 : i32
      %while3A_70 = arith.constant 1 : i32
      %while3A_71 = scf.for %while3A_74 = %while3A_62 to %while3A_69 step %while3A_70 iter_args(%while3A_75 = %while3A_63) -> (i32)  : i32 {
        %mul3A_76 = arith.constant 16 : i32
        %mul3A_77 = arith.muli %mul3A_76, %while3A_74 : i32
        %add3A_78 = arith.addi %arg1, %mul3A_77 : i32
        %mul3A_79 = arith.constant 80 : i32
        %mul3A_80 = arith.muli %add3A_78, %mul3A_79 : i32
        "tpu.region"() ({
          %run_scoped3A = tpu.sem_alloc : memref<!tpu.dma_semaphore, #tpu.memory_space<semaphore_mem>>
          %dma_start3A = arith.constant 0 : i32
          %dma_start3A_82 = arith.constant 0 : i32
          %dma_start3A_83 = tpu.memref_slice %arg11[%dma_start3A, %dma_start3A_82] : memref<128x128xf32, #tpu.memory_space<vmem>> -> memref<80x128xf32, #tpu.memory_space<vmem>>
          %dma_start3A_84 = arith.constant 0 : i32
          %dma_start3A_85 = tpu.memref_slice %arg8[%mul3A_80, %dma_start3A_84] : memref<10000x128xf32, #tpu.memory_space<vmem_shared>> -> memref<80x128xf32, #tpu.memory_space<vmem_shared>>
          %dma_start3A_86 = arith.constant 0 : i32
          %dma_start3A_87 = arith.constant 0 : i32
          %dma_start3A_88 = tpu.memref_slice %arg11[%dma_start3A_86, %dma_start3A_87] : memref<128x128xf32, #tpu.memory_space<vmem>> -> memref<80x128xf32, #tpu.memory_space<vmem>>
          %dma_start3A_89 = arith.constant 0 : i32
          %dma_start3A_90 = tpu.memref_slice %arg8[%mul3A_80, %dma_start3A_89] : memref<10000x128xf32, #tpu.memory_space<vmem_shared>> -> memref<80x128xf32, #tpu.memory_space<vmem_shared>>
          tpu.enqueue_dma source(%dma_start3A_90 : memref<80x128xf32, #tpu.memory_space<vmem_shared>>) target(%dma_start3A_88 : memref<80x128xf32, #tpu.memory_space<vmem>>) target_semaphore(%run_scoped3A : memref<!tpu.dma_semaphore, #tpu.memory_space<semaphore_mem>>)
          %dma_wait3A = arith.constant 0 : i32
          %dma_wait3A_91 = arith.constant 0 : i32
          %dma_wait3A_92 = tpu.memref_slice %arg11[%dma_wait3A, %dma_wait3A_91] : memref<128x128xf32, #tpu.memory_space<vmem>> -> memref<80x128xf32, #tpu.memory_space<vmem>>
          %dma_wait3A_93 = arith.constant 0 : i32
          %dma_wait3A_94 = tpu.memref_slice %arg8[%mul3A_80, %dma_wait3A_93] : memref<10000x128xf32, #tpu.memory_space<vmem_shared>> -> memref<80x128xf32, #tpu.memory_space<vmem_shared>>
          %dma_wait3A_95 = arith.constant 0 : i32
          %dma_wait3A_96 = arith.constant 0 : i32
          %dma_wait3A_97 = tpu.memref_slice %arg11[%dma_wait3A_95, %dma_wait3A_96] : memref<128x128xf32, #tpu.memory_space<vmem>> -> memref<80x128xf32, #tpu.memory_space<vmem>>
          %dma_wait3A_98 = arith.constant 0 : i32
          %dma_wait3A_99 = tpu.memref_slice %arg8[%mul3A_80, %dma_wait3A_98] : memref<10000x128xf32, #tpu.memory_space<vmem_shared>> -> memref<80x128xf32, #tpu.memory_space<vmem_shared>>
          tpu.wait_dma2 semaphore(%run_scoped3A : memref<!tpu.dma_semaphore, #tpu.memory_space<semaphore_mem>>) src(%dma_wait3A_99 : memref<80x128xf32, #tpu.memory_space<vmem_shared>>) dst(%dma_wait3A_97 : memref<80x128xf32, #tpu.memory_space<vmem>>)
          tpu.yield
        }) : () -> ()
        "tpu.region"() ({
          %run_scoped3A = tpu.sem_alloc : memref<!tpu.dma_semaphore, #tpu.memory_space<semaphore_mem>>
          %dma_start3A = arith.constant 0 : i32
          %dma_start3A_82 = arith.constant 0 : i32
          %dma_start3A_83 = tpu.memref_slice %arg11[%dma_start3A, %dma_start3A_82] : memref<128x128xf32, #tpu.memory_space<vmem>> -> memref<80x128xf32, #tpu.memory_space<vmem>>
          %dma_start3A_84 = arith.constant 0 : i32
          %dma_start3A_85 = tpu.memref_slice %arg6[%mul3A_80, %dma_start3A_84] : memref<10000x128xf32, #tpu.memory_space<hbm>> -> memref<80x128xf32, #tpu.memory_space<hbm>>
          %dma_start3A_86 = arith.constant 0 : i32
          %dma_start3A_87 = tpu.memref_slice %arg6[%mul3A_80, %dma_start3A_86] : memref<10000x128xf32, #tpu.memory_space<hbm>> -> memref<80x128xf32, #tpu.memory_space<hbm>>
          %dma_start3A_88 = arith.constant 0 : i32
          %dma_start3A_89 = arith.constant 0 : i32
          %dma_start3A_90 = tpu.memref_slice %arg11[%dma_start3A_88, %dma_start3A_89] : memref<128x128xf32, #tpu.memory_space<vmem>> -> memref<80x128xf32, #tpu.memory_space<vmem>>
          tpu.enqueue_dma source(%dma_start3A_90 : memref<80x128xf32, #tpu.memory_space<vmem>>) target(%dma_start3A_87 : memref<80x128xf32, #tpu.memory_space<hbm>>) target_semaphore(%run_scoped3A : memref<!tpu.dma_semaphore, #tpu.memory_space<semaphore_mem>>)
          %dma_wait3A = arith.constant 0 : i32
          %dma_wait3A_91 = arith.constant 0 : i32
          %dma_wait3A_92 = tpu.memref_slice %arg11[%dma_wait3A, %dma_wait3A_91] : memref<128x128xf32, #tpu.memory_space<vmem>> -> memref<80x128xf32, #tpu.memory_space<vmem>>
          %dma_wait3A_93 = arith.constant 0 : i32
          %dma_wait3A_94 = tpu.memref_slice %arg6[%mul3A_80, %dma_wait3A_93] : memref<10000x128xf32, #tpu.memory_space<hbm>> -> memref<80x128xf32, #tpu.memory_space<hbm>>
          %dma_wait3A_95 = arith.constant 0 : i32
          %dma_wait3A_96 = tpu.memref_slice %arg6[%mul3A_80, %dma_wait3A_95] : memref<10000x128xf32, #tpu.memory_space<hbm>> -> memref<80x128xf32, #tpu.memory_space<hbm>>
          %dma_wait3A_97 = arith.constant 0 : i32
          %dma_wait3A_98 = arith.constant 0 : i32
          %dma_wait3A_99 = tpu.memref_slice %arg11[%dma_wait3A_97, %dma_wait3A_98] : memref<128x128xf32, #tpu.memory_space<vmem>> -> memref<80x128xf32, #tpu.memory_space<vmem>>
          tpu.wait_dma2 semaphore(%run_scoped3A : memref<!tpu.dma_semaphore, #tpu.memory_space<semaphore_mem>>) src(%dma_wait3A_99 : memref<80x128xf32, #tpu.memory_space<vmem>>) dst(%dma_wait3A_96 : memref<80x128xf32, #tpu.memory_space<hbm>>)
          tpu.yield
        }) : () -> ()
        %while3A_81 = arith.constant 0 : i32
        scf.yield %while3A_81 : i32
      }
      %while3A_72 = arith.constant 1 : i32
      %while3A_73 = scf.for %while3A_74 = %while3A_69 to %while3A_65 step %while3A_72 iter_args(%while3A_75 = %while3A_71) -> (i32)  : i32 {
        %mul3A_76 = arith.constant 16 : i32
        %mul3A_77 = arith.muli %mul3A_76, %while3A_74 : i32
        %add3A_78 = arith.addi %arg1, %mul3A_77 : i32
        %mul3A_79 = arith.constant 80 : i32
        %mul3A_80 = arith.muli %add3A_78, %mul3A_79 : i32
        "tpu.region"() ({
          %run_scoped3A = tpu.sem_alloc : memref<!tpu.dma_semaphore, #tpu.memory_space<semaphore_mem>>
          %dma_start3A = arith.constant 0 : i32
          %dma_start3A_82 = arith.constant 0 : i32
          %dma_start3A_83 = tpu.memref_slice %arg11[%dma_start3A, %dma_start3A_82] : memref<128x128xf32, #tpu.memory_space<vmem>> -> memref<80x128xf32, #tpu.memory_space<vmem>>
          %dma_start3A_84 = arith.constant 0 : i32
          %dma_start3A_85 = tpu.memref_slice %arg8[%mul3A_80, %dma_start3A_84] : memref<10000x128xf32, #tpu.memory_space<vmem_shared>> -> memref<80x128xf32, #tpu.memory_space<vmem_shared>>
          %dma_start3A_86 = arith.constant 0 : i32
          %dma_start3A_87 = arith.constant 0 : i32
          %dma_start3A_88 = tpu.memref_slice %arg11[%dma_start3A_86, %dma_start3A_87] : memref<128x128xf32, #tpu.memory_space<vmem>> -> memref<80x128xf32, #tpu.memory_space<vmem>>
          %dma_start3A_89 = arith.constant 0 : i32
          %dma_start3A_90 = tpu.memref_slice %arg8[%mul3A_80, %dma_start3A_89] : memref<10000x128xf32, #tpu.memory_space<vmem_shared>> -> memref<80x128xf32, #tpu.memory_space<vmem_shared>>
          tpu.enqueue_dma source(%dma_start3A_90 : memref<80x128xf32, #tpu.memory_space<vmem_shared>>) target(%dma_start3A_88 : memref<80x128xf32, #tpu.memory_space<vmem>>) target_semaphore(%run_scoped3A : memref<!tpu.dma_semaphore, #tpu.memory_space<semaphore_mem>>)
          %dma_wait3A = arith.constant 0 : i32
          %dma_wait3A_91 = arith.constant 0 : i32
          %dma_wait3A_92 = tpu.memref_slice %arg11[%dma_wait3A, %dma_wait3A_91] : memref<128x128xf32, #tpu.memory_space<vmem>> -> memref<80x128xf32, #tpu.memory_space<vmem>>
          %dma_wait3A_93 = arith.constant 0 : i32
          %dma_wait3A_94 = tpu.memref_slice %arg8[%mul3A_80, %dma_wait3A_93] : memref<10000x128xf32, #tpu.memory_space<vmem_shared>> -> memref<80x128xf32, #tpu.memory_space<vmem_shared>>
          %dma_wait3A_95 = arith.constant 0 : i32
          %dma_wait3A_96 = arith.constant 0 : i32
          %dma_wait3A_97 = tpu.memref_slice %arg11[%dma_wait3A_95, %dma_wait3A_96] : memref<128x128xf32, #tpu.memory_space<vmem>> -> memref<80x128xf32, #tpu.memory_space<vmem>>
          %dma_wait3A_98 = arith.constant 0 : i32
          %dma_wait3A_99 = tpu.memref_slice %arg8[%mul3A_80, %dma_wait3A_98] : memref<10000x128xf32, #tpu.memory_space<vmem_shared>> -> memref<80x128xf32, #tpu.memory_space<vmem_shared>>
          tpu.wait_dma2 semaphore(%run_scoped3A : memref<!tpu.dma_semaphore, #tpu.memory_space<semaphore_mem>>) src(%dma_wait3A_99 : memref<80x128xf32, #tpu.memory_space<vmem_shared>>) dst(%dma_wait3A_97 : memref<80x128xf32, #tpu.memory_space<vmem>>)
          tpu.yield
        }) : () -> ()
        "tpu.region"() ({
          %run_scoped3A = tpu.sem_alloc : memref<!tpu.dma_semaphore, #tpu.memory_space<semaphore_mem>>
          %dma_start3A = arith.constant 0 : i32
          %dma_start3A_82 = arith.constant 0 : i32
          %dma_start3A_83 = tpu.memref_slice %arg11[%dma_start3A, %dma_start3A_82] : memref<128x128xf32, #tpu.memory_space<vmem>> -> memref<80x128xf32, #tpu.memory_space<vmem>>
          %dma_start3A_84 = arith.constant 0 : i32
          %dma_start3A_85 = tpu.memref_slice %arg6[%mul3A_80, %dma_start3A_84] : memref<10000x128xf32, #tpu.memory_space<hbm>> -> memref<80x128xf32, #tpu.memory_space<hbm>>
          %dma_start3A_86 = arith.constant 0 : i32
          %dma_start3A_87 = tpu.memref_slice %arg6[%mul3A_80, %dma_start3A_86] : memref<10000x128xf32, #tpu.memory_space<hbm>> -> memref<80x128xf32, #tpu.memory_space<hbm>>
          %dma_start3A_88 = arith.constant 0 : i32
          %dma_start3A_89 = arith.constant 0 : i32
          %dma_start3A_90 = tpu.memref_slice %arg11[%dma_start3A_88, %dma_start3A_89] : memref<128x128xf32, #tpu.memory_space<vmem>> -> memref<80x128xf32, #tpu.memory_space<vmem>>
          tpu.enqueue_dma source(%dma_start3A_90 : memref<80x128xf32, #tpu.memory_space<vmem>>) target(%dma_start3A_87 : memref<80x128xf32, #tpu.memory_space<hbm>>) target_semaphore(%run_scoped3A : memref<!tpu.dma_semaphore, #tpu.memory_space<semaphore_mem>>)
          %dma_wait3A = arith.constant 0 : i32
          %dma_wait3A_91 = arith.constant 0 : i32
          %dma_wait3A_92 = tpu.memref_slice %arg11[%dma_wait3A, %dma_wait3A_91] : memref<128x128xf32, #tpu.memory_space<vmem>> -> memref<80x128xf32, #tpu.memory_space<vmem>>
          %dma_wait3A_93 = arith.constant 0 : i32
          %dma_wait3A_94 = tpu.memref_slice %arg6[%mul3A_80, %dma_wait3A_93] : memref<10000x128xf32, #tpu.memory_space<hbm>> -> memref<80x128xf32, #tpu.memory_space<hbm>>
          %dma_wait3A_95 = arith.constant 0 : i32
          %dma_wait3A_96 = tpu.memref_slice %arg6[%mul3A_80, %dma_wait3A_95] : memref<10000x128xf32, #tpu.memory_space<hbm>> -> memref<80x128xf32, #tpu.memory_space<hbm>>
          %dma_wait3A_97 = arith.constant 0 : i32
          %dma_wait3A_98 = arith.constant 0 : i32
          %dma_wait3A_99 = tpu.memref_slice %arg11[%dma_wait3A_97, %dma_wait3A_98] : memref<128x128xf32, #tpu.memory_space<vmem>> -> memref<80x128xf32, #tpu.memory_space<vmem>>
          tpu.wait_dma2 semaphore(%run_scoped3A : memref<!tpu.dma_semaphore, #tpu.memory_space<semaphore_mem>>) src(%dma_wait3A_99 : memref<80x128xf32, #tpu.memory_space<vmem>>) dst(%dma_wait3A_96 : memref<80x128xf32, #tpu.memory_space<hbm>>)
          tpu.yield
        }) : () -> ()
        %while3A_81 = arith.constant 0 : i32
        scf.yield %while3A_81 : i32
      }
    } else {
    }
    %eq3A_57 = arith.constant 1 : i32
    %eq3A_58 = arith.cmpi eq, %arg0, %eq3A_57 : i32
    %convert_element_type3A_59 = arith.extui %eq3A_58 : i1 to i32
    %cond3A_60 = arith.constant 0 : i32
    %cond3A_61 = arith.cmpi ne, %convert_element_type3A_59, %cond3A_60 : i32
    scf.if %cond3A_61 {
      %while3A_62 = arith.constant 0 : i32
      %while3A_63 = arith.constant 0 : i32
      %while3A_64 = arith.subi %select_n3A_25, %while3A_62 : i32
      %while3A_65 = arith.addi %while3A_62, %while3A_64 : i32
      %while3A_66 = arith.constant 1 : i32
      %while3A_67 = arith.divsi %while3A_64, %while3A_66 : i32
      %while3A_68 = arith.muli %while3A_67, %while3A_66 : i32
      %while3A_69 = arith.addi %while3A_62, %while3A_68 : i32
      %while3A_70 = arith.constant 1 : i32
      %while3A_71 = scf.for %while3A_74 = %while3A_62 to %while3A_69 step %while3A_70 iter_args(%while3A_75 = %while3A_63) -> (i32)  : i32 {
        %mul3A_76 = arith.constant 16 : i32
        %mul3A_77 = arith.muli %mul3A_76, %while3A_74 : i32
        %add3A_78 = arith.addi %arg1, %mul3A_77 : i32
        %mul3A_79 = arith.constant 80 : i32
        %mul3A_80 = arith.muli %add3A_78, %mul3A_79 : i32
        "tpu.region"() ({
          %run_scoped3A = tpu.sem_alloc : memref<!tpu.dma_semaphore, #tpu.memory_space<semaphore_mem>>
          %dma_start3A = arith.constant 0 : i32
          %dma_start3A_82 = arith.constant 0 : i32
          %dma_start3A_83 = tpu.memref_slice %arg11[%dma_start3A, %dma_start3A_82] : memref<128x128xf32, #tpu.memory_space<vmem>> -> memref<80x128xf32, #tpu.memory_space<vmem>>
          %dma_start3A_84 = arith.constant 0 : i32
          %dma_start3A_85 = tpu.memref_slice %arg8[%mul3A_80, %dma_start3A_84] : memref<10000x128xf32, #tpu.memory_space<vmem_shared>> -> memref<80x128xf32, #tpu.memory_space<vmem_shared>>
          %dma_start3A_86 = arith.constant 0 : i32
          %dma_start3A_87 = arith.constant 0 : i32
          %dma_start3A_88 = tpu.memref_slice %arg11[%dma_start3A_86, %dma_start3A_87] : memref<128x128xf32, #tpu.memory_space<vmem>> -> memref<80x128xf32, #tpu.memory_space<vmem>>
          %dma_start3A_89 = arith.constant 0 : i32
          %dma_start3A_90 = tpu.memref_slice %arg8[%mul3A_80, %dma_start3A_89] : memref<10000x128xf32, #tpu.memory_space<vmem_shared>> -> memref<80x128xf32, #tpu.memory_space<vmem_shared>>
          tpu.enqueue_dma source(%dma_start3A_90 : memref<80x128xf32, #tpu.memory_space<vmem_shared>>) target(%dma_start3A_88 : memref<80x128xf32, #tpu.memory_space<vmem>>) target_semaphore(%run_scoped3A : memref<!tpu.dma_semaphore, #tpu.memory_space<semaphore_mem>>)
          %dma_wait3A = arith.constant 0 : i32
          %dma_wait3A_91 = arith.constant 0 : i32
          %dma_wait3A_92 = tpu.memref_slice %arg11[%dma_wait3A, %dma_wait3A_91] : memref<128x128xf32, #tpu.memory_space<vmem>> -> memref<80x128xf32, #tpu.memory_space<vmem>>
          %dma_wait3A_93 = arith.constant 0 : i32
          %dma_wait3A_94 = tpu.memref_slice %arg8[%mul3A_80, %dma_wait3A_93] : memref<10000x128xf32, #tpu.memory_space<vmem_shared>> -> memref<80x128xf32, #tpu.memory_space<vmem_shared>>
          %dma_wait3A_95 = arith.constant 0 : i32
          %dma_wait3A_96 = arith.constant 0 : i32
          %dma_wait3A_97 = tpu.memref_slice %arg11[%dma_wait3A_95, %dma_wait3A_96] : memref<128x128xf32, #tpu.memory_space<vmem>> -> memref<80x128xf32, #tpu.memory_space<vmem>>
          %dma_wait3A_98 = arith.constant 0 : i32
          %dma_wait3A_99 = tpu.memref_slice %arg8[%mul3A_80, %dma_wait3A_98] : memref<10000x128xf32, #tpu.memory_space<vmem_shared>> -> memref<80x128xf32, #tpu.memory_space<vmem_shared>>
          tpu.wait_dma2 semaphore(%run_scoped3A : memref<!tpu.dma_semaphore, #tpu.memory_space<semaphore_mem>>) src(%dma_wait3A_99 : memref<80x128xf32, #tpu.memory_space<vmem_shared>>) dst(%dma_wait3A_97 : memref<80x128xf32, #tpu.memory_space<vmem>>)
          tpu.yield
        }) : () -> ()
        "tpu.region"() ({
          %run_scoped3A = tpu.sem_alloc : memref<!tpu.dma_semaphore, #tpu.memory_space<semaphore_mem>>
          %dma_start3A = arith.constant 0 : i32
          %dma_start3A_82 = arith.constant 0 : i32
          %dma_start3A_83 = tpu.memref_slice %arg11[%dma_start3A, %dma_start3A_82] : memref<128x128xf32, #tpu.memory_space<vmem>> -> memref<80x128xf32, #tpu.memory_space<vmem>>
          %dma_start3A_84 = arith.constant 0 : i32
          %dma_start3A_85 = tpu.memref_slice %arg7[%mul3A_80, %dma_start3A_84] : memref<10000x128xf32, #tpu.memory_space<hbm>> -> memref<80x128xf32, #tpu.memory_space<hbm>>
          %dma_start3A_86 = arith.constant 0 : i32
          %dma_start3A_87 = tpu.memref_slice %arg7[%mul3A_80, %dma_start3A_86] : memref<10000x128xf32, #tpu.memory_space<hbm>> -> memref<80x128xf32, #tpu.memory_space<hbm>>
          %dma_start3A_88 = arith.constant 0 : i32
          %dma_start3A_89 = arith.constant 0 : i32
          %dma_start3A_90 = tpu.memref_slice %arg11[%dma_start3A_88, %dma_start3A_89] : memref<128x128xf32, #tpu.memory_space<vmem>> -> memref<80x128xf32, #tpu.memory_space<vmem>>
          tpu.enqueue_dma source(%dma_start3A_90 : memref<80x128xf32, #tpu.memory_space<vmem>>) target(%dma_start3A_87 : memref<80x128xf32, #tpu.memory_space<hbm>>) target_semaphore(%run_scoped3A : memref<!tpu.dma_semaphore, #tpu.memory_space<semaphore_mem>>)
          %dma_wait3A = arith.constant 0 : i32
          %dma_wait3A_91 = arith.constant 0 : i32
          %dma_wait3A_92 = tpu.memref_slice %arg11[%dma_wait3A, %dma_wait3A_91] : memref<128x128xf32, #tpu.memory_space<vmem>> -> memref<80x128xf32, #tpu.memory_space<vmem>>
          %dma_wait3A_93 = arith.constant 0 : i32
          %dma_wait3A_94 = tpu.memref_slice %arg7[%mul3A_80, %dma_wait3A_93] : memref<10000x128xf32, #tpu.memory_space<hbm>> -> memref<80x128xf32, #tpu.memory_space<hbm>>
          %dma_wait3A_95 = arith.constant 0 : i32
          %dma_wait3A_96 = tpu.memref_slice %arg7[%mul3A_80, %dma_wait3A_95] : memref<10000x128xf32, #tpu.memory_space<hbm>> -> memref<80x128xf32, #tpu.memory_space<hbm>>
          %dma_wait3A_97 = arith.constant 0 : i32
          %dma_wait3A_98 = arith.constant 0 : i32
          %dma_wait3A_99 = tpu.memref_slice %arg11[%dma_wait3A_97, %dma_wait3A_98] : memref<128x128xf32, #tpu.memory_space<vmem>> -> memref<80x128xf32, #tpu.memory_space<vmem>>
          tpu.wait_dma2 semaphore(%run_scoped3A : memref<!tpu.dma_semaphore, #tpu.memory_space<semaphore_mem>>) src(%dma_wait3A_99 : memref<80x128xf32, #tpu.memory_space<vmem>>) dst(%dma_wait3A_96 : memref<80x128xf32, #tpu.memory_space<hbm>>)
          tpu.yield
        }) : () -> ()
        %while3A_81 = arith.constant 0 : i32
        scf.yield %while3A_81 : i32
      }
      %while3A_72 = arith.constant 1 : i32
      %while3A_73 = scf.for %while3A_74 = %while3A_69 to %while3A_65 step %while3A_72 iter_args(%while3A_75 = %while3A_71) -> (i32)  : i32 {
        %mul3A_76 = arith.constant 16 : i32
        %mul3A_77 = arith.muli %mul3A_76, %while3A_74 : i32
        %add3A_78 = arith.addi %arg1, %mul3A_77 : i32
        %mul3A_79 = arith.constant 80 : i32
        %mul3A_80 = arith.muli %add3A_78, %mul3A_79 : i32
        "tpu.region"() ({
          %run_scoped3A = tpu.sem_alloc : memref<!tpu.dma_semaphore, #tpu.memory_space<semaphore_mem>>
          %dma_start3A = arith.constant 0 : i32
          %dma_start3A_82 = arith.constant 0 : i32
          %dma_start3A_83 = tpu.memref_slice %arg11[%dma_start3A, %dma_start3A_82] : memref<128x128xf32, #tpu.memory_space<vmem>> -> memref<80x128xf32, #tpu.memory_space<vmem>>
          %dma_start3A_84 = arith.constant 0 : i32
          %dma_start3A_85 = tpu.memref_slice %arg8[%mul3A_80, %dma_start3A_84] : memref<10000x128xf32, #tpu.memory_space<vmem_shared>> -> memref<80x128xf32, #tpu.memory_space<vmem_shared>>
          %dma_start3A_86 = arith.constant 0 : i32
          %dma_start3A_87 = arith.constant 0 : i32
          %dma_start3A_88 = tpu.memref_slice %arg11[%dma_start3A_86, %dma_start3A_87] : memref<128x128xf32, #tpu.memory_space<vmem>> -> memref<80x128xf32, #tpu.memory_space<vmem>>
          %dma_start3A_89 = arith.constant 0 : i32
          %dma_start3A_90 = tpu.memref_slice %arg8[%mul3A_80, %dma_start3A_89] : memref<10000x128xf32, #tpu.memory_space<vmem_shared>> -> memref<80x128xf32, #tpu.memory_space<vmem_shared>>
          tpu.enqueue_dma source(%dma_start3A_90 : memref<80x128xf32, #tpu.memory_space<vmem_shared>>) target(%dma_start3A_88 : memref<80x128xf32, #tpu.memory_space<vmem>>) target_semaphore(%run_scoped3A : memref<!tpu.dma_semaphore, #tpu.memory_space<semaphore_mem>>)
          %dma_wait3A = arith.constant 0 : i32
          %dma_wait3A_91 = arith.constant 0 : i32
          %dma_wait3A_92 = tpu.memref_slice %arg11[%dma_wait3A, %dma_wait3A_91] : memref<128x128xf32, #tpu.memory_space<vmem>> -> memref<80x128xf32, #tpu.memory_space<vmem>>
          %dma_wait3A_93 = arith.constant 0 : i32
          %dma_wait3A_94 = tpu.memref_slice %arg8[%mul3A_80, %dma_wait3A_93] : memref<10000x128xf32, #tpu.memory_space<vmem_shared>> -> memref<80x128xf32, #tpu.memory_space<vmem_shared>>
          %dma_wait3A_95 = arith.constant 0 : i32
          %dma_wait3A_96 = arith.constant 0 : i32
          %dma_wait3A_97 = tpu.memref_slice %arg11[%dma_wait3A_95, %dma_wait3A_96] : memref<128x128xf32, #tpu.memory_space<vmem>> -> memref<80x128xf32, #tpu.memory_space<vmem>>
          %dma_wait3A_98 = arith.constant 0 : i32
          %dma_wait3A_99 = tpu.memref_slice %arg8[%mul3A_80, %dma_wait3A_98] : memref<10000x128xf32, #tpu.memory_space<vmem_shared>> -> memref<80x128xf32, #tpu.memory_space<vmem_shared>>
          tpu.wait_dma2 semaphore(%run_scoped3A : memref<!tpu.dma_semaphore, #tpu.memory_space<semaphore_mem>>) src(%dma_wait3A_99 : memref<80x128xf32, #tpu.memory_space<vmem_shared>>) dst(%dma_wait3A_97 : memref<80x128xf32, #tpu.memory_space<vmem>>)
          tpu.yield
        }) : () -> ()
        "tpu.region"() ({
          %run_scoped3A = tpu.sem_alloc : memref<!tpu.dma_semaphore, #tpu.memory_space<semaphore_mem>>
          %dma_start3A = arith.constant 0 : i32
          %dma_start3A_82 = arith.constant 0 : i32
          %dma_start3A_83 = tpu.memref_slice %arg11[%dma_start3A, %dma_start3A_82] : memref<128x128xf32, #tpu.memory_space<vmem>> -> memref<80x128xf32, #tpu.memory_space<vmem>>
          %dma_start3A_84 = arith.constant 0 : i32
          %dma_start3A_85 = tpu.memref_slice %arg7[%mul3A_80, %dma_start3A_84] : memref<10000x128xf32, #tpu.memory_space<hbm>> -> memref<80x128xf32, #tpu.memory_space<hbm>>
          %dma_start3A_86 = arith.constant 0 : i32
          %dma_start3A_87 = tpu.memref_slice %arg7[%mul3A_80, %dma_start3A_86] : memref<10000x128xf32, #tpu.memory_space<hbm>> -> memref<80x128xf32, #tpu.memory_space<hbm>>
          %dma_start3A_88 = arith.constant 0 : i32
          %dma_start3A_89 = arith.constant 0 : i32
          %dma_start3A_90 = tpu.memref_slice %arg11[%dma_start3A_88, %dma_start3A_89] : memref<128x128xf32, #tpu.memory_space<vmem>> -> memref<80x128xf32, #tpu.memory_space<vmem>>
          tpu.enqueue_dma source(%dma_start3A_90 : memref<80x128xf32, #tpu.memory_space<vmem>>) target(%dma_start3A_87 : memref<80x128xf32, #tpu.memory_space<hbm>>) target_semaphore(%run_scoped3A : memref<!tpu.dma_semaphore, #tpu.memory_space<semaphore_mem>>)
          %dma_wait3A = arith.constant 0 : i32
          %dma_wait3A_91 = arith.constant 0 : i32
          %dma_wait3A_92 = tpu.memref_slice %arg11[%dma_wait3A, %dma_wait3A_91] : memref<128x128xf32, #tpu.memory_space<vmem>> -> memref<80x128xf32, #tpu.memory_space<vmem>>
          %dma_wait3A_93 = arith.constant 0 : i32
          %dma_wait3A_94 = tpu.memref_slice %arg7[%mul3A_80, %dma_wait3A_93] : memref<10000x128xf32, #tpu.memory_space<hbm>> -> memref<80x128xf32, #tpu.memory_space<hbm>>
          %dma_wait3A_95 = arith.constant 0 : i32
          %dma_wait3A_96 = tpu.memref_slice %arg7[%mul3A_80, %dma_wait3A_95] : memref<10000x128xf32, #tpu.memory_space<hbm>> -> memref<80x128xf32, #tpu.memory_space<hbm>>
          %dma_wait3A_97 = arith.constant 0 : i32
          %dma_wait3A_98 = arith.constant 0 : i32
          %dma_wait3A_99 = tpu.memref_slice %arg11[%dma_wait3A_97, %dma_wait3A_98] : memref<128x128xf32, #tpu.memory_space<vmem>> -> memref<80x128xf32, #tpu.memory_space<vmem>>
          tpu.wait_dma2 semaphore(%run_scoped3A : memref<!tpu.dma_semaphore, #tpu.memory_space<semaphore_mem>>) src(%dma_wait3A_99 : memref<80x128xf32, #tpu.memory_space<vmem>>) dst(%dma_wait3A_96 : memref<80x128xf32, #tpu.memory_space<hbm>>)
          tpu.yield
        }) : () -> ()
        %while3A_81 = arith.constant 0 : i32
        scf.yield %while3A_81 : i32
      }
    } else {
    }
    return
  }
}

#map = affine_map<(d0, d1) -> (0, 0)>
module attributes {stable_mosaic.version = 14 : i64} {
  func.func @_sc_c_body(%arg0: i32, %arg1: i32, %arg2: memref<1280x128xi32, #tpu.memory_space<hbm>>, %arg3: memref<10000x128xf32, #tpu.memory_space<hbm>>, %arg4: memref<10000x128xf32, #tpu.memory_space<hbm>>, %arg5: memref<10000x128xf32, #tpu.memory_space<vmem_shared>>, %arg6: memref<16x128xi32, #tpu.memory_space<vmem>>, %arg7: memref<128x128xf32, #tpu.memory_space<vmem>>) attributes {dimension_semantics = [#tpu.dimension_semantics<core_parallel>, #tpu.dimension_semantics<subcore_parallel>], iteration_bounds = array<i64: 2, 16>, scalar_prefetch = 0 : i64, scratch_operands = 3 : i64, tpu.core_type = #tpu.core_type<sc_vector_subcore>, window_params = [{transform_indices = #map}, {transform_indices = #map}, {transform_indices = #map}]} {
    %mul3A = arith.constant 80 : i32
    %mul3A_0 = arith.muli %arg1, %mul3A : i32
    %add3A = arith.constant 80 : i32
    %add3A_1 = arith.addi %mul3A_0, %add3A : i32
    %min3A = arith.constant 1250 : i32
    %min3A_2 = arith.minsi %add3A_1, %min3A : i32
    %sub3A = arith.subi %min3A_2, %mul3A_0 : i32
    %add3A_3 = arith.constant 15 : i32
    %add3A_4 = arith.addi %sub3A, %add3A_3 : i32
    %jit3A = arith.constant 16 : i32
    %div3A = arith.divsi %add3A_4, %jit3A : i32
    %sign3A = arith.constant 0 : i32
    %sign3A_5 = arith.cmpi sgt, %add3A_4, %sign3A : i32
    %sign3A_6 = arith.extui %sign3A_5 : i1 to i32
    %sign3A_7 = arith.constant 0 : i32
    %sign3A_8 = arith.cmpi slt, %add3A_4, %sign3A_7 : i32
    %sign3A_9 = arith.extui %sign3A_8 : i1 to i32
    %sign3A_10 = arith.subi %sign3A_6, %sign3A_9 : i32
    %sign3A_11 = arith.constant 0 : i32
    %sign3A_12 = arith.cmpi sgt, %jit3A, %sign3A_11 : i32
    %sign3A_13 = arith.extui %sign3A_12 : i1 to i32
    %sign3A_14 = arith.constant 0 : i32
    %sign3A_15 = arith.cmpi slt, %jit3A, %sign3A_14 : i32
    %sign3A_16 = arith.extui %sign3A_15 : i1 to i32
    %sign3A_17 = arith.subi %sign3A_13, %sign3A_16 : i32
    %ne3A = arith.cmpi ne, %sign3A_10, %sign3A_17 : i32
    %rem3A = arith.remsi %add3A_4, %jit3A : i32
    %ne3A_18 = arith.constant 0 : i32
    %ne3A_19 = arith.cmpi ne, %rem3A, %ne3A_18 : i32
    %and3A = arith.andi %ne3A, %ne3A_19 : i1
    %sub3A_20 = arith.constant 1 : i32
    %sub3A_21 = arith.subi %div3A, %sub3A_20 : i32
    %select_n3A = arith.select %and3A, %sub3A_21, %div3A : i32
    %lt3A = arith.constant 13 : i32
    %lt3A_22 = arith.cmpi slt, %arg1, %lt3A : i32
    %jit3A_23 = arith.constant 8 : i32
    %jit3A_24 = arith.constant 7 : i32
    %select_n3A_25 = arith.select %lt3A_22, %jit3A_23, %jit3A_24 : i32
    %eq3A = arith.constant 0 : i32
    %eq3A_26 = arith.cmpi eq, %arg0, %eq3A : i32
    %mul3A_27 = arith.constant 40 : i32
    %mul3A_28 = arith.muli %arg1, %mul3A_27 : i32
    %mul3A_29 = arith.constant 40 : i32
    %mul3A_30 = arith.muli %arg1, %mul3A_29 : i32
    %add3A_31 = arith.constant 640 : i32
    %add3A_32 = arith.addi %add3A_31, %mul3A_30 : i32
    %select_n3A_33 = arith.select %eq3A_26, %mul3A_28, %add3A_32 : i32
    %add3A_34 = arith.constant 40 : i32
    %add3A_35 = arith.addi %select_n3A_33, %add3A_34 : i32
    %eq3A_36 = arith.constant 0 : i32
    %eq3A_37 = arith.cmpi eq, %arg0, %eq3A_36 : i32
    %jit3A_38 = arith.constant 640 : i32
    %jit3A_39 = arith.constant 1250 : i32
    %select_n3A_40 = arith.select %eq3A_37, %jit3A_38, %jit3A_39 : i32
    %min3A_41 = arith.minsi %add3A_35, %select_n3A_40 : i32
    %sub3A_42 = arith.subi %min3A_41, %select_n3A_33 : i32
    %add3A_43 = arith.constant 15 : i32
    %add3A_44 = arith.addi %sub3A_42, %add3A_43 : i32
    %jit3A_45 = arith.constant 16 : i32
    %div3A_46 = arith.divsi %add3A_44, %jit3A_45 : i32
    %sign3A_47 = arith.constant 0 : i32
    %sign3A_48 = arith.cmpi sgt, %add3A_44, %sign3A_47 : i32
    %sign3A_49 = arith.extui %sign3A_48 : i1 to i32
    %sign3A_50 = arith.constant 0 : i32
    %sign3A_51 = arith.cmpi slt, %add3A_44, %sign3A_50 : i32
    %sign3A_52 = arith.extui %sign3A_51 : i1 to i32
    %sign3A_53 = arith.subi %sign3A_49, %sign3A_52 : i32
    %sign3A_54 = arith.constant 0 : i32
    %sign3A_55 = arith.cmpi sgt, %jit3A_45, %sign3A_54 : i32
    %sign3A_56 = arith.extui %sign3A_55 : i1 to i32
    %sign3A_57 = arith.constant 0 : i32
    %sign3A_58 = arith.cmpi slt, %jit3A_45, %sign3A_57 : i32
    %sign3A_59 = arith.extui %sign3A_58 : i1 to i32
    %sign3A_60 = arith.subi %sign3A_56, %sign3A_59 : i32
    %ne3A_61 = arith.cmpi ne, %sign3A_53, %sign3A_60 : i32
    %rem3A_62 = arith.remsi %add3A_44, %jit3A_45 : i32
    %ne3A_63 = arith.constant 0 : i32
    %ne3A_64 = arith.cmpi ne, %rem3A_62, %ne3A_63 : i32
    %and3A_65 = arith.andi %ne3A_61, %ne3A_64 : i1
    %sub3A_66 = arith.constant 1 : i32
    %sub3A_67 = arith.subi %div3A_46, %sub3A_66 : i32
    %select_n3A_68 = arith.select %and3A_65, %sub3A_67, %div3A_46 : i32
    %broadcast_in_dim3A = arith.constant 0.000000e+00 : f32
    %broadcast_in_dim3A_69 = vector.broadcast %broadcast_in_dim3A : f32 to vector<16xf32>
    %scan3A = arith.constant 0 : i32
    %scan3A_70 = arith.constant 0 : i32
    %scan3A_71 = arith.constant 80 : i32
    %scan3A_72 = arith.addi %scan3A_70, %scan3A_71 : i32
    %scan3A_73 = arith.constant 1 : i32
    %scan3A_74 = scf.for %scan3A_117 = %scan3A_70 to %scan3A_72 step %scan3A_73 iter_args(%scan3A_118 = %scan3A) -> (i32)  : i32 {
      %swap3A = arith.index_cast %scan3A_117 : i32 to index
      %swap3A_119 = arith.constant 0 : index
      %swap3A_120 = tpu.vector_load %arg7[%swap3A, %swap3A_119] {strides = array<i32>} : memref<128x128xf32, #tpu.memory_space<vmem>>, vector<1x16xf32>,
      %swap3A_121 = vector.shape_cast %swap3A_120 : vector<1x16xf32> to vector<16xf32>
      %swap3A_122 = vector.shape_cast %broadcast_in_dim3A_69 : vector<16xf32> to vector<1x16xf32>
      tpu.vector_store %arg7[%swap3A, %swap3A_119], %swap3A_122 {strides = array<i32>} : memref<128x128xf32, #tpu.memory_space<vmem>>, vector<1x16xf32>,
      %swap3A_123 = arith.index_cast %scan3A_117 : i32 to index
      %swap3A_124 = arith.constant 16 : index
      %swap3A_125 = tpu.vector_load %arg7[%swap3A_123, %swap3A_124] {strides = array<i32>} : memref<128x128xf32, #tpu.memory_space<vmem>>, vector<1x16xf32>,
      %swap3A_126 = vector.shape_cast %swap3A_125 : vector<1x16xf32> to vector<16xf32>
      %swap3A_127 = vector.shape_cast %broadcast_in_dim3A_69 : vector<16xf32> to vector<1x16xf32>
      tpu.vector_store %arg7[%swap3A_123, %swap3A_124], %swap3A_127 {strides = array<i32>} : memref<128x128xf32, #tpu.memory_space<vmem>>, vector<1x16xf32>,
      %swap3A_128 = arith.index_cast %scan3A_117 : i32 to index
      %swap3A_129 = arith.constant 32 : index
      %swap3A_130 = tpu.vector_load %arg7[%swap3A_128, %swap3A_129] {strides = array<i32>} : memref<128x128xf32, #tpu.memory_space<vmem>>, vector<1x16xf32>,
      %swap3A_131 = vector.shape_cast %swap3A_130 : vector<1x16xf32> to vector<16xf32>
      %swap3A_132 = vector.shape_cast %broadcast_in_dim3A_69 : vector<16xf32> to vector<1x16xf32>
      tpu.vector_store %arg7[%swap3A_128, %swap3A_129], %swap3A_132 {strides = array<i32>} : memref<128x128xf32, #tpu.memory_space<vmem>>, vector<1x16xf32>,
      %swap3A_133 = arith.index_cast %scan3A_117 : i32 to index
      %swap3A_134 = arith.constant 48 : index
      %swap3A_135 = tpu.vector_load %arg7[%swap3A_133, %swap3A_134] {strides = array<i32>} : memref<128x128xf32, #tpu.memory_space<vmem>>, vector<1x16xf32>,
      %swap3A_136 = vector.shape_cast %swap3A_135 : vector<1x16xf32> to vector<16xf32>
      %swap3A_137 = vector.shape_cast %broadcast_in_dim3A_69 : vector<16xf32> to vector<1x16xf32>
      tpu.vector_store %arg7[%swap3A_133, %swap3A_134], %swap3A_137 {strides = array<i32>} : memref<128x128xf32, #tpu.memory_space<vmem>>, vector<1x16xf32>,
      %swap3A_138 = arith.index_cast %scan3A_117 : i32 to index
      %swap3A_139 = arith.constant 64 : index
      %swap3A_140 = tpu.vector_load %arg7[%swap3A_138, %swap3A_139] {strides = array<i32>} : memref<128x128xf32, #tpu.memory_space<vmem>>, vector<1x16xf32>,
      %swap3A_141 = vector.shape_cast %swap3A_140 : vector<1x16xf32> to vector<16xf32>
      %swap3A_142 = vector.shape_cast %broadcast_in_dim3A_69 : vector<16xf32> to vector<1x16xf32>
      tpu.vector_store %arg7[%swap3A_138, %swap3A_139], %swap3A_142 {strides = array<i32>} : memref<128x128xf32, #tpu.memory_space<vmem>>, vector<1x16xf32>,
      %swap3A_143 = arith.index_cast %scan3A_117 : i32 to index
      %swap3A_144 = arith.constant 80 : index
      %swap3A_145 = tpu.vector_load %arg7[%swap3A_143, %swap3A_144] {strides = array<i32>} : memref<128x128xf32, #tpu.memory_space<vmem>>, vector<1x16xf32>,
      %swap3A_146 = vector.shape_cast %swap3A_145 : vector<1x16xf32> to vector<16xf32>
      %swap3A_147 = vector.shape_cast %broadcast_in_dim3A_69 : vector<16xf32> to vector<1x16xf32>
      tpu.vector_store %arg7[%swap3A_143, %swap3A_144], %swap3A_147 {strides = array<i32>} : memref<128x128xf32, #tpu.memory_space<vmem>>, vector<1x16xf32>,
      %swap3A_148 = arith.index_cast %scan3A_117 : i32 to index
      %swap3A_149 = arith.constant 96 : index
      %swap3A_150 = tpu.vector_load %arg7[%swap3A_148, %swap3A_149] {strides = array<i32>} : memref<128x128xf32, #tpu.memory_space<vmem>>, vector<1x16xf32>,
      %swap3A_151 = vector.shape_cast %swap3A_150 : vector<1x16xf32> to vector<16xf32>
      %swap3A_152 = vector.shape_cast %broadcast_in_dim3A_69 : vector<16xf32> to vector<1x16xf32>
      tpu.vector_store %arg7[%swap3A_148, %swap3A_149], %swap3A_152 {strides = array<i32>} : memref<128x128xf32, #tpu.memory_space<vmem>>, vector<1x16xf32>,
      %swap3A_153 = arith.index_cast %scan3A_117 : i32 to index
      %swap3A_154 = arith.constant 112 : index
      %swap3A_155 = tpu.vector_load %arg7[%swap3A_153, %swap3A_154] {strides = array<i32>} : memref<128x128xf32, #tpu.memory_space<vmem>>, vector<1x16xf32>,
      %swap3A_156 = vector.shape_cast %swap3A_155 : vector<1x16xf32> to vector<16xf32>
      %swap3A_157 = vector.shape_cast %broadcast_in_dim3A_69 : vector<16xf32> to vector<1x16xf32>
      tpu.vector_store %arg7[%swap3A_153, %swap3A_154], %swap3A_157 {strides = array<i32>} : memref<128x128xf32, #tpu.memory_space<vmem>>, vector<1x16xf32>,
      %scan3A_158 = arith.constant 0 : i32
      scf.yield %scan3A_158 : i32
    }
    %scan3A_75 = arith.constant 80 : i32
    %while3A = arith.constant 0 : i32
    %while3A_76 = arith.constant 0 : i32
    %while3A_77 = arith.subi %select_n3A_25, %while3A : i32
    %while3A_78 = arith.addi %while3A, %while3A_77 : i32
    %while3A_79 = arith.constant 1 : i32
    %while3A_80 = arith.divsi %while3A_77, %while3A_79 : i32
    %while3A_81 = arith.muli %while3A_80, %while3A_79 : i32
    %while3A_82 = arith.addi %while3A, %while3A_81 : i32
    %while3A_83 = arith.constant 1 : i32
    %while3A_84 = scf.for %while3A_117 = %while3A to %while3A_82 step %while3A_83 iter_args(%while3A_118 = %while3A_76) -> (i32)  : i32 {
      %mul3A_119 = arith.constant 16 : i32
      %mul3A_120 = arith.muli %mul3A_119, %while3A_117 : i32
      %add3A_121 = arith.addi %arg1, %mul3A_120 : i32
      %mul3A_122 = arith.constant 80 : i32
      %mul3A_123 = arith.muli %add3A_121, %mul3A_122 : i32
      "tpu.region"() ({
        %run_scoped3A = tpu.sem_alloc : memref<!tpu.dma_semaphore, #tpu.memory_space<semaphore_mem>>
        %dma_start3A = arith.constant 0 : i32
        %dma_start3A_125 = arith.constant 0 : i32
        %dma_start3A_126 = tpu.memref_slice %arg7[%dma_start3A, %dma_start3A_125] : memref<128x128xf32, #tpu.memory_space<vmem>> -> memref<80x128xf32, #tpu.memory_space<vmem>>
        %dma_start3A_127 = arith.constant 0 : i32
        %dma_start3A_128 = tpu.memref_slice %arg5[%mul3A_123, %dma_start3A_127] : memref<10000x128xf32, #tpu.memory_space<vmem_shared>> -> memref<80x128xf32, #tpu.memory_space<vmem_shared>>
        %dma_start3A_129 = arith.constant 0 : i32
        %dma_start3A_130 = tpu.memref_slice %arg5[%mul3A_123, %dma_start3A_129] : memref<10000x128xf32, #tpu.memory_space<vmem_shared>> -> memref<80x128xf32, #tpu.memory_space<vmem_shared>>
        %dma_start3A_131 = arith.constant 0 : i32
        %dma_start3A_132 = arith.constant 0 : i32
        %dma_start3A_133 = tpu.memref_slice %arg7[%dma_start3A_131, %dma_start3A_132] : memref<128x128xf32, #tpu.memory_space<vmem>> -> memref<80x128xf32, #tpu.memory_space<vmem>>
        tpu.enqueue_dma source(%dma_start3A_133 : memref<80x128xf32, #tpu.memory_space<vmem>>) target(%dma_start3A_130 : memref<80x128xf32, #tpu.memory_space<vmem_shared>>) target_semaphore(%run_scoped3A : memref<!tpu.dma_semaphore, #tpu.memory_space<semaphore_mem>>)
        %dma_wait3A = arith.constant 0 : i32
        %dma_wait3A_134 = arith.constant 0 : i32
        %dma_wait3A_135 = tpu.memref_slice %arg7[%dma_wait3A, %dma_wait3A_134] : memref<128x128xf32, #tpu.memory_space<vmem>> -> memref<80x128xf32, #tpu.memory_space<vmem>>
        %dma_wait3A_136 = arith.constant 0 : i32
        %dma_wait3A_137 = tpu.memref_slice %arg5[%mul3A_123, %dma_wait3A_136] : memref<10000x128xf32, #tpu.memory_space<vmem_shared>> -> memref<80x128xf32, #tpu.memory_space<vmem_shared>>
        %dma_wait3A_138 = arith.constant 0 : i32
        %dma_wait3A_139 = tpu.memref_slice %arg5[%mul3A_123, %dma_wait3A_138] : memref<10000x128xf32, #tpu.memory_space<vmem_shared>> -> memref<80x128xf32, #tpu.memory_space<vmem_shared>>
        %dma_wait3A_140 = arith.constant 0 : i32
        %dma_wait3A_141 = arith.constant 0 : i32
        %dma_wait3A_142 = tpu.memref_slice %arg7[%dma_wait3A_140, %dma_wait3A_141] : memref<128x128xf32, #tpu.memory_space<vmem>> -> memref<80x128xf32, #tpu.memory_space<vmem>>
        tpu.wait_dma2 semaphore(%run_scoped3A : memref<!tpu.dma_semaphore, #tpu.memory_space<semaphore_mem>>) src(%dma_wait3A_142 : memref<80x128xf32, #tpu.memory_space<vmem>>) dst(%dma_wait3A_139 : memref<80x128xf32, #tpu.memory_space<vmem_shared>>)
        tpu.yield
      }) : () -> ()
      %while3A_124 = arith.constant 0 : i32
      scf.yield %while3A_124 : i32
    }
    %while3A_85 = arith.constant 1 : i32
    %while3A_86 = scf.for %while3A_117 = %while3A_82 to %while3A_78 step %while3A_85 iter_args(%while3A_118 = %while3A_84) -> (i32)  : i32 {
      %mul3A_119 = arith.constant 16 : i32
      %mul3A_120 = arith.muli %mul3A_119, %while3A_117 : i32
      %add3A_121 = arith.addi %arg1, %mul3A_120 : i32
      %mul3A_122 = arith.constant 80 : i32
      %mul3A_123 = arith.muli %add3A_121, %mul3A_122 : i32
      "tpu.region"() ({
        %run_scoped3A = tpu.sem_alloc : memref<!tpu.dma_semaphore, #tpu.memory_space<semaphore_mem>>
        %dma_start3A = arith.constant 0 : i32
        %dma_start3A_125 = arith.constant 0 : i32
        %dma_start3A_126 = tpu.memref_slice %arg7[%dma_start3A, %dma_start3A_125] : memref<128x128xf32, #tpu.memory_space<vmem>> -> memref<80x128xf32, #tpu.memory_space<vmem>>
        %dma_start3A_127 = arith.constant 0 : i32
        %dma_start3A_128 = tpu.memref_slice %arg5[%mul3A_123, %dma_start3A_127] : memref<10000x128xf32, #tpu.memory_space<vmem_shared>> -> memref<80x128xf32, #tpu.memory_space<vmem_shared>>
        %dma_start3A_129 = arith.constant 0 : i32
        %dma_start3A_130 = tpu.memref_slice %arg5[%mul3A_123, %dma_start3A_129] : memref<10000x128xf32, #tpu.memory_space<vmem_shared>> -> memref<80x128xf32, #tpu.memory_space<vmem_shared>>
        %dma_start3A_131 = arith.constant 0 : i32
        %dma_start3A_132 = arith.constant 0 : i32
        %dma_start3A_133 = tpu.memref_slice %arg7[%dma_start3A_131, %dma_start3A_132] : memref<128x128xf32, #tpu.memory_space<vmem>> -> memref<80x128xf32, #tpu.memory_space<vmem>>
        tpu.enqueue_dma source(%dma_start3A_133 : memref<80x128xf32, #tpu.memory_space<vmem>>) target(%dma_start3A_130 : memref<80x128xf32, #tpu.memory_space<vmem_shared>>) target_semaphore(%run_scoped3A : memref<!tpu.dma_semaphore, #tpu.memory_space<semaphore_mem>>)
        %dma_wait3A = arith.constant 0 : i32
        %dma_wait3A_134 = arith.constant 0 : i32
        %dma_wait3A_135 = tpu.memref_slice %arg7[%dma_wait3A, %dma_wait3A_134] : memref<128x128xf32, #tpu.memory_space<vmem>> -> memref<80x128xf32, #tpu.memory_space<vmem>>
        %dma_wait3A_136 = arith.constant 0 : i32
        %dma_wait3A_137 = tpu.memref_slice %arg5[%mul3A_123, %dma_wait3A_136] : memref<10000x128xf32, #tpu.memory_space<vmem_shared>> -> memref<80x128xf32, #tpu.memory_space<vmem_shared>>
        %dma_wait3A_138 = arith.constant 0 : i32
        %dma_wait3A_139 = tpu.memref_slice %arg5[%mul3A_123, %dma_wait3A_138] : memref<10000x128xf32, #tpu.memory_space<vmem_shared>> -> memref<80x128xf32, #tpu.memory_space<vmem_shared>>
        %dma_wait3A_140 = arith.constant 0 : i32
        %dma_wait3A_141 = arith.constant 0 : i32
        %dma_wait3A_142 = tpu.memref_slice %arg7[%dma_wait3A_140, %dma_wait3A_141] : memref<128x128xf32, #tpu.memory_space<vmem>> -> memref<80x128xf32, #tpu.memory_space<vmem>>
        tpu.wait_dma2 semaphore(%run_scoped3A : memref<!tpu.dma_semaphore, #tpu.memory_space<semaphore_mem>>) src(%dma_wait3A_142 : memref<80x128xf32, #tpu.memory_space<vmem>>) dst(%dma_wait3A_139 : memref<80x128xf32, #tpu.memory_space<vmem_shared>>)
        tpu.yield
      }) : () -> ()
      %while3A_124 = arith.constant 0 : i32
      scf.yield %while3A_124 : i32
    }
    %barrier3A = arith.constant 0 : index
    tpu.barrier barrier_id(%barrier3A)
    %broadcast_in_dim3A_87 = arith.constant 1.000000e+00 : f32
    %broadcast_in_dim3A_88 = vector.broadcast %broadcast_in_dim3A_87 : f32 to vector<16xf32>
    %scan3A_89 = arith.constant 0 : i32
    %scan3A_90 = arith.constant 0 : i32
    %scan3A_91 = arith.constant 128 : i32
    %scan3A_92 = arith.addi %scan3A_90, %scan3A_91 : i32
    %scan3A_93 = arith.constant 1 : i32
    %scan3A_94 = scf.for %scan3A_117 = %scan3A_90 to %scan3A_92 step %scan3A_93 iter_args(%scan3A_118 = %scan3A_89) -> (i32)  : i32 {
      %swap3A = arith.index_cast %scan3A_117 : i32 to index
      %swap3A_119 = arith.constant 0 : index
      %swap3A_120 = tpu.vector_load %arg7[%swap3A, %swap3A_119] {strides = array<i32>} : memref<128x128xf32, #tpu.memory_space<vmem>>, vector<1x16xf32>,
      %swap3A_121 = vector.shape_cast %swap3A_120 : vector<1x16xf32> to vector<16xf32>
      %swap3A_122 = vector.shape_cast %broadcast_in_dim3A_88 : vector<16xf32> to vector<1x16xf32>
      tpu.vector_store %arg7[%swap3A, %swap3A_119], %swap3A_122 {strides = array<i32>} : memref<128x128xf32, #tpu.memory_space<vmem>>, vector<1x16xf32>,
      %swap3A_123 = arith.index_cast %scan3A_117 : i32 to index
      %swap3A_124 = arith.constant 16 : index
      %swap3A_125 = tpu.vector_load %arg7[%swap3A_123, %swap3A_124] {strides = array<i32>} : memref<128x128xf32, #tpu.memory_space<vmem>>, vector<1x16xf32>,
      %swap3A_126 = vector.shape_cast %swap3A_125 : vector<1x16xf32> to vector<16xf32>
      %swap3A_127 = vector.shape_cast %broadcast_in_dim3A_88 : vector<16xf32> to vector<1x16xf32>
      tpu.vector_store %arg7[%swap3A_123, %swap3A_124], %swap3A_127 {strides = array<i32>} : memref<128x128xf32, #tpu.memory_space<vmem>>, vector<1x16xf32>,
      %swap3A_128 = arith.index_cast %scan3A_117 : i32 to index
      %swap3A_129 = arith.constant 32 : index
      %swap3A_130 = tpu.vector_load %arg7[%swap3A_128, %swap3A_129] {strides = array<i32>} : memref<128x128xf32, #tpu.memory_space<vmem>>, vector<1x16xf32>,
      %swap3A_131 = vector.shape_cast %swap3A_130 : vector<1x16xf32> to vector<16xf32>
      %swap3A_132 = vector.shape_cast %broadcast_in_dim3A_88 : vector<16xf32> to vector<1x16xf32>
      tpu.vector_store %arg7[%swap3A_128, %swap3A_129], %swap3A_132 {strides = array<i32>} : memref<128x128xf32, #tpu.memory_space<vmem>>, vector<1x16xf32>,
      %swap3A_133 = arith.index_cast %scan3A_117 : i32 to index
      %swap3A_134 = arith.constant 48 : index
      %swap3A_135 = tpu.vector_load %arg7[%swap3A_133, %swap3A_134] {strides = array<i32>} : memref<128x128xf32, #tpu.memory_space<vmem>>, vector<1x16xf32>,
      %swap3A_136 = vector.shape_cast %swap3A_135 : vector<1x16xf32> to vector<16xf32>
      %swap3A_137 = vector.shape_cast %broadcast_in_dim3A_88 : vector<16xf32> to vector<1x16xf32>
      tpu.vector_store %arg7[%swap3A_133, %swap3A_134], %swap3A_137 {strides = array<i32>} : memref<128x128xf32, #tpu.memory_space<vmem>>, vector<1x16xf32>,
      %swap3A_138 = arith.index_cast %scan3A_117 : i32 to index
      %swap3A_139 = arith.constant 64 : index
      %swap3A_140 = tpu.vector_load %arg7[%swap3A_138, %swap3A_139] {strides = array<i32>} : memref<128x128xf32, #tpu.memory_space<vmem>>, vector<1x16xf32>,
      %swap3A_141 = vector.shape_cast %swap3A_140 : vector<1x16xf32> to vector<16xf32>
      %swap3A_142 = vector.shape_cast %broadcast_in_dim3A_88 : vector<16xf32> to vector<1x16xf32>
      tpu.vector_store %arg7[%swap3A_138, %swap3A_139], %swap3A_142 {strides = array<i32>} : memref<128x128xf32, #tpu.memory_space<vmem>>, vector<1x16xf32>,
      %swap3A_143 = arith.index_cast %scan3A_117 : i32 to index
      %swap3A_144 = arith.constant 80 : index
      %swap3A_145 = tpu.vector_load %arg7[%swap3A_143, %swap3A_144] {strides = array<i32>} : memref<128x128xf32, #tpu.memory_space<vmem>>, vector<1x16xf32>,
      %swap3A_146 = vector.shape_cast %swap3A_145 : vector<1x16xf32> to vector<16xf32>
      %swap3A_147 = vector.shape_cast %broadcast_in_dim3A_88 : vector<16xf32> to vector<1x16xf32>
      tpu.vector_store %arg7[%swap3A_143, %swap3A_144], %swap3A_147 {strides = array<i32>} : memref<128x128xf32, #tpu.memory_space<vmem>>, vector<1x16xf32>,
      %swap3A_148 = arith.index_cast %scan3A_117 : i32 to index
      %swap3A_149 = arith.constant 96 : index
      %swap3A_150 = tpu.vector_load %arg7[%swap3A_148, %swap3A_149] {strides = array<i32>} : memref<128x128xf32, #tpu.memory_space<vmem>>, vector<1x16xf32>,
      %swap3A_151 = vector.shape_cast %swap3A_150 : vector<1x16xf32> to vector<16xf32>
      %swap3A_152 = vector.shape_cast %broadcast_in_dim3A_88 : vector<16xf32> to vector<1x16xf32>
      tpu.vector_store %arg7[%swap3A_148, %swap3A_149], %swap3A_152 {strides = array<i32>} : memref<128x128xf32, #tpu.memory_space<vmem>>, vector<1x16xf32>,
      %swap3A_153 = arith.index_cast %scan3A_117 : i32 to index
      %swap3A_154 = arith.constant 112 : index
      %swap3A_155 = tpu.vector_load %arg7[%swap3A_153, %swap3A_154] {strides = array<i32>} : memref<128x128xf32, #tpu.memory_space<vmem>>, vector<1x16xf32>,
      %swap3A_156 = vector.shape_cast %swap3A_155 : vector<1x16xf32> to vector<16xf32>
      %swap3A_157 = vector.shape_cast %broadcast_in_dim3A_88 : vector<16xf32> to vector<1x16xf32>
      tpu.vector_store %arg7[%swap3A_153, %swap3A_154], %swap3A_157 {strides = array<i32>} : memref<128x128xf32, #tpu.memory_space<vmem>>, vector<1x16xf32>,
      %scan3A_158 = arith.constant 0 : i32
      scf.yield %scan3A_158 : i32
    }
    %scan3A_95 = arith.constant 128 : i32
    %while3A_96 = arith.constant 0 : i32
    %while3A_97 = arith.constant 0 : i32
    %while3A_98 = arith.subi %select_n3A_68, %while3A_96 : i32
    %while3A_99 = arith.addi %while3A_96, %while3A_98 : i32
    %while3A_100 = arith.constant 1 : i32
    %while3A_101 = arith.divsi %while3A_98, %while3A_100 : i32
    %while3A_102 = arith.muli %while3A_101, %while3A_100 : i32
    %while3A_103 = arith.addi %while3A_96, %while3A_102 : i32
    %while3A_104 = arith.constant 1 : i32
    %while3A_105 = scf.for %while3A_117 = %while3A_96 to %while3A_103 step %while3A_104 iter_args(%while3A_118 = %while3A_97) -> (i32)  : i32 {
      %mul3A_119 = arith.constant 16 : i32
      %mul3A_120 = arith.muli %while3A_117, %mul3A_119 : i32
      %add3A_121 = arith.addi %select_n3A_33, %mul3A_120 : i32
      "tpu.region"() ({
        %run_scoped3A = tpu.sem_alloc : memref<!tpu.dma_semaphore, #tpu.memory_space<semaphore_mem>>
        %dma_start3A = arith.constant 0 : i32
        %dma_start3A_138 = tpu.memref_slice %arg2[%add3A_121, %dma_start3A] : memref<1280x128xi32, #tpu.memory_space<hbm>> -> memref<16x128xi32, #tpu.memory_space<hbm>>
        %dma_start3A_139 = arith.constant 0 : i32
        %dma_start3A_140 = tpu.memref_slice %arg2[%add3A_121, %dma_start3A_139] : memref<1280x128xi32, #tpu.memory_space<hbm>> -> memref<16x128xi32, #tpu.memory_space<hbm>>
        tpu.enqueue_dma source(%dma_start3A_140 : memref<16x128xi32, #tpu.memory_space<hbm>>) target(%arg6 : memref<16x128xi32, #tpu.memory_space<vmem>>) target_semaphore(%run_scoped3A : memref<!tpu.dma_semaphore, #tpu.memory_space<semaphore_mem>>)
        %dma_wait3A = arith.constant 0 : i32
        %dma_wait3A_141 = tpu.memref_slice %arg2[%add3A_121, %dma_wait3A] : memref<1280x128xi32, #tpu.memory_space<hbm>> -> memref<16x128xi32, #tpu.memory_space<hbm>>
        %dma_wait3A_142 = arith.constant 0 : i32
        %dma_wait3A_143 = tpu.memref_slice %arg2[%add3A_121, %dma_wait3A_142] : memref<1280x128xi32, #tpu.memory_space<hbm>> -> memref<16x128xi32, #tpu.memory_space<hbm>>
        tpu.wait_dma2 semaphore(%run_scoped3A : memref<!tpu.dma_semaphore, #tpu.memory_space<semaphore_mem>>) src(%dma_wait3A_143 : memref<16x128xi32, #tpu.memory_space<hbm>>) dst(%arg6 : memref<16x128xi32, #tpu.memory_space<vmem>>)
        tpu.yield
      }) : () -> ()
      %sub3A_122 = arith.subi %min3A_41, %add3A_121 : i32
      %min3A_123 = arith.constant 16 : i32
      %min3A_124 = arith.minsi %sub3A_122, %min3A_123 : i32
      %while3A_125 = arith.constant 0 : i32
      %while3A_126 = arith.constant 0 : i32
      %while3A_127 = arith.subi %min3A_124, %while3A_125 : i32
      %while3A_128 = arith.addi %while3A_125, %while3A_127 : i32
      %while3A_129 = arith.constant 1 : i32
      %while3A_130 = arith.divsi %while3A_127, %while3A_129 : i32
      %while3A_131 = arith.muli %while3A_130, %while3A_129 : i32
      %while3A_132 = arith.addi %while3A_125, %while3A_131 : i32
      %while3A_133 = arith.constant 1 : i32
      %while3A_134 = scf.for %while3A_138 = %while3A_125 to %while3A_132 step %while3A_133 iter_args(%while3A_139 = %while3A_126) -> (i32)  : i32 {
        "tpu.region"() ({
          %run_scoped3A = tpu.sem_alloc : memref<!tpu.dma_semaphore, #tpu.memory_space<semaphore_mem>>
          %dma_start3A = arith.constant 0 : i32
          %dma_start3A_141 = tpu.memref_slice %arg6[%while3A_138, %dma_start3A] : memref<16x128xi32, #tpu.memory_space<vmem>> -> memref<1x128xi32, #tpu.memory_space<vmem>>
          %dma_start3A_142 = tpu.memref_squeeze %dma_start3A_141 : memref<1x128xi32, #tpu.memory_space<vmem>> -> memref<128xi32, #tpu.memory_space<vmem>>
          %dma_start3A_143 = arith.constant 0 : i32
          %dma_start3A_144 = arith.constant 0 : i32
          %dma_start3A_145 = tpu.memref_slice %arg5[%dma_start3A_143, %dma_start3A_144] : memref<10000x128xf32, #tpu.memory_space<vmem_shared>> -> memref<10000x128xf32, #tpu.memory_space<vmem_shared>>
          tpu.enqueue_indirect_dma source(%arg7 : memref<128x128xf32, #tpu.memory_space<vmem>>) target(%dma_start3A_145 : memref<10000x128xf32, #tpu.memory_space<vmem_shared>>) offsets(%dma_start3A_142 : memref<128xi32, #tpu.memory_space<vmem>>) semaphore(%run_scoped3A : memref<!tpu.dma_semaphore, #tpu.memory_space<semaphore_mem>>) {add = true}
          %dma_wait3A = arith.constant 0 : i32
          %dma_wait3A_146 = tpu.memref_slice %arg6[%while3A_138, %dma_wait3A] : memref<16x128xi32, #tpu.memory_space<vmem>> -> memref<1x128xi32, #tpu.memory_space<vmem>>
          %dma_wait3A_147 = tpu.memref_squeeze %dma_wait3A_146 : memref<1x128xi32, #tpu.memory_space<vmem>> -> memref<128xi32, #tpu.memory_space<vmem>>
          %dma_wait3A_148 = arith.constant 0 : i32
          %dma_wait3A_149 = arith.constant 0 : i32
          %dma_wait3A_150 = tpu.memref_slice %arg5[%dma_wait3A_148, %dma_wait3A_149] : memref<10000x128xf32, #tpu.memory_space<vmem_shared>> -> memref<10000x128xf32, #tpu.memory_space<vmem_shared>>
          tpu.wait_indirect_dma semaphore(%run_scoped3A : memref<!tpu.dma_semaphore, #tpu.memory_space<semaphore_mem>>) src(%arg7 : memref<128x128xf32, #tpu.memory_space<vmem>>) dst(%dma_wait3A_150 : memref<10000x128xf32, #tpu.memory_space<vmem_shared>>)
          tpu.yield
        }) : () -> ()
        %while3A_140 = arith.constant 0 : i32
        scf.yield %while3A_140 : i32
      }
      %while3A_135 = arith.constant 1 : i32
      %while3A_136 = scf.for %while3A_138 = %while3A_132 to %while3A_128 step %while3A_135 iter_args(%while3A_139 = %while3A_134) -> (i32)  : i32 {
        "tpu.region"() ({
          %run_scoped3A = tpu.sem_alloc : memref<!tpu.dma_semaphore, #tpu.memory_space<semaphore_mem>>
          %dma_start3A = arith.constant 0 : i32
          %dma_start3A_141 = tpu.memref_slice %arg6[%while3A_138, %dma_start3A] : memref<16x128xi32, #tpu.memory_space<vmem>> -> memref<1x128xi32, #tpu.memory_space<vmem>>
          %dma_start3A_142 = tpu.memref_squeeze %dma_start3A_141 : memref<1x128xi32, #tpu.memory_space<vmem>> -> memref<128xi32, #tpu.memory_space<vmem>>
          %dma_start3A_143 = arith.constant 0 : i32
          %dma_start3A_144 = arith.constant 0 : i32
          %dma_start3A_145 = tpu.memref_slice %arg5[%dma_start3A_143, %dma_start3A_144] : memref<10000x128xf32, #tpu.memory_space<vmem_shared>> -> memref<10000x128xf32, #tpu.memory_space<vmem_shared>>
          tpu.enqueue_indirect_dma source(%arg7 : memref<128x128xf32, #tpu.memory_space<vmem>>) target(%dma_start3A_145 : memref<10000x128xf32, #tpu.memory_space<vmem_shared>>) offsets(%dma_start3A_142 : memref<128xi32, #tpu.memory_space<vmem>>) semaphore(%run_scoped3A : memref<!tpu.dma_semaphore, #tpu.memory_space<semaphore_mem>>) {add = true}
          %dma_wait3A = arith.constant 0 : i32
          %dma_wait3A_146 = tpu.memref_slice %arg6[%while3A_138, %dma_wait3A] : memref<16x128xi32, #tpu.memory_space<vmem>> -> memref<1x128xi32, #tpu.memory_space<vmem>>
          %dma_wait3A_147 = tpu.memref_squeeze %dma_wait3A_146 : memref<1x128xi32, #tpu.memory_space<vmem>> -> memref<128xi32, #tpu.memory_space<vmem>>
          %dma_wait3A_148 = arith.constant 0 : i32
          %dma_wait3A_149 = arith.constant 0 : i32
          %dma_wait3A_150 = tpu.memref_slice %arg5[%dma_wait3A_148, %dma_wait3A_149] : memref<10000x128xf32, #tpu.memory_space<vmem_shared>> -> memref<10000x128xf32, #tpu.memory_space<vmem_shared>>
          tpu.wait_indirect_dma semaphore(%run_scoped3A : memref<!tpu.dma_semaphore, #tpu.memory_space<semaphore_mem>>) src(%arg7 : memref<128x128xf32, #tpu.memory_space<vmem>>) dst(%dma_wait3A_150 : memref<10000x128xf32, #tpu.memory_space<vmem_shared>>)
          tpu.yield
        }) : () -> ()
        %while3A_140 = arith.constant 0 : i32
        scf.yield %while3A_140 : i32
      }
      %while3A_137 = arith.constant 0 : i32
      scf.yield %while3A_137 : i32
    }
    %while3A_106 = arith.constant 1 : i32
    %while3A_107 = scf.for %while3A_117 = %while3A_103 to %while3A_99 step %while3A_106 iter_args(%while3A_118 = %while3A_105) -> (i32)  : i32 {
      %mul3A_119 = arith.constant 16 : i32
      %mul3A_120 = arith.muli %while3A_117, %mul3A_119 : i32
      %add3A_121 = arith.addi %select_n3A_33, %mul3A_120 : i32
      "tpu.region"() ({
        %run_scoped3A = tpu.sem_alloc : memref<!tpu.dma_semaphore, #tpu.memory_space<semaphore_mem>>
        %dma_start3A = arith.constant 0 : i32
        %dma_start3A_138 = tpu.memref_slice %arg2[%add3A_121, %dma_start3A] : memref<1280x128xi32, #tpu.memory_space<hbm>> -> memref<16x128xi32, #tpu.memory_space<hbm>>
        %dma_start3A_139 = arith.constant 0 : i32
        %dma_start3A_140 = tpu.memref_slice %arg2[%add3A_121, %dma_start3A_139] : memref<1280x128xi32, #tpu.memory_space<hbm>> -> memref<16x128xi32, #tpu.memory_space<hbm>>
        tpu.enqueue_dma source(%dma_start3A_140 : memref<16x128xi32, #tpu.memory_space<hbm>>) target(%arg6 : memref<16x128xi32, #tpu.memory_space<vmem>>) target_semaphore(%run_scoped3A : memref<!tpu.dma_semaphore, #tpu.memory_space<semaphore_mem>>)
        %dma_wait3A = arith.constant 0 : i32
        %dma_wait3A_141 = tpu.memref_slice %arg2[%add3A_121, %dma_wait3A] : memref<1280x128xi32, #tpu.memory_space<hbm>> -> memref<16x128xi32, #tpu.memory_space<hbm>>
        %dma_wait3A_142 = arith.constant 0 : i32
        %dma_wait3A_143 = tpu.memref_slice %arg2[%add3A_121, %dma_wait3A_142] : memref<1280x128xi32, #tpu.memory_space<hbm>> -> memref<16x128xi32, #tpu.memory_space<hbm>>
        tpu.wait_dma2 semaphore(%run_scoped3A : memref<!tpu.dma_semaphore, #tpu.memory_space<semaphore_mem>>) src(%dma_wait3A_143 : memref<16x128xi32, #tpu.memory_space<hbm>>) dst(%arg6 : memref<16x128xi32, #tpu.memory_space<vmem>>)
        tpu.yield
      }) : () -> ()
      %sub3A_122 = arith.subi %min3A_41, %add3A_121 : i32
      %min3A_123 = arith.constant 16 : i32
      %min3A_124 = arith.minsi %sub3A_122, %min3A_123 : i32
      %while3A_125 = arith.constant 0 : i32
      %while3A_126 = arith.constant 0 : i32
      %while3A_127 = arith.subi %min3A_124, %while3A_125 : i32
      %while3A_128 = arith.addi %while3A_125, %while3A_127 : i32
      %while3A_129 = arith.constant 1 : i32
      %while3A_130 = arith.divsi %while3A_127, %while3A_129 : i32
      %while3A_131 = arith.muli %while3A_130, %while3A_129 : i32
      %while3A_132 = arith.addi %while3A_125, %while3A_131 : i32
      %while3A_133 = arith.constant 1 : i32
      %while3A_134 = scf.for %while3A_138 = %while3A_125 to %while3A_132 step %while3A_133 iter_args(%while3A_139 = %while3A_126) -> (i32)  : i32 {
        "tpu.region"() ({
          %run_scoped3A = tpu.sem_alloc : memref<!tpu.dma_semaphore, #tpu.memory_space<semaphore_mem>>
          %dma_start3A = arith.constant 0 : i32
          %dma_start3A_141 = tpu.memref_slice %arg6[%while3A_138, %dma_start3A] : memref<16x128xi32, #tpu.memory_space<vmem>> -> memref<1x128xi32, #tpu.memory_space<vmem>>
          %dma_start3A_142 = tpu.memref_squeeze %dma_start3A_141 : memref<1x128xi32, #tpu.memory_space<vmem>> -> memref<128xi32, #tpu.memory_space<vmem>>
          %dma_start3A_143 = arith.constant 0 : i32
          %dma_start3A_144 = arith.constant 0 : i32
          %dma_start3A_145 = tpu.memref_slice %arg5[%dma_start3A_143, %dma_start3A_144] : memref<10000x128xf32, #tpu.memory_space<vmem_shared>> -> memref<10000x128xf32, #tpu.memory_space<vmem_shared>>
          tpu.enqueue_indirect_dma source(%arg7 : memref<128x128xf32, #tpu.memory_space<vmem>>) target(%dma_start3A_145 : memref<10000x128xf32, #tpu.memory_space<vmem_shared>>) offsets(%dma_start3A_142 : memref<128xi32, #tpu.memory_space<vmem>>) semaphore(%run_scoped3A : memref<!tpu.dma_semaphore, #tpu.memory_space<semaphore_mem>>) {add = true}
          %dma_wait3A = arith.constant 0 : i32
          %dma_wait3A_146 = tpu.memref_slice %arg6[%while3A_138, %dma_wait3A] : memref<16x128xi32, #tpu.memory_space<vmem>> -> memref<1x128xi32, #tpu.memory_space<vmem>>
          %dma_wait3A_147 = tpu.memref_squeeze %dma_wait3A_146 : memref<1x128xi32, #tpu.memory_space<vmem>> -> memref<128xi32, #tpu.memory_space<vmem>>
          %dma_wait3A_148 = arith.constant 0 : i32
          %dma_wait3A_149 = arith.constant 0 : i32
          %dma_wait3A_150 = tpu.memref_slice %arg5[%dma_wait3A_148, %dma_wait3A_149] : memref<10000x128xf32, #tpu.memory_space<vmem_shared>> -> memref<10000x128xf32, #tpu.memory_space<vmem_shared>>
          tpu.wait_indirect_dma semaphore(%run_scoped3A : memref<!tpu.dma_semaphore, #tpu.memory_space<semaphore_mem>>) src(%arg7 : memref<128x128xf32, #tpu.memory_space<vmem>>) dst(%dma_wait3A_150 : memref<10000x128xf32, #tpu.memory_space<vmem_shared>>)
          tpu.yield
        }) : () -> ()
        %while3A_140 = arith.constant 0 : i32
        scf.yield %while3A_140 : i32
      }
      %while3A_135 = arith.constant 1 : i32
      %while3A_136 = scf.for %while3A_138 = %while3A_132 to %while3A_128 step %while3A_135 iter_args(%while3A_139 = %while3A_134) -> (i32)  : i32 {
        "tpu.region"() ({
          %run_scoped3A = tpu.sem_alloc : memref<!tpu.dma_semaphore, #tpu.memory_space<semaphore_mem>>
          %dma_start3A = arith.constant 0 : i32
          %dma_start3A_141 = tpu.memref_slice %arg6[%while3A_138, %dma_start3A] : memref<16x128xi32, #tpu.memory_space<vmem>> -> memref<1x128xi32, #tpu.memory_space<vmem>>
          %dma_start3A_142 = tpu.memref_squeeze %dma_start3A_141 : memref<1x128xi32, #tpu.memory_space<vmem>> -> memref<128xi32, #tpu.memory_space<vmem>>
          %dma_start3A_143 = arith.constant 0 : i32
          %dma_start3A_144 = arith.constant 0 : i32
          %dma_start3A_145 = tpu.memref_slice %arg5[%dma_start3A_143, %dma_start3A_144] : memref<10000x128xf32, #tpu.memory_space<vmem_shared>> -> memref<10000x128xf32, #tpu.memory_space<vmem_shared>>
          tpu.enqueue_indirect_dma source(%arg7 : memref<128x128xf32, #tpu.memory_space<vmem>>) target(%dma_start3A_145 : memref<10000x128xf32, #tpu.memory_space<vmem_shared>>) offsets(%dma_start3A_142 : memref<128xi32, #tpu.memory_space<vmem>>) semaphore(%run_scoped3A : memref<!tpu.dma_semaphore, #tpu.memory_space<semaphore_mem>>) {add = true}
          %dma_wait3A = arith.constant 0 : i32
          %dma_wait3A_146 = tpu.memref_slice %arg6[%while3A_138, %dma_wait3A] : memref<16x128xi32, #tpu.memory_space<vmem>> -> memref<1x128xi32, #tpu.memory_space<vmem>>
          %dma_wait3A_147 = tpu.memref_squeeze %dma_wait3A_146 : memref<1x128xi32, #tpu.memory_space<vmem>> -> memref<128xi32, #tpu.memory_space<vmem>>
          %dma_wait3A_148 = arith.constant 0 : i32
          %dma_wait3A_149 = arith.constant 0 : i32
          %dma_wait3A_150 = tpu.memref_slice %arg5[%dma_wait3A_148, %dma_wait3A_149] : memref<10000x128xf32, #tpu.memory_space<vmem_shared>> -> memref<10000x128xf32, #tpu.memory_space<vmem_shared>>
          tpu.wait_indirect_dma semaphore(%run_scoped3A : memref<!tpu.dma_semaphore, #tpu.memory_space<semaphore_mem>>) src(%arg7 : memref<128x128xf32, #tpu.memory_space<vmem>>) dst(%dma_wait3A_150 : memref<10000x128xf32, #tpu.memory_space<vmem_shared>>)
          tpu.yield
        }) : () -> ()
        %while3A_140 = arith.constant 0 : i32
        scf.yield %while3A_140 : i32
      }
      %while3A_137 = arith.constant 0 : i32
      scf.yield %while3A_137 : i32
    }
    %barrier3A_108 = arith.constant 0 : index
    tpu.barrier barrier_id(%barrier3A_108)
    %eq3A_109 = arith.constant 0 : i32
    %eq3A_110 = arith.cmpi eq, %arg0, %eq3A_109 : i32
    %convert_element_type3A = arith.extui %eq3A_110 : i1 to i32
    %cond3A = arith.constant 0 : i32
    %cond3A_111 = arith.cmpi ne, %convert_element_type3A, %cond3A : i32
    scf.if %cond3A_111 {
      %while3A_117 = arith.constant 0 : i32
      %while3A_118 = arith.constant 0 : i32
      %while3A_119 = arith.subi %select_n3A_25, %while3A_117 : i32
      %while3A_120 = arith.addi %while3A_117, %while3A_119 : i32
      %while3A_121 = arith.constant 1 : i32
      %while3A_122 = arith.divsi %while3A_119, %while3A_121 : i32
      %while3A_123 = arith.muli %while3A_122, %while3A_121 : i32
      %while3A_124 = arith.addi %while3A_117, %while3A_123 : i32
      %while3A_125 = arith.constant 1 : i32
      %while3A_126 = scf.for %while3A_129 = %while3A_117 to %while3A_124 step %while3A_125 iter_args(%while3A_130 = %while3A_118) -> (i32)  : i32 {
        %mul3A_131 = arith.constant 16 : i32
        %mul3A_132 = arith.muli %mul3A_131, %while3A_129 : i32
        %add3A_133 = arith.addi %arg1, %mul3A_132 : i32
        %mul3A_134 = arith.constant 80 : i32
        %mul3A_135 = arith.muli %add3A_133, %mul3A_134 : i32
        "tpu.region"() ({
          %run_scoped3A = tpu.sem_alloc : memref<!tpu.dma_semaphore, #tpu.memory_space<semaphore_mem>>
          %dma_start3A = arith.constant 0 : i32
          %dma_start3A_137 = arith.constant 0 : i32
          %dma_start3A_138 = tpu.memref_slice %arg7[%dma_start3A, %dma_start3A_137] : memref<128x128xf32, #tpu.memory_space<vmem>> -> memref<80x128xf32, #tpu.memory_space<vmem>>
          %dma_start3A_139 = arith.constant 0 : i32
          %dma_start3A_140 = tpu.memref_slice %arg5[%mul3A_135, %dma_start3A_139] : memref<10000x128xf32, #tpu.memory_space<vmem_shared>> -> memref<80x128xf32, #tpu.memory_space<vmem_shared>>
          %dma_start3A_141 = arith.constant 0 : i32
          %dma_start3A_142 = arith.constant 0 : i32
          %dma_start3A_143 = tpu.memref_slice %arg7[%dma_start3A_141, %dma_start3A_142] : memref<128x128xf32, #tpu.memory_space<vmem>> -> memref<80x128xf32, #tpu.memory_space<vmem>>
          %dma_start3A_144 = arith.constant 0 : i32
          %dma_start3A_145 = tpu.memref_slice %arg5[%mul3A_135, %dma_start3A_144] : memref<10000x128xf32, #tpu.memory_space<vmem_shared>> -> memref<80x128xf32, #tpu.memory_space<vmem_shared>>
          tpu.enqueue_dma source(%dma_start3A_145 : memref<80x128xf32, #tpu.memory_space<vmem_shared>>) target(%dma_start3A_143 : memref<80x128xf32, #tpu.memory_space<vmem>>) target_semaphore(%run_scoped3A : memref<!tpu.dma_semaphore, #tpu.memory_space<semaphore_mem>>)
          %dma_wait3A = arith.constant 0 : i32
          %dma_wait3A_146 = arith.constant 0 : i32
          %dma_wait3A_147 = tpu.memref_slice %arg7[%dma_wait3A, %dma_wait3A_146] : memref<128x128xf32, #tpu.memory_space<vmem>> -> memref<80x128xf32, #tpu.memory_space<vmem>>
          %dma_wait3A_148 = arith.constant 0 : i32
          %dma_wait3A_149 = tpu.memref_slice %arg5[%mul3A_135, %dma_wait3A_148] : memref<10000x128xf32, #tpu.memory_space<vmem_shared>> -> memref<80x128xf32, #tpu.memory_space<vmem_shared>>
          %dma_wait3A_150 = arith.constant 0 : i32
          %dma_wait3A_151 = arith.constant 0 : i32
          %dma_wait3A_152 = tpu.memref_slice %arg7[%dma_wait3A_150, %dma_wait3A_151] : memref<128x128xf32, #tpu.memory_space<vmem>> -> memref<80x128xf32, #tpu.memory_space<vmem>>
          %dma_wait3A_153 = arith.constant 0 : i32
          %dma_wait3A_154 = tpu.memref_slice %arg5[%mul3A_135, %dma_wait3A_153] : memref<10000x128xf32, #tpu.memory_space<vmem_shared>> -> memref<80x128xf32, #tpu.memory_space<vmem_shared>>
          tpu.wait_dma2 semaphore(%run_scoped3A : memref<!tpu.dma_semaphore, #tpu.memory_space<semaphore_mem>>) src(%dma_wait3A_154 : memref<80x128xf32, #tpu.memory_space<vmem_shared>>) dst(%dma_wait3A_152 : memref<80x128xf32, #tpu.memory_space<vmem>>)
          tpu.yield
        }) : () -> ()
        "tpu.region"() ({
          %run_scoped3A = tpu.sem_alloc : memref<!tpu.dma_semaphore, #tpu.memory_space<semaphore_mem>>
          %dma_start3A = arith.constant 0 : i32
          %dma_start3A_137 = arith.constant 0 : i32
          %dma_start3A_138 = tpu.memref_slice %arg7[%dma_start3A, %dma_start3A_137] : memref<128x128xf32, #tpu.memory_space<vmem>> -> memref<80x128xf32, #tpu.memory_space<vmem>>
          %dma_start3A_139 = arith.constant 0 : i32
          %dma_start3A_140 = tpu.memref_slice %arg3[%mul3A_135, %dma_start3A_139] : memref<10000x128xf32, #tpu.memory_space<hbm>> -> memref<80x128xf32, #tpu.memory_space<hbm>>
          %dma_start3A_141 = arith.constant 0 : i32
          %dma_start3A_142 = tpu.memref_slice %arg3[%mul3A_135, %dma_start3A_141] : memref<10000x128xf32, #tpu.memory_space<hbm>> -> memref<80x128xf32, #tpu.memory_space<hbm>>
          %dma_start3A_143 = arith.constant 0 : i32
          %dma_start3A_144 = arith.constant 0 : i32
          %dma_start3A_145 = tpu.memref_slice %arg7[%dma_start3A_143, %dma_start3A_144] : memref<128x128xf32, #tpu.memory_space<vmem>> -> memref<80x128xf32, #tpu.memory_space<vmem>>
          tpu.enqueue_dma source(%dma_start3A_145 : memref<80x128xf32, #tpu.memory_space<vmem>>) target(%dma_start3A_142 : memref<80x128xf32, #tpu.memory_space<hbm>>) target_semaphore(%run_scoped3A : memref<!tpu.dma_semaphore, #tpu.memory_space<semaphore_mem>>)
          %dma_wait3A = arith.constant 0 : i32
          %dma_wait3A_146 = arith.constant 0 : i32
          %dma_wait3A_147 = tpu.memref_slice %arg7[%dma_wait3A, %dma_wait3A_146] : memref<128x128xf32, #tpu.memory_space<vmem>> -> memref<80x128xf32, #tpu.memory_space<vmem>>
          %dma_wait3A_148 = arith.constant 0 : i32
          %dma_wait3A_149 = tpu.memref_slice %arg3[%mul3A_135, %dma_wait3A_148] : memref<10000x128xf32, #tpu.memory_space<hbm>> -> memref<80x128xf32, #tpu.memory_space<hbm>>
          %dma_wait3A_150 = arith.constant 0 : i32
          %dma_wait3A_151 = tpu.memref_slice %arg3[%mul3A_135, %dma_wait3A_150] : memref<10000x128xf32, #tpu.memory_space<hbm>> -> memref<80x128xf32, #tpu.memory_space<hbm>>
          %dma_wait3A_152 = arith.constant 0 : i32
          %dma_wait3A_153 = arith.constant 0 : i32
          %dma_wait3A_154 = tpu.memref_slice %arg7[%dma_wait3A_152, %dma_wait3A_153] : memref<128x128xf32, #tpu.memory_space<vmem>> -> memref<80x128xf32, #tpu.memory_space<vmem>>
          tpu.wait_dma2 semaphore(%run_scoped3A : memref<!tpu.dma_semaphore, #tpu.memory_space<semaphore_mem>>) src(%dma_wait3A_154 : memref<80x128xf32, #tpu.memory_space<vmem>>) dst(%dma_wait3A_151 : memref<80x128xf32, #tpu.memory_space<hbm>>)
          tpu.yield
        }) : () -> ()
        %while3A_136 = arith.constant 0 : i32
        scf.yield %while3A_136 : i32
      }
      %while3A_127 = arith.constant 1 : i32
      %while3A_128 = scf.for %while3A_129 = %while3A_124 to %while3A_120 step %while3A_127 iter_args(%while3A_130 = %while3A_126) -> (i32)  : i32 {
        %mul3A_131 = arith.constant 16 : i32
        %mul3A_132 = arith.muli %mul3A_131, %while3A_129 : i32
        %add3A_133 = arith.addi %arg1, %mul3A_132 : i32
        %mul3A_134 = arith.constant 80 : i32
        %mul3A_135 = arith.muli %add3A_133, %mul3A_134 : i32
        "tpu.region"() ({
          %run_scoped3A = tpu.sem_alloc : memref<!tpu.dma_semaphore, #tpu.memory_space<semaphore_mem>>
          %dma_start3A = arith.constant 0 : i32
          %dma_start3A_137 = arith.constant 0 : i32
          %dma_start3A_138 = tpu.memref_slice %arg7[%dma_start3A, %dma_start3A_137] : memref<128x128xf32, #tpu.memory_space<vmem>> -> memref<80x128xf32, #tpu.memory_space<vmem>>
          %dma_start3A_139 = arith.constant 0 : i32
          %dma_start3A_140 = tpu.memref_slice %arg5[%mul3A_135, %dma_start3A_139] : memref<10000x128xf32, #tpu.memory_space<vmem_shared>> -> memref<80x128xf32, #tpu.memory_space<vmem_shared>>
          %dma_start3A_141 = arith.constant 0 : i32
          %dma_start3A_142 = arith.constant 0 : i32
          %dma_start3A_143 = tpu.memref_slice %arg7[%dma_start3A_141, %dma_start3A_142] : memref<128x128xf32, #tpu.memory_space<vmem>> -> memref<80x128xf32, #tpu.memory_space<vmem>>
          %dma_start3A_144 = arith.constant 0 : i32
          %dma_start3A_145 = tpu.memref_slice %arg5[%mul3A_135, %dma_start3A_144] : memref<10000x128xf32, #tpu.memory_space<vmem_shared>> -> memref<80x128xf32, #tpu.memory_space<vmem_shared>>
          tpu.enqueue_dma source(%dma_start3A_145 : memref<80x128xf32, #tpu.memory_space<vmem_shared>>) target(%dma_start3A_143 : memref<80x128xf32, #tpu.memory_space<vmem>>) target_semaphore(%run_scoped3A : memref<!tpu.dma_semaphore, #tpu.memory_space<semaphore_mem>>)
          %dma_wait3A = arith.constant 0 : i32
          %dma_wait3A_146 = arith.constant 0 : i32
          %dma_wait3A_147 = tpu.memref_slice %arg7[%dma_wait3A, %dma_wait3A_146] : memref<128x128xf32, #tpu.memory_space<vmem>> -> memref<80x128xf32, #tpu.memory_space<vmem>>
          %dma_wait3A_148 = arith.constant 0 : i32
          %dma_wait3A_149 = tpu.memref_slice %arg5[%mul3A_135, %dma_wait3A_148] : memref<10000x128xf32, #tpu.memory_space<vmem_shared>> -> memref<80x128xf32, #tpu.memory_space<vmem_shared>>
          %dma_wait3A_150 = arith.constant 0 : i32
          %dma_wait3A_151 = arith.constant 0 : i32
          %dma_wait3A_152 = tpu.memref_slice %arg7[%dma_wait3A_150, %dma_wait3A_151] : memref<128x128xf32, #tpu.memory_space<vmem>> -> memref<80x128xf32, #tpu.memory_space<vmem>>
          %dma_wait3A_153 = arith.constant 0 : i32
          %dma_wait3A_154 = tpu.memref_slice %arg5[%mul3A_135, %dma_wait3A_153] : memref<10000x128xf32, #tpu.memory_space<vmem_shared>> -> memref<80x128xf32, #tpu.memory_space<vmem_shared>>
          tpu.wait_dma2 semaphore(%run_scoped3A : memref<!tpu.dma_semaphore, #tpu.memory_space<semaphore_mem>>) src(%dma_wait3A_154 : memref<80x128xf32, #tpu.memory_space<vmem_shared>>) dst(%dma_wait3A_152 : memref<80x128xf32, #tpu.memory_space<vmem>>)
          tpu.yield
        }) : () -> ()
        "tpu.region"() ({
          %run_scoped3A = tpu.sem_alloc : memref<!tpu.dma_semaphore, #tpu.memory_space<semaphore_mem>>
          %dma_start3A = arith.constant 0 : i32
          %dma_start3A_137 = arith.constant 0 : i32
          %dma_start3A_138 = tpu.memref_slice %arg7[%dma_start3A, %dma_start3A_137] : memref<128x128xf32, #tpu.memory_space<vmem>> -> memref<80x128xf32, #tpu.memory_space<vmem>>
          %dma_start3A_139 = arith.constant 0 : i32
          %dma_start3A_140 = tpu.memref_slice %arg3[%mul3A_135, %dma_start3A_139] : memref<10000x128xf32, #tpu.memory_space<hbm>> -> memref<80x128xf32, #tpu.memory_space<hbm>>
          %dma_start3A_141 = arith.constant 0 : i32
          %dma_start3A_142 = tpu.memref_slice %arg3[%mul3A_135, %dma_start3A_141] : memref<10000x128xf32, #tpu.memory_space<hbm>> -> memref<80x128xf32, #tpu.memory_space<hbm>>
          %dma_start3A_143 = arith.constant 0 : i32
          %dma_start3A_144 = arith.constant 0 : i32
          %dma_start3A_145 = tpu.memref_slice %arg7[%dma_start3A_143, %dma_start3A_144] : memref<128x128xf32, #tpu.memory_space<vmem>> -> memref<80x128xf32, #tpu.memory_space<vmem>>
          tpu.enqueue_dma source(%dma_start3A_145 : memref<80x128xf32, #tpu.memory_space<vmem>>) target(%dma_start3A_142 : memref<80x128xf32, #tpu.memory_space<hbm>>) target_semaphore(%run_scoped3A : memref<!tpu.dma_semaphore, #tpu.memory_space<semaphore_mem>>)
          %dma_wait3A = arith.constant 0 : i32
          %dma_wait3A_146 = arith.constant 0 : i32
          %dma_wait3A_147 = tpu.memref_slice %arg7[%dma_wait3A, %dma_wait3A_146] : memref<128x128xf32, #tpu.memory_space<vmem>> -> memref<80x128xf32, #tpu.memory_space<vmem>>
          %dma_wait3A_148 = arith.constant 0 : i32
          %dma_wait3A_149 = tpu.memref_slice %arg3[%mul3A_135, %dma_wait3A_148] : memref<10000x128xf32, #tpu.memory_space<hbm>> -> memref<80x128xf32, #tpu.memory_space<hbm>>
          %dma_wait3A_150 = arith.constant 0 : i32
          %dma_wait3A_151 = tpu.memref_slice %arg3[%mul3A_135, %dma_wait3A_150] : memref<10000x128xf32, #tpu.memory_space<hbm>> -> memref<80x128xf32, #tpu.memory_space<hbm>>
          %dma_wait3A_152 = arith.constant 0 : i32
          %dma_wait3A_153 = arith.constant 0 : i32
          %dma_wait3A_154 = tpu.memref_slice %arg7[%dma_wait3A_152, %dma_wait3A_153] : memref<128x128xf32, #tpu.memory_space<vmem>> -> memref<80x128xf32, #tpu.memory_space<vmem>>
          tpu.wait_dma2 semaphore(%run_scoped3A : memref<!tpu.dma_semaphore, #tpu.memory_space<semaphore_mem>>) src(%dma_wait3A_154 : memref<80x128xf32, #tpu.memory_space<vmem>>) dst(%dma_wait3A_151 : memref<80x128xf32, #tpu.memory_space<hbm>>)
          tpu.yield
        }) : () -> ()
        %while3A_136 = arith.constant 0 : i32
        scf.yield %while3A_136 : i32
      }
    } else {
    }
    %eq3A_112 = arith.constant 1 : i32
    %eq3A_113 = arith.cmpi eq, %arg0, %eq3A_112 : i32
    %convert_element_type3A_114 = arith.extui %eq3A_113 : i1 to i32
    %cond3A_115 = arith.constant 0 : i32
    %cond3A_116 = arith.cmpi ne, %convert_element_type3A_114, %cond3A_115 : i32
    scf.if %cond3A_116 {
      %while3A_117 = arith.constant 0 : i32
      %while3A_118 = arith.constant 0 : i32
      %while3A_119 = arith.subi %select_n3A_25, %while3A_117 : i32
      %while3A_120 = arith.addi %while3A_117, %while3A_119 : i32
      %while3A_121 = arith.constant 1 : i32
      %while3A_122 = arith.divsi %while3A_119, %while3A_121 : i32
      %while3A_123 = arith.muli %while3A_122, %while3A_121 : i32
      %while3A_124 = arith.addi %while3A_117, %while3A_123 : i32
      %while3A_125 = arith.constant 1 : i32
      %while3A_126 = scf.for %while3A_129 = %while3A_117 to %while3A_124 step %while3A_125 iter_args(%while3A_130 = %while3A_118) -> (i32)  : i32 {
        %mul3A_131 = arith.constant 16 : i32
        %mul3A_132 = arith.muli %mul3A_131, %while3A_129 : i32
        %add3A_133 = arith.addi %arg1, %mul3A_132 : i32
        %mul3A_134 = arith.constant 80 : i32
        %mul3A_135 = arith.muli %add3A_133, %mul3A_134 : i32
        "tpu.region"() ({
          %run_scoped3A = tpu.sem_alloc : memref<!tpu.dma_semaphore, #tpu.memory_space<semaphore_mem>>
          %dma_start3A = arith.constant 0 : i32
          %dma_start3A_137 = arith.constant 0 : i32
          %dma_start3A_138 = tpu.memref_slice %arg7[%dma_start3A, %dma_start3A_137] : memref<128x128xf32, #tpu.memory_space<vmem>> -> memref<80x128xf32, #tpu.memory_space<vmem>>
          %dma_start3A_139 = arith.constant 0 : i32
          %dma_start3A_140 = tpu.memref_slice %arg5[%mul3A_135, %dma_start3A_139] : memref<10000x128xf32, #tpu.memory_space<vmem_shared>> -> memref<80x128xf32, #tpu.memory_space<vmem_shared>>
          %dma_start3A_141 = arith.constant 0 : i32
          %dma_start3A_142 = arith.constant 0 : i32
          %dma_start3A_143 = tpu.memref_slice %arg7[%dma_start3A_141, %dma_start3A_142] : memref<128x128xf32, #tpu.memory_space<vmem>> -> memref<80x128xf32, #tpu.memory_space<vmem>>
          %dma_start3A_144 = arith.constant 0 : i32
          %dma_start3A_145 = tpu.memref_slice %arg5[%mul3A_135, %dma_start3A_144] : memref<10000x128xf32, #tpu.memory_space<vmem_shared>> -> memref<80x128xf32, #tpu.memory_space<vmem_shared>>
          tpu.enqueue_dma source(%dma_start3A_145 : memref<80x128xf32, #tpu.memory_space<vmem_shared>>) target(%dma_start3A_143 : memref<80x128xf32, #tpu.memory_space<vmem>>) target_semaphore(%run_scoped3A : memref<!tpu.dma_semaphore, #tpu.memory_space<semaphore_mem>>)
          %dma_wait3A = arith.constant 0 : i32
          %dma_wait3A_146 = arith.constant 0 : i32
          %dma_wait3A_147 = tpu.memref_slice %arg7[%dma_wait3A, %dma_wait3A_146] : memref<128x128xf32, #tpu.memory_space<vmem>> -> memref<80x128xf32, #tpu.memory_space<vmem>>
          %dma_wait3A_148 = arith.constant 0 : i32
          %dma_wait3A_149 = tpu.memref_slice %arg5[%mul3A_135, %dma_wait3A_148] : memref<10000x128xf32, #tpu.memory_space<vmem_shared>> -> memref<80x128xf32, #tpu.memory_space<vmem_shared>>
          %dma_wait3A_150 = arith.constant 0 : i32
          %dma_wait3A_151 = arith.constant 0 : i32
          %dma_wait3A_152 = tpu.memref_slice %arg7[%dma_wait3A_150, %dma_wait3A_151] : memref<128x128xf32, #tpu.memory_space<vmem>> -> memref<80x128xf32, #tpu.memory_space<vmem>>
          %dma_wait3A_153 = arith.constant 0 : i32
          %dma_wait3A_154 = tpu.memref_slice %arg5[%mul3A_135, %dma_wait3A_153] : memref<10000x128xf32, #tpu.memory_space<vmem_shared>> -> memref<80x128xf32, #tpu.memory_space<vmem_shared>>
          tpu.wait_dma2 semaphore(%run_scoped3A : memref<!tpu.dma_semaphore, #tpu.memory_space<semaphore_mem>>) src(%dma_wait3A_154 : memref<80x128xf32, #tpu.memory_space<vmem_shared>>) dst(%dma_wait3A_152 : memref<80x128xf32, #tpu.memory_space<vmem>>)
          tpu.yield
        }) : () -> ()
        "tpu.region"() ({
          %run_scoped3A = tpu.sem_alloc : memref<!tpu.dma_semaphore, #tpu.memory_space<semaphore_mem>>
          %dma_start3A = arith.constant 0 : i32
          %dma_start3A_137 = arith.constant 0 : i32
          %dma_start3A_138 = tpu.memref_slice %arg7[%dma_start3A, %dma_start3A_137] : memref<128x128xf32, #tpu.memory_space<vmem>> -> memref<80x128xf32, #tpu.memory_space<vmem>>
          %dma_start3A_139 = arith.constant 0 : i32
          %dma_start3A_140 = tpu.memref_slice %arg4[%mul3A_135, %dma_start3A_139] : memref<10000x128xf32, #tpu.memory_space<hbm>> -> memref<80x128xf32, #tpu.memory_space<hbm>>
          %dma_start3A_141 = arith.constant 0 : i32
          %dma_start3A_142 = tpu.memref_slice %arg4[%mul3A_135, %dma_start3A_141] : memref<10000x128xf32, #tpu.memory_space<hbm>> -> memref<80x128xf32, #tpu.memory_space<hbm>>
          %dma_start3A_143 = arith.constant 0 : i32
          %dma_start3A_144 = arith.constant 0 : i32
          %dma_start3A_145 = tpu.memref_slice %arg7[%dma_start3A_143, %dma_start3A_144] : memref<128x128xf32, #tpu.memory_space<vmem>> -> memref<80x128xf32, #tpu.memory_space<vmem>>
          tpu.enqueue_dma source(%dma_start3A_145 : memref<80x128xf32, #tpu.memory_space<vmem>>) target(%dma_start3A_142 : memref<80x128xf32, #tpu.memory_space<hbm>>) target_semaphore(%run_scoped3A : memref<!tpu.dma_semaphore, #tpu.memory_space<semaphore_mem>>)
          %dma_wait3A = arith.constant 0 : i32
          %dma_wait3A_146 = arith.constant 0 : i32
          %dma_wait3A_147 = tpu.memref_slice %arg7[%dma_wait3A, %dma_wait3A_146] : memref<128x128xf32, #tpu.memory_space<vmem>> -> memref<80x128xf32, #tpu.memory_space<vmem>>
          %dma_wait3A_148 = arith.constant 0 : i32
          %dma_wait3A_149 = tpu.memref_slice %arg4[%mul3A_135, %dma_wait3A_148] : memref<10000x128xf32, #tpu.memory_space<hbm>> -> memref<80x128xf32, #tpu.memory_space<hbm>>
          %dma_wait3A_150 = arith.constant 0 : i32
          %dma_wait3A_151 = tpu.memref_slice %arg4[%mul3A_135, %dma_wait3A_150] : memref<10000x128xf32, #tpu.memory_space<hbm>> -> memref<80x128xf32, #tpu.memory_space<hbm>>
          %dma_wait3A_152 = arith.constant 0 : i32
          %dma_wait3A_153 = arith.constant 0 : i32
          %dma_wait3A_154 = tpu.memref_slice %arg7[%dma_wait3A_152, %dma_wait3A_153] : memref<128x128xf32, #tpu.memory_space<vmem>> -> memref<80x128xf32, #tpu.memory_space<vmem>>
          tpu.wait_dma2 semaphore(%run_scoped3A : memref<!tpu.dma_semaphore, #tpu.memory_space<semaphore_mem>>) src(%dma_wait3A_154 : memref<80x128xf32, #tpu.memory_space<vmem>>) dst(%dma_wait3A_151 : memref<80x128xf32, #tpu.memory_space<hbm>>)
          tpu.yield
        }) : () -> ()
        %while3A_136 = arith.constant 0 : i32
        scf.yield %while3A_136 : i32
      }
      %while3A_127 = arith.constant 1 : i32
      %while3A_128 = scf.for %while3A_129 = %while3A_124 to %while3A_120 step %while3A_127 iter_args(%while3A_130 = %while3A_126) -> (i32)  : i32 {
        %mul3A_131 = arith.constant 16 : i32
        %mul3A_132 = arith.muli %mul3A_131, %while3A_129 : i32
        %add3A_133 = arith.addi %arg1, %mul3A_132 : i32
        %mul3A_134 = arith.constant 80 : i32
        %mul3A_135 = arith.muli %add3A_133, %mul3A_134 : i32
        "tpu.region"() ({
          %run_scoped3A = tpu.sem_alloc : memref<!tpu.dma_semaphore, #tpu.memory_space<semaphore_mem>>
          %dma_start3A = arith.constant 0 : i32
          %dma_start3A_137 = arith.constant 0 : i32
          %dma_start3A_138 = tpu.memref_slice %arg7[%dma_start3A, %dma_start3A_137] : memref<128x128xf32, #tpu.memory_space<vmem>> -> memref<80x128xf32, #tpu.memory_space<vmem>>
          %dma_start3A_139 = arith.constant 0 : i32
          %dma_start3A_140 = tpu.memref_slice %arg5[%mul3A_135, %dma_start3A_139] : memref<10000x128xf32, #tpu.memory_space<vmem_shared>> -> memref<80x128xf32, #tpu.memory_space<vmem_shared>>
          %dma_start3A_141 = arith.constant 0 : i32
          %dma_start3A_142 = arith.constant 0 : i32
          %dma_start3A_143 = tpu.memref_slice %arg7[%dma_start3A_141, %dma_start3A_142] : memref<128x128xf32, #tpu.memory_space<vmem>> -> memref<80x128xf32, #tpu.memory_space<vmem>>
          %dma_start3A_144 = arith.constant 0 : i32
          %dma_start3A_145 = tpu.memref_slice %arg5[%mul3A_135, %dma_start3A_144] : memref<10000x128xf32, #tpu.memory_space<vmem_shared>> -> memref<80x128xf32, #tpu.memory_space<vmem_shared>>
          tpu.enqueue_dma source(%dma_start3A_145 : memref<80x128xf32, #tpu.memory_space<vmem_shared>>) target(%dma_start3A_143 : memref<80x128xf32, #tpu.memory_space<vmem>>) target_semaphore(%run_scoped3A : memref<!tpu.dma_semaphore, #tpu.memory_space<semaphore_mem>>)
          %dma_wait3A = arith.constant 0 : i32
          %dma_wait3A_146 = arith.constant 0 : i32
          %dma_wait3A_147 = tpu.memref_slice %arg7[%dma_wait3A, %dma_wait3A_146] : memref<128x128xf32, #tpu.memory_space<vmem>> -> memref<80x128xf32, #tpu.memory_space<vmem>>
          %dma_wait3A_148 = arith.constant 0 : i32
          %dma_wait3A_149 = tpu.memref_slice %arg5[%mul3A_135, %dma_wait3A_148] : memref<10000x128xf32, #tpu.memory_space<vmem_shared>> -> memref<80x128xf32, #tpu.memory_space<vmem_shared>>
          %dma_wait3A_150 = arith.constant 0 : i32
          %dma_wait3A_151 = arith.constant 0 : i32
          %dma_wait3A_152 = tpu.memref_slice %arg7[%dma_wait3A_150, %dma_wait3A_151] : memref<128x128xf32, #tpu.memory_space<vmem>> -> memref<80x128xf32, #tpu.memory_space<vmem>>
          %dma_wait3A_153 = arith.constant 0 : i32
          %dma_wait3A_154 = tpu.memref_slice %arg5[%mul3A_135, %dma_wait3A_153] : memref<10000x128xf32, #tpu.memory_space<vmem_shared>> -> memref<80x128xf32, #tpu.memory_space<vmem_shared>>
          tpu.wait_dma2 semaphore(%run_scoped3A : memref<!tpu.dma_semaphore, #tpu.memory_space<semaphore_mem>>) src(%dma_wait3A_154 : memref<80x128xf32, #tpu.memory_space<vmem_shared>>) dst(%dma_wait3A_152 : memref<80x128xf32, #tpu.memory_space<vmem>>)
          tpu.yield
        }) : () -> ()
        "tpu.region"() ({
          %run_scoped3A = tpu.sem_alloc : memref<!tpu.dma_semaphore, #tpu.memory_space<semaphore_mem>>
          %dma_start3A = arith.constant 0 : i32
          %dma_start3A_137 = arith.constant 0 : i32
          %dma_start3A_138 = tpu.memref_slice %arg7[%dma_start3A, %dma_start3A_137] : memref<128x128xf32, #tpu.memory_space<vmem>> -> memref<80x128xf32, #tpu.memory_space<vmem>>
          %dma_start3A_139 = arith.constant 0 : i32
          %dma_start3A_140 = tpu.memref_slice %arg4[%mul3A_135, %dma_start3A_139] : memref<10000x128xf32, #tpu.memory_space<hbm>> -> memref<80x128xf32, #tpu.memory_space<hbm>>
          %dma_start3A_141 = arith.constant 0 : i32
          %dma_start3A_142 = tpu.memref_slice %arg4[%mul3A_135, %dma_start3A_141] : memref<10000x128xf32, #tpu.memory_space<hbm>> -> memref<80x128xf32, #tpu.memory_space<hbm>>
          %dma_start3A_143 = arith.constant 0 : i32
          %dma_start3A_144 = arith.constant 0 : i32
          %dma_start3A_145 = tpu.memref_slice %arg7[%dma_start3A_143, %dma_start3A_144] : memref<128x128xf32, #tpu.memory_space<vmem>> -> memref<80x128xf32, #tpu.memory_space<vmem>>
          tpu.enqueue_dma source(%dma_start3A_145 : memref<80x128xf32, #tpu.memory_space<vmem>>) target(%dma_start3A_142 : memref<80x128xf32, #tpu.memory_space<hbm>>) target_semaphore(%run_scoped3A : memref<!tpu.dma_semaphore, #tpu.memory_space<semaphore_mem>>)
          %dma_wait3A = arith.constant 0 : i32
          %dma_wait3A_146 = arith.constant 0 : i32
          %dma_wait3A_147 = tpu.memref_slice %arg7[%dma_wait3A, %dma_wait3A_146] : memref<128x128xf32, #tpu.memory_space<vmem>> -> memref<80x128xf32, #tpu.memory_space<vmem>>
          %dma_wait3A_148 = arith.constant 0 : i32
          %dma_wait3A_149 = tpu.memref_slice %arg4[%mul3A_135, %dma_wait3A_148] : memref<10000x128xf32, #tpu.memory_space<hbm>> -> memref<80x128xf32, #tpu.memory_space<hbm>>
          %dma_wait3A_150 = arith.constant 0 : i32
          %dma_wait3A_151 = tpu.memref_slice %arg4[%mul3A_135, %dma_wait3A_150] : memref<10000x128xf32, #tpu.memory_space<hbm>> -> memref<80x128xf32, #tpu.memory_space<hbm>>
          %dma_wait3A_152 = arith.constant 0 : i32
          %dma_wait3A_153 = arith.constant 0 : i32
          %dma_wait3A_154 = tpu.memref_slice %arg7[%dma_wait3A_152, %dma_wait3A_153] : memref<128x128xf32, #tpu.memory_space<vmem>> -> memref<80x128xf32, #tpu.memory_space<vmem>>
          tpu.wait_dma2 semaphore(%run_scoped3A : memref<!tpu.dma_semaphore, #tpu.memory_space<semaphore_mem>>) src(%dma_wait3A_154 : memref<80x128xf32, #tpu.memory_space<vmem>>) dst(%dma_wait3A_151 : memref<80x128xf32, #tpu.memory_space<hbm>>)
          tpu.yield
        }) : () -> ()
        %while3A_136 = arith.constant 0 : i32
        scf.yield %while3A_136 : i32
      }
    } else {
    }
    return
  }
}

module attributes {stable_mosaic.version = 14 : i64} {
  func.func @_tc_hor_body(%arg0: i32, %arg1: memref<2000x256xf32, #tpu.memory_space<vmem>>, %arg2: memref<2000x128xf32, #tpu.memory_space<vmem>>, %arg3: memref<2000x128xf32, #tpu.memory_space<vmem>>, %arg4: memref<2000x128xf32, #tpu.memory_space<vmem>>, %arg5: memref<2000x128xf32, #tpu.memory_space<vmem>>, %arg6: memref<2000x128xf32, #tpu.memory_space<vmem>>, %arg7: memref<2000x128xf32, #tpu.memory_space<vmem>>, %arg8: memref<2000x1xf32, #tpu.memory_space<vmem>>) attributes {dimension_semantics = [#tpu.dimension_semantics<arbitrary>], iteration_bounds = array<i64: 5>, scalar_prefetch = 0 : i64, scratch_operands = 0 : i64, tpu.core_type = #tpu.core_type<tc>, window_params = [{transform_indices = @transform_0, window_bounds = array<i64: 2000, 256>}, {transform_indices = @transform_1, window_bounds = array<i64: 2000, 128>}, {transform_indices = @transform_2, window_bounds = array<i64: 2000, 128>}, {transform_indices = @transform_3, window_bounds = array<i64: 2000, 128>}, {transform_indices = @transform_4, window_bounds = array<i64: 2000, 128>}, {transform_indices = @transform_5, window_bounds = array<i64: 2000, 128>}, {transform_indices = @transform_6, window_bounds = array<i64: 2000, 128>}, {transform_indices = @transform_7, window_bounds = array<i64: 2000, 1>}]} {
    %get3A = arith.constant 0 : index
    %get3A_0 = arith.constant 0 : index
    %get3A_1 = vector.load %arg4[%get3A, %get3A_0] : memref<2000x128xf32, #tpu.memory_space<vmem>>, vector<2000x1xf32>
    %get3A_2 = arith.constant 0 : index
    %get3A_3 = arith.constant 0 : index
    %get3A_4 = vector.load %arg5[%get3A_2, %get3A_3] : memref<2000x128xf32, #tpu.memory_space<vmem>>, vector<2000x1xf32>
    %add3A = arith.addf %get3A_1, %get3A_4 : vector<2000x1xf32>
    %swap3A = arith.constant 0 : index
    %swap3A_5 = arith.constant 0 : index
    %swap3A_6 = vector.load %arg8[%swap3A, %swap3A_5] : memref<2000x1xf32, #tpu.memory_space<vmem>>, vector<2000x1xf32>
    tpu.vector_store %arg8[%swap3A, %swap3A_5], %add3A {strides = array<i32>} : memref<2000x1xf32, #tpu.memory_space<vmem>>, vector<2000x1xf32>,
    %max3A = arith.constant 1.000000e+00 : f32
    %max3A_7 = vector.broadcast %max3A : f32 to vector<2000x1xf32>
    %max3A_8 = arith.maximumf %add3A, %max3A_7 : vector<2000x1xf32>
    %div3A = arith.constant 1.000000e+00 : f32
    %div3A_9 = vector.broadcast %div3A : f32 to vector<2000x1xf32>
    %div3A_10 = arith.divf %div3A_9, %max3A_8 : vector<2000x1xf32>
    %get3A_11 = arith.constant 0 : index
    %get3A_12 = arith.constant 0 : index
    %get3A_13 = vector.load %arg1[%get3A_11, %get3A_12] : memref<2000x256xf32, #tpu.memory_space<vmem>>, vector<2000x128xf32>
    %get3A_14 = arith.constant 0 : index
    %get3A_15 = arith.constant 0 : index
    %get3A_16 = vector.load %arg2[%get3A_14, %get3A_15] : memref<2000x128xf32, #tpu.memory_space<vmem>>, vector<2000x128xf32>
    %mul3A = arith.mulf %get3A_13, %get3A_16 : vector<2000x128xf32>
    %mul3A_17 = vector.broadcast %div3A_10 : vector<2000x1xf32> to vector<2000x128xf32>
    %mul3A_18 = arith.mulf %mul3A, %mul3A_17 : vector<2000x128xf32>
    %swap3A_19 = arith.constant 0 : index
    %swap3A_20 = arith.constant 0 : index
    %swap3A_21 = vector.load %arg6[%swap3A_19, %swap3A_20] : memref<2000x128xf32, #tpu.memory_space<vmem>>, vector<2000x128xf32>
    tpu.vector_store %arg6[%swap3A_19, %swap3A_20], %mul3A_18 {strides = array<i32>} : memref<2000x128xf32, #tpu.memory_space<vmem>>, vector<2000x128xf32>,
    %get3A_22 = arith.constant 0 : index
    %get3A_23 = arith.constant 128 : index
    %get3A_24 = vector.load %arg1[%get3A_22, %get3A_23] : memref<2000x256xf32, #tpu.memory_space<vmem>>, vector<2000x128xf32>
    %get3A_25 = arith.constant 0 : index
    %get3A_26 = arith.constant 0 : index
    %get3A_27 = vector.load %arg3[%get3A_25, %get3A_26] : memref<2000x128xf32, #tpu.memory_space<vmem>>, vector<2000x128xf32>
    %mul3A_28 = arith.mulf %get3A_24, %get3A_27 : vector<2000x128xf32>
    %mul3A_29 = vector.broadcast %div3A_10 : vector<2000x1xf32> to vector<2000x128xf32>
    %mul3A_30 = arith.mulf %mul3A_28, %mul3A_29 : vector<2000x128xf32>
    %swap3A_31 = arith.constant 0 : index
    %swap3A_32 = arith.constant 0 : index
    %swap3A_33 = vector.load %arg7[%swap3A_31, %swap3A_32] : memref<2000x128xf32, #tpu.memory_space<vmem>>, vector<2000x128xf32>
    tpu.vector_store %arg7[%swap3A_31, %swap3A_32], %mul3A_30 {strides = array<i32>} : memref<2000x128xf32, #tpu.memory_space<vmem>>, vector<2000x128xf32>,
    return
  }
  func.func @transform_0(%arg0: i32) -> (i32, i32) {
    %c0_i32 = arith.constant 0 : i32
    %c0_i32_0 = arith.constant 0 : i32
    return %arg0, %c0_i32 : i32, i32
  }
  func.func @transform_1(%arg0: i32) -> (i32, i32) {
    %c0_i32 = arith.constant 0 : i32
    %c0_i32_0 = arith.constant 0 : i32
    return %arg0, %c0_i32 : i32, i32
  }
  func.func @transform_2(%arg0: i32) -> (i32, i32) {
    %c0_i32 = arith.constant 0 : i32
    %c0_i32_0 = arith.constant 0 : i32
    return %arg0, %c0_i32 : i32, i32
  }
  func.func @transform_3(%arg0: i32) -> (i32, i32) {
    %c0_i32 = arith.constant 0 : i32
    %c0_i32_0 = arith.constant 0 : i32
    return %arg0, %c0_i32 : i32, i32
  }
  func.func @transform_4(%arg0: i32) -> (i32, i32) {
    %c0_i32 = arith.constant 0 : i32
    %c0_i32_0 = arith.constant 0 : i32
    return %arg0, %c0_i32 : i32, i32
  }
  func.func @transform_5(%arg0: i32) -> (i32, i32) {
    %c0_i32 = arith.constant 0 : i32
    %c0_i32_0 = arith.constant 0 : i32
    return %arg0, %c0_i32 : i32, i32
  }
  func.func @transform_6(%arg0: i32) -> (i32, i32) {
    %c0_i32 = arith.constant 0 : i32
    %c0_i32_0 = arith.constant 0 : i32
    return %arg0, %c0_i32 : i32, i32
  }
  func.func @transform_7(%arg0: i32) -> (i32, i32) {
    %c0_i32 = arith.constant 0 : i32
    %c0_i32_0 = arith.constant 0 : i32
    return %arg0, %c0_i32 : i32, i32
  }
}

module attributes {stable_mosaic.version = 14 : i64} {
  func.func @_tc_out_body(%arg0: i32, %arg1: memref<2000x128xf32, #tpu.memory_space<vmem>>, %arg2: memref<2000x128xf32, #tpu.memory_space<vmem>>, %arg3: memref<2000x1xf32, #tpu.memory_space<vmem>>, %arg4: memref<128x256xf32, #tpu.memory_space<vmem>>, %arg5: memref<128x256xf32, #tpu.memory_space<vmem>>, %arg6: memref<1x256xf32, #tpu.memory_space<vmem>>, %arg7: memref<2000x1xf32, #tpu.memory_space<vmem>>, %arg8: memref<1x256xf32, #tpu.memory_space<vmem>>, %arg9: memref<2000x256xf32, #tpu.memory_space<vmem>>) attributes {dimension_semantics = [#tpu.dimension_semantics<arbitrary>], iteration_bounds = array<i64: 5>, scalar_prefetch = 0 : i64, scratch_operands = 0 : i64, tpu.core_type = #tpu.core_type<tc>, window_params = [{transform_indices = @transform_0, window_bounds = array<i64: 2000, 128>}, {transform_indices = @transform_1, window_bounds = array<i64: 2000, 128>}, {transform_indices = @transform_2, window_bounds = array<i64: 2000, 1>}, {pipeline_mode = #tpu.pipeline_mode<synchronous>, transform_indices = @transform_3, window_bounds = array<i64: 128, 256>}, {pipeline_mode = #tpu.pipeline_mode<synchronous>, transform_indices = @transform_4, window_bounds = array<i64: 128, 256>}, {pipeline_mode = #tpu.pipeline_mode<synchronous>, transform_indices = @transform_5, window_bounds = array<i64: 1, 256>}, {transform_indices = @transform_6, window_bounds = array<i64: 2000, 1>}, {pipeline_mode = #tpu.pipeline_mode<synchronous>, transform_indices = @transform_7, window_bounds = array<i64: 1, 256>}, {transform_indices = @transform_8, window_bounds = array<i64: 2000, 256>}]} {
    %get3A = arith.constant 0 : index
    %get3A_0 = arith.constant 0 : index
    %get3A_1 = vector.load %arg1[%get3A, %get3A_0] : memref<2000x128xf32, #tpu.memory_space<vmem>>, vector<2000x128xf32>
    %get3A_2 = arith.constant 0 : index
    %get3A_3 = arith.constant 0 : index
    %get3A_4 = vector.load %arg4[%get3A_2, %get3A_3] : memref<128x256xf32, #tpu.memory_space<vmem>>, vector<128x256xf32>
    %dot_general3A = arith.constant dense<0.000000e+00> : vector<2000x256xf32>
    %dot_general3A_5 = tpu.matmul %get3A_1, %get3A_4, %dot_general3A {dimension_numbers = #tpu.dot_dimension_numbers<[1], [0], [0], [1], [0, 0, 1, 1], [], []>, transpose_lhs_hint = false} : vector<2000x128xf32>, vector<128x256xf32>, vector<2000x256xf32> -> vector<2000x256xf32>
    %get3A_6 = arith.constant 0 : index
    %get3A_7 = arith.constant 0 : index
    %get3A_8 = vector.load %arg2[%get3A_6, %get3A_7] : memref<2000x128xf32, #tpu.memory_space<vmem>>, vector<2000x128xf32>
    %get3A_9 = arith.constant 0 : index
    %get3A_10 = arith.constant 0 : index
    %get3A_11 = vector.load %arg5[%get3A_9, %get3A_10] : memref<128x256xf32, #tpu.memory_space<vmem>>, vector<128x256xf32>
    %dot_general3A_12 = arith.constant dense<0.000000e+00> : vector<2000x256xf32>
    %dot_general3A_13 = tpu.matmul %get3A_8, %get3A_11, %dot_general3A_12 {dimension_numbers = #tpu.dot_dimension_numbers<[1], [0], [0], [1], [0, 0, 1, 1], [], []>, transpose_lhs_hint = false} : vector<2000x128xf32>, vector<128x256xf32>, vector<2000x256xf32> -> vector<2000x256xf32>
    %add3A = arith.addf %dot_general3A_5, %dot_general3A_13 : vector<2000x256xf32>
    %get3A_14 = arith.constant 0 : index
    %get3A_15 = arith.constant 0 : index
    %get3A_16 = vector.load %arg3[%get3A_14, %get3A_15] : memref<2000x1xf32, #tpu.memory_space<vmem>>, vector<2000x1xf32>
    %get3A_17 = arith.constant 0 : index
    %get3A_18 = arith.constant 0 : index
    %get3A_19 = vector.load %arg6[%get3A_17, %get3A_18] : memref<1x256xf32, #tpu.memory_space<vmem>>, vector<1x256xf32>
    %mul3A = vector.broadcast %get3A_16 : vector<2000x1xf32> to vector<2000x256xf32>
    %mul3A_20 = vector.broadcast %get3A_19 : vector<1x256xf32> to vector<2000x256xf32>
    %mul3A_21 = arith.mulf %mul3A, %mul3A_20 : vector<2000x256xf32>
    %add3A_22 = arith.addf %add3A, %mul3A_21 : vector<2000x256xf32>
    %get3A_23 = arith.constant 0 : index
    %get3A_24 = arith.constant 0 : index
    %get3A_25 = vector.load %arg7[%get3A_23, %get3A_24] : memref<2000x1xf32, #tpu.memory_space<vmem>>, vector<2000x1xf32>
    %mul3A_26 = vector.broadcast %get3A_25 : vector<2000x1xf32> to vector<2000x256xf32>
    %mul3A_27 = arith.mulf %add3A_22, %mul3A_26 : vector<2000x256xf32>
    %get3A_28 = arith.constant 0 : index
    %get3A_29 = arith.constant 0 : index
    %get3A_30 = vector.load %arg8[%get3A_28, %get3A_29] : memref<1x256xf32, #tpu.memory_space<vmem>>, vector<1x256xf32>
    %add3A_31 = vector.broadcast %get3A_30 : vector<1x256xf32> to vector<2000x256xf32>
    %add3A_32 = arith.addf %mul3A_27, %add3A_31 : vector<2000x256xf32>
    %swap3A = arith.constant 0 : index
    %swap3A_33 = arith.constant 0 : index
    %swap3A_34 = vector.load %arg9[%swap3A, %swap3A_33] : memref<2000x256xf32, #tpu.memory_space<vmem>>, vector<2000x256xf32>
    tpu.vector_store %arg9[%swap3A, %swap3A_33], %add3A_32 {strides = array<i32>} : memref<2000x256xf32, #tpu.memory_space<vmem>>, vector<2000x256xf32>,
    return
  }
  func.func @transform_0(%arg0: i32) -> (i32, i32) {
    %c0_i32 = arith.constant 0 : i32
    %c0_i32_0 = arith.constant 0 : i32
    return %arg0, %c0_i32 : i32, i32
  }
  func.func @transform_1(%arg0: i32) -> (i32, i32) {
    %c0_i32 = arith.constant 0 : i32
    %c0_i32_0 = arith.constant 0 : i32
    return %arg0, %c0_i32 : i32, i32
  }
  func.func @transform_2(%arg0: i32) -> (i32, i32) {
    %c0_i32 = arith.constant 0 : i32
    %c0_i32_0 = arith.constant 0 : i32
    return %arg0, %c0_i32 : i32, i32
  }
  func.func @transform_3(%arg0: i32) -> (i32, i32) {
    %c0_i32 = arith.constant 0 : i32
    %c0_i32_0 = arith.constant 0 : i32
    %c0_i32_1 = arith.constant 0 : i32
    return %c0_i32, %c0_i32_0 : i32, i32
  }
  func.func @transform_4(%arg0: i32) -> (i32, i32) {
    %c0_i32 = arith.constant 0 : i32
    %c0_i32_0 = arith.constant 0 : i32
    %c0_i32_1 = arith.constant 0 : i32
    return %c0_i32, %c0_i32_0 : i32, i32
  }
  func.func @transform_5(%arg0: i32) -> (i32, i32) {
    %c0_i32 = arith.constant 0 : i32
    %c0_i32_0 = arith.constant 0 : i32
    %c0_i32_1 = arith.constant 0 : i32
    return %c0_i32, %c0_i32_0 : i32, i32
  }
  func.func @transform_6(%arg0: i32) -> (i32, i32) {
    %c0_i32 = arith.constant 0 : i32
    %c0_i32_0 = arith.constant 0 : i32
    return %arg0, %c0_i32 : i32, i32
  }
  func.func @transform_7(%arg0: i32) -> (i32, i32) {
    %c0_i32 = arith.constant 0 : i32
    %c0_i32_0 = arith.constant 0 : i32
    %c0_i32_1 = arith.constant 0 : i32
    return %c0_i32, %c0_i32_0 : i32, i32
  }
  func.func @transform_8(%arg0: i32) -> (i32, i32) {
    %c0_i32 = arith.constant 0 : i32
    %c0_i32_0 = arith.constant 0 : i32
    return %arg0, %c0_i32 : i32, i32
  }
}

</mosaic_0001>

<sc_bundles>
// kernel: kernel.10.cloned.1.call-start
scs
__scs_entry_jumppad:
0x0: {  	(pc) =	sbr.rel $0x88, $3  }
0x1: {  	(tag) =	ssettag $0x0;
	lr =	simm.s32 $0x1  }
0x2: {  	[smem:$0x3F9A] =	sst lr;
	_ =	strace $0xD0000000  }
0x3: {  	_ = 	snop  }
0x4: {  	_ = 	snop  }
0x5: {  	_ = 	snop  }
0x6: {  	_ = 	snop  }
0x7: {  	_ = 	snop  }
__scs_overlays_trampoline_lowered:
0x8: {  	[smem:$0x3FA9] =	sst s0  }
0x9: {  	[smem:$0x3FAA] =	sst s1  }
0xa: {  	[smem:$0x3FAB] =	sst s2  }
0xb: {  	[smem:$0x3FAC] =	sst s3  }
0xc: {  	[smem:$0x3FAD] =	sst s4  }
0xd: {  	[smem:$0x3FAE] =	sst s5  }
0xe: {  	[smem:$0x3FAF] =	sst s6  }
0xf: {  	[smem:$0x3FB0] =	sst s7  }
0x10: {  	[smem:$0x3FB1] =	sst s8  }
0x11: {  	[smem:$0x3FB2] =	sst s9;
	s0 =	simm.s32 @!p0 $0x0  }
0x12: {  	s1 =	sld [smem:$0x3F98];
	s0 =	simm.s32 @p0 $0x1  }
0x13: {  	[smem:$0x3FB3] =	sst s0;
	s0 =	simm.s32 @!p1 $0x0  }
0x14: {  	s2 =	sld [smem:$0x3F97];
	s0 =	simm.s32 @p1 $0x1  }
0x15: {  	[smem:$0x3FB4] =	sst s0;
	s0 =	simm.s32 @!p2 $0x0  }
0x16: {  	s3 =	sld [smem:$0x3FDB];
	s0 =	simm.s32 @p2 $0x1  }
0x17: {  	s4 =	simm.s32 $0x1BF5;
	[smem:$0x3FB6] =	sst s0  }
0x18: {  	s0 =	sld [smem:$0x3F99];
	_ =	swait.ge [sflag:s4], $0x0  }
0x19: {  	s7 =	sld [smem:$0x3F9A]  }
0x1a: {  	s8 =	sadd.s32 $0xFFFFE003, lr  }
0x1b: {  	s9 =	sadd.s32 $0xFFFFFEF7, lr;
	s5 =	simm.s32 $0xFFFFFFFF;
	p2 =	slt.u32 s8, $0xFFFFF086  }
0x1c: {  	p1 =	slt.u32 s9, $0xF7A;
	s5 =	simm.s32 @!p2 $0x0  }
0x1d: {  	s5 =	simm.s32 @p1 $0x1;
	p0 =	seq.s32 s7, s2  }
0x1e: {  	s7 =	smul.u32 @!p0 $0xF7A, s2;
	p2 =	seq.s32 @!p0 s5, $0x0  }
0x1f: {  	s9 =	smul.u32 $0xF7A, s1;
	s8 =	simm.s32 @!p0 $0x1BF5;
	p2 =	por !p2, p0  }
0x20: {  	[sflag:s8] =	ssyncset.s32 @!p0 $0xFFFFF086;
	s6 =	sadd.s32 @!p0 s3, s7;
	s7 =	simm.s32 @!p0 $0x108  }
0x21: {  	s3 =	sadd.s32 s3, s9;
	s6 =	sadd.s32 @!p0 $0x88, s6;
	s7 =	simm.s32 @p2 $0x1082  }
0x22: {  	[simem:s7], [sflag:s8] =	dma.local @!p0 [hbm:s6], $0xF7A  }
0x23: {  	s9 =	sor.u32 $0xD0000000, s2;
	s6 =	simm.s32 $0x108;
	_ =	swait.ge @!p0 [sflag:s8], $0x0  }
0x24: {  	s3 =	sadd.s32 $0x88, s3;
	s6 =	simm.s32 @!p1 $0x1082;
	[sflag:s4] =	ssyncset.s32 $0xFFFFF086  }
0x25: {  	[simem:s6], [sflag:s4] =	dma.local [hbm:s3], $0xF7A  }
0x26: {  	[smem:$0x3F9A] =	sst s1;
	(tag) =	ssettag s2;
	_ =	strace s9  }
0x27: {  	s1 =	sld [smem:$0x3FAA]  }
0x28: {  	s2 =	sld [smem:$0x3FAB]  }
0x29: {  	s4 =	sld [smem:$0x3FAD]  }
0x2a: {  	p0 =	seq.s32 s5, $0x0;
	s5 =	sld [smem:$0x3FAE]  }
0x2b: {  	s6 =	sld [smem:$0x3FAF]  }
0x2c: {  	s7 =	sld [smem:$0x3FB0]  }
0x2d: {  	s3 =	simm.s32 $0x108;
	s8 =	sld [smem:$0x3FB1]  }
0x2e: {  	s3 =	simm.s32 @!p0 $0x1082;
	s9 =	sld [smem:$0x3FB2]  }
0x2f: {  	lr =	sadd.s32 s0, s3;
	s0 =	sld [smem:$0x3FA9]  }
0x30: {  	s3 =	sld [smem:$0x3FAC]  }
0x31: {  	[smem:$0x3FB5] =	sst s10  }
0x32: {  	s10 =	sld [smem:$0x3FB3];
	_ =	sdelay $0x3  }
0x33: {  	p0 =	seq.s32 s10, $0x1;
	s10 =	sld [smem:$0x3FB5];
	_ =	sdelay $0x3  }
0x34: {  	[smem:$0x3FB5] =	sst s10  }
0x35: {  	s10 =	sld [smem:$0x3FB4];
	_ =	sdelay $0x3  }
0x36: {  	p1 =	seq.s32 s10, $0x1;
	s10 =	sld [smem:$0x3FB5];
	_ =	sdelay $0x3  }
0x37: {  	[smem:$0x3FB5] =	sst s10  }
0x38: {  	s10 =	sld [smem:$0x3FB6]  }
0x39: {  	_ = 	snop;
	(pc) =	sbr.ind lr, $3  }
0x3a: {  	_ = 	snop  }
0x3b: {  	_ = 	snop  }
0x3c: {  	p2 =	seq.s32 s10, $0x1;
	s10 =	sld [smem:$0x3FB5]  }
0x3d: {  	_ =	shalt  }
0x3e: {  	_ =	shalt  }
0x3f: {  	_ =	shalt  }
0x40: {  	_ =	shalt  }
0x41: {  	_ =	shalt  }
0x42: {  	_ =	shalt  }
0x43: {  	_ =	shalt  }
0x44: {  	_ =	shalt  }
0x45: {  	_ =	shalt  }
0x46: {  	_ =	shalt  }
0x47: {  	_ =	shalt  }
0x48: {  	_ =	shalt  }
0x49: {  	_ =	shalt  }
0x4a: {  	_ =	shalt  }
0x4b: {  	_ =	shalt  }
0x4c: {  	_ =	shalt  }
0x4d: {  	_ =	shalt  }
0x4e: {  	_ =	shalt  }
0x4f: {  	_ =	shalt  }
0x50: {  	_ =	shalt  }
0x51: {  	_ =	shalt  }
0x52: {  	_ =	shalt  }
0x53: {  	_ =	shalt  }
0x54: {  	_ =	shalt  }
0x55: {  	_ =	shalt  }
0x56: {  	_ =	shalt  }
0x57: {  	_ =	shalt  }
0x58: {  	_ =	shalt  }
0x59: {  	_ =	shalt  }
0x5a: {  	_ =	shalt  }
0x5b: {  	_ =	shalt  }
0x5c: {  	_ =	shalt  }
0x5d: {  	_ =	shalt  }
0x5e: {  	_ =	shalt  }
0x5f: {  	_ =	shalt  }
0x60: {  	_ =	shalt  }
0x61: {  	_ =	shalt  }
0x62: {  	_ =	shalt  }
0x63: {  	_ =	shalt  }
0x64: {  	_ =	shalt  }
0x65: {  	_ =	shalt  }
0x66: {  	_ =	shalt  }
0x67: {  	_ =	shalt  }
0x68: {  	_ =	shalt  }
0x69: {  	_ =	shalt  }
0x6a: {  	_ =	shalt  }
0x6b: {  	_ =	shalt  }
0x6c: {  	_ =	shalt  }
0x6d: {  	_ =	shalt  }
0x6e: {  	_ =	shalt  }
0x6f: {  	_ =	shalt  }
0x70: {  	_ =	shalt  }
0x71: {  	_ =	shalt  }
0x72: {  	_ =	shalt  }
0x73: {  	_ =	shalt  }
0x74: {  	_ =	shalt  }
0x75: {  	_ =	shalt  }
0x76: {  	_ =	shalt  }
0x77: {  	_ =	shalt  }
0x78: {  	_ =	shalt  }
0x79: {  	_ =	shalt  }
0x7a: {  	_ =	shalt  }
0x7b: {  	_ =	shalt  }
0x7c: {  	_ =	shalt  }
0x7d: {  	_ =	shalt  }
0x7e: {  	_ =	shalt  }
0x7f: {  	_ =	shalt  }
0x80: {  	_ =	shalt  }
0x81: {  	_ =	shalt  }
0x82: {  	_ =	shalt  }
0x83: {  	_ =	shalt  }
0x84: {  	_ =	shalt  }
0x85: {  	_ =	shalt  }
0x86: {  	_ =	shalt  }
0x87: {  	_ =	shalt  }
.Lfunc_end0:
.L_simem_size_0:
called_computation.1_lowered:
.L_overlay_start_0:
0x88: {  	s2 =	sld [smem:$0x3FD9]  }
0x89: {  	s3 =	sld [smem:$0x3FFE];
	_ =	sdelay $0x1  }
0x8a: {  	s1 =	srdreg.scid  }
0x8b: {  	s0 =	sand.u32 $0x1, s1  }
0x8c: {  	s17 =	sshll.u32 s0, $0xA;
	s2 =	sadd.s32 s3, s2  }
0x8d: {  	s2 =	sadd.s32 s2, s17  }
0x8e: {  	[smem:$0x3FC1] =	sst s2  }
0x8f: {  	_ = 	snop  }
0x90: {  	s18 =	sld [smem:$0x3FD0];
	(tm) =	ssettm $0x1  }
0x91: {  	s19 =	sld [smem:$0x3FFB];
	_ =	sdelay $0x3  }
0x92: {  	_ =	strace s19  }
0x93: {  	s2 =	sld [smem:$0x3FFC];
	_ =	sdelay $0x3  }
0x94: {  	_ =	strace s2  }
0x95: {  	s2 =	sld [smem:$0x3FFD];
	_ =	sdelay $0x3  }
0x96: {  	_ =	strace s2  }
0x97: {  	_ =	strace $0x8FFFFFFF  }
0x98: {  	s20 =	sld [smem:$0x3FDB];
	_ =	sdelay $0x1  }
0x99: {  	s4 =	simm.s32 $_scs_section_size  }
0x9a: {  	s5 =	simm.s32 $_size__tile_overlayer_lowered;
	s6 =	simm.s32 $_tile_overlayer_lowered  }
0x9b: {  	s7 =	simm.s32 $0x1BFF;
	s21 =	sshll.u32 s6, $0x1;
	s4 =	sadd.s32 s4, s20  }
0x9c: {  	s22 =	simm.s32 $0x0;
	s5 =	sshll.u32 s5, $0x1;
	s6 =	sadd.s32 s21, s4  }
0x9d: {  	[timem:s22], [sflag:s7] =	dma.local [hbm:s6], s5  }
0x9e: {  	_ =	swait.ge [sflag:s7], s5  }
0x9f: {  	s5 =	ssub.s32 $0x0, s5;
	[sflag:s7] =	ssyncset.done $0x0  }
0xa0: {  	[sflag:s7] =	ssyncadd.s32 s5;
	_ =	sdelay $0x1  }
0xa1: {  	s23 =	simm.s32 $0x1B8B  }
0xa2: {  	_ =	swait.ge [sflag:s23], $0x1  }
0xa3: {  	[sflag:s23] =	ssyncset.done $0x0  }
0xa4: {  	[sflag:s23] =	ssyncadd.s32 $0xFFFFFFFF  }
0xa5: {  	s5 =	sld [smem:$0x0]  }
0xa6: {  	s6 =	sand.u32 $0xFFFFFFFE, s1  }
0xa7: {  	p0 =	sne.s32 s1, s6  }
0xa8: {  	s6 =	sshll.u32 @p0 s6, $0xE  }
0xa9: {  	s6 =	sadd.s32 @p0 $0x11B8D, s6;
	s7 =	sshll.u32 @p0 s5, $0x11  }
0xaa: {  	s6 =	sor.u32 @p0 s7, s6  }
0xab: {  	[sflag:s6] =	ssyncadd.remote.s32 @p0 $0x1;
	_ =	sdelay $0x1  }
0xac: {  	s6 =	simm.s32 @p0 $0x1B8D  }
0xad: {  	_ =	swait.eq @p0 [sflag:s6], $0x1  }
0xae: {  	[sflag:s6] =	ssyncadd.s32 @p0 $0xFFFFFFFF  }
0xaf: {  	s7 =	sshll.u32 @!p0 s1, $0xE  }
0xb0: {  	s7 =	sor.u32 @!p0 $0x4000, s7;
	s6 =	simm.s32 @!p0 $0x1B8D  }
0xb1: {  	s5 =	sshll.u32 @!p0 s5, $0x11;
	s7 =	sadd.s32 @!p0 $0x11B8D, s7;
	_ =	swait.eq @!p0 [sflag:s6], $0x1  }
0xb2: {  	s5 =	sor.u32 @!p0 s5, s7;
	[sflag:s6] =	ssyncadd.s32 @!p0 $0xFFFFFFFF  }
0xb3: {  	s25 =	simm.s32 $0x1B8E;
	s24 =	sld [smem:$0x3FFE];
	[sflag:s5] =	ssyncadd.remote.s32 @!p0 $0x1  }
0xb4: {  	s26 =	simm.s32 $execute0_lowered;
	[smem:$0x3FD2] =	sst s25  }
0xb5: {  	s6 =	sshll.u32 s26, $0x1;
	_ =	strace $0x80000049;
	[dreg:$0x1] =	wrdreg $0xFFFFFFFF  }
0xb6: {  	s28 =	simm.s32 $_size_execute0_lowered;
	s4 =	sadd.s32 s4, s6;
	[dreg:$0x0] =	wrdreg $0x0  }
0xb7: {  	s6 =	sshll.u32 s28, $0x1;
	[dreg:$0x2] =	wrdreg s4  }
0xb8: {  	[dreg:$0x3] =	wrdreg s6  }
0xb9: {  	[dreg:$0x4] =	wrdreg $0xC0  }
0xba: {  	_ =	task [dreg:s22], $0x5FFFF  }
0xbb: {  	[dreg:$0x1] =	wrdreg $0xFFFFFFFF  }
0xbc: {  	[dreg:$0x0] =	wrdreg $0x60  }
0xbd: {  	[dreg:$0x2] =	wrdreg s24  }
0xbe: {  	[dreg:$0x3] =	wrdreg s18  }
0xbf: {  	[dreg:$0x4] =	wrdreg $0x0  }
0xc0: {  	[dreg:$0x5] =	wrdreg $0xA  }
0xc1: {  	_ =	task.clear_ibuf [dreg:s22], $0x6FFFF;
	_ =	strace $0x90000049  }
0xc2: {  	s29 =	simm.s32 $0xA;
	_ =	strace $0x8000004B  }
0xc3: {  	_ =	swait.ge [sflag:s29], $0x1  }
0xc4: {  	[sflag:s29] =	ssyncadd.s32 $0xFFFFFFFF  }
0xc5: {  	_ =	strace $0x9000004B  }
0xc6: {  	_ =	sfence  }
0xc7: {  	s30 =	sld [smem:$0x0];
	_ =	sdelay $0x2  }
0xc8: {  	s31 =	sshll.u32 s1, $0xD;
	s1 =	sshrl.u32 s1, $0x2  }
0xc9: {  	s4 =	sand.u32 $0x4000, s31;
	s1 =	sadd.s32 s1, s30  }
0xca: {  	s0 =	sor.u32 s4, s0;
	s1 =	sshll.u32 s1, $0x11  }
0xcb: {  	s0 =	sor.u32 s1, s0  }
0xcc: {  	s0 =	sadd.s32 $0x8F2B, s0  }
0xcd: {  	[sflag:s0] =	ssyncadd.remote.s32 $0x1  }
0xce: {  	_ =	sfence.sel $0xFFFF  }
0xcf: {  	[dreg:$0x0] =	wrdreg $0xFFFFFFFF;
	(pc) =	sbr.abs _section_cstart, $3  }
0xd0: {  	[dreg:$0x1] =	wrdreg $0xFFFFFFFF  }
0xd1: {  	_ =	task.clear_ibuf [dreg:s22], $0x2FFFF;
	_ =	strace $0x9FFFFFFF  }
0xd2: {  	(tm) =	ssettm $0x7FFFFFFF  }
0xd3: {  	_ =	shalt  }
tec
execute0_lowered:
.L_overlay_start_1:
0x0: {  	(tag) =	ssettag $0x1  }
0x1: {  	s0 =	stileid.u32;
	s8 =	rddreg [dreg:$0x0]  }
0x2: {  	s1 =	srdreg.scid;
	s14 =	rddreg [dreg:$0x1];
	s5 =	simm.s32 $0x280  }
0x3: {  	s3 =	rddreg [dreg:$0x2];
	s4 =	simm.s32 $0x0;
	s2 =	smul.u32 $0x28, s0  }
0x4: {  	s17 =	sand.u32 $0x1, s1;
	[smem:$0x7FF] =	sst s4;
	s15 =	smul.u32 $0x500, s0  }
0x5: {  	s7 =	sadd.s32 $0x7800, s8;
	s31 =	smul.u32 $0xA000, s0;
	p0 =	seq.s32 s17, $0x0  }
0x6: {  	s30 =	ssub.s32 $0x2, s17;
	s1 =	sadd.s32 $0x280, s2;
	s5 =	simm.s32 @!p0 $0x4E2  }
0x7: {  	s13 =	sadd.s32 s15, s8;
	s11 =	sshrl.u32 s30, $0x1;
	s1 =	smov.u32 @p0 s2  }
0x8: {  	s8 =	simm.s32 $0x8;
	s14 =	sadd.s32 s15, s14;
	s6 =	sadd.s32 $0x28, s1  }
0x9: {  	s15 =	simm.s32 $0x14080;
	s2 =	rddreg [dreg:$0x3];
	s5 =	smin.u32 s6, s5  }
0xa: {  	_ =	strace $0x8000004A;
	s11 =	ssub.s32 s30, s11;
	s6 =	ssub.s32 s5, s1  }
0xb: {  	s13 =	sadd.s32 $0x5AC00, s13;
	s11 =	smax.u32 s11, $0x1;
	s9 =	sadd.s32 $0xF, s6  }
0xc: {  	p6 =	slt.s32 s6, $0xFFFFFFF2;
	s10 =	sshll.u32 s9, $0x10;
	s12 =	sand.u32 $0xF, s9  }
0xd: {  	s10 =	sshra.s32 s10, $0x1F;
	p1 =	sne.s32 s12, $0x0;
	s12 =	sshrl.u32 s31, $0x2  }
0xe: {  	s10 =	sand.u32 $0xF, s10;
	p0 =	por !p6, !p1;
	p1 =	slt.u32 s0, $0xD  }
.Ltmp0:
0xf: {  	s12 =	sadd.s32 s12, s3;
	s9 =	sadd.s32 s10, s9;
	(pc) =	sbr.rel .LBB2_1-.Ltmp0, $4  }
0x10: {  	p0 =	por !p0, !p0;
	s10 =	simm.s32 $0x1;
	s9 =	sshll.u32 s9, $0x10  }
0x11: {  	s8 =	simm.s32 @!p1 $0x7;
	s10 =	simm.s32 @!p0 $0x0;
	s16 =	sshra.s32 s9, $0x14  }
0x12: {  	p1 =	sne.s32 s17, $0x0;
	s17 =	simm.s32 $0x0;
	s10 =	ssub.s32 s16, s10  }
0x13: {  	v0 =	vimm.f32 $0.0e+00;
	v1 =	vimm.f32 $1.000000000e+00;
	s9 =	simm.s32 $0x1;
	s16 =	simm.s32 $0x80;
	p0 =	sgt.s32 s10, $0x0  }
.LBB2_19:
0x14: {  	[sflag:s9] =	ssyncadd.s32 $0xFFFFD800  }
.LBB2_20:
0x15: {  	s17 =	sadd.s32 $0x1, s17  }
0x16: {  	p2 =	sne.s32 s17, s11  }
.Ltmp1:
0x17: {  	_ = 	snop;
	(pc) =	sbr.rel @!p2 .LBB2_21-.Ltmp1, $1  }
0x18: {  	_ =	sdelay $0x3  }
.LBB2_1:
0x19: {  	s18 =	simm.s32 $0x0;
	s19 =	simm.s32 $0x200  }
.LBB2_2:
0x1a: {  	p2 =	sne.s32 s19, $0x9E00;
	[tilespmem:s18+$0x140F0] =	vst v0  }
0x1b: {  	[tilespmem:s18+$0x14080] =	vst v0  }
0x1c: {  	[tilespmem:s18+$0x14090] =	vst v0  }
.Ltmp2:
0x1d: {  	[tilespmem:s18+$0x140A0] =	vst v0;
	(pc) =	sbr.rel @p2 .LBB2_2-.Ltmp2, $4  }
0x1e: {  	[tilespmem:s18+$0x140B0] =	vst v0  }
0x1f: {  	[tilespmem:s18+$0x140C0] =	vst v0  }
0x20: {  	[tilespmem:s18+$0x140D0] =	vst v0  }
0x21: {  	[tilespmem:s18+$0x140E0] =	vst v0;
	s18 =	sshra.s32 s19, $0x2;
	s19 =	sadd.s32 $0x200, s19  }
0x22: {  	[tilespmem:s18+$0x140F0] =	vst v0  }
0x23: {  	[tilespmem:s18+$0x14080] =	vst v0  }
0x24: {  	[tilespmem:s18+$0x14090] =	vst v0  }
0x25: {  	[tilespmem:s18+$0x140A0] =	vst v0  }
0x26: {  	[tilespmem:s18+$0x140B0] =	vst v0  }
0x27: {  	[tilespmem:s18+$0x140C0] =	vst v0;
	p2 =	sne.s32 s8, $0x1  }
.Ltmp3:
0x28: {  	[tilespmem:s18+$0x140D0] =	vst v0;
	(pc) =	sbr.rel @!p2 .LBB2_5-.Ltmp3, $4  }
0x29: {  	[tilespmem:s18+$0x140E0] =	vst v0  }
0x2a: {  	[spmem:s12] =	stream.linear.scatter [tilespmem:s15], [sflag:$0x1], $0x2800, $0x38;
	[tilespmem:$0x18080] =	vst v63  }
0x2b: {  	_ =	swait.ge [sflag:s9], $0x2800  }
0x2c: {  	s18 =	sadd.s32 $0xFFFFFFFF, s8;
	s19 =	smov.u32 s12;
	[sflag:s9] =	ssyncset.done $0x0  }
.LBB2_4:
0x2d: {  	p2 =	sne.s32 s18, $0x1;
	[sflag:s9] =	ssyncadd.s32 $0xFFFFD800;
	s19 =	sadd.s32 $0x28000, s19  }
.Ltmp4:
0x2e: {  	s18 =	sadd.s32 $0xFFFFFFFF, s18;
	(pc) =	sbr.rel @p2 .LBB2_4-.Ltmp4, $4  }
0x2f: {  	_ = 	snop  }
0x30: {  	[spmem:s19] =	stream.linear.scatter [tilespmem:s15], [sflag:$0x1], $0x2800, $0x38;
	[tilespmem:$0x18080] =	vst v63  }
0x31: {  	_ =	swait.ge [sflag:s9], $0x2800  }
0x32: {  	[sflag:s9] =	ssyncset.done $0x0  }
.LBB2_5:
0x33: {  	[sflag:s9] =	ssyncadd.s32 $0xFFFFD800  }
0x34: {  	s18 =	simm.s32 $0x0;
	s19 =	simm.s32 $0x200;
	[bflag:$0x0] =	sbarrier.arrive $0xFFFF  }
.LBB2_6:
0x35: {  	p2 =	seq.s32 s19, $0xFE00;
	[tilespmem:s18+$0x140F0] =	vst v1  }
0x36: {  	[tilespmem:s18+$0x14080] =	vst v1  }
0x37: {  	[tilespmem:s18+$0x14090] =	vst v1  }
.Ltmp5:
0x38: {  	[tilespmem:s18+$0x140A0] =	vst v1;
	(pc) =	sbr.rel @!p2 .LBB2_6-.Ltmp5, $4  }
0x39: {  	[tilespmem:s18+$0x140B0] =	vst v1  }
0x3a: {  	[tilespmem:s18+$0x140C0] =	vst v1  }
0x3b: {  	[tilespmem:s18+$0x140D0] =	vst v1  }
0x3c: {  	[tilespmem:s18+$0x140E0] =	vst v1;
	s18 =	sshra.s32 s19, $0x2;
	s19 =	sadd.s32 $0x200, s19  }
0x3d: {  	[tilespmem:s18+$0x140F0] =	vst v1  }
0x3e: {  	[tilespmem:s18+$0x14080] =	vst v1  }
0x3f: {  	[tilespmem:s18+$0x14090] =	vst v1  }
.Ltmp6:
0x40: {  	[tilespmem:s18+$0x140A0] =	vst v1;
	(pc) =	sbr.rel @p0 .LBB2_8-.Ltmp6, $4  }
0x41: {  	[tilespmem:s18+$0x140B0] =	vst v1  }
0x42: {  	[tilespmem:s18+$0x140C0] =	vst v1  }
0x43: {  	[tilespmem:s18+$0x140D0] =	vst v1  }
0x44: {  	[tilespmem:s18+$0x140E0] =	vst v1;
	s18 =	simm.s32 $0x0;
	s19 =	smov.u32 s6  }
.LBB2_13:
.Ltmp7:
0x45: {  	(pc) =	sbr.rel @p1 .LBB2_17-.Ltmp7, $2  }
0x46: {  	_ =	sdelay $0x1  }
0x47: {  	[bflag:$0x0] =	sbarrier.arrive $0xFFFF;
	_ =	sdelay $0x1  }
0x48: {  	[tilespmem:s15], [sflag:$0x1] =	stream.linear.gather [spmem:s12], $0x2800, $0x38;
	[tilespmem:$0x18080] =	vst v63  }
0x49: {  	p2 =	seq.s32 s8, $0x1;
	_ =	swait.ge [sflag:s9], $0x2800  }
.Ltmp8:
0x4a: {  	[sflag:s9] =	ssyncset.done $0x0;
	(pc) =	sbr.rel @p2 .LBB2_16-.Ltmp8, $4  }
0x4b: {  	[sflag:s9] =	ssyncadd.s32 $0xFFFFD800  }
0x4c: {  	[hbm4b:s14+s4] =	stream.linear.scatter [tilespmem:s15], [sflag:$0x1], $0x2800, $0x38;
	[tilespmem:$0x18080] =	vst v63  }
0x4d: {  	s18 =	sadd.s32 $0xFFFFFFFF, s8;
	_ =	swait.ge [sflag:s9], $0x2800  }
0x4e: {  	s19 =	smov.u32 s14;
	s20 =	smov.u32 s12;
	[sflag:s9] =	ssyncset.done $0x0  }
.LBB2_15:
0x4f: {  	[sflag:s9] =	ssyncadd.s32 $0xFFFFD800;
	s19 =	sadd.s32 $0x5000, s19;
	s20 =	sadd.s32 $0x28000, s20  }
0x50: {  	[tilespmem:s15], [sflag:$0x1] =	stream.linear.gather [spmem:s20], $0x2800, $0x38;
	[tilespmem:$0x18080] =	vst v63  }
0x51: {  	p2 =	seq.s32 s18, $0x1;
	s18 =	sadd.s32 $0xFFFFFFFF, s18;
	_ =	swait.ge [sflag:s9], $0x2800  }
.Ltmp9:
0x52: {  	[sflag:s9] =	ssyncset.done $0x0;
	(pc) =	sbr.rel @!p2 .LBB2_15-.Ltmp9, $4  }
0x53: {  	[sflag:s9] =	ssyncadd.s32 $0xFFFFD800  }
0x54: {  	[hbm4b:s19+s4] =	stream.linear.scatter [tilespmem:s15], [sflag:$0x1], $0x2800, $0x38;
	[tilespmem:$0x18080] =	vst v63  }
0x55: {  	_ =	swait.ge [sflag:s9], $0x2800  }
0x56: {  	[sflag:s9] =	ssyncset.done $0x0  }
.LBB2_16:
.Ltmp10:
0x57: {  	(pc) =	sbr.rel .LBB2_20-.Ltmp10, $2  }
0x58: {  	_ =	sdelay $0x2  }
0x59: {  	[sflag:s9] =	ssyncadd.s32 $0xFFFFD800  }
.LBB2_11:
0x5a: {  	[sflag:s9] =	ssyncadd.s32 $0xFFFFC000  }
.LBB2_12:
0x5b: {  	s18 =	sadd.s32 $0x1, s18  }
0x5c: {  	p2 =	sne.s32 s18, s10  }
.Ltmp11:
0x5d: {  	_ = 	snop;
	(pc) =	sbr.rel @!p2 .LBB2_13-.Ltmp11, $2  }
0x5e: {  	_ =	sdelay $0x2  }
0x5f: {  	s19 =	sadd.s32 $0xFFFFFFF0, s19  }
.LBB2_8:
0x60: {  	s20 =	sshll.u32 s18, $0x4  }
0x61: {  	s21 =	sadd.s32 s1, s20  }
0x62: {  	s20 =	sshll.u32 s21, $0x4;
	s21 =	ssub.s32 s5, s21  }
0x63: {  	p2 =	slt.s32 s21, $0x1  }
.Ltmp12:
0x64: {  	s22 =	sadd.s32 s7, s20;
	s20 =	simm.s32 $0x13880;
	(pc) =	sbr.rel @p2 .LBB2_12-.Ltmp12, $4  }
0x65: {  	[tilespmem:s20], [sflag:$0x1] =	stream.linear.gather [hbm4b:s22+s4], $0x800, $0x38;
	[tilespmem:$0x18080] =	vst v63  }
0x66: {  	_ =	swait.ge [sflag:s9], $0x800  }
0x67: {  	[sflag:s9] =	ssyncset.done $0x0  }
0x68: {  	[sflag:s9] =	ssyncadd.s32 $0xFFFFF800  }
0x69: {  	p2 =	sgt.s32 s19, $0x1;
	s21 =	smov.u32 s19  }
0x6a: {  	s21 =	simm.s32 @!p2 $0x1  }
0x6b: {  	s21 =	smin.u32 s21, $0x10  }
0x6c: {  	s21 =	sshll.u32 s21, $0x9  }
0x6d: {  	p2 =	sne.s32 s21, $0x200  }
.Ltmp13:
0x6e: {  	_ = 	snop;
	(pc) =	sbr.rel @!p2 .LBB2_11-.Ltmp13, $4  }
0x6f: {  	_ = 	snop  }
0x70: {  	[spmem:s3] =	stream.indirect.scatter.add.f32 [tilespmem:s15], [sflag:$0x1], $0x80, s20, s16, $0xb8;
	[tilespmem:$0x18080] =	vst v63  }
0x71: {  	_ =	swait.ge [sflag:s9], $0x4000  }
0x72: {  	[sflag:s9] =	ssyncset.done $0x0;
	s21 =	sadd.s32 $0xFFFFFE00, s21  }
.LBB2_10:
0x73: {  	p2 =	sne.s32 s21, $0x200;
	[sflag:s9] =	ssyncadd.s32 $0xFFFFC000;
	s20 =	sadd.s32 $0x80, s20  }
.Ltmp14:
0x74: {  	s21 =	sadd.s32 $0xFFFFFE00, s21;
	(pc) =	sbr.rel @p2 .LBB2_10-.Ltmp14, $4  }
0x75: {  	_ = 	snop  }
0x76: {  	[spmem:s3] =	stream.indirect.scatter.add.f32 [tilespmem:s15], [sflag:$0x1], $0x80, s20, s16, $0xb8;
	[tilespmem:$0x18080] =	vst v63  }
0x77: {  	_ =	swait.ge [sflag:s9], $0x4000  }
0x78: {  	[sflag:s9] =	ssyncset.done $0x0  }
.Ltmp15:
0x79: {  	_ = 	snop;
	(pc) =	sbr.rel .LBB2_11-.Ltmp15, $1  }
0x7a: {  	_ =	sdelay $0x3  }
.LBB2_17:
0x7b: {  	[tilespmem:s15], [sflag:$0x1] =	stream.linear.gather [spmem:s12], $0x2800, $0x38;
	[tilespmem:$0x18080] =	vst v63  }
0x7c: {  	p2 =	sne.s32 s8, $0x1;
	_ =	swait.ge [sflag:s9], $0x2800  }
.Ltmp16:
0x7d: {  	[sflag:s9] =	ssyncset.done $0x0;
	(pc) =	sbr.rel @!p2 .LBB2_19-.Ltmp16, $4  }
0x7e: {  	[sflag:s9] =	ssyncadd.s32 $0xFFFFD800  }
0x7f: {  	[hbm4b:s13+s4] =	stream.linear.scatter [tilespmem:s15], [sflag:$0x1], $0x2800, $0x38;
	[tilespmem:$0x18080] =	vst v63  }
0x80: {  	s18 =	sadd.s32 $0xFFFFFFFF, s8;
	_ =	swait.ge [sflag:s9], $0x2800  }
0x81: {  	s19 =	smov.u32 s13;
	s20 =	smov.u32 s12;
	[sflag:s9] =	ssyncset.done $0x0  }
.LBB2_18:
0x82: {  	[sflag:s9] =	ssyncadd.s32 $0xFFFFD800;
	s19 =	sadd.s32 $0x5000, s19;
	s20 =	sadd.s32 $0x28000, s20  }
0x83: {  	[tilespmem:s15], [sflag:$0x1] =	stream.linear.gather [spmem:s20], $0x2800, $0x38;
	[tilespmem:$0x18080] =	vst v63  }
0x84: {  	p2 =	sne.s32 s18, $0x1;
	s18 =	sadd.s32 $0xFFFFFFFF, s18;
	_ =	swait.ge [sflag:s9], $0x2800  }
.Ltmp17:
0x85: {  	[sflag:s9] =	ssyncset.done $0x0;
	(pc) =	sbr.rel @p2 .LBB2_18-.Ltmp17, $4  }
0x86: {  	[sflag:s9] =	ssyncadd.s32 $0xFFFFD800  }
0x87: {  	[hbm4b:s19+s4] =	stream.linear.scatter [tilespmem:s15], [sflag:$0x1], $0x2800, $0x38;
	[tilespmem:$0x18080] =	vst v63  }
0x88: {  	_ =	swait.ge [sflag:s9], $0x2800  }
0x89: {  	[sflag:s9] =	ssyncset.done $0x0  }
.Ltmp18:
0x8a: {  	_ = 	snop;
	(pc) =	sbr.rel .LBB2_19-.Ltmp18, $1  }
0x8b: {  	_ =	sdelay $0x3  }
.LBB2_21:
0x8c: {  	_ =	sfence.sel $0x180000  }
0x8d: {  	[bflag:$0x0] =	sbarrier.arrive $0xFFFF  }
0x8e: {  	p0 =	sne.s32 s0, $0x0;
	_ =	strace $0x9000004A  }
0x8f: {  	s0 =	sadd.s32 @!p0 $0x100000, s2;
	[bflag:$0x2] =	sbarrier.arrive $0xFFFF  }
0x90: {  	[sflag:s0] =	ssyncadd.tile.s32 @!p0 $0x1;
	_ =	shalt  }
.Lfunc_end2:
_tile_overlayer_lowered:
.L_overlay_start_2:
0x91: {  	(tag) =	ssettag $0x2  }
0x92: {  	s0 =	rddreg [dreg:$0x0];
	s2 =	stileid.u32  }
0x93: {  	s1 =	rddreg [dreg:$0x1];
	p0 =	sne.s32 s2, $0x0  }
0x94: {  	s3 =	rddreg [dreg:$0x2];
	[bflag:$0x3] =	sbarrier.arrive $0xFFFF;
	s2 =	simm.s32 @!p0 $0x1C01  }
0x95: {  	[timem:s3], [sflag:s2] =	dma.local @!p0 [hbm:s0], s1  }
0x96: {  	s0 =	simm.s32 @!p0 $0x1  }
0x97: {  	_ =	swait.ge @!p0 [sflag:s0], s1  }
0x98: {  	s1 =	ssub.s32 @!p0 $0x0, s1;
	[sflag:s0] =	ssyncset.done @!p0 $0x0  }
0x99: {  	[sflag:s0] =	ssyncadd.s32 @!p0 s1  }
0x9a: {  	[bflag:$0x3] =	sbarrier.arrive $0xFFFF  }
0x9b: {  	_ =	shalt  }

// kernel: kernel.13.cloned.1.call-start
scs
__scs_entry_jumppad:
0x0: {  	(pc) =	sbr.rel $0x88, $3  }
0x1: {  	(tag) =	ssettag $0x0;
	lr =	simm.s32 $0x1  }
0x2: {  	[smem:$0x3F9A] =	sst lr;
	_ =	strace $0xD0000000  }
0x3: {  	_ = 	snop  }
0x4: {  	_ = 	snop  }
0x5: {  	_ = 	snop  }
0x6: {  	_ = 	snop  }
0x7: {  	_ = 	snop  }
__scs_overlays_trampoline_lowered:
0x8: {  	[smem:$0x3FA9] =	sst s0  }
0x9: {  	[smem:$0x3FAA] =	sst s1  }
0xa: {  	[smem:$0x3FAB] =	sst s2  }
0xb: {  	[smem:$0x3FAC] =	sst s3  }
0xc: {  	[smem:$0x3FAD] =	sst s4  }
0xd: {  	[smem:$0x3FAE] =	sst s5  }
0xe: {  	[smem:$0x3FAF] =	sst s6  }
0xf: {  	[smem:$0x3FB0] =	sst s7  }
0x10: {  	[smem:$0x3FB1] =	sst s8  }
0x11: {  	[smem:$0x3FB2] =	sst s9;
	s0 =	simm.s32 @!p0 $0x0  }
0x12: {  	s1 =	sld [smem:$0x3F98];
	s0 =	simm.s32 @p0 $0x1  }
0x13: {  	[smem:$0x3FB3] =	sst s0;
	s0 =	simm.s32 @!p1 $0x0  }
0x14: {  	s2 =	sld [smem:$0x3F97];
	s0 =	simm.s32 @p1 $0x1  }
0x15: {  	[smem:$0x3FB4] =	sst s0;
	s0 =	simm.s32 @!p2 $0x0  }
0x16: {  	s3 =	sld [smem:$0x3FDB];
	s0 =	simm.s32 @p2 $0x1  }
0x17: {  	s4 =	simm.s32 $0x1BF5;
	[smem:$0x3FB6] =	sst s0  }
0x18: {  	s0 =	sld [smem:$0x3F99];
	_ =	swait.ge [sflag:s4], $0x0  }
0x19: {  	s7 =	sld [smem:$0x3F9A]  }
0x1a: {  	s8 =	sadd.s32 $0xFFFFE003, lr  }
0x1b: {  	s9 =	sadd.s32 $0xFFFFFEF7, lr;
	s5 =	simm.s32 $0xFFFFFFFF;
	p2 =	slt.u32 s8, $0xFFFFF086  }
0x1c: {  	p1 =	slt.u32 s9, $0xF7A;
	s5 =	simm.s32 @!p2 $0x0  }
0x1d: {  	s5 =	simm.s32 @p1 $0x1;
	p0 =	seq.s32 s7, s2  }
0x1e: {  	s7 =	smul.u32 @!p0 $0xF7A, s2;
	p2 =	seq.s32 @!p0 s5, $0x0  }
0x1f: {  	s9 =	smul.u32 $0xF7A, s1;
	s8 =	simm.s32 @!p0 $0x1BF5;
	p2 =	por !p2, p0  }
0x20: {  	[sflag:s8] =	ssyncset.s32 @!p0 $0xFFFFF086;
	s6 =	sadd.s32 @!p0 s3, s7;
	s7 =	simm.s32 @!p0 $0x108  }
0x21: {  	s3 =	sadd.s32 s3, s9;
	s6 =	sadd.s32 @!p0 $0x88, s6;
	s7 =	simm.s32 @p2 $0x1082  }
0x22: {  	[simem:s7], [sflag:s8] =	dma.local @!p0 [hbm:s6], $0xF7A  }
0x23: {  	s9 =	sor.u32 $0xD0000000, s2;
	s6 =	simm.s32 $0x108;
	_ =	swait.ge @!p0 [sflag:s8], $0x0  }
0x24: {  	s3 =	sadd.s32 $0x88, s3;
	s6 =	simm.s32 @!p1 $0x1082;
	[sflag:s4] =	ssyncset.s32 $0xFFFFF086  }
0x25: {  	[simem:s6], [sflag:s4] =	dma.local [hbm:s3], $0xF7A  }
0x26: {  	[smem:$0x3F9A] =	sst s1;
	(tag) =	ssettag s2;
	_ =	strace s9  }
0x27: {  	s1 =	sld [smem:$0x3FAA]  }
0x28: {  	s2 =	sld [smem:$0x3FAB]  }
0x29: {  	s4 =	sld [smem:$0x3FAD]  }
0x2a: {  	p0 =	seq.s32 s5, $0x0;
	s5 =	sld [smem:$0x3FAE]  }
0x2b: {  	s6 =	sld [smem:$0x3FAF]  }
0x2c: {  	s7 =	sld [smem:$0x3FB0]  }
0x2d: {  	s3 =	simm.s32 $0x108;
	s8 =	sld [smem:$0x3FB1]  }
0x2e: {  	s3 =	simm.s32 @!p0 $0x1082;
	s9 =	sld [smem:$0x3FB2]  }
0x2f: {  	lr =	sadd.s32 s0, s3;
	s0 =	sld [smem:$0x3FA9]  }
0x30: {  	s3 =	sld [smem:$0x3FAC]  }
0x31: {  	[smem:$0x3FB5] =	sst s10  }
0x32: {  	s10 =	sld [smem:$0x3FB3];
	_ =	sdelay $0x3  }
0x33: {  	p0 =	seq.s32 s10, $0x1;
	s10 =	sld [smem:$0x3FB5];
	_ =	sdelay $0x3  }
0x34: {  	[smem:$0x3FB5] =	sst s10  }
0x35: {  	s10 =	sld [smem:$0x3FB4];
	_ =	sdelay $0x3  }
0x36: {  	p1 =	seq.s32 s10, $0x1;
	s10 =	sld [smem:$0x3FB5];
	_ =	sdelay $0x3  }
0x37: {  	[smem:$0x3FB5] =	sst s10  }
0x38: {  	s10 =	sld [smem:$0x3FB6]  }
0x39: {  	_ = 	snop;
	(pc) =	sbr.ind lr, $3  }
0x3a: {  	_ = 	snop  }
0x3b: {  	_ = 	snop  }
0x3c: {  	p2 =	seq.s32 s10, $0x1;
	s10 =	sld [smem:$0x3FB5]  }
0x3d: {  	_ =	shalt  }
0x3e: {  	_ =	shalt  }
0x3f: {  	_ =	shalt  }
0x40: {  	_ =	shalt  }
0x41: {  	_ =	shalt  }
0x42: {  	_ =	shalt  }
0x43: {  	_ =	shalt  }
0x44: {  	_ =	shalt  }
0x45: {  	_ =	shalt  }
0x46: {  	_ =	shalt  }
0x47: {  	_ =	shalt  }
0x48: {  	_ =	shalt  }
0x49: {  	_ =	shalt  }
0x4a: {  	_ =	shalt  }
0x4b: {  	_ =	shalt  }
0x4c: {  	_ =	shalt  }
0x4d: {  	_ =	shalt  }
0x4e: {  	_ =	shalt  }
0x4f: {  	_ =	shalt  }
0x50: {  	_ =	shalt  }
0x51: {  	_ =	shalt  }
0x52: {  	_ =	shalt  }
0x53: {  	_ =	shalt  }
0x54: {  	_ =	shalt  }
0x55: {  	_ =	shalt  }
0x56: {  	_ =	shalt  }
0x57: {  	_ =	shalt  }
0x58: {  	_ =	shalt  }
0x59: {  	_ =	shalt  }
0x5a: {  	_ =	shalt  }
0x5b: {  	_ =	shalt  }
0x5c: {  	_ =	shalt  }
0x5d: {  	_ =	shalt  }
0x5e: {  	_ =	shalt  }
0x5f: {  	_ =	shalt  }
0x60: {  	_ =	shalt  }
0x61: {  	_ =	shalt  }
0x62: {  	_ =	shalt  }
0x63: {  	_ =	shalt  }
0x64: {  	_ =	shalt  }
0x65: {  	_ =	shalt  }
0x66: {  	_ =	shalt  }
0x67: {  	_ =	shalt  }
0x68: {  	_ =	shalt  }
0x69: {  	_ =	shalt  }
0x6a: {  	_ =	shalt  }
0x6b: {  	_ =	shalt  }
0x6c: {  	_ =	shalt  }
0x6d: {  	_ =	shalt  }
0x6e: {  	_ =	shalt  }
0x6f: {  	_ =	shalt  }
0x70: {  	_ =	shalt  }
0x71: {  	_ =	shalt  }
0x72: {  	_ =	shalt  }
0x73: {  	_ =	shalt  }
0x74: {  	_ =	shalt  }
0x75: {  	_ =	shalt  }
0x76: {  	_ =	shalt  }
0x77: {  	_ =	shalt  }
0x78: {  	_ =	shalt  }
0x79: {  	_ =	shalt  }
0x7a: {  	_ =	shalt  }
0x7b: {  	_ =	shalt  }
0x7c: {  	_ =	shalt  }
0x7d: {  	_ =	shalt  }
0x7e: {  	_ =	shalt  }
0x7f: {  	_ =	shalt  }
0x80: {  	_ =	shalt  }
0x81: {  	_ =	shalt  }
0x82: {  	_ =	shalt  }
0x83: {  	_ =	shalt  }
0x84: {  	_ =	shalt  }
0x85: {  	_ =	shalt  }
0x86: {  	_ =	shalt  }
0x87: {  	_ =	shalt  }
.Lfunc_end0:
.L_simem_size_0:
called_computation.2_lowered:
.L_overlay_start_0:
0x88: {  	s2 =	sld [smem:$0x3FD9]  }
0x89: {  	s3 =	sld [smem:$0x3FFE];
	_ =	sdelay $0x1  }
0x8a: {  	s1 =	srdreg.scid  }
0x8b: {  	s0 =	sand.u32 $0x1, s1  }
0x8c: {  	s17 =	sshll.u32 s0, $0xA;
	s2 =	sadd.s32 s3, s2  }
0x8d: {  	s2 =	sadd.s32 s2, s17  }
0x8e: {  	[smem:$0x3FC1] =	sst s2  }
0x8f: {  	_ = 	snop  }
0x90: {  	s2 =	sld [smem:$0x3FD0];
	(tm) =	ssettm $0x1  }
0x91: {  	s18 =	sld [smem:$0x3FFB];
	_ =	sdelay $0x3  }
0x92: {  	_ =	strace s18  }
0x93: {  	s3 =	sld [smem:$0x3FFC];
	_ =	sdelay $0x3  }
0x94: {  	_ =	strace s3  }
0x95: {  	s3 =	sld [smem:$0x3FFD];
	_ =	sdelay $0x3  }
0x96: {  	_ =	strace s3  }
0x97: {  	_ =	strace $0x8FFFFFFF  }
0x98: {  	s19 =	sld [smem:$0x3FDB];
	_ =	sdelay $0x1  }
0x99: {  	s4 =	simm.s32 $_scs_section_size  }
0x9a: {  	s5 =	simm.s32 $_size__tile_overlayer_lowered;
	s6 =	simm.s32 $_tile_overlayer_lowered  }
0x9b: {  	s22 =	simm.s32 $0x1BFF;
	s21 =	sshll.u32 s6, $0x1;
	s3 =	sadd.s32 s4, s19  }
0x9c: {  	s7 =	simm.s32 $0x0;
	s20 =	sshll.u32 s5, $0x1;
	s5 =	sadd.s32 s21, s3  }
0x9d: {  	[timem:s7], [sflag:s22] =	dma.local [hbm:s5], s20  }
0x9e: {  	_ =	swait.ge [sflag:s22], s20  }
0x9f: {  	s4 =	ssub.s32 $0x0, s20;
	[sflag:s22] =	ssyncset.done $0x0  }
0xa0: {  	[sflag:s22] =	ssyncadd.s32 s4;
	_ =	sdelay $0x1  }
0xa1: {  	s23 =	simm.s32 $0x1B8B  }
0xa2: {  	_ =	swait.ge [sflag:s23], $0x1  }
0xa3: {  	[sflag:s23] =	ssyncset.done $0x0  }
0xa4: {  	s25 =	simm.s32 $0x1B8E;
	s24 =	sld [smem:$0x3FFE];
	[sflag:s23] =	ssyncadd.s32 $0xFFFFFFFF  }
0xa5: {  	s26 =	simm.s32 $execute0_lowered;
	[smem:$0x3FD2] =	sst s25  }
0xa6: {  	s5 =	sshll.u32 s26, $0x1;
	_ =	strace $0x8000004C;
	[dreg:$0x1] =	wrdreg $0xFFFFFFFF  }
0xa7: {  	s28 =	simm.s32 $_size_execute0_lowered;
	s3 =	sadd.s32 s3, s5;
	[dreg:$0x0] =	wrdreg $0x0  }
0xa8: {  	s5 =	sshll.u32 s28, $0x1;
	[dreg:$0x2] =	wrdreg s3  }
0xa9: {  	[dreg:$0x3] =	wrdreg s5  }
0xaa: {  	[dreg:$0x4] =	wrdreg $0xC0  }
0xab: {  	_ =	task [dreg:s7], $0x5FFFF  }
0xac: {  	[dreg:$0x1] =	wrdreg $0xFFFFFFFF  }
0xad: {  	[dreg:$0x0] =	wrdreg $0x60  }
0xae: {  	[dreg:$0x2] =	wrdreg s2  }
0xaf: {  	[dreg:$0x3] =	wrdreg s24  }
0xb0: {  	[dreg:$0x4] =	wrdreg $0x0  }
0xb1: {  	[dreg:$0x5] =	wrdreg $0x9  }
0xb2: {  	_ =	task.clear_ibuf [dreg:s7], $0x6FFFF;
	_ =	strace $0x9000004C  }
0xb3: {  	s29 =	simm.s32 $0x9;
	_ =	strace $0x8000004E  }
0xb4: {  	_ =	swait.ge [sflag:s29], $0x1  }
0xb5: {  	[sflag:s29] =	ssyncadd.s32 $0xFFFFFFFF  }
0xb6: {  	_ =	strace $0x9000004E  }
0xb7: {  	_ =	sfence  }
0xb8: {  	s30 =	sld [smem:$0x0];
	_ =	sdelay $0x2  }
0xb9: {  	s31 =	sshll.u32 s1, $0xD;
	s1 =	sshrl.u32 s1, $0x2  }
0xba: {  	s3 =	sand.u32 $0x4000, s31;
	s1 =	sadd.s32 s1, s30  }
0xbb: {  	s0 =	sor.u32 s3, s0;
	s1 =	sshll.u32 s1, $0x11  }
0xbc: {  	s0 =	sor.u32 s1, s0  }
0xbd: {  	s0 =	sadd.s32 $0x8F2B, s0  }
0xbe: {  	[sflag:s0] =	ssyncadd.remote.s32 $0x1  }
0xbf: {  	_ =	sfence.sel $0xFFFF  }
0xc0: {  	[dreg:$0x0] =	wrdreg $0xFFFFFFFF;
	(pc) =	sbr.abs _section_cstart, $3  }
0xc1: {  	[dreg:$0x1] =	wrdreg $0xFFFFFFFF  }
0xc2: {  	_ =	task.clear_ibuf [dreg:s7], $0x2FFFF;
	_ =	strace $0x9FFFFFFF  }
0xc3: {  	(tm) =	ssettm $0x7FFFFFFF  }
tec
execute0_lowered:
.L_overlay_start_1:
0x0: {  	(tag) =	ssettag $0x1  }
0x1: {  	s2 =	rddreg [dreg:$0x0]  }
0x2: {  	s10 =	rddreg [dreg:$0x1]  }
0x3: {  	s0 =	stileid.u32;
	s4 =	rddreg [dreg:$0x2];
	s5 =	simm.s32 $0x0  }
0x4: {  	s9 =	srdreg.scid;
	s16 =	simm.s32 $0x14880;
	s17 =	simm.s32 $0x3  }
0x5: {  	s19 =	simm.s32 $0x80;
	s20 =	simm.s32 $0x1;
	s21 =	simm.s32 $0x18880  }
0x6: {  	s22 =	simm.s32 $0x2;
	s23 =	simm.s32 $0x0;
	s3 =	smul.u32 $0x50, s0  }
0x7: {  	[smem:$0x7FF] =	sst s5;
	s7 =	sadd.s32 $0xC800, s10;
	s13 =	smul.u32 $0x500, s0  }
0x8: {  	s18 =	sand.u32 $0x1, s9;
	s9 =	sadd.s32 $0x7800, s10;
	s6 =	smin.u32 s3, $0x492  }
0x9: {  	s31 =	smul.u32 $0xA000, s0;
	p0 =	slt.u32 s0, $0xD;
	s6 =	sadd.s32 $0x50, s6  }
0xa: {  	_ =	strace $0x8000004D;
	s14 =	ssub.s32 $0x2, s18;
	s8 =	ssub.s32 s6, s3  }
0xb: {  	s15 =	sadd.s32 s13, s10;
	s29 =	sshrl.u32 s14, $0x1;
	s11 =	sadd.s32 $0xF, s8  }
0xc: {  	s30 =	ssub.s32 s14, s29;
	s14 =	sshrl.u32 s31, $0x2;
	s12 =	sshrl.u32 s11, $0x1B  }
0xd: {  	s13 =	sadd.s32 s14, s4;
	s14 =	sadd.s32 $0x5AC00, s15;
	s12 =	sand.u32 $0xF, s12  }
.Ltmp0:
0xe: {  	s15 =	sadd.s32 $0x33A00, s15;
	s12 =	sadd.s32 s12, s11;
	(pc) =	sbr.rel .LBB2_1-.Ltmp0, $4  }
0xf: {  	s8 =	sadd.s32 $0x2800, s10;
	s10 =	simm.s32 $0x8;
	s12 =	sshll.u32 s12, $0x10  }
0x10: {  	s10 =	simm.s32 @!p0 $0x7;
	s11 =	sshra.s32 s11, $0x1F;
	s12 =	sshra.s32 s12, $0x14  }
0x11: {  	p0 =	seq.s32 s18, $0x0;
	s18 =	simm.s32 $0x14080;
	s11 =	sadd.s32 s12, s11  }
0x12: {  	v0 =	vimm.f32 $0.0e+00;
	s12 =	smax.u32 s30, $0x1;
	p1 =	slt.s32 s11, $0x1;
	p2 =	sgt.s32 s11, $0x0  }
.LBB2_23:
0x13: {  	[sflag:s17] =	ssyncadd.s32 $0xFFFFD800  }
.LBB2_24:
0x14: {  	s23 =	sadd.s32 $0x1, s23  }
0x15: {  	p3 =	sne.s32 s23, s12  }
.Ltmp1:
0x16: {  	_ = 	snop;
	(pc) =	sbr.rel @!p3 .LBB2_25-.Ltmp1, $1  }
0x17: {  	_ =	sdelay $0x3  }
.LBB2_1:
0x18: {  	s24 =	simm.s32 $0x0;
	s25 =	simm.s32 $0x200  }
.LBB2_2:
0x19: {  	p3 =	sne.s32 s25, $0x9E00;
	[tilespmem:s24+$0x148F0] =	vst v0  }
0x1a: {  	[tilespmem:s24+$0x14880] =	vst v0  }
0x1b: {  	[tilespmem:s24+$0x14890] =	vst v0  }
.Ltmp2:
0x1c: {  	[tilespmem:s24+$0x148A0] =	vst v0;
	(pc) =	sbr.rel @p3 .LBB2_2-.Ltmp2, $4  }
0x1d: {  	[tilespmem:s24+$0x148B0] =	vst v0  }
0x1e: {  	[tilespmem:s24+$0x148C0] =	vst v0  }
0x1f: {  	[tilespmem:s24+$0x148D0] =	vst v0  }
0x20: {  	[tilespmem:s24+$0x148E0] =	vst v0;
	s24 =	sshra.s32 s25, $0x2;
	s25 =	sadd.s32 $0x200, s25  }
0x21: {  	[tilespmem:s24+$0x148F0] =	vst v0  }
0x22: {  	[tilespmem:s24+$0x14880] =	vst v0  }
0x23: {  	[tilespmem:s24+$0x14890] =	vst v0  }
0x24: {  	[tilespmem:s24+$0x148A0] =	vst v0  }
0x25: {  	[tilespmem:s24+$0x148B0] =	vst v0  }
0x26: {  	[tilespmem:s24+$0x148C0] =	vst v0;
	p3 =	sne.s32 s10, $0x1  }
.Ltmp3:
0x27: {  	[tilespmem:s24+$0x148D0] =	vst v0;
	(pc) =	sbr.rel @!p3 .LBB2_5-.Ltmp3, $4  }
0x28: {  	[tilespmem:s24+$0x148E0] =	vst v0  }
0x29: {  	[spmem:s13] =	stream.linear.scatter [tilespmem:s16], [sflag:$0x3], $0x2800, $0x38;
	[tilespmem:$0x1C880] =	vst v63  }
0x2a: {  	_ =	swait.ge [sflag:s17], $0x2800  }
0x2b: {  	s24 =	sadd.s32 $0xFFFFFFFF, s10;
	s25 =	smov.u32 s13;
	[sflag:s17] =	ssyncset.done $0x0  }
.LBB2_4:
0x2c: {  	p4 =	sne.s32 s24, $0x1;
	[sflag:s17] =	ssyncadd.s32 $0xFFFFD800;
	s25 =	sadd.s32 $0x28000, s25  }
.Ltmp4:
0x2d: {  	s24 =	sadd.s32 $0xFFFFFFFF, s24;
	(pc) =	sbr.rel @p4 .LBB2_4-.Ltmp4, $4  }
0x2e: {  	_ = 	snop  }
0x2f: {  	[spmem:s25] =	stream.linear.scatter [tilespmem:s16], [sflag:$0x3], $0x2800, $0x38;
	[tilespmem:$0x1C880] =	vst v63  }
0x30: {  	_ =	swait.ge [sflag:s17], $0x2800  }
0x31: {  	[sflag:s17] =	ssyncset.done $0x0  }
.LBB2_5:
.Ltmp5:
0x32: {  	(pc) =	sbr.rel @!p0 .LBB2_6-.Ltmp5, $4  }
0x33: {  	_ = 	snop  }
0x34: {  	[sflag:s17] =	ssyncadd.s32 $0xFFFFD800  }
0x35: {  	[bflag:$0x0] =	sbarrier.arrive $0xFFFF  }
0x36: {  	s24 =	simm.s32 $0x0;
	s25 =	simm.s32 $0x0  }
.Ltmp6:
0x37: {  	(pc) =	sbr.rel @!p1 .LBB2_16-.Ltmp6, $1  }
0x38: {  	_ =	sdelay $0x3  }
.LBB2_21:
0x39: {  	[bflag:$0x0] =	sbarrier.arrive $0xFFFF  }
0x3a: {  	[tilespmem:s16], [sflag:$0x3] =	stream.linear.gather [spmem:s13], $0x2800, $0x38;
	[tilespmem:$0x1C880] =	vst v63  }
0x3b: {  	p3 =	seq.s32 s10, $0x1;
	_ =	swait.ge [sflag:s17], $0x2800  }
.Ltmp7:
0x3c: {  	[sflag:s17] =	ssyncset.done $0x0;
	(pc) =	sbr.rel @p3 .LBB2_23-.Ltmp7, $4  }
0x3d: {  	[sflag:s17] =	ssyncadd.s32 $0xFFFFD800  }
0x3e: {  	[hbm4b:s15+s5] =	stream.linear.scatter [tilespmem:s16], [sflag:$0x3], $0x2800, $0x38;
	[tilespmem:$0x1C880] =	vst v63  }
0x3f: {  	s24 =	sadd.s32 $0xFFFFFFFF, s10;
	_ =	swait.ge [sflag:s17], $0x2800  }
0x40: {  	s25 =	smov.u32 s15;
	s26 =	smov.u32 s13;
	[sflag:s17] =	ssyncset.done $0x0  }
.LBB2_22:
0x41: {  	[sflag:s17] =	ssyncadd.s32 $0xFFFFD800;
	s25 =	sadd.s32 $0x5000, s25;
	s26 =	sadd.s32 $0x28000, s26  }
0x42: {  	[tilespmem:s16], [sflag:$0x3] =	stream.linear.gather [spmem:s26], $0x2800, $0x38;
	[tilespmem:$0x1C880] =	vst v63  }
0x43: {  	p3 =	seq.s32 s24, $0x1;
	s24 =	sadd.s32 $0xFFFFFFFF, s24;
	_ =	swait.ge [sflag:s17], $0x2800  }
.Ltmp8:
0x44: {  	[sflag:s17] =	ssyncset.done $0x0;
	(pc) =	sbr.rel @!p3 .LBB2_22-.Ltmp8, $4  }
0x45: {  	[sflag:s17] =	ssyncadd.s32 $0xFFFFD800  }
0x46: {  	[hbm4b:s25+s5] =	stream.linear.scatter [tilespmem:s16], [sflag:$0x3], $0x2800, $0x38;
	[tilespmem:$0x1C880] =	vst v63  }
0x47: {  	_ =	swait.ge [sflag:s17], $0x2800  }
0x48: {  	[sflag:s17] =	ssyncset.done $0x0  }
.Ltmp9:
0x49: {  	_ = 	snop;
	(pc) =	sbr.rel .LBB2_23-.Ltmp9, $1  }
0x4a: {  	_ =	sdelay $0x3  }
.LBB2_19:
0x4b: {  	[sflag:s17] =	ssyncadd.s32 $0xFFFFC000  }
.LBB2_20:
0x4c: {  	s25 =	sadd.s32 $0x1, s25  }
0x4d: {  	p3 =	seq.s32 s25, s11  }
.Ltmp10:
0x4e: {  	_ = 	snop;
	(pc) =	sbr.rel @p3 .LBB2_21-.Ltmp10, $1  }
0x4f: {  	_ =	sdelay $0x3  }
.LBB2_16:
0x50: {  	s26 =	sshll.u32 s25, $0x4  }
0x51: {  	s26 =	sadd.s32 s3, s26  }
0x52: {  	s28 =	sshll.u32 s26, $0x4;
	s26 =	ssub.s32 s6, s26  }
0x53: {  	s30 =	simm.s32 $0x13880;
	s29 =	sadd.s32 s9, s28;
	p3 =	slt.s32 s26, $0x10  }
0x54: {  	[tilespmem:s30], [sflag:$0x3] =	stream.linear.gather [hbm4b:s29+s24], $0x800, $0x38;
	[tilespmem:$0x1C880] =	vst v63  }
0x55: {  	s26 =	simm.s32 @!p3 $0x10;
	_ =	swait.ge [sflag:s17], $0x800  }
0x56: {  	s26 =	sshra.s32 s26, $0x1;
	[sflag:s17] =	ssyncset.done $0x0  }
0x57: {  	s28 =	sadd.s32 s8, s28;
	p3 =	slt.s32 s26, $0x1;
	[sflag:s17] =	ssyncadd.s32 $0xFFFFF800  }
0x58: {  	[tilespmem:s18], [sflag:$0x3] =	stream.linear.gather [hbm4b:s28+s24], $0x800, $0x38;
	[tilespmem:$0x1C880] =	vst v63  }
.Ltmp11:
0x59: {  	_ = 	snop;
	(pc) =	sbr.rel @p3 .LBB2_20-.Ltmp11, $4  }
0x5a: {  	_ =	swait.ge [sflag:s17], $0x800  }
0x5b: {  	[sflag:s17] =	ssyncset.done $0x0  }
0x5c: {  	s28 =	simm.s32 $0x14180;
	[sflag:s17] =	ssyncadd.s32 $0xFFFFF800  }
0x5d: {  	[tilespmem:s16], [sflag:$0x1] =	stream.indirect.gather [hbm4b:s2+s19], $0x80, s18, s19, $0xb8;
	[tilespmem:$0x1C880] =	vst v63  }
0x5e: {  	_ =	swait.ge [sflag:s20], $0x4000  }
0x5f: {  	[sflag:s20] =	ssyncset.done $0x0  }
0x60: {  	s29 =	sadd.s32 $0xFFFFFF80, s28;
	[sflag:s20] =	ssyncadd.s32 $0xFFFFC000  }
0x61: {  	[tilespmem:s21], [sflag:$0x2] =	stream.indirect.gather [hbm4b:s2+s19], $0x80, s29, s19, $0xb8;
	[tilespmem:$0x1C880] =	vst v63  }
0x62: {  	_ = 	snop  }
0x63: {  	[spmem:s4] =	stream.indirect.scatter.add.f32 [tilespmem:s16], [sflag:$0x3], $0x80, s30, s19, $0xb8;
	[tilespmem:$0x1C880] =	vst v63  }
0x64: {  	_ =	swait.ge [sflag:s17], $0x4000  }
0x65: {  	[sflag:s17] =	ssyncset.done $0x0  }
0x66: {  	[sflag:s17] =	ssyncadd.s32 $0xFFFFC000  }
0x67: {  	s29 =	sadd.s32 $0x1, s24;
	_ =	swait.ge [sflag:s22], $0x4000  }
0x68: {  	p3 =	sge.s32 s29, s26;
	[sflag:s22] =	ssyncset.done $0x0  }
0x69: {  	s31 =	simm.s32 @!p3 $0x80;
	s1 =	simm.s32 @!p3 $0x14880;
	[sflag:s22] =	ssyncadd.s32 $0xFFFFC000  }
0x6a: {  	[tilespmem:s1], [sflag:$0x1] =	stream.indirect.gather @!p3 [hbm4b:s2+s31], $0x80, s28, s31, $0xb8;
	[tilespmem:$0x1C880] =	vst v63  }
0x6b: {  	p3 =	sne.s32 s26, s29  }
.Ltmp12:
0x6c: {  	_ = 	snop;
	(pc) =	sbr.rel @!p3 .LBB2_19-.Ltmp12, $4  }
0x6d: {  	s31 =	sadd.s32 $0x80, s30  }
0x6e: {  	[spmem:s4] =	stream.indirect.scatter.add.f32 [tilespmem:s21], [sflag:$0x3], $0x80, s31, s19, $0xb8;
	[tilespmem:$0x1C880] =	vst v63  }
0x6f: {  	_ =	swait.ge [sflag:s17], $0x4000  }
0x70: {  	s30 =	sadd.s32 $0x100, s30;
	[sflag:s17] =	ssyncset.done $0x0  }
.LBB2_18:
0x71: {  	s29 =	sadd.s32 $0x1, s29;
	[sflag:s17] =	ssyncadd.s32 $0xFFFFC000;
	s28 =	sadd.s32 $0x100, s28  }
0x72: {  	p3 =	sne.s32 s26, s29  }
0x73: {  	_ =	swait.ge [sflag:s20], $0x4000  }
0x74: {  	[sflag:s20] =	ssyncset.done $0x0  }
0x75: {  	s1 =	sadd.s32 $0xFFFFFF80, s28;
	[sflag:s20] =	ssyncadd.s32 $0xFFFFC000  }
0x76: {  	[tilespmem:s21], [sflag:$0x2] =	stream.indirect.gather [hbm4b:s2+s19], $0x80, s1, s19, $0xb8;
	[tilespmem:$0x1C880] =	vst v63  }
0x77: {  	_ = 	snop  }
0x78: {  	[spmem:s4] =	stream.indirect.scatter.add.f32 [tilespmem:s16], [sflag:$0x3], $0x80, s30, s19, $0xb8;
	[tilespmem:$0x1C880] =	vst v63  }
0x79: {  	_ =	swait.ge [sflag:s17], $0x4000  }
0x7a: {  	[sflag:s17] =	ssyncset.done $0x0  }
0x7b: {  	[sflag:s17] =	ssyncadd.s32 $0xFFFFC000  }
0x7c: {  	_ =	swait.ge [sflag:s22], $0x4000  }
0x7d: {  	p4 =	sge.s32 s29, s26;
	[sflag:s22] =	ssyncset.done $0x0  }
0x7e: {  	s31 =	simm.s32 @!p4 $0x14880;
	s1 =	simm.s32 @!p4 $0x80;
	[sflag:s22] =	ssyncadd.s32 $0xFFFFC000  }
0x7f: {  	[tilespmem:s31], [sflag:$0x1] =	stream.indirect.gather @!p4 [hbm4b:s2+s1], $0x80, s28, s1, $0xb8;
	[tilespmem:$0x1C880] =	vst v63  }
.Ltmp13:
0x80: {  	_ = 	snop;
	(pc) =	sbr.rel @p3 .LBB2_18-.Ltmp13, $4  }
0x81: {  	s1 =	sadd.s32 $0x80, s30  }
0x82: {  	[spmem:s4] =	stream.indirect.scatter.add.f32 [tilespmem:s21], [sflag:$0x3], $0x80, s1, s19, $0xb8;
	[tilespmem:$0x1C880] =	vst v63  }
0x83: {  	_ =	swait.ge [sflag:s17], $0x4000  }
0x84: {  	s30 =	sadd.s32 $0x100, s30;
	[sflag:s17] =	ssyncset.done $0x0  }
.Ltmp14:
0x85: {  	_ = 	snop;
	(pc) =	sbr.rel .LBB2_19-.Ltmp14, $1  }
0x86: {  	_ =	sdelay $0x3  }
.LBB2_6:
.Ltmp15:
0x87: {  	(pc) =	sbr.rel @p2 .LBB2_7-.Ltmp15, $1  }
0x88: {  	_ =	sdelay $0x3  }
.LBB2_12:
0x89: {  	[bflag:$0x0] =	sbarrier.arrive $0xFFFF  }
0x8a: {  	[tilespmem:s16], [sflag:$0x3] =	stream.linear.gather [spmem:s13], $0x2800, $0x38;
	[tilespmem:$0x1C880] =	vst v63  }
0x8b: {  	_ =	swait.ge [sflag:s17], $0x2800  }
.Ltmp16:
0x8c: {  	[sflag:s17] =	ssyncset.done $0x0;
	(pc) =	sbr.rel @!p3 .LBB2_14-.Ltmp16, $4  }
0x8d: {  	[sflag:s17] =	ssyncadd.s32 $0xFFFFD800  }
0x8e: {  	[hbm4b:s14+s5] =	stream.linear.scatter [tilespmem:s16], [sflag:$0x3], $0x2800, $0x38;
	[tilespmem:$0x1C880] =	vst v63  }
0x8f: {  	s24 =	sadd.s32 $0xFFFFFFFF, s10;
	_ =	swait.ge [sflag:s17], $0x2800  }
0x90: {  	s25 =	smov.u32 s14;
	s26 =	smov.u32 s13;
	[sflag:s17] =	ssyncset.done $0x0  }
.LBB2_13:
0x91: {  	[sflag:s17] =	ssyncadd.s32 $0xFFFFD800;
	s25 =	sadd.s32 $0x5000, s25;
	s26 =	sadd.s32 $0x28000, s26  }
0x92: {  	[tilespmem:s16], [sflag:$0x3] =	stream.linear.gather [spmem:s26], $0x2800, $0x38;
	[tilespmem:$0x1C880] =	vst v63  }
0x93: {  	p3 =	sne.s32 s24, $0x1;
	s24 =	sadd.s32 $0xFFFFFFFF, s24;
	_ =	swait.ge [sflag:s17], $0x2800  }
.Ltmp17:
0x94: {  	[sflag:s17] =	ssyncset.done $0x0;
	(pc) =	sbr.rel @p3 .LBB2_13-.Ltmp17, $4  }
0x95: {  	[sflag:s17] =	ssyncadd.s32 $0xFFFFD800  }
0x96: {  	[hbm4b:s25+s5] =	stream.linear.scatter [tilespmem:s16], [sflag:$0x3], $0x2800, $0x38;
	[tilespmem:$0x1C880] =	vst v63  }
0x97: {  	_ =	swait.ge [sflag:s17], $0x2800  }
0x98: {  	[sflag:s17] =	ssyncset.done $0x0  }
.LBB2_14:
.Ltmp18:
0x99: {  	(pc) =	sbr.rel .LBB2_24-.Ltmp18, $2  }
0x9a: {  	_ =	sdelay $0x2  }
0x9b: {  	[sflag:s17] =	ssyncadd.s32 $0xFFFFD800  }
.LBB2_10:
0x9c: {  	[sflag:s17] =	ssyncadd.s32 $0xFFFFC000  }
.LBB2_11:
0x9d: {  	s25 =	sadd.s32 $0x1, s25  }
0x9e: {  	p4 =	seq.s32 s25, s11  }
.Ltmp19:
0x9f: {  	_ = 	snop;
	(pc) =	sbr.rel @p4 .LBB2_12-.Ltmp19, $1  }
0xa0: {  	_ =	sdelay $0x3  }
.LBB2_7:
0xa1: {  	s1 =	sshll.u32 s25, $0x4  }
0xa2: {  	s1 =	sadd.s32 s3, s1  }
0xa3: {  	s26 =	sshll.u32 s1, $0x4  }
0xa4: {  	s30 =	simm.s32 $0x13880;
	s28 =	sadd.s32 s9, s26  }
0xa5: {  	[tilespmem:s30], [sflag:$0x3] =	stream.linear.gather [hbm4b:s28+s24], $0x800, $0x38;
	[tilespmem:$0x1C880] =	vst v63  }
0xa6: {  	s1 =	ssub.s32 s6, s1;
	_ =	swait.ge [sflag:s17], $0x800  }
0xa7: {  	p4 =	slt.s32 s1, $0x10;
	[sflag:s17] =	ssyncset.done $0x0  }
0xa8: {  	s26 =	sadd.s32 s8, s26;
	s1 =	simm.s32 @!p4 $0x10;
	[sflag:s17] =	ssyncadd.s32 $0xFFFFF800  }
0xa9: {  	[tilespmem:s18], [sflag:$0x3] =	stream.linear.gather [hbm4b:s26+s24], $0x800, $0x38;
	[tilespmem:$0x1C880] =	vst v63  }
0xaa: {  	s26 =	sshra.s32 s1, $0x1  }
0xab: {  	p4 =	slt.s32 s26, $0x1  }
.Ltmp20:
0xac: {  	_ = 	snop;
	(pc) =	sbr.rel @p4 .LBB2_11-.Ltmp20, $4  }
0xad: {  	_ =	swait.ge [sflag:s17], $0x800  }
0xae: {  	[sflag:s17] =	ssyncset.done $0x0  }
0xaf: {  	s28 =	simm.s32 $0x14180;
	[sflag:s17] =	ssyncadd.s32 $0xFFFFF800  }
0xb0: {  	[tilespmem:s16], [sflag:$0x1] =	stream.indirect.gather [hbm4b:s7+s19], $0x80, s18, s19, $0xb8;
	[tilespmem:$0x1C880] =	vst v63  }
0xb1: {  	_ =	swait.ge [sflag:s20], $0x4000  }
0xb2: {  	[sflag:s20] =	ssyncset.done $0x0  }
0xb3: {  	s1 =	sadd.s32 $0xFFFFFF80, s28;
	[sflag:s20] =	ssyncadd.s32 $0xFFFFC000  }
0xb4: {  	[tilespmem:s21], [sflag:$0x2] =	stream.indirect.gather [hbm4b:s7+s19], $0x80, s1, s19, $0xb8;
	[tilespmem:$0x1C880] =	vst v63  }
0xb5: {  	_ = 	snop  }
0xb6: {  	[spmem:s4] =	stream.indirect.scatter.add.f32 [tilespmem:s16], [sflag:$0x3], $0x80, s30, s19, $0xb8;
	[tilespmem:$0x1C880] =	vst v63  }
0xb7: {  	_ =	swait.ge [sflag:s17], $0x4000  }
0xb8: {  	[sflag:s17] =	ssyncset.done $0x0  }
0xb9: {  	[sflag:s17] =	ssyncadd.s32 $0xFFFFC000  }
0xba: {  	s29 =	sadd.s32 $0x1, s24;
	_ =	swait.ge [sflag:s22], $0x4000  }
0xbb: {  	p4 =	sge.s32 s29, s26;
	[sflag:s22] =	ssyncset.done $0x0  }
0xbc: {  	s31 =	simm.s32 @!p4 $0x14880;
	s1 =	simm.s32 @!p4 $0x80;
	[sflag:s22] =	ssyncadd.s32 $0xFFFFC000  }
0xbd: {  	[tilespmem:s31], [sflag:$0x1] =	stream.indirect.gather @!p4 [hbm4b:s7+s1], $0x80, s28, s1, $0xb8;
	[tilespmem:$0x1C880] =	vst v63  }
0xbe: {  	p4 =	sne.s32 s26, s29  }
.Ltmp21:
0xbf: {  	_ = 	snop;
	(pc) =	sbr.rel @!p4 .LBB2_10-.Ltmp21, $4  }
0xc0: {  	s31 =	sadd.s32 $0x80, s30  }
0xc1: {  	[spmem:s4] =	stream.indirect.scatter.add.f32 [tilespmem:s21], [sflag:$0x3], $0x80, s31, s19, $0xb8;
	[tilespmem:$0x1C880] =	vst v63  }
0xc2: {  	_ =	swait.ge [sflag:s17], $0x4000  }
0xc3: {  	s30 =	sadd.s32 $0x100, s30;
	[sflag:s17] =	ssyncset.done $0x0  }
.LBB2_9:
0xc4: {  	s29 =	sadd.s32 $0x1, s29;
	[sflag:s17] =	ssyncadd.s32 $0xFFFFC000;
	s28 =	sadd.s32 $0x100, s28  }
0xc5: {  	p4 =	sne.s32 s26, s29  }
0xc6: {  	_ =	swait.ge [sflag:s20], $0x4000  }
0xc7: {  	[sflag:s20] =	ssyncset.done $0x0  }
0xc8: {  	s1 =	sadd.s32 $0xFFFFFF80, s28;
	[sflag:s20] =	ssyncadd.s32 $0xFFFFC000  }
0xc9: {  	[tilespmem:s21], [sflag:$0x2] =	stream.indirect.gather [hbm4b:s7+s19], $0x80, s1, s19, $0xb8;
	[tilespmem:$0x1C880] =	vst v63  }
0xca: {  	_ = 	snop  }
0xcb: {  	[spmem:s4] =	stream.indirect.scatter.add.f32 [tilespmem:s16], [sflag:$0x3], $0x80, s30, s19, $0xb8;
	[tilespmem:$0x1C880] =	vst v63  }
0xcc: {  	_ =	swait.ge [sflag:s17], $0x4000  }
0xcd: {  	[sflag:s17] =	ssyncset.done $0x0  }
0xce: {  	[sflag:s17] =	ssyncadd.s32 $0xFFFFC000  }
0xcf: {  	_ =	swait.ge [sflag:s22], $0x4000  }
0xd0: {  	p5 =	sge.s32 s29, s26;
	[sflag:s22] =	ssyncset.done $0x0  }
0xd1: {  	s31 =	simm.s32 @!p5 $0x14880;
	s1 =	simm.s32 @!p5 $0x80;
	[sflag:s22] =	ssyncadd.s32 $0xFFFFC000  }
0xd2: {  	[tilespmem:s31], [sflag:$0x1] =	stream.indirect.gather @!p5 [hbm4b:s7+s1], $0x80, s28, s1, $0xb8;
	[tilespmem:$0x1C880] =	vst v63  }
.Ltmp22:
0xd3: {  	_ = 	snop;
	(pc) =	sbr.rel @p4 .LBB2_9-.Ltmp22, $4  }
0xd4: {  	s1 =	sadd.s32 $0x80, s30  }
0xd5: {  	[spmem:s4] =	stream.indirect.scatter.add.f32 [tilespmem:s21], [sflag:$0x3], $0x80, s1, s19, $0xb8;
	[tilespmem:$0x1C880] =	vst v63  }
0xd6: {  	_ =	swait.ge [sflag:s17], $0x4000  }
0xd7: {  	s30 =	sadd.s32 $0x100, s30;
	[sflag:s17] =	ssyncset.done $0x0  }
.Ltmp23:
0xd8: {  	_ = 	snop;
	(pc) =	sbr.rel .LBB2_10-.Ltmp23, $1  }
0xd9: {  	_ =	sdelay $0x3  }
.LBB2_25:
0xda: {  	_ =	sfence.sel $0x180000  }
0xdb: {  	[bflag:$0x0] =	sbarrier.arrive $0xFFFF  }
0xdc: {  	_ =	strace $0x9000004D  }
0xdd: {  	[bflag:$0x2] =	sbarrier.arrive $0xFFFF  }
0xde: {  	p0 =	sne.s32 s0, $0x0;
	s0 =	rddreg [dreg:$0x3]  }
0xdf: {  	s0 =	sadd.s32 @!p0 $0x100000, s0  }
0xe0: {  	[sflag:s0] =	ssyncadd.tile.s32 @!p0 $0x1;
	_ =	shalt  }
.Lfunc_end2:
_tile_overlayer_lowered:
.L_overlay_start_2:
0xe1: {  	(tag) =	ssettag $0x2  }
0xe2: {  	s0 =	rddreg [dreg:$0x0];
	s2 =	stileid.u32  }
0xe3: {  	s1 =	rddreg [dreg:$0x1];
	p0 =	sne.s32 s2, $0x0  }
0xe4: {  	s3 =	rddreg [dreg:$0x2];
	[bflag:$0x3] =	sbarrier.arrive $0xFFFF;
	s2 =	simm.s32 @!p0 $0x1C03  }
0xe5: {  	[timem:s3], [sflag:s2] =	dma.local @!p0 [hbm:s0], s1  }
0xe6: {  	s0 =	simm.s32 @!p0 $0x3  }
0xe7: {  	_ =	swait.ge @!p0 [sflag:s0], s1  }
0xe8: {  	s1 =	ssub.s32 @!p0 $0x0, s1;
	[sflag:s0] =	ssyncset.done @!p0 $0x0  }
0xe9: {  	[sflag:s0] =	ssyncadd.s32 @!p0 s1  }
0xea: {  	[bflag:$0x3] =	sbarrier.arrive $0xFFFF  }
0xeb: {  	_ =	shalt  }

// kernel: kernel.7.cloned.1.call-start
scs
__scs_entry_jumppad:
0x0: {  	(pc) =	sbr.rel $0x88, $3  }
0x1: {  	(tag) =	ssettag $0x0;
	lr =	simm.s32 $0x1  }
0x2: {  	[smem:$0x3F9A] =	sst lr;
	_ =	strace $0xD0000000  }
0x3: {  	_ = 	snop  }
0x4: {  	_ = 	snop  }
0x5: {  	_ = 	snop  }
0x6: {  	_ = 	snop  }
0x7: {  	_ = 	snop  }
__scs_overlays_trampoline_lowered:
0x8: {  	[smem:$0x3FA9] =	sst s0  }
0x9: {  	[smem:$0x3FAA] =	sst s1  }
0xa: {  	[smem:$0x3FAB] =	sst s2  }
0xb: {  	[smem:$0x3FAC] =	sst s3  }
0xc: {  	[smem:$0x3FAD] =	sst s4  }
0xd: {  	[smem:$0x3FAE] =	sst s5  }
0xe: {  	[smem:$0x3FAF] =	sst s6  }
0xf: {  	[smem:$0x3FB0] =	sst s7  }
0x10: {  	[smem:$0x3FB1] =	sst s8  }
0x11: {  	[smem:$0x3FB2] =	sst s9;
	s0 =	simm.s32 @!p0 $0x0  }
0x12: {  	s1 =	sld [smem:$0x3F98];
	s0 =	simm.s32 @p0 $0x1  }
0x13: {  	[smem:$0x3FB3] =	sst s0;
	s0 =	simm.s32 @!p1 $0x0  }
0x14: {  	s2 =	sld [smem:$0x3F97];
	s0 =	simm.s32 @p1 $0x1  }
0x15: {  	[smem:$0x3FB4] =	sst s0;
	s0 =	simm.s32 @!p2 $0x0  }
0x16: {  	s3 =	sld [smem:$0x3FDB];
	s0 =	simm.s32 @p2 $0x1  }
0x17: {  	s4 =	simm.s32 $0x1BF5;
	[smem:$0x3FB6] =	sst s0  }
0x18: {  	s0 =	sld [smem:$0x3F99];
	_ =	swait.ge [sflag:s4], $0x0  }
0x19: {  	s7 =	sld [smem:$0x3F9A]  }
0x1a: {  	s8 =	sadd.s32 $0xFFFFE003, lr  }
0x1b: {  	s9 =	sadd.s32 $0xFFFFFEF7, lr;
	s5 =	simm.s32 $0xFFFFFFFF;
	p2 =	slt.u32 s8, $0xFFFFF086  }
0x1c: {  	p1 =	slt.u32 s9, $0xF7A;
	s5 =	simm.s32 @!p2 $0x0  }
0x1d: {  	s5 =	simm.s32 @p1 $0x1;
	p0 =	seq.s32 s7, s2  }
0x1e: {  	s7 =	smul.u32 @!p0 $0xF7A, s2;
	p2 =	seq.s32 @!p0 s5, $0x0  }
0x1f: {  	s9 =	smul.u32 $0xF7A, s1;
	s8 =	simm.s32 @!p0 $0x1BF5;
	p2 =	por !p2, p0  }
0x20: {  	[sflag:s8] =	ssyncset.s32 @!p0 $0xFFFFF086;
	s6 =	sadd.s32 @!p0 s3, s7;
	s7 =	simm.s32 @!p0 $0x108  }
0x21: {  	s3 =	sadd.s32 s3, s9;
	s6 =	sadd.s32 @!p0 $0x88, s6;
	s7 =	simm.s32 @p2 $0x1082  }
0x22: {  	[simem:s7], [sflag:s8] =	dma.local @!p0 [hbm:s6], $0xF7A  }
0x23: {  	s9 =	sor.u32 $0xD0000000, s2;
	s6 =	simm.s32 $0x108;
	_ =	swait.ge @!p0 [sflag:s8], $0x0  }
0x24: {  	s3 =	sadd.s32 $0x88, s3;
	s6 =	simm.s32 @!p1 $0x1082;
	[sflag:s4] =	ssyncset.s32 $0xFFFFF086  }
0x25: {  	[simem:s6], [sflag:s4] =	dma.local [hbm:s3], $0xF7A  }
0x26: {  	[smem:$0x3F9A] =	sst s1;
	(tag) =	ssettag s2;
	_ =	strace s9  }
0x27: {  	s1 =	sld [smem:$0x3FAA]  }
0x28: {  	s2 =	sld [smem:$0x3FAB]  }
0x29: {  	s4 =	sld [smem:$0x3FAD]  }
0x2a: {  	p0 =	seq.s32 s5, $0x0;
	s5 =	sld [smem:$0x3FAE]  }
0x2b: {  	s6 =	sld [smem:$0x3FAF]  }
0x2c: {  	s7 =	sld [smem:$0x3FB0]  }
0x2d: {  	s3 =	simm.s32 $0x108;
	s8 =	sld [smem:$0x3FB1]  }
0x2e: {  	s3 =	simm.s32 @!p0 $0x1082;
	s9 =	sld [smem:$0x3FB2]  }
0x2f: {  	lr =	sadd.s32 s0, s3;
	s0 =	sld [smem:$0x3FA9]  }
0x30: {  	s3 =	sld [smem:$0x3FAC]  }
0x31: {  	[smem:$0x3FB5] =	sst s10  }
0x32: {  	s10 =	sld [smem:$0x3FB3];
	_ =	sdelay $0x3  }
0x33: {  	p0 =	seq.s32 s10, $0x1;
	s10 =	sld [smem:$0x3FB5];
	_ =	sdelay $0x3  }
0x34: {  	[smem:$0x3FB5] =	sst s10  }
0x35: {  	s10 =	sld [smem:$0x3FB4];
	_ =	sdelay $0x3  }
0x36: {  	p1 =	seq.s32 s10, $0x1;
	s10 =	sld [smem:$0x3FB5];
	_ =	sdelay $0x3  }
0x37: {  	[smem:$0x3FB5] =	sst s10  }
0x38: {  	s10 =	sld [smem:$0x3FB6]  }
0x39: {  	_ = 	snop;
	(pc) =	sbr.ind lr, $3  }
0x3a: {  	_ = 	snop  }
0x3b: {  	_ = 	snop  }
0x3c: {  	p2 =	seq.s32 s10, $0x1;
	s10 =	sld [smem:$0x3FB5]  }
0x3d: {  	_ =	shalt  }
0x3e: {  	_ =	shalt  }
0x3f: {  	_ =	shalt  }
0x40: {  	_ =	shalt  }
0x41: {  	_ =	shalt  }
0x42: {  	_ =	shalt  }
0x43: {  	_ =	shalt  }
0x44: {  	_ =	shalt  }
0x45: {  	_ =	shalt  }
0x46: {  	_ =	shalt  }
0x47: {  	_ =	shalt  }
0x48: {  	_ =	shalt  }
0x49: {  	_ =	shalt  }
0x4a: {  	_ =	shalt  }
0x4b: {  	_ =	shalt  }
0x4c: {  	_ =	shalt  }
0x4d: {  	_ =	shalt  }
0x4e: {  	_ =	shalt  }
0x4f: {  	_ =	shalt  }
0x50: {  	_ =	shalt  }
0x51: {  	_ =	shalt  }
0x52: {  	_ =	shalt  }
0x53: {  	_ =	shalt  }
0x54: {  	_ =	shalt  }
0x55: {  	_ =	shalt  }
0x56: {  	_ =	shalt  }
0x57: {  	_ =	shalt  }
0x58: {  	_ =	shalt  }
0x59: {  	_ =	shalt  }
0x5a: {  	_ =	shalt  }
0x5b: {  	_ =	shalt  }
0x5c: {  	_ =	shalt  }
0x5d: {  	_ =	shalt  }
0x5e: {  	_ =	shalt  }
0x5f: {  	_ =	shalt  }
0x60: {  	_ =	shalt  }
0x61: {  	_ =	shalt  }
0x62: {  	_ =	shalt  }
0x63: {  	_ =	shalt  }
0x64: {  	_ =	shalt  }
0x65: {  	_ =	shalt  }
0x66: {  	_ =	shalt  }
0x67: {  	_ =	shalt  }
0x68: {  	_ =	shalt  }
0x69: {  	_ =	shalt  }
0x6a: {  	_ =	shalt  }
0x6b: {  	_ =	shalt  }
0x6c: {  	_ =	shalt  }
0x6d: {  	_ =	shalt  }
0x6e: {  	_ =	shalt  }
0x6f: {  	_ =	shalt  }
0x70: {  	_ =	shalt  }
0x71: {  	_ =	shalt  }
0x72: {  	_ =	shalt  }
0x73: {  	_ =	shalt  }
0x74: {  	_ =	shalt  }
0x75: {  	_ =	shalt  }
0x76: {  	_ =	shalt  }
0x77: {  	_ =	shalt  }
0x78: {  	_ =	shalt  }
0x79: {  	_ =	shalt  }
0x7a: {  	_ =	shalt  }
0x7b: {  	_ =	shalt  }
0x7c: {  	_ =	shalt  }
0x7d: {  	_ =	shalt  }
0x7e: {  	_ =	shalt  }
0x7f: {  	_ =	shalt  }
0x80: {  	_ =	shalt  }
0x81: {  	_ =	shalt  }
0x82: {  	_ =	shalt  }
0x83: {  	_ =	shalt  }
0x84: {  	_ =	shalt  }
0x85: {  	_ =	shalt  }
0x86: {  	_ =	shalt  }
0x87: {  	_ =	shalt  }
.Lfunc_end0:
.L_simem_size_0:
called_computation_lowered:
.L_overlay_start_0:
0x88: {  	s2 =	sld [smem:$0x3FD9]  }
0x89: {  	s3 =	sld [smem:$0x3FFE];
	_ =	sdelay $0x1  }
0x8a: {  	s1 =	srdreg.scid  }
0x8b: {  	s0 =	sand.u32 $0x1, s1  }
0x8c: {  	s17 =	sshll.u32 s0, $0xA;
	s2 =	sadd.s32 s3, s2  }
0x8d: {  	s2 =	sadd.s32 s2, s17  }
0x8e: {  	[smem:$0x3FC1] =	sst s2  }
0x8f: {  	_ = 	snop  }
0x90: {  	s2 =	sld [smem:$0x3FC7];
	(tm) =	ssettm $0x1  }
0x91: {  	s18 =	sld [smem:$0x3FFB];
	_ =	sdelay $0x3  }
0x92: {  	_ =	strace s18  }
0x93: {  	s3 =	sld [smem:$0x3FFC];
	_ =	sdelay $0x3  }
0x94: {  	_ =	strace s3  }
0x95: {  	s3 =	sld [smem:$0x3FFD];
	_ =	sdelay $0x3  }
0x96: {  	_ =	strace s3  }
0x97: {  	_ =	strace $0x8FFFFFFF  }
0x98: {  	s19 =	sld [smem:$0x3FDB];
	_ =	sdelay $0x1  }
0x99: {  	s4 =	simm.s32 $_scs_section_size  }
0x9a: {  	s5 =	simm.s32 $_size__tile_overlayer_lowered;
	s6 =	simm.s32 $_tile_overlayer_lowered  }
0x9b: {  	s22 =	simm.s32 $0x1BFF;
	s21 =	sshll.u32 s6, $0x1;
	s3 =	sadd.s32 s4, s19  }
0x9c: {  	s7 =	simm.s32 $0x0;
	s20 =	sshll.u32 s5, $0x1;
	s5 =	sadd.s32 s21, s3  }
0x9d: {  	[timem:s7], [sflag:s22] =	dma.local [hbm:s5], s20  }
0x9e: {  	_ =	swait.ge [sflag:s22], s20  }
0x9f: {  	s4 =	ssub.s32 $0x0, s20;
	[sflag:s22] =	ssyncset.done $0x0  }
0xa0: {  	[sflag:s22] =	ssyncadd.s32 s4;
	_ =	sdelay $0x1  }
0xa1: {  	s23 =	simm.s32 $0x1B8B  }
0xa2: {  	_ =	swait.ge [sflag:s23], $0x1  }
0xa3: {  	[sflag:s23] =	ssyncset.done $0x0  }
0xa4: {  	s25 =	simm.s32 $0x1B8E;
	s24 =	sld [smem:$0x3FFE];
	[sflag:s23] =	ssyncadd.s32 $0xFFFFFFFF  }
0xa5: {  	s26 =	simm.s32 $execute0_lowered;
	[smem:$0x3FD2] =	sst s25  }
0xa6: {  	s5 =	sshll.u32 s26, $0x1;
	_ =	strace $0x80000046;
	[dreg:$0x1] =	wrdreg $0xFFFFFFFF  }
0xa7: {  	s28 =	simm.s32 $_size_execute0_lowered;
	s3 =	sadd.s32 s3, s5;
	[dreg:$0x0] =	wrdreg $0x0  }
0xa8: {  	s5 =	sshll.u32 s28, $0x1;
	[dreg:$0x2] =	wrdreg s3  }
0xa9: {  	[dreg:$0x3] =	wrdreg s5  }
0xaa: {  	[dreg:$0x4] =	wrdreg $0xC0  }
0xab: {  	_ =	task [dreg:s7], $0x5FFFF  }
0xac: {  	[dreg:$0x1] =	wrdreg $0xFFFFFFFF  }
0xad: {  	[dreg:$0x0] =	wrdreg $0x60  }
0xae: {  	[dreg:$0x2] =	wrdreg s2  }
0xaf: {  	[dreg:$0x3] =	wrdreg s24  }
0xb0: {  	[dreg:$0x4] =	wrdreg $0x0  }
0xb1: {  	[dreg:$0x5] =	wrdreg $0x9  }
0xb2: {  	_ =	task.clear_ibuf [dreg:s7], $0x6FFFF;
	_ =	strace $0x90000046  }
0xb3: {  	s29 =	simm.s32 $0x9;
	_ =	strace $0x80000048  }
0xb4: {  	_ =	swait.ge [sflag:s29], $0x1  }
0xb5: {  	[sflag:s29] =	ssyncadd.s32 $0xFFFFFFFF  }
0xb6: {  	_ =	strace $0x90000048  }
0xb7: {  	_ =	sfence  }
0xb8: {  	s30 =	sld [smem:$0x0];
	_ =	sdelay $0x2  }
0xb9: {  	s31 =	sshll.u32 s1, $0xD;
	s1 =	sshrl.u32 s1, $0x2  }
0xba: {  	s3 =	sand.u32 $0x4000, s31;
	s1 =	sadd.s32 s1, s30  }
0xbb: {  	s0 =	sor.u32 s3, s0;
	s1 =	sshll.u32 s1, $0x11  }
0xbc: {  	s0 =	sor.u32 s1, s0  }
0xbd: {  	s0 =	sadd.s32 $0x8F2B, s0  }
0xbe: {  	[sflag:s0] =	ssyncadd.remote.s32 $0x1  }
0xbf: {  	_ =	sfence.sel $0xFFFF  }
0xc0: {  	[dreg:$0x0] =	wrdreg $0xFFFFFFFF;
	(pc) =	sbr.abs _section_cstart, $3  }
0xc1: {  	[dreg:$0x1] =	wrdreg $0xFFFFFFFF  }
0xc2: {  	_ =	task.clear_ibuf [dreg:s7], $0x2FFFF;
	_ =	strace $0x9FFFFFFF  }
0xc3: {  	(tm) =	ssettm $0x7FFFFFFF  }
tec
execute0_lowered:
.L_overlay_start_1:
0x0: {  	(tag) =	ssettag $0x1  }
0x1: {  	s3 =	rddreg [dreg:$0x0]  }
0x2: {  	s16 =	stileid.u32;
	s0 =	rddreg [dreg:$0x1]  }
0x3: {  	s4 =	rddreg [dreg:$0x2];
	s6 =	simm.s32 $0x0;
	s7 =	srdreg.scid  }
0x4: {  	s20 =	simm.s32 $0x14080;
	s28 =	simm.s32 $0x80;
	s2 =	smul.u32 $0x50, s16  }
0x5: {  	s29 =	simm.s32 $0x2;
	[smem:$0x7FF] =	sst s6;
	s9 =	smul.u32 $0x500, s16  }
0x6: {  	s13 =	sand.u32 $0x1, s7;
	s7 =	sadd.s32 $0x7800, s0;
	s12 =	smul.u32 $0xA000, s16  }
0x7: {  	p0 =	slt.u32 s16, $0xD;
	s23 =	sadd.s32 $0x80, s3;
	s15 =	smul.u32 $0x280000, s16  }
0x8: {  	s11 =	sadd.s32 $0x1080, s3;
	s26 =	smul.u32 $0x50000, s16;
	_ =	strace $0x80000047  }
0x9: {  	s10 =	ssub.s32 $0x2, s13;
	[dreg:$0x5] =	wrdreg s23;
	s23 =	simm.s32 $0x400  }
0xa: {  	s1 =	smin.u32 s2, $0x492;
	s0 =	sadd.s32 s9, s0;
	s21 =	sshrl.u32 s10, $0x1  }
0xb: {  	s24 =	sshrl.u32 s12, $0x2;
	s12 =	sadd.s32 $0x1000, s3;
	s25 =	sor.u32 $0x10400, s15  }
0xc: {  	[dreg:$0x9] =	wrdreg s26;
	s31 =	sor.u32 $0x10000, s15;
	s26 =	simm.s32 $0x18080  }
0xd: {  	s5 =	sadd.s32 $0x50, s1;
	s14 =	ssub.s32 s10, s21;
	[dreg:$0x8] =	wrdreg s25  }
0xe: {  	s30 =	sadd.s32 $0x33A00, s0;
	[dreg:$0xb] =	wrdreg s31;
	s1 =	ssub.s32 s5, s2  }
0xf: {  	s0 =	sadd.s32 $0xC800, s0;
	s21 =	simm.s32 $0x3;
	s1 =	sadd.s32 $0xF, s1  }
0x10: {  	s25 =	simm.s32 $0x1;
	[dreg:$0xa] =	wrdreg s30;
	s8 =	sshrl.u32 s1, $0x1B  }
0x11: {  	s10 =	smax.u32 s14, $0x1;
	[dreg:$0xc] =	wrdreg s0;
	s8 =	sand.u32 $0xF, s8  }
0x12: {  	[dreg:$0x6] =	wrdreg s10;
	s10 =	sadd.s32 s24, s4;
	s8 =	sadd.s32 s8, s1  }
.Ltmp0:
0x13: {  	s24 =	simm.s32 $0x800;
	s8 =	sshll.u32 s8, $0x10;
	(pc) =	sbr.rel .LBB2_1-.Ltmp0, $4  }
0x14: {  	s1 =	sshra.s32 s1, $0x1F;
	s22 =	sshra.s32 s8, $0x14;
	s8 =	simm.s32 $0x8  }
0x15: {  	[dreg:$0x7] =	wrdreg s10;
	s9 =	sadd.s32 s22, s1;
	s8 =	simm.s32 @!p0 $0x7  }
0x16: {  	p0 =	seq.s32 s13, $0x0;
	s22 =	simm.s32 $0x13880;
	s1 =	simm.s32 $0x0  }
0x17: {  	v0 =	vimm.f32 $0.0e+00;
	p1 =	slt.s32 s9, $0x1;
	p2 =	sgt.s32 s9, $0x0;
	[dreg:$0x4] =	wrdreg s8  }
.LBB2_23:
0x18: {  	[sflag:s21] =	ssyncadd.s32 $0xFFFFD800;
	s1 =	rddreg [dreg:$0xd]  }
.LBB2_24:
0x19: {  	s1 =	sadd.s32 $0x1, s1;
	s0 =	rddreg [dreg:$0x6]  }
0x1a: {  	p3 =	sne.s32 s1, s0  }
.Ltmp1:
0x1b: {  	_ = 	snop;
	(pc) =	sbr.rel @!p3 .LBB2_25-.Ltmp1, $1  }
0x1c: {  	_ =	sdelay $0x3  }
.LBB2_1:
0x1d: {  	[dreg:$0xd] =	wrdreg s1;
	s0 =	simm.s32 $0x0;
	s1 =	simm.s32 $0x200  }
.LBB2_2:
0x1e: {  	p3 =	sne.s32 s1, $0x9E00;
	[tilespmem:s0+$0x140F0] =	vst v0  }
0x1f: {  	[tilespmem:s0+$0x14080] =	vst v0  }
0x20: {  	[tilespmem:s0+$0x14090] =	vst v0  }
.Ltmp2:
0x21: {  	[tilespmem:s0+$0x140A0] =	vst v0;
	(pc) =	sbr.rel @p3 .LBB2_2-.Ltmp2, $4  }
0x22: {  	[tilespmem:s0+$0x140B0] =	vst v0  }
0x23: {  	[tilespmem:s0+$0x140C0] =	vst v0  }
0x24: {  	[tilespmem:s0+$0x140D0] =	vst v0  }
0x25: {  	[tilespmem:s0+$0x140E0] =	vst v0;
	s0 =	sshra.s32 s1, $0x2;
	s1 =	sadd.s32 $0x200, s1  }
0x26: {  	[tilespmem:s0+$0x140F0] =	vst v0  }
0x27: {  	[tilespmem:s0+$0x14080] =	vst v0  }
0x28: {  	[tilespmem:s0+$0x14090] =	vst v0  }
0x29: {  	[tilespmem:s0+$0x140A0] =	vst v0  }
0x2a: {  	[tilespmem:s0+$0x140B0] =	vst v0  }
0x2b: {  	[tilespmem:s0+$0x140C0] =	vst v0;
	p3 =	sne.s32 s8, $0x1  }
.Ltmp3:
0x2c: {  	[tilespmem:s0+$0x140D0] =	vst v0;
	(pc) =	sbr.rel @!p3 .LBB2_5-.Ltmp3, $4  }
0x2d: {  	[tilespmem:s0+$0x140E0] =	vst v0  }
0x2e: {  	[spmem:s10] =	stream.linear.scatter [tilespmem:s20], [sflag:$0x3], $0x2800, $0x38;
	[tilespmem:$0x1C080] =	vst v63  }
0x2f: {  	_ =	swait.ge [sflag:s21], $0x2800  }
0x30: {  	s0 =	sadd.s32 $0xFFFFFFFF, s8;
	s1 =	smov.u32 s10;
	[sflag:s21] =	ssyncset.done $0x0  }
.LBB2_4:
0x31: {  	p4 =	sne.s32 s0, $0x1;
	[sflag:s21] =	ssyncadd.s32 $0xFFFFD800;
	s1 =	sadd.s32 $0x28000, s1  }
.Ltmp4:
0x32: {  	s0 =	sadd.s32 $0xFFFFFFFF, s0;
	(pc) =	sbr.rel @p4 .LBB2_4-.Ltmp4, $4  }
0x33: {  	_ = 	snop  }
0x34: {  	[spmem:s1] =	stream.linear.scatter [tilespmem:s20], [sflag:$0x3], $0x2800, $0x38;
	[tilespmem:$0x1C080] =	vst v63  }
0x35: {  	_ =	swait.ge [sflag:s21], $0x2800  }
0x36: {  	[sflag:s21] =	ssyncset.done $0x0  }
.LBB2_5:
.Ltmp5:
0x37: {  	(pc) =	sbr.rel @!p0 .LBB2_6-.Ltmp5, $4  }
0x38: {  	_ = 	snop  }
0x39: {  	[sflag:s21] =	ssyncadd.s32 $0xFFFFD800  }
0x3a: {  	[bflag:$0x0] =	sbarrier.arrive $0xFFFF  }
0x3b: {  	s31 =	simm.s32 $0x0  }
.Ltmp6:
0x3c: {  	(pc) =	sbr.rel @!p1 .LBB2_16-.Ltmp6, $3  }
0x3d: {  	_ =	sdelay $0x1  }
0x3e: {  	s16 =	rddreg [dreg:$0x9]  }
0x3f: {  	s18 =	rddreg [dreg:$0xb];
	s15 =	simm.s32 $0x0  }
.LBB2_21:
0x40: {  	[bflag:$0x0] =	sbarrier.arrive $0xFFFF  }
0x41: {  	s10 =	rddreg [dreg:$0x7]  }
0x42: {  	[tilespmem:s20], [sflag:$0x3] =	stream.linear.gather [spmem:s10], $0x2800, $0x38;
	[tilespmem:$0x1C080] =	vst v63  }
0x43: {  	_ =	swait.ge [sflag:s21], $0x2800  }
0x44: {  	s8 =	rddreg [dreg:$0x4]  }
0x45: {  	p3 =	seq.s32 s8, $0x1  }
.Ltmp7:
0x46: {  	[sflag:s21] =	ssyncset.done $0x0;
	(pc) =	sbr.rel @p3 .LBB2_23-.Ltmp7, $4  }
0x47: {  	s1 =	rddreg [dreg:$0xc];
	[sflag:s21] =	ssyncadd.s32 $0xFFFFD800  }
0x48: {  	[hbm4b:s1+s6] =	stream.linear.scatter [tilespmem:s20], [sflag:$0x3], $0x2800, $0x38;
	[tilespmem:$0x1C080] =	vst v63  }
0x49: {  	_ =	swait.ge [sflag:s21], $0x2800  }
0x4a: {  	s13 =	smov.u32 s10;
	s0 =	sadd.s32 $0xFFFFFFFF, s8;
	[sflag:s21] =	ssyncset.done $0x0  }
.LBB2_22:
0x4b: {  	[sflag:s21] =	ssyncadd.s32 $0xFFFFD800;
	s1 =	sadd.s32 $0x5000, s1;
	s13 =	sadd.s32 $0x28000, s13  }
0x4c: {  	[tilespmem:s20], [sflag:$0x3] =	stream.linear.gather [spmem:s13], $0x2800, $0x38;
	[tilespmem:$0x1C080] =	vst v63  }
0x4d: {  	p3 =	seq.s32 s0, $0x1;
	s0 =	sadd.s32 $0xFFFFFFFF, s0;
	_ =	swait.ge [sflag:s21], $0x2800  }
.Ltmp8:
0x4e: {  	[sflag:s21] =	ssyncset.done $0x0;
	(pc) =	sbr.rel @!p3 .LBB2_22-.Ltmp8, $4  }
0x4f: {  	[sflag:s21] =	ssyncadd.s32 $0xFFFFD800  }
0x50: {  	[hbm4b:s1+s6] =	stream.linear.scatter [tilespmem:s20], [sflag:$0x3], $0x2800, $0x38;
	[tilespmem:$0x1C080] =	vst v63  }
0x51: {  	_ =	swait.ge [sflag:s21], $0x2800  }
0x52: {  	[sflag:s21] =	ssyncset.done $0x0  }
.Ltmp9:
0x53: {  	_ = 	snop;
	(pc) =	sbr.rel .LBB2_23-.Ltmp9, $1  }
0x54: {  	_ =	sdelay $0x3  }
.LBB2_19:
0x55: {  	[sflag:s21] =	ssyncset.done $0x0  }
0x56: {  	[sflag:s21] =	ssyncadd.s32 $0xFFFFC000  }
.LBB2_20:
0x57: {  	s15 =	sadd.s32 $0x1, s15  }
0x58: {  	p3 =	seq.s32 s15, s9  }
.Ltmp10:
0x59: {  	_ = 	snop;
	(pc) =	sbr.rel @p3 .LBB2_21-.Ltmp10, $2  }
0x5a: {  	_ =	sdelay $0x2  }
0x5b: {  	s18 =	sadd.s32 $0x80000, s18;
	s16 =	sadd.s32 $0x10000, s16  }
.LBB2_16:
0x5c: {  	s0 =	sshll.u32 s15, $0x4  }
0x5d: {  	s0 =	sadd.s32 s2, s0  }
0x5e: {  	s1 =	sshll.u32 s0, $0x4  }
0x5f: {  	s1 =	sadd.s32 s7, s1  }
0x60: {  	[tilespmem:s22], [sflag:$0x3] =	stream.linear.gather [hbm4b:s1+s31], $0x800, $0x38;
	[tilespmem:$0x1C080] =	vst v63  }
0x61: {  	s1 =	ssub.s32 s5, s0  }
0x62: {  	p3 =	slt.s32 s1, $0x10  }
0x63: {  	s1 =	simm.s32 @!p3 $0x10  }
0x64: {  	s13 =	sshll.u32 s0, $0xC;
	s0 =	sshra.s32 s1, $0x1  }
0x65: {  	p3 =	slt.s32 s0, $0x1  }
.Ltmp11:
0x66: {  	_ = 	snop;
	(pc) =	sbr.rel @p3 .LBB2_20-.Ltmp11, $4  }
0x67: {  	_ =	swait.ge [sflag:s21], $0x800  }
0x68: {  	[sflag:s21] =	ssyncset.done $0x0  }
0x69: {  	s30 =	sadd.s32 s3, s13;
	s13 =	simm.s32 $0x13900;
	[sflag:s21] =	ssyncadd.s32 $0xFFFFF800  }
0x6a: {  	[tilespmem:s20], [sflag:$0x1] =	stream.strided.gather [hbm4b:s30+s23], $0x4000, s24, s23, $0x38;
	[tilespmem:$0x1C080] =	vst v63  }
0x6b: {  	_ =	swait.ge [sflag:s25], $0x4000  }
0x6c: {  	s1 =	sand.u32 $0x1FFFE000, s16;
	[sflag:s25] =	ssyncset.done $0x0  }
0x6d: {  	s1 =	sadd.s32 s1, s12;
	[sflag:s25] =	ssyncadd.s32 $0xFFFFC000  }
0x6e: {  	[tilespmem:s26], [sflag:$0x2] =	stream.strided.gather [hbm4b:s1+s23], $0x4000, s24, s23, $0x38;
	[tilespmem:$0x1C080] =	vst v63  }
0x6f: {  	s30 =	sadd.s32 $0xFFFFFF80, s13  }
0x70: {  	[spmem:s4] =	stream.indirect.scatter.add.f32 [tilespmem:s20], [sflag:$0x3], $0x80, s30, s28, $0xb8;
	[tilespmem:$0x1C080] =	vst v63  }
0x71: {  	_ =	swait.ge [sflag:s21], $0x4000  }
0x72: {  	s1 =	sadd.s32 $0x1, s31;
	[sflag:s21] =	ssyncset.done $0x0  }
0x73: {  	p3 =	sge.s32 s1, s0;
	[sflag:s21] =	ssyncadd.s32 $0xFFFFC000  }
0x74: {  	s17 =	sshrl.u32 @!p3 s18, $0x3;
	_ =	swait.ge [sflag:s29], $0x4000  }
0x75: {  	s19 =	simm.s32 @!p3 $0x400;
	s8 =	simm.s32 @!p3 $0x800;
	[sflag:s29] =	ssyncset.done $0x0  }
0x76: {  	s14 =	simm.s32 @!p3 $0x14080;
	s17 =	sadd.s32 @!p3 s3, s17;
	[sflag:s29] =	ssyncadd.s32 $0xFFFFC000  }
0x77: {  	[tilespmem:s14], [sflag:$0x1] =	stream.strided.gather @!p3 [hbm4b:s17+s19], $0x4000, s8, s19, $0x38;
	[tilespmem:$0x1C080] =	vst v63  }
0x78: {  	p3 =	sne.s32 s0, s1  }
.Ltmp12:
0x79: {  	_ = 	snop;
	(pc) =	sbr.rel @!p3 .LBB2_19-.Ltmp12, $3  }
0x7a: {  	_ =	sdelay $0x1  }
0x7b: {  	[spmem:s4] =	stream.indirect.scatter.add.f32 [tilespmem:s26], [sflag:$0x3], $0x80, s13, s28, $0xb8;
	[tilespmem:$0x1C080] =	vst v63  }
0x7c: {  	s17 =	sadd.s32 $0x10000, s18;
	s19 =	sadd.s32 $0x2000, s16;
	_ =	swait.ge [sflag:s21], $0x4000  }
.LBB2_18:
0x7d: {  	s1 =	sadd.s32 $0x1, s1;
	[sflag:s21] =	ssyncset.done $0x0;
	s13 =	sadd.s32 $0x100, s13  }
0x7e: {  	p3 =	sne.s32 s0, s1;
	[sflag:s21] =	ssyncadd.s32 $0xFFFFC000  }
0x7f: {  	_ =	swait.ge [sflag:s25], $0x4000  }
0x80: {  	s8 =	sand.u32 $0x1FFFE000, s19;
	[sflag:s25] =	ssyncset.done $0x0  }
0x81: {  	s8 =	sadd.s32 s8, s12;
	[sflag:s25] =	ssyncadd.s32 $0xFFFFC000  }
0x82: {  	[tilespmem:s26], [sflag:$0x2] =	stream.strided.gather [hbm4b:s8+s23], $0x4000, s24, s23, $0x38;
	[tilespmem:$0x1C080] =	vst v63  }
0x83: {  	s8 =	sadd.s32 $0xFFFFFF80, s13  }
0x84: {  	[spmem:s4] =	stream.indirect.scatter.add.f32 [tilespmem:s20], [sflag:$0x3], $0x80, s8, s28, $0xb8;
	[tilespmem:$0x1C080] =	vst v63  }
0x85: {  	_ =	swait.ge [sflag:s21], $0x4000  }
0x86: {  	[sflag:s21] =	ssyncset.done $0x0  }
0x87: {  	[sflag:s21] =	ssyncadd.s32 $0xFFFFC000  }
0x88: {  	p4 =	sge.s32 s1, s0;
	_ =	swait.ge [sflag:s29], $0x4000  }
0x89: {  	s14 =	simm.s32 @!p4 $0x400;
	s8 =	sshrl.u32 @!p4 s17, $0x3;
	[sflag:s29] =	ssyncset.done $0x0  }
0x8a: {  	s30 =	simm.s32 @!p4 $0x800;
	s8 =	sadd.s32 @!p4 s3, s8;
	[sflag:s29] =	ssyncadd.s32 $0xFFFFC000  }
.Ltmp13:
0x8b: {  	s10 =	simm.s32 @!p4 $0x14080;
	(pc) =	sbr.rel @p3 .LBB2_18-.Ltmp13, $4  }
0x8c: {  	[tilespmem:s10], [sflag:$0x1] =	stream.strided.gather @!p4 [hbm4b:s8+s14], $0x4000, s30, s14, $0x38;
	[tilespmem:$0x1C080] =	vst v63  }
0x8d: {  	_ = 	snop  }
0x8e: {  	[spmem:s4] =	stream.indirect.scatter.add.f32 [tilespmem:s26], [sflag:$0x3], $0x80, s13, s28, $0xb8;
	[tilespmem:$0x1C080] =	vst v63  }
0x8f: {  	s19 =	sadd.s32 $0x2000, s19;
	s17 =	sadd.s32 $0x10000, s17;
	_ =	swait.ge [sflag:s21], $0x4000  }
.Ltmp14:
0x90: {  	_ = 	snop;
	(pc) =	sbr.rel .LBB2_19-.Ltmp14, $1  }
0x91: {  	_ =	sdelay $0x3  }
.LBB2_6:
.Ltmp15:
0x92: {  	(pc) =	sbr.rel @p2 .LBB2_7-.Ltmp15, $3  }
0x93: {  	_ =	sdelay $0x1  }
0x94: {  	s16 =	rddreg [dreg:$0x9]  }
0x95: {  	s18 =	rddreg [dreg:$0x8];
	s15 =	simm.s32 $0x0  }
.LBB2_12:
0x96: {  	[bflag:$0x0] =	sbarrier.arrive $0xFFFF  }
0x97: {  	s10 =	rddreg [dreg:$0x7]  }
0x98: {  	[tilespmem:s20], [sflag:$0x3] =	stream.linear.gather [spmem:s10], $0x2800, $0x38;
	[tilespmem:$0x1C080] =	vst v63  }
0x99: {  	_ =	swait.ge [sflag:s21], $0x2800  }
0x9a: {  	[sflag:s21] =	ssyncset.done $0x0  }
.Ltmp16:
0x9b: {  	s1 =	rddreg [dreg:$0xa];
	[sflag:s21] =	ssyncadd.s32 $0xFFFFD800;
	(pc) =	sbr.rel @!p3 .LBB2_14-.Ltmp16, $4  }
0x9c: {  	[hbm4b:s1+s6] =	stream.linear.scatter [tilespmem:s20], [sflag:$0x3], $0x2800, $0x38;
	[tilespmem:$0x1C080] =	vst v63  }
0x9d: {  	_ =	swait.ge [sflag:s21], $0x2800  }
0x9e: {  	s8 =	rddreg [dreg:$0x4]  }
0x9f: {  	s13 =	smov.u32 s10;
	[sflag:s21] =	ssyncset.done $0x0;
	s0 =	sadd.s32 $0xFFFFFFFF, s8  }
.LBB2_13:
0xa0: {  	[sflag:s21] =	ssyncadd.s32 $0xFFFFD800;
	s1 =	sadd.s32 $0x5000, s1;
	s13 =	sadd.s32 $0x28000, s13  }
0xa1: {  	[tilespmem:s20], [sflag:$0x3] =	stream.linear.gather [spmem:s13], $0x2800, $0x38;
	[tilespmem:$0x1C080] =	vst v63  }
0xa2: {  	p3 =	sne.s32 s0, $0x1;
	s0 =	sadd.s32 $0xFFFFFFFF, s0;
	_ =	swait.ge [sflag:s21], $0x2800  }
.Ltmp17:
0xa3: {  	[sflag:s21] =	ssyncset.done $0x0;
	(pc) =	sbr.rel @p3 .LBB2_13-.Ltmp17, $4  }
0xa4: {  	[sflag:s21] =	ssyncadd.s32 $0xFFFFD800  }
0xa5: {  	[hbm4b:s1+s6] =	stream.linear.scatter [tilespmem:s20], [sflag:$0x3], $0x2800, $0x38;
	[tilespmem:$0x1C080] =	vst v63  }
0xa6: {  	_ =	swait.ge [sflag:s21], $0x2800  }
0xa7: {  	[sflag:s21] =	ssyncset.done $0x0  }
.LBB2_14:
.Ltmp18:
0xa8: {  	(pc) =	sbr.rel .LBB2_24-.Ltmp18, $2  }
0xa9: {  	_ =	sdelay $0x2  }
0xaa: {  	[sflag:s21] =	ssyncadd.s32 $0xFFFFD800;
	s1 =	rddreg [dreg:$0xd]  }
.LBB2_10:
0xab: {  	[sflag:s21] =	ssyncset.done $0x0  }
0xac: {  	[sflag:s21] =	ssyncadd.s32 $0xFFFFC000  }
.LBB2_11:
0xad: {  	s15 =	sadd.s32 $0x1, s15  }
0xae: {  	p4 =	seq.s32 s15, s9  }
.Ltmp19:
0xaf: {  	_ = 	snop;
	(pc) =	sbr.rel @p4 .LBB2_12-.Ltmp19, $2  }
0xb0: {  	_ =	sdelay $0x2  }
0xb1: {  	s18 =	sadd.s32 $0x80000, s18;
	s16 =	sadd.s32 $0x10000, s16  }
.LBB2_7:
0xb2: {  	s0 =	sshll.u32 s15, $0x4  }
0xb3: {  	s0 =	sadd.s32 s2, s0  }
0xb4: {  	s1 =	sshll.u32 s0, $0x4  }
0xb5: {  	s1 =	sadd.s32 s7, s1  }
0xb6: {  	[tilespmem:s22], [sflag:$0x3] =	stream.linear.gather [hbm4b:s1+s31], $0x800, $0x38;
	[tilespmem:$0x1C080] =	vst v63  }
0xb7: {  	s1 =	ssub.s32 s5, s0  }
0xb8: {  	p4 =	slt.s32 s1, $0x10  }
0xb9: {  	s1 =	simm.s32 @!p4 $0x10  }
0xba: {  	s8 =	sshll.u32 s0, $0xC;
	s0 =	sshra.s32 s1, $0x1  }
0xbb: {  	p4 =	slt.s32 s0, $0x1  }
.Ltmp20:
0xbc: {  	_ = 	snop;
	(pc) =	sbr.rel @p4 .LBB2_11-.Ltmp20, $4  }
0xbd: {  	_ =	swait.ge [sflag:s21], $0x800  }
0xbe: {  	[sflag:s21] =	ssyncset.done $0x0;
	s30 =	rddreg [dreg:$0x5]  }
0xbf: {  	s13 =	simm.s32 $0x13900;
	[sflag:s21] =	ssyncadd.s32 $0xFFFFF800;
	s1 =	sadd.s32 s8, s30  }
0xc0: {  	[tilespmem:s20], [sflag:$0x1] =	stream.strided.gather [hbm4b:s1+s23], $0x4000, s24, s23, $0x38;
	[tilespmem:$0x1C080] =	vst v63  }
0xc1: {  	_ =	swait.ge [sflag:s25], $0x4000  }
0xc2: {  	s1 =	sand.u32 $0x1FFFE000, s16;
	[sflag:s25] =	ssyncset.done $0x0  }
0xc3: {  	s1 =	sadd.s32 s1, s11;
	[sflag:s25] =	ssyncadd.s32 $0xFFFFC000  }
0xc4: {  	[tilespmem:s26], [sflag:$0x2] =	stream.strided.gather [hbm4b:s1+s23], $0x4000, s24, s23, $0x38;
	[tilespmem:$0x1C080] =	vst v63  }
0xc5: {  	s30 =	sadd.s32 $0xFFFFFF80, s13  }
0xc6: {  	[spmem:s4] =	stream.indirect.scatter.add.f32 [tilespmem:s20], [sflag:$0x3], $0x80, s30, s28, $0xb8;
	[tilespmem:$0x1C080] =	vst v63  }
0xc7: {  	_ =	swait.ge [sflag:s21], $0x4000  }
0xc8: {  	s1 =	sadd.s32 $0x1, s31;
	[sflag:s21] =	ssyncset.done $0x0  }
0xc9: {  	p4 =	sge.s32 s1, s0;
	[sflag:s21] =	ssyncadd.s32 $0xFFFFC000  }
0xca: {  	s8 =	sshrl.u32 @!p4 s18, $0x3;
	_ =	swait.ge [sflag:s29], $0x4000  }
0xcb: {  	s10 =	simm.s32 @!p4 $0x400;
	s14 =	simm.s32 @!p4 $0x800;
	[sflag:s29] =	ssyncset.done $0x0  }
0xcc: {  	s17 =	simm.s32 @!p4 $0x14080;
	s8 =	sadd.s32 @!p4 s3, s8;
	[sflag:s29] =	ssyncadd.s32 $0xFFFFC000  }
0xcd: {  	[tilespmem:s17], [sflag:$0x1] =	stream.strided.gather @!p4 [hbm4b:s8+s10], $0x4000, s14, s10, $0x38;
	[tilespmem:$0x1C080] =	vst v63  }
0xce: {  	p4 =	sne.s32 s0, s1  }
.Ltmp21:
0xcf: {  	_ = 	snop;
	(pc) =	sbr.rel @!p4 .LBB2_10-.Ltmp21, $3  }
0xd0: {  	_ =	sdelay $0x1  }
0xd1: {  	[spmem:s4] =	stream.indirect.scatter.add.f32 [tilespmem:s26], [sflag:$0x3], $0x80, s13, s28, $0xb8;
	[tilespmem:$0x1C080] =	vst v63  }
0xd2: {  	s19 =	sadd.s32 $0x2000, s16;
	s17 =	sadd.s32 $0x10000, s18;
	_ =	swait.ge [sflag:s21], $0x4000  }
.LBB2_9:
0xd3: {  	s1 =	sadd.s32 $0x1, s1;
	[sflag:s21] =	ssyncset.done $0x0;
	s13 =	sadd.s32 $0x100, s13  }
0xd4: {  	p4 =	sne.s32 s0, s1;
	[sflag:s21] =	ssyncadd.s32 $0xFFFFC000  }
0xd5: {  	_ =	swait.ge [sflag:s25], $0x4000  }
0xd6: {  	s8 =	sand.u32 $0x1FFFE000, s19;
	[sflag:s25] =	ssyncset.done $0x0  }
0xd7: {  	s8 =	sadd.s32 s8, s11;
	[sflag:s25] =	ssyncadd.s32 $0xFFFFC000  }
0xd8: {  	[tilespmem:s26], [sflag:$0x2] =	stream.strided.gather [hbm4b:s8+s23], $0x4000, s24, s23, $0x38;
	[tilespmem:$0x1C080] =	vst v63  }
0xd9: {  	s8 =	sadd.s32 $0xFFFFFF80, s13  }
0xda: {  	[spmem:s4] =	stream.indirect.scatter.add.f32 [tilespmem:s20], [sflag:$0x3], $0x80, s8, s28, $0xb8;
	[tilespmem:$0x1C080] =	vst v63  }
0xdb: {  	_ =	swait.ge [sflag:s21], $0x4000  }
0xdc: {  	[sflag:s21] =	ssyncset.done $0x0  }
0xdd: {  	[sflag:s21] =	ssyncadd.s32 $0xFFFFC000  }
0xde: {  	p5 =	sge.s32 s1, s0;
	_ =	swait.ge [sflag:s29], $0x4000  }
0xdf: {  	s10 =	simm.s32 @!p5 $0x400;
	s8 =	sshrl.u32 @!p5 s17, $0x3;
	[sflag:s29] =	ssyncset.done $0x0  }
0xe0: {  	s14 =	simm.s32 @!p5 $0x800;
	s8 =	sadd.s32 @!p5 s3, s8;
	[sflag:s29] =	ssyncadd.s32 $0xFFFFC000  }
.Ltmp22:
0xe1: {  	s30 =	simm.s32 @!p5 $0x14080;
	(pc) =	sbr.rel @p4 .LBB2_9-.Ltmp22, $4  }
0xe2: {  	[tilespmem:s30], [sflag:$0x1] =	stream.strided.gather @!p5 [hbm4b:s8+s10], $0x4000, s14, s10, $0x38;
	[tilespmem:$0x1C080] =	vst v63  }
0xe3: {  	_ = 	snop  }
0xe4: {  	[spmem:s4] =	stream.indirect.scatter.add.f32 [tilespmem:s26], [sflag:$0x3], $0x80, s13, s28, $0xb8;
	[tilespmem:$0x1C080] =	vst v63  }
0xe5: {  	s19 =	sadd.s32 $0x2000, s19;
	s17 =	sadd.s32 $0x10000, s17;
	_ =	swait.ge [sflag:s21], $0x4000  }
.Ltmp23:
0xe6: {  	_ = 	snop;
	(pc) =	sbr.rel .LBB2_10-.Ltmp23, $1  }
0xe7: {  	_ =	sdelay $0x3  }
.LBB2_25:
0xe8: {  	_ =	sfence.sel $0x180000  }
0xe9: {  	[bflag:$0x0] =	sbarrier.arrive $0xFFFF  }
0xea: {  	_ =	strace $0x90000047  }
0xeb: {  	s0 =	stileid.u32;
	[bflag:$0x2] =	sbarrier.arrive $0xFFFF  }
0xec: {  	p0 =	sne.s32 s0, $0x0;
	s0 =	rddreg [dreg:$0x3]  }
0xed: {  	s0 =	sadd.s32 @!p0 $0x100000, s0  }
0xee: {  	[sflag:s0] =	ssyncadd.tile.s32 @!p0 $0x1;
	_ =	shalt  }
.Lfunc_end2:
_tile_overlayer_lowered:
.L_overlay_start_2:
0xef: {  	(tag) =	ssettag $0x2  }
0xf0: {  	s0 =	rddreg [dreg:$0x0];
	s2 =	stileid.u32  }
0xf1: {  	s1 =	rddreg [dreg:$0x1];
	p0 =	sne.s32 s2, $0x0  }
0xf2: {  	s3 =	rddreg [dreg:$0x2];
	[bflag:$0x3] =	sbarrier.arrive $0xFFFF;
	s2 =	simm.s32 @!p0 $0x1C03  }
0xf3: {  	[timem:s3], [sflag:s2] =	dma.local @!p0 [hbm:s0], s1  }
0xf4: {  	s0 =	simm.s32 @!p0 $0x3  }
0xf5: {  	_ =	swait.ge @!p0 [sflag:s0], s1  }
0xf6: {  	s1 =	ssub.s32 @!p0 $0x0, s1;
	[sflag:s0] =	ssyncset.done @!p0 $0x0  }
0xf7: {  	[sflag:s0] =	ssyncadd.s32 @!p0 s1  }
0xf8: {  	[bflag:$0x3] =	sbarrier.arrive $0xFFFF  }
0xf9: {  	_ =	shalt  }

</sc_bundles>
